<compile_context>
chip_gen: v7x
topology: tpu7x:2x2x1
jax: 0.10.2.dev20260603
libtpu: 0.0.44.dev20260713+nightly
codegen_flags: <defaults>
</compile_context>

<pallas_src>
import functools

import jax
import jax.numpy as jnp
from jax import lax
from jax.experimental import pallas as pl
from jax.experimental.pallas import tpu as pltpu
from jax.experimental.pallas import tpu_sc as plsc

N_NODES = 10000
N_EDGES = 320000
D_FEAT = 128
HIDDEN = 32
N_CLASSES = 10
N_GRAPHS = 64

NC = 2
NS = 16
NW = NC * NS

EDGES_PER_TILE = N_EDGES // NW
CHUNK = 128
NBUF = 6
K_FULL = EDGES_PER_TILE // CHUNK
TAIL = EDGES_PER_TILE - K_FULL * CHUNK
DEG_W = 16
ROWS_PER_TILE = 632
N_ACC = ROWS_PER_TILE * NS

ROW_BLK = 2000
N_BLKS = N_NODES // ROW_BLK


ZCHUNK = ROWS_PER_TILE // 4


def _zero_stripe(zbuf_v, acc_sh, sid, width):
  def zero_row(r, _):
    for c0 in range(0, width, 16):
      zbuf_v[r, pl.ds(c0, 16)] = jnp.zeros((16,), jnp.float32)
    return 0
  lax.fori_loop(0, ZCHUNK, zero_row, 0, unroll=8)
  for q in range(4):
    pltpu.sync_copy(zbuf_v.at[pl.ds(0, ZCHUNK)],
                    acc_sh.at[pl.ds(sid * ROWS_PER_TILE + q * ZCHUNK, ZCHUNK)])


def _writeout(zbuf_v, acc_sh, out_hbm, cid, sid, width):
  pltpu.sync_copy(acc_sh.at[pl.ds(sid * ROWS_PER_TILE, ROWS_PER_TILE)],
                  zbuf_v)
  pltpu.sync_copy(zbuf_v,
                  out_hbm.at[pl.ds(sid * ROWS_PER_TILE, ROWS_PER_TILE),
                             pl.ds(cid * width, width)])


def _sc_agg_kernel(table_hbm, ei_hbm, out_hbm,
                   src_v, dst_v, rows_v, tail_v, zbuf_v, acc_sh, tbl_sh,
                   sem_g, sem_s):
  cid = lax.axis_index("c")
  sid = lax.axis_index("s")
  wid = sid * NC + cid
  base = wid * EDGES_PER_TILE

  r0 = sid * ROWS_PER_TILE
  pltpu.sync_copy(
      table_hbm.at[pl.ds(r0, ROWS_PER_TILE), pl.ds(0, HIDDEN)],
      tbl_sh.at[pl.ds(r0, ROWS_PER_TILE)])

  _zero_stripe(zbuf_v, acc_sh, sid, HIDDEN)
  pltpu.sync_copy(ei_hbm.at[0, pl.ds(base, EDGES_PER_TILE)], src_v)
  pltpu.sync_copy(ei_hbm.at[1, pl.ds(base, EDGES_PER_TILE)], dst_v)
  plsc.subcore_barrier()

  def g_idx(j):
    return src_v.at[pl.ds(j * CHUNK, CHUNK)]

  def s_idx(j):
    return dst_v.at[pl.ds(j * CHUNK, CHUNK)]

  def group(g, _):
    j0 = g * NBUF
    gd = []
    for b in range(NBUF):
      @pl.when(g > 0)
      def _(b=b):
        pltpu.make_async_copy(rows_v.at[b], acc_sh.at[s_idx(j0 + b)],
                              sem_s).wait()
      gd.append(pltpu.async_copy(tbl_sh.at[g_idx(j0 + b)],
                                 rows_v.at[b], sem_g))
    for b in range(NBUF):
      gd[b].wait()
      pltpu.async_copy(rows_v.at[b], acc_sh.at[s_idx(j0 + b)],
                       sem_s, add=True)
    return 0
  lax.fori_loop(0, K_FULL // NBUF, group, 0)

  pltpu.async_copy(
      tbl_sh.at[src_v.at[pl.ds(K_FULL * CHUNK, TAIL)]], tail_v, sem_g).wait()
  pltpu.sync_copy(tail_v, acc_sh.at[dst_v.at[pl.ds(K_FULL * CHUNK, TAIL)]],
                  add=True)
  for b in range(NBUF):
    pltpu.make_async_copy(rows_v.at[b], acc_sh.at[s_idx(b)], sem_s).wait()

  plsc.subcore_barrier()
  _writeout(zbuf_v, acc_sh, out_hbm, cid, sid, HIDDEN)


def _sc_deg_kernel(ei_hbm, out_hbm, dst_v, ones_v, zbuf_v, acc_sh, sem_s):
  cid = lax.axis_index("c")
  sid = lax.axis_index("s")
  wid = sid * NC + cid
  base = wid * EDGES_PER_TILE

  def one_row(r, _):
    ones_v[r, pl.ds(0, 16)] = jnp.ones((16,), jnp.float32)
    return 0
  lax.fori_loop(0, CHUNK, one_row, 0)
  _zero_stripe(zbuf_v, acc_sh, sid, DEG_W)
  pltpu.sync_copy(ei_hbm.at[1, pl.ds(base, EDGES_PER_TILE)], dst_v)
  plsc.subcore_barrier()

  def group(g, _):
    j0 = g * NBUF
    sd = [pltpu.async_copy(
        ones_v, acc_sh.at[dst_v.at[pl.ds((j0 + b) * CHUNK, CHUNK)]],
        sem_s, add=True) for b in range(NBUF)]
    for d in sd:
      d.wait()
    return 0
  lax.fori_loop(0, K_FULL // NBUF, group, 0)

  pltpu.sync_copy(ones_v.at[pl.ds(0, TAIL)],
                  acc_sh.at[dst_v.at[pl.ds(K_FULL * CHUNK, TAIL)]], add=True)

  plsc.subcore_barrier()
  _writeout(zbuf_v, acc_sh, out_hbm, cid, sid, DEG_W)


@functools.cache
def _get_sc_agg():
  return pl.kernel(
      _sc_agg_kernel,
      out_type=jax.ShapeDtypeStruct((N_ACC, 128), jnp.float32),
      mesh=plsc.VectorSubcoreMesh(core_axis_name="c", subcore_axis_name="s",
                                  num_cores=NC, num_subcores=NS),
      compiler_params=pltpu.CompilerParams(use_tc_tiling_on_sc=False),
      scratch_types=[
          pltpu.VMEM((EDGES_PER_TILE,), jnp.int32),
          pltpu.VMEM((EDGES_PER_TILE,), jnp.int32),
          pltpu.VMEM((NBUF, CHUNK, HIDDEN), jnp.float32),
          pltpu.VMEM((TAIL, HIDDEN), jnp.float32),
          pltpu.VMEM((ROWS_PER_TILE, HIDDEN), jnp.float32),
          pltpu.VMEM_SHARED((N_ACC, HIDDEN), jnp.float32),
          pltpu.VMEM_SHARED((N_ACC, HIDDEN), jnp.float32),
          pltpu.SemaphoreType.DMA,
          pltpu.SemaphoreType.DMA,
      ],
  )


@functools.cache
def _get_sc_deg():
  return pl.kernel(
      _sc_deg_kernel,
      out_type=jax.ShapeDtypeStruct((N_ACC, 128), jnp.float32),
      mesh=plsc.VectorSubcoreMesh(core_axis_name="c", subcore_axis_name="s",
                                  num_cores=NC, num_subcores=NS),
      compiler_params=pltpu.CompilerParams(use_tc_tiling_on_sc=False),
      scratch_types=[
          pltpu.VMEM((EDGES_PER_TILE,), jnp.int32),
          pltpu.VMEM((CHUNK, DEG_W), jnp.float32),
          pltpu.VMEM((ROWS_PER_TILE, DEG_W), jnp.float32),
          pltpu.VMEM_SHARED((N_ACC, DEG_W), jnp.float32),
          pltpu.SemaphoreType.DMA,
      ],
  )



def _tc_a1_body(x_ref, w1_ref, h_ref):
  xr = x_ref[...]
  s = jnp.sum(xr, axis=1, keepdims=True)
  xn = xr / jnp.maximum(s, 1.0)
  h_ref[...] = jnp.dot(xn, w1_ref[...], preferred_element_type=jnp.float32)


def _tc_a2_body(h_ref, degp_ref, hs_ref):
  deg = degp_ref[:, 0:1] + degp_ref[:, DEG_W:DEG_W + 1] + 1.0
  dinv = lax.rsqrt(deg)
  hs_ref[:, :HIDDEN] = h_ref[...] * dinv
  hs_ref[:, HIDDEN:HIDDEN + 1] = dinv


def _tc_b_body(aggp_ref, hs1_ref, b1_ref, w2_ref, hs2_ref):
  dinv = hs1_ref[:, HIDDEN:HIDDEN + 1]
  agg = aggp_ref[:, :HIDDEN] + aggp_ref[:, HIDDEN:2 * HIDDEN]
  t = dinv * (agg + hs1_ref[:, :HIDDEN]) + b1_ref[...]
  t = jnp.maximum(t, 0.0)
  h2 = jnp.dot(t, w2_ref[...], preferred_element_type=jnp.float32)
  hs2_ref[:, :HIDDEN] = h2 * dinv
  hs2_ref[:, HIDDEN:HIDDEN + 1] = dinv


def _tc_c_body(aggp_ref, hs2_ref, b2_ref, batch_ref,
               fcw1_ref, fcb1_ref, fcw2_ref, fcb2_ref, out_ref, acc_ref):
  i = pl.program_id(0)

  @pl.when(i == 0)
  def _():
    acc_ref[...] = jnp.zeros((N_GRAPHS, HIDDEN), jnp.float32)

  dinv = hs2_ref[:, HIDDEN:HIDDEN + 1]
  agg = aggp_ref[:, :HIDDEN] + aggp_ref[:, HIDDEN:2 * HIDDEN]
  h2f = dinv * (agg + hs2_ref[:, :HIDDEN]) + b2_ref[...]
  b = batch_ref[0, 0, :]
  onehot = (b[:, None] == lax.broadcasted_iota(jnp.int32, (1, N_GRAPHS), 1)
            ).astype(jnp.float32)
  gp = lax.dot_general(onehot, h2f, (((0,), (0,)), ((), ())),
                       preferred_element_type=jnp.float32)
  acc = acc_ref[...] + gp
  acc_ref[...] = acc

  @pl.when(i == N_BLKS - 1)
  def _():
    g1 = jnp.maximum(
        jnp.dot(acc, fcw1_ref[...], preferred_element_type=jnp.float32)
        + fcb1_ref[...], 0.0)
    logits = jnp.dot(g1, fcw2_ref[...],
                     preferred_element_type=jnp.float32) + fcb2_ref[...]
    m = jnp.max(logits, axis=1, keepdims=True)
    z = logits - m
    lse = jnp.log(jnp.sum(jnp.exp(z), axis=1, keepdims=True))
    out_ref[...] = z - lse


def _row_blk(i):
  return (i, 0)


def _full(i):
  return (0, 0)


def _part_blk(i):
  return (0, i, 0)


_tc_a1 = pl.pallas_call(
    _tc_a1_body,
    grid=(N_BLKS,),
    in_specs=[
        pl.BlockSpec((ROW_BLK, D_FEAT), _row_blk),
        pl.BlockSpec((D_FEAT, HIDDEN), _full),
    ],
    out_specs=pl.BlockSpec((ROW_BLK, HIDDEN), _row_blk),
    out_shape=jax.ShapeDtypeStruct((N_NODES, HIDDEN), jnp.float32),
)

_tc_a2 = pl.pallas_call(
    _tc_a2_body,
    grid=(N_BLKS,),
    in_specs=[
        pl.BlockSpec((ROW_BLK, HIDDEN), _row_blk),
        pl.BlockSpec((ROW_BLK, 128), _row_blk),
    ],
    out_specs=pl.BlockSpec((ROW_BLK, 128), _row_blk),
    out_shape=jax.ShapeDtypeStruct((N_ACC, 128), jnp.float32),
)

_tc_b = pl.pallas_call(
    _tc_b_body,
    grid=(N_BLKS,),
    in_specs=[
        pl.BlockSpec((ROW_BLK, 128), _row_blk),
        pl.BlockSpec((ROW_BLK, 128), _row_blk),
        pl.BlockSpec((1, HIDDEN), _full),
        pl.BlockSpec((HIDDEN, HIDDEN), _full),
    ],
    out_specs=pl.BlockSpec((ROW_BLK, 128), _row_blk),
    out_shape=jax.ShapeDtypeStruct((N_ACC, 128), jnp.float32),
)

_tc_c = pl.pallas_call(
    _tc_c_body,
    grid=(N_BLKS,),
    in_specs=[
        pl.BlockSpec((ROW_BLK, 128), _row_blk),
        pl.BlockSpec((ROW_BLK, 128), _row_blk),
        pl.BlockSpec((1, HIDDEN), _full),
        pl.BlockSpec((1, 1, ROW_BLK), lambda i: (i, 0, 0)),
        pl.BlockSpec((HIDDEN, HIDDEN), _full),
        pl.BlockSpec((1, HIDDEN), _full),
        pl.BlockSpec((HIDDEN, N_CLASSES), _full),
        pl.BlockSpec((1, N_CLASSES), _full),
    ],
    out_specs=pl.BlockSpec((N_GRAPHS, N_CLASSES), _full),
    out_shape=jax.ShapeDtypeStruct((N_GRAPHS, N_CLASSES), jnp.float32),
    scratch_shapes=[pltpu.VMEM((N_GRAPHS, HIDDEN), jnp.float32)],
)


@jax.jit
def kernel(x, edge_index, batch, W1, b1, W2, b2, fcW1, fcb1, fcW2, fcb2):
  ei = edge_index.astype(jnp.int32)

  sc_agg = _get_sc_agg()
  degp = _get_sc_deg()(ei)

  h1 = _tc_a1(x, W1)
  hs1 = _tc_a2(h1, degp)
  agg1 = sc_agg(hs1, ei)
  hs2 = _tc_b(agg1, hs1, b1.reshape(1, HIDDEN), W2)
  agg2 = sc_agg(hs2, ei)

  out = _tc_c(agg2, hs2, b2.reshape(1, HIDDEN),
              batch.astype(jnp.int32).reshape(N_BLKS, 1, ROW_BLK),
              fcW1, fcb1.reshape(1, HIDDEN), fcW2,
              fcb2.reshape(1, N_CLASSES))
  return out

# --- scband reference (transcript-rebuilt; emitter-appended) ---
"""Pipeline reference for scband-gcn-74406013436497 (READ-ONLY COPY).

The authoritative reference and input builder live on the scoring server;
editing this copy changes nothing except your own understanding.
"""

import jax, jax.numpy as jnp
import numpy as np

N_NODES = 10000
N_EDGES = 320000
D_FEAT = 128
HIDDEN = 32
N_CLASSES = 10
N_GRAPHS = 64


def _glorot(key, shape):
    fan_in, fan_out = shape[0], shape[1]
    lim = (6.0 / (fan_in + fan_out)) ** 0.5
    return jax.random.uniform(key, shape, dtype=jnp.float32, minval=-lim, maxval=lim)


def setup_inputs(seed: int = 0) -> dict:
    key = jax.random.key(seed)
    ks = jax.random.split(key, 12)
    x = jax.random.normal(ks[0], (N_NODES, D_FEAT), dtype=jnp.float32)
    edge_index = jax.random.randint(ks[1], (2, N_EDGES), 0, N_NODES, dtype=jnp.int64)
    batch = jnp.sort(jax.random.randint(ks[2], (N_NODES,), 0, N_GRAPHS, dtype=jnp.int64))
    W1 = _glorot(ks[3], (D_FEAT, HIDDEN))
    b1 = jnp.zeros((HIDDEN,), dtype=jnp.float32)
    W2 = _glorot(ks[4], (HIDDEN, HIDDEN))
    b2 = jnp.zeros((HIDDEN,), dtype=jnp.float32)
    fcW1 = _glorot(ks[5], (HIDDEN, HIDDEN))
    fcb1 = jnp.zeros((HIDDEN,), dtype=jnp.float32)
    fcW2 = _glorot(ks[6], (HIDDEN, N_CLASSES))
    fcb2 = jnp.zeros((N_CLASSES,), dtype=jnp.float32)
    return {"x": x, "edge_index": edge_index, "batch": batch,
            "W1": W1, "b1": b1, "W2": W2, "b2": b2,
            "fcW1": fcW1, "fcb1": fcb1, "fcW2": fcW2, "fcb2": fcb2}


def _gcn_conv(x, src, dst, norm, W, b, num_nodes):
    h = x @ W
    msg = h[src] * norm[:, None]
    out = jnp.zeros((num_nodes, h.shape[1]), dtype=h.dtype).at[dst].add(msg)
    return out + b


def reference(x, edge_index, batch, W1, b1, W2, b2, fcW1, fcb1, fcW2, fcb2):
    num_nodes = x.shape[0]
    # NormalizeFeatures: row-normalize to sum 1 (clamp denominator at 1)
    x = x / jnp.clip(jnp.sum(x, axis=-1, keepdims=True), 1.0, None)
    # add self-loops and compute symmetric GCN normalization (shared by both convs)
    loop = jnp.arange(num_nodes, dtype=edge_index.dtype)
    src = jnp.concatenate([edge_index[0], loop])
    dst = jnp.concatenate([edge_index[1], loop])
    deg = jnp.zeros((num_nodes,), dtype=jnp.float32).at[dst].add(1.0)
    dinv = jnp.where(deg > 0, deg ** -0.5, 0.0)
    norm = dinv[src] * dinv[dst]
    # conv1 + relu (dropout is identity in eval mode)
    h = _gcn_conv(x, src, dst, norm, W1, b1, num_nodes)
    h = jax.nn.relu(h)
    # conv2
    h = _gcn_conv(h, src, dst, norm, W2, b2, num_nodes)
    # global_add_pool over graphs
    g = jax.ops.segment_sum(h, batch, num_segments=N_GRAPHS)
    # fc head
    g = jax.nn.relu(g @ fcW1 + fcb1)
    g = g @ fcW2 + fcb2
    return jax.nn.log_softmax(g, axis=1)

if __name__ == "__main__":
    import jax
    _d = setup_inputs()
    print(jax.jit(kernel)(*tuple(_d.values())))

</pallas_src>

<mosaic_0001>
#map = affine_map<(d0, d1) -> (0, 0)>
module attributes {stable_mosaic.version = 14 : i64} {
  func.func @_sc_deg_kernel(%arg0: i32, %arg1: i32, %arg2: memref<2x320000xi32, #tpu.memory_space<hbm>>, %arg3: memref<10112x128xf32, #tpu.memory_space<hbm>>, %arg4: memref<10000xi32, #tpu.memory_space<vmem>>, %arg5: memref<128x16xf32, #tpu.memory_space<vmem>>, %arg6: memref<632x16xf32, #tpu.memory_space<vmem>>, %arg7: memref<10112x16xf32, #tpu.memory_space<vmem_shared>>, %arg8: memref<!tpu.dma_semaphore, #tpu.memory_space<semaphore_mem>>) attributes {dimension_semantics = [#tpu.dimension_semantics<core_parallel>, #tpu.dimension_semantics<subcore_parallel>], iteration_bounds = array<i64: 2, 16>, scalar_prefetch = 0 : i64, scratch_operands = 5 : i64, tpu.core_type = #tpu.core_type<sc_vector_subcore>, window_params = [{transform_indices = #map}, {transform_indices = #map}]} {
    %mul3A = arith.constant 2 : i32
    %mul3A_0 = arith.muli %arg1, %mul3A : i32
    %add3A = arith.addi %mul3A_0, %arg0 : i32
    %mul3A_1 = arith.constant 10000 : i32
    %mul3A_2 = arith.muli %add3A, %mul3A_1 : i32
    %scan3A = arith.constant 0 : i32
    %scan3A_3 = arith.constant 0 : i32
    %scan3A_4 = arith.constant 128 : i32
    %scan3A_5 = arith.addi %scan3A_3, %scan3A_4 : i32
    %scan3A_6 = arith.constant 1 : i32
    %scan3A_7 = scf.for %scan3A_104 = %scan3A_3 to %scan3A_5 step %scan3A_6 iter_args(%scan3A_105 = %scan3A) -> (i32)  : i32 {
      %broadcast_in_dim3A_106 = arith.constant 1.000000e+00 : f32
      %broadcast_in_dim3A_107 = vector.broadcast %broadcast_in_dim3A_106 : f32 to vector<16xf32>
      %swap3A_108 = arith.index_cast %scan3A_104 : i32 to index
      %swap3A_109 = arith.constant 0 : index
      %swap3A_110 = tpu.vector_load %arg5[%swap3A_108, %swap3A_109] {strides = array<i32>} : memref<128x16xf32, #tpu.memory_space<vmem>>, vector<1x16xf32>,
      %swap3A_111 = vector.shape_cast %swap3A_110 : vector<1x16xf32> to vector<16xf32>
      %swap3A_112 = vector.shape_cast %broadcast_in_dim3A_107 : vector<16xf32> to vector<1x16xf32>
      tpu.vector_store %arg5[%swap3A_108, %swap3A_109], %swap3A_112 {strides = array<i32>} : memref<128x16xf32, #tpu.memory_space<vmem>>, vector<1x16xf32>,
      %scan3A_113 = arith.constant 0 : i32
      scf.yield %scan3A_113 : i32
    }
    %scan3A_8 = arith.constant 128 : i32
    %scan3A_9 = arith.constant 0 : i32
    %scan3A_10 = arith.constant 0 : i32
    %scan3A_11 = arith.constant 152 : i32
    %scan3A_12 = arith.addi %scan3A_10, %scan3A_11 : i32
    %scan3A_13 = arith.constant 8 : i32
    %scan3A_14 = scf.for %scan3A_104 = %scan3A_10 to %scan3A_12 step %scan3A_13 iter_args(%scan3A_105 = %scan3A_9) -> (i32)  : i32 {
      %broadcast_in_dim3A_106 = arith.constant 0.000000e+00 : f32
      %broadcast_in_dim3A_107 = vector.broadcast %broadcast_in_dim3A_106 : f32 to vector<16xf32>
      %swap3A_108 = arith.index_cast %scan3A_104 : i32 to index
      %swap3A_109 = arith.constant 0 : index
      %swap3A_110 = tpu.vector_load %arg6[%swap3A_108, %swap3A_109] {strides = array<i32>} : memref<632x16xf32, #tpu.memory_space<vmem>>, vector<1x16xf32>,
      %swap3A_111 = vector.shape_cast %swap3A_110 : vector<1x16xf32> to vector<16xf32>
      %swap3A_112 = vector.shape_cast %broadcast_in_dim3A_107 : vector<16xf32> to vector<1x16xf32>
      tpu.vector_store %arg6[%swap3A_108, %swap3A_109], %swap3A_112 {strides = array<i32>} : memref<632x16xf32, #tpu.memory_space<vmem>>, vector<1x16xf32>,
      %scan3A_113 = arith.constant 0 : i32
      %scan3A_114 = arith.constant 1 : i32
      %scan3A_115 = arith.addi %scan3A_104, %scan3A_114 : i32
      %broadcast_in_dim3A_116 = arith.constant 0.000000e+00 : f32
      %broadcast_in_dim3A_117 = vector.broadcast %broadcast_in_dim3A_116 : f32 to vector<16xf32>
      %swap3A_118 = arith.index_cast %scan3A_115 : i32 to index
      %swap3A_119 = arith.constant 0 : index
      %swap3A_120 = tpu.vector_load %arg6[%swap3A_118, %swap3A_119] {strides = array<i32>} : memref<632x16xf32, #tpu.memory_space<vmem>>, vector<1x16xf32>,
      %swap3A_121 = vector.shape_cast %swap3A_120 : vector<1x16xf32> to vector<16xf32>
      %swap3A_122 = vector.shape_cast %broadcast_in_dim3A_117 : vector<16xf32> to vector<1x16xf32>
      tpu.vector_store %arg6[%swap3A_118, %swap3A_119], %swap3A_122 {strides = array<i32>} : memref<632x16xf32, #tpu.memory_space<vmem>>, vector<1x16xf32>,
      %scan3A_123 = arith.constant 0 : i32
      %scan3A_124 = arith.constant 2 : i32
      %scan3A_125 = arith.addi %scan3A_104, %scan3A_124 : i32
      %broadcast_in_dim3A_126 = arith.constant 0.000000e+00 : f32
      %broadcast_in_dim3A_127 = vector.broadcast %broadcast_in_dim3A_126 : f32 to vector<16xf32>
      %swap3A_128 = arith.index_cast %scan3A_125 : i32 to index
      %swap3A_129 = arith.constant 0 : index
      %swap3A_130 = tpu.vector_load %arg6[%swap3A_128, %swap3A_129] {strides = array<i32>} : memref<632x16xf32, #tpu.memory_space<vmem>>, vector<1x16xf32>,
      %swap3A_131 = vector.shape_cast %swap3A_130 : vector<1x16xf32> to vector<16xf32>
      %swap3A_132 = vector.shape_cast %broadcast_in_dim3A_127 : vector<16xf32> to vector<1x16xf32>
      tpu.vector_store %arg6[%swap3A_128, %swap3A_129], %swap3A_132 {strides = array<i32>} : memref<632x16xf32, #tpu.memory_space<vmem>>, vector<1x16xf32>,
      %scan3A_133 = arith.constant 0 : i32
      %scan3A_134 = arith.constant 3 : i32
      %scan3A_135 = arith.addi %scan3A_104, %scan3A_134 : i32
      %broadcast_in_dim3A_136 = arith.constant 0.000000e+00 : f32
      %broadcast_in_dim3A_137 = vector.broadcast %broadcast_in_dim3A_136 : f32 to vector<16xf32>
      %swap3A_138 = arith.index_cast %scan3A_135 : i32 to index
      %swap3A_139 = arith.constant 0 : index
      %swap3A_140 = tpu.vector_load %arg6[%swap3A_138, %swap3A_139] {strides = array<i32>} : memref<632x16xf32, #tpu.memory_space<vmem>>, vector<1x16xf32>,
      %swap3A_141 = vector.shape_cast %swap3A_140 : vector<1x16xf32> to vector<16xf32>
      %swap3A_142 = vector.shape_cast %broadcast_in_dim3A_137 : vector<16xf32> to vector<1x16xf32>
      tpu.vector_store %arg6[%swap3A_138, %swap3A_139], %swap3A_142 {strides = array<i32>} : memref<632x16xf32, #tpu.memory_space<vmem>>, vector<1x16xf32>,
      %scan3A_143 = arith.constant 0 : i32
      %scan3A_144 = arith.constant 4 : i32
      %scan3A_145 = arith.addi %scan3A_104, %scan3A_144 : i32
      %broadcast_in_dim3A_146 = arith.constant 0.000000e+00 : f32
      %broadcast_in_dim3A_147 = vector.broadcast %broadcast_in_dim3A_146 : f32 to vector<16xf32>
      %swap3A_148 = arith.index_cast %scan3A_145 : i32 to index
      %swap3A_149 = arith.constant 0 : index
      %swap3A_150 = tpu.vector_load %arg6[%swap3A_148, %swap3A_149] {strides = array<i32>} : memref<632x16xf32, #tpu.memory_space<vmem>>, vector<1x16xf32>,
      %swap3A_151 = vector.shape_cast %swap3A_150 : vector<1x16xf32> to vector<16xf32>
      %swap3A_152 = vector.shape_cast %broadcast_in_dim3A_147 : vector<16xf32> to vector<1x16xf32>
      tpu.vector_store %arg6[%swap3A_148, %swap3A_149], %swap3A_152 {strides = array<i32>} : memref<632x16xf32, #tpu.memory_space<vmem>>, vector<1x16xf32>,
      %scan3A_153 = arith.constant 0 : i32
      %scan3A_154 = arith.constant 5 : i32
      %scan3A_155 = arith.addi %scan3A_104, %scan3A_154 : i32
      %broadcast_in_dim3A_156 = arith.constant 0.000000e+00 : f32
      %broadcast_in_dim3A_157 = vector.broadcast %broadcast_in_dim3A_156 : f32 to vector<16xf32>
      %swap3A_158 = arith.index_cast %scan3A_155 : i32 to index
      %swap3A_159 = arith.constant 0 : index
      %swap3A_160 = tpu.vector_load %arg6[%swap3A_158, %swap3A_159] {strides = array<i32>} : memref<632x16xf32, #tpu.memory_space<vmem>>, vector<1x16xf32>,
      %swap3A_161 = vector.shape_cast %swap3A_160 : vector<1x16xf32> to vector<16xf32>
      %swap3A_162 = vector.shape_cast %broadcast_in_dim3A_157 : vector<16xf32> to vector<1x16xf32>
      tpu.vector_store %arg6[%swap3A_158, %swap3A_159], %swap3A_162 {strides = array<i32>} : memref<632x16xf32, #tpu.memory_space<vmem>>, vector<1x16xf32>,
      %scan3A_163 = arith.constant 0 : i32
      %scan3A_164 = arith.constant 6 : i32
      %scan3A_165 = arith.addi %scan3A_104, %scan3A_164 : i32
      %broadcast_in_dim3A_166 = arith.constant 0.000000e+00 : f32
      %broadcast_in_dim3A_167 = vector.broadcast %broadcast_in_dim3A_166 : f32 to vector<16xf32>
      %swap3A_168 = arith.index_cast %scan3A_165 : i32 to index
      %swap3A_169 = arith.constant 0 : index
      %swap3A_170 = tpu.vector_load %arg6[%swap3A_168, %swap3A_169] {strides = array<i32>} : memref<632x16xf32, #tpu.memory_space<vmem>>, vector<1x16xf32>,
      %swap3A_171 = vector.shape_cast %swap3A_170 : vector<1x16xf32> to vector<16xf32>
      %swap3A_172 = vector.shape_cast %broadcast_in_dim3A_167 : vector<16xf32> to vector<1x16xf32>
      tpu.vector_store %arg6[%swap3A_168, %swap3A_169], %swap3A_172 {strides = array<i32>} : memref<632x16xf32, #tpu.memory_space<vmem>>, vector<1x16xf32>,
      %scan3A_173 = arith.constant 0 : i32
      %scan3A_174 = arith.constant 7 : i32
      %scan3A_175 = arith.addi %scan3A_104, %scan3A_174 : i32
      %broadcast_in_dim3A_176 = arith.constant 0.000000e+00 : f32
      %broadcast_in_dim3A_177 = vector.broadcast %broadcast_in_dim3A_176 : f32 to vector<16xf32>
      %swap3A_178 = arith.index_cast %scan3A_175 : i32 to index
      %swap3A_179 = arith.constant 0 : index
      %swap3A_180 = tpu.vector_load %arg6[%swap3A_178, %swap3A_179] {strides = array<i32>} : memref<632x16xf32, #tpu.memory_space<vmem>>, vector<1x16xf32>,
      %swap3A_181 = vector.shape_cast %swap3A_180 : vector<1x16xf32> to vector<16xf32>
      %swap3A_182 = vector.shape_cast %broadcast_in_dim3A_177 : vector<16xf32> to vector<1x16xf32>
      tpu.vector_store %arg6[%swap3A_178, %swap3A_179], %swap3A_182 {strides = array<i32>} : memref<632x16xf32, #tpu.memory_space<vmem>>, vector<1x16xf32>,
      %scan3A_183 = arith.constant 0 : i32
      scf.yield %scan3A_183 : i32
    }
    %scan3A_15 = arith.constant 152 : i32
    %scan3A_16 = arith.addi %scan3A_10, %scan3A_15 : i32
    %broadcast_in_dim3A = arith.constant 0.000000e+00 : f32
    %broadcast_in_dim3A_17 = vector.broadcast %broadcast_in_dim3A : f32 to vector<16xf32>
    %swap3A = arith.index_cast %scan3A_16 : i32 to index
    %swap3A_18 = arith.constant 0 : index
    %swap3A_19 = tpu.vector_load %arg6[%swap3A, %swap3A_18] {strides = array<i32>} : memref<632x16xf32, #tpu.memory_space<vmem>>, vector<1x16xf32>,
    %swap3A_20 = vector.shape_cast %swap3A_19 : vector<1x16xf32> to vector<16xf32>
    %swap3A_21 = vector.shape_cast %broadcast_in_dim3A_17 : vector<16xf32> to vector<1x16xf32>
    tpu.vector_store %arg6[%swap3A, %swap3A_18], %swap3A_21 {strides = array<i32>} : memref<632x16xf32, #tpu.memory_space<vmem>>, vector<1x16xf32>,
    %scan3A_22 = arith.constant 0 : i32
    %scan3A_23 = arith.constant 153 : i32
    %scan3A_24 = arith.addi %scan3A_10, %scan3A_23 : i32
    %broadcast_in_dim3A_25 = arith.constant 0.000000e+00 : f32
    %broadcast_in_dim3A_26 = vector.broadcast %broadcast_in_dim3A_25 : f32 to vector<16xf32>
    %swap3A_27 = arith.index_cast %scan3A_24 : i32 to index
    %swap3A_28 = arith.constant 0 : index
    %swap3A_29 = tpu.vector_load %arg6[%swap3A_27, %swap3A_28] {strides = array<i32>} : memref<632x16xf32, #tpu.memory_space<vmem>>, vector<1x16xf32>,
    %swap3A_30 = vector.shape_cast %swap3A_29 : vector<1x16xf32> to vector<16xf32>
    %swap3A_31 = vector.shape_cast %broadcast_in_dim3A_26 : vector<16xf32> to vector<1x16xf32>
    tpu.vector_store %arg6[%swap3A_27, %swap3A_28], %swap3A_31 {strides = array<i32>} : memref<632x16xf32, #tpu.memory_space<vmem>>, vector<1x16xf32>,
    %scan3A_32 = arith.constant 0 : i32
    %scan3A_33 = arith.constant 154 : i32
    %scan3A_34 = arith.addi %scan3A_10, %scan3A_33 : i32
    %broadcast_in_dim3A_35 = arith.constant 0.000000e+00 : f32
    %broadcast_in_dim3A_36 = vector.broadcast %broadcast_in_dim3A_35 : f32 to vector<16xf32>
    %swap3A_37 = arith.index_cast %scan3A_34 : i32 to index
    %swap3A_38 = arith.constant 0 : index
    %swap3A_39 = tpu.vector_load %arg6[%swap3A_37, %swap3A_38] {strides = array<i32>} : memref<632x16xf32, #tpu.memory_space<vmem>>, vector<1x16xf32>,
    %swap3A_40 = vector.shape_cast %swap3A_39 : vector<1x16xf32> to vector<16xf32>
    %swap3A_41 = vector.shape_cast %broadcast_in_dim3A_36 : vector<16xf32> to vector<1x16xf32>
    tpu.vector_store %arg6[%swap3A_37, %swap3A_38], %swap3A_41 {strides = array<i32>} : memref<632x16xf32, #tpu.memory_space<vmem>>, vector<1x16xf32>,
    %scan3A_42 = arith.constant 0 : i32
    %scan3A_43 = arith.constant 155 : i32
    %scan3A_44 = arith.addi %scan3A_10, %scan3A_43 : i32
    %broadcast_in_dim3A_45 = arith.constant 0.000000e+00 : f32
    %broadcast_in_dim3A_46 = vector.broadcast %broadcast_in_dim3A_45 : f32 to vector<16xf32>
    %swap3A_47 = arith.index_cast %scan3A_44 : i32 to index
    %swap3A_48 = arith.constant 0 : index
    %swap3A_49 = tpu.vector_load %arg6[%swap3A_47, %swap3A_48] {strides = array<i32>} : memref<632x16xf32, #tpu.memory_space<vmem>>, vector<1x16xf32>,
    %swap3A_50 = vector.shape_cast %swap3A_49 : vector<1x16xf32> to vector<16xf32>
    %swap3A_51 = vector.shape_cast %broadcast_in_dim3A_46 : vector<16xf32> to vector<1x16xf32>
    tpu.vector_store %arg6[%swap3A_47, %swap3A_48], %swap3A_51 {strides = array<i32>} : memref<632x16xf32, #tpu.memory_space<vmem>>, vector<1x16xf32>,
    %scan3A_52 = arith.constant 0 : i32
    %scan3A_53 = arith.constant 156 : i32
    %scan3A_54 = arith.addi %scan3A_10, %scan3A_53 : i32
    %broadcast_in_dim3A_55 = arith.constant 0.000000e+00 : f32
    %broadcast_in_dim3A_56 = vector.broadcast %broadcast_in_dim3A_55 : f32 to vector<16xf32>
    %swap3A_57 = arith.index_cast %scan3A_54 : i32 to index
    %swap3A_58 = arith.constant 0 : index
    %swap3A_59 = tpu.vector_load %arg6[%swap3A_57, %swap3A_58] {strides = array<i32>} : memref<632x16xf32, #tpu.memory_space<vmem>>, vector<1x16xf32>,
    %swap3A_60 = vector.shape_cast %swap3A_59 : vector<1x16xf32> to vector<16xf32>
    %swap3A_61 = vector.shape_cast %broadcast_in_dim3A_56 : vector<16xf32> to vector<1x16xf32>
    tpu.vector_store %arg6[%swap3A_57, %swap3A_58], %swap3A_61 {strides = array<i32>} : memref<632x16xf32, #tpu.memory_space<vmem>>, vector<1x16xf32>,
    %scan3A_62 = arith.constant 0 : i32
    %scan3A_63 = arith.constant 157 : i32
    %scan3A_64 = arith.addi %scan3A_10, %scan3A_63 : i32
    %broadcast_in_dim3A_65 = arith.constant 0.000000e+00 : f32
    %broadcast_in_dim3A_66 = vector.broadcast %broadcast_in_dim3A_65 : f32 to vector<16xf32>
    %swap3A_67 = arith.index_cast %scan3A_64 : i32 to index
    %swap3A_68 = arith.constant 0 : index
    %swap3A_69 = tpu.vector_load %arg6[%swap3A_67, %swap3A_68] {strides = array<i32>} : memref<632x16xf32, #tpu.memory_space<vmem>>, vector<1x16xf32>,
    %swap3A_70 = vector.shape_cast %swap3A_69 : vector<1x16xf32> to vector<16xf32>
    %swap3A_71 = vector.shape_cast %broadcast_in_dim3A_66 : vector<16xf32> to vector<1x16xf32>
    tpu.vector_store %arg6[%swap3A_67, %swap3A_68], %swap3A_71 {strides = array<i32>} : memref<632x16xf32, #tpu.memory_space<vmem>>, vector<1x16xf32>,
    %scan3A_72 = arith.constant 0 : i32
    %scan3A_73 = arith.constant 158 : i32
    %mul3A_74 = arith.constant 632 : i32
    %mul3A_75 = arith.muli %arg1, %mul3A_74 : i32
    %add3A_76 = arith.constant 0 : i32
    %add3A_77 = arith.addi %mul3A_75, %add3A_76 : i32
    "tpu.region"() ({
      %run_scoped3A_104 = tpu.sem_alloc : memref<!tpu.dma_semaphore, #tpu.memory_space<semaphore_mem>>
      %dma_start3A = arith.constant 0 : i32
      %dma_start3A_105 = arith.constant 0 : i32
      %dma_start3A_106 = tpu.memref_slice %arg6[%dma_start3A, %dma_start3A_105] : memref<632x16xf32, #tpu.memory_space<vmem>> -> memref<158x16xf32, #tpu.memory_space<vmem>>
      %dma_start3A_107 = arith.constant 0 : i32
      %dma_start3A_108 = tpu.memref_slice %arg7[%add3A_77, %dma_start3A_107] : memref<10112x16xf32, #tpu.memory_space<vmem_shared>> -> memref<158x16xf32, #tpu.memory_space<vmem_shared>>
      %dma_start3A_109 = arith.constant 0 : i32
      %dma_start3A_110 = tpu.memref_slice %arg7[%add3A_77, %dma_start3A_109] : memref<10112x16xf32, #tpu.memory_space<vmem_shared>> -> memref<158x16xf32, #tpu.memory_space<vmem_shared>>
      %dma_start3A_111 = arith.constant 0 : i32
      %dma_start3A_112 = arith.constant 0 : i32
      %dma_start3A_113 = tpu.memref_slice %arg6[%dma_start3A_111, %dma_start3A_112] : memref<632x16xf32, #tpu.memory_space<vmem>> -> memref<158x16xf32, #tpu.memory_space<vmem>>
      tpu.enqueue_dma source(%dma_start3A_113 : memref<158x16xf32, #tpu.memory_space<vmem>>) target(%dma_start3A_110 : memref<158x16xf32, #tpu.memory_space<vmem_shared>>) target_semaphore(%run_scoped3A_104 : memref<!tpu.dma_semaphore, #tpu.memory_space<semaphore_mem>>)
      %dma_wait3A = arith.constant 0 : i32
      %dma_wait3A_114 = arith.constant 0 : i32
      %dma_wait3A_115 = tpu.memref_slice %arg6[%dma_wait3A, %dma_wait3A_114] : memref<632x16xf32, #tpu.memory_space<vmem>> -> memref<158x16xf32, #tpu.memory_space<vmem>>
      %dma_wait3A_116 = arith.constant 0 : i32
      %dma_wait3A_117 = tpu.memref_slice %arg7[%add3A_77, %dma_wait3A_116] : memref<10112x16xf32, #tpu.memory_space<vmem_shared>> -> memref<158x16xf32, #tpu.memory_space<vmem_shared>>
      %dma_wait3A_118 = arith.constant 0 : i32
      %dma_wait3A_119 = tpu.memref_slice %arg7[%add3A_77, %dma_wait3A_118] : memref<10112x16xf32, #tpu.memory_space<vmem_shared>> -> memref<158x16xf32, #tpu.memory_space<vmem_shared>>
      %dma_wait3A_120 = arith.constant 0 : i32
      %dma_wait3A_121 = arith.constant 0 : i32
      %dma_wait3A_122 = tpu.memref_slice %arg6[%dma_wait3A_120, %dma_wait3A_121] : memref<632x16xf32, #tpu.memory_space<vmem>> -> memref<158x16xf32, #tpu.memory_space<vmem>>
      tpu.wait_dma2 semaphore(%run_scoped3A_104 : memref<!tpu.dma_semaphore, #tpu.memory_space<semaphore_mem>>) src(%dma_wait3A_122 : memref<158x16xf32, #tpu.memory_space<vmem>>) dst(%dma_wait3A_119 : memref<158x16xf32, #tpu.memory_space<vmem_shared>>)
      tpu.yield
    }) : () -> ()
    %mul3A_78 = arith.constant 632 : i32
    %mul3A_79 = arith.muli %arg1, %mul3A_78 : i32
    %add3A_80 = arith.constant 158 : i32
    %add3A_81 = arith.addi %mul3A_79, %add3A_80 : i32
    "tpu.region"() ({
      %run_scoped3A_104 = tpu.sem_alloc : memref<!tpu.dma_semaphore, #tpu.memory_space<semaphore_mem>>
      %dma_start3A = arith.constant 0 : i32
      %dma_start3A_105 = arith.constant 0 : i32
      %dma_start3A_106 = tpu.memref_slice %arg6[%dma_start3A, %dma_start3A_105] : memref<632x16xf32, #tpu.memory_space<vmem>> -> memref<158x16xf32, #tpu.memory_space<vmem>>
      %dma_start3A_107 = arith.constant 0 : i32
      %dma_start3A_108 = tpu.memref_slice %arg7[%add3A_81, %dma_start3A_107] : memref<10112x16xf32, #tpu.memory_space<vmem_shared>> -> memref<158x16xf32, #tpu.memory_space<vmem_shared>>
      %dma_start3A_109 = arith.constant 0 : i32
      %dma_start3A_110 = tpu.memref_slice %arg7[%add3A_81, %dma_start3A_109] : memref<10112x16xf32, #tpu.memory_space<vmem_shared>> -> memref<158x16xf32, #tpu.memory_space<vmem_shared>>
      %dma_start3A_111 = arith.constant 0 : i32
      %dma_start3A_112 = arith.constant 0 : i32
      %dma_start3A_113 = tpu.memref_slice %arg6[%dma_start3A_111, %dma_start3A_112] : memref<632x16xf32, #tpu.memory_space<vmem>> -> memref<158x16xf32, #tpu.memory_space<vmem>>
      tpu.enqueue_dma source(%dma_start3A_113 : memref<158x16xf32, #tpu.memory_space<vmem>>) target(%dma_start3A_110 : memref<158x16xf32, #tpu.memory_space<vmem_shared>>) target_semaphore(%run_scoped3A_104 : memref<!tpu.dma_semaphore, #tpu.memory_space<semaphore_mem>>)
      %dma_wait3A = arith.constant 0 : i32
      %dma_wait3A_114 = arith.constant 0 : i32
      %dma_wait3A_115 = tpu.memref_slice %arg6[%dma_wait3A, %dma_wait3A_114] : memref<632x16xf32, #tpu.memory_space<vmem>> -> memref<158x16xf32, #tpu.memory_space<vmem>>
      %dma_wait3A_116 = arith.constant 0 : i32
      %dma_wait3A_117 = tpu.memref_slice %arg7[%add3A_81, %dma_wait3A_116] : memref<10112x16xf32, #tpu.memory_space<vmem_shared>> -> memref<158x16xf32, #tpu.memory_space<vmem_shared>>
      %dma_wait3A_118 = arith.constant 0 : i32
      %dma_wait3A_119 = tpu.memref_slice %arg7[%add3A_81, %dma_wait3A_118] : memref<10112x16xf32, #tpu.memory_space<vmem_shared>> -> memref<158x16xf32, #tpu.memory_space<vmem_shared>>
      %dma_wait3A_120 = arith.constant 0 : i32
      %dma_wait3A_121 = arith.constant 0 : i32
      %dma_wait3A_122 = tpu.memref_slice %arg6[%dma_wait3A_120, %dma_wait3A_121] : memref<632x16xf32, #tpu.memory_space<vmem>> -> memref<158x16xf32, #tpu.memory_space<vmem>>
      tpu.wait_dma2 semaphore(%run_scoped3A_104 : memref<!tpu.dma_semaphore, #tpu.memory_space<semaphore_mem>>) src(%dma_wait3A_122 : memref<158x16xf32, #tpu.memory_space<vmem>>) dst(%dma_wait3A_119 : memref<158x16xf32, #tpu.memory_space<vmem_shared>>)
      tpu.yield
    }) : () -> ()
    %mul3A_82 = arith.constant 632 : i32
    %mul3A_83 = arith.muli %arg1, %mul3A_82 : i32
    %add3A_84 = arith.constant 316 : i32
    %add3A_85 = arith.addi %mul3A_83, %add3A_84 : i32
    "tpu.region"() ({
      %run_scoped3A_104 = tpu.sem_alloc : memref<!tpu.dma_semaphore, #tpu.memory_space<semaphore_mem>>
      %dma_start3A = arith.constant 0 : i32
      %dma_start3A_105 = arith.constant 0 : i32
      %dma_start3A_106 = tpu.memref_slice %arg6[%dma_start3A, %dma_start3A_105] : memref<632x16xf32, #tpu.memory_space<vmem>> -> memref<158x16xf32, #tpu.memory_space<vmem>>
      %dma_start3A_107 = arith.constant 0 : i32
      %dma_start3A_108 = tpu.memref_slice %arg7[%add3A_85, %dma_start3A_107] : memref<10112x16xf32, #tpu.memory_space<vmem_shared>> -> memref<158x16xf32, #tpu.memory_space<vmem_shared>>
      %dma_start3A_109 = arith.constant 0 : i32
      %dma_start3A_110 = tpu.memref_slice %arg7[%add3A_85, %dma_start3A_109] : memref<10112x16xf32, #tpu.memory_space<vmem_shared>> -> memref<158x16xf32, #tpu.memory_space<vmem_shared>>
      %dma_start3A_111 = arith.constant 0 : i32
      %dma_start3A_112 = arith.constant 0 : i32
      %dma_start3A_113 = tpu.memref_slice %arg6[%dma_start3A_111, %dma_start3A_112] : memref<632x16xf32, #tpu.memory_space<vmem>> -> memref<158x16xf32, #tpu.memory_space<vmem>>
      tpu.enqueue_dma source(%dma_start3A_113 : memref<158x16xf32, #tpu.memory_space<vmem>>) target(%dma_start3A_110 : memref<158x16xf32, #tpu.memory_space<vmem_shared>>) target_semaphore(%run_scoped3A_104 : memref<!tpu.dma_semaphore, #tpu.memory_space<semaphore_mem>>)
      %dma_wait3A = arith.constant 0 : i32
      %dma_wait3A_114 = arith.constant 0 : i32
      %dma_wait3A_115 = tpu.memref_slice %arg6[%dma_wait3A, %dma_wait3A_114] : memref<632x16xf32, #tpu.memory_space<vmem>> -> memref<158x16xf32, #tpu.memory_space<vmem>>
      %dma_wait3A_116 = arith.constant 0 : i32
      %dma_wait3A_117 = tpu.memref_slice %arg7[%add3A_85, %dma_wait3A_116] : memref<10112x16xf32, #tpu.memory_space<vmem_shared>> -> memref<158x16xf32, #tpu.memory_space<vmem_shared>>
      %dma_wait3A_118 = arith.constant 0 : i32
      %dma_wait3A_119 = tpu.memref_slice %arg7[%add3A_85, %dma_wait3A_118] : memref<10112x16xf32, #tpu.memory_space<vmem_shared>> -> memref<158x16xf32, #tpu.memory_space<vmem_shared>>
      %dma_wait3A_120 = arith.constant 0 : i32
      %dma_wait3A_121 = arith.constant 0 : i32
      %dma_wait3A_122 = tpu.memref_slice %arg6[%dma_wait3A_120, %dma_wait3A_121] : memref<632x16xf32, #tpu.memory_space<vmem>> -> memref<158x16xf32, #tpu.memory_space<vmem>>
      tpu.wait_dma2 semaphore(%run_scoped3A_104 : memref<!tpu.dma_semaphore, #tpu.memory_space<semaphore_mem>>) src(%dma_wait3A_122 : memref<158x16xf32, #tpu.memory_space<vmem>>) dst(%dma_wait3A_119 : memref<158x16xf32, #tpu.memory_space<vmem_shared>>)
      tpu.yield
    }) : () -> ()
    %mul3A_86 = arith.constant 632 : i32
    %mul3A_87 = arith.muli %arg1, %mul3A_86 : i32
    %add3A_88 = arith.constant 474 : i32
    %add3A_89 = arith.addi %mul3A_87, %add3A_88 : i32
    "tpu.region"() ({
      %run_scoped3A_104 = tpu.sem_alloc : memref<!tpu.dma_semaphore, #tpu.memory_space<semaphore_mem>>
      %dma_start3A = arith.constant 0 : i32
      %dma_start3A_105 = arith.constant 0 : i32
      %dma_start3A_106 = tpu.memref_slice %arg6[%dma_start3A, %dma_start3A_105] : memref<632x16xf32, #tpu.memory_space<vmem>> -> memref<158x16xf32, #tpu.memory_space<vmem>>
      %dma_start3A_107 = arith.constant 0 : i32
      %dma_start3A_108 = tpu.memref_slice %arg7[%add3A_89, %dma_start3A_107] : memref<10112x16xf32, #tpu.memory_space<vmem_shared>> -> memref<158x16xf32, #tpu.memory_space<vmem_shared>>
      %dma_start3A_109 = arith.constant 0 : i32
      %dma_start3A_110 = tpu.memref_slice %arg7[%add3A_89, %dma_start3A_109] : memref<10112x16xf32, #tpu.memory_space<vmem_shared>> -> memref<158x16xf32, #tpu.memory_space<vmem_shared>>
      %dma_start3A_111 = arith.constant 0 : i32
      %dma_start3A_112 = arith.constant 0 : i32
      %dma_start3A_113 = tpu.memref_slice %arg6[%dma_start3A_111, %dma_start3A_112] : memref<632x16xf32, #tpu.memory_space<vmem>> -> memref<158x16xf32, #tpu.memory_space<vmem>>
      tpu.enqueue_dma source(%dma_start3A_113 : memref<158x16xf32, #tpu.memory_space<vmem>>) target(%dma_start3A_110 : memref<158x16xf32, #tpu.memory_space<vmem_shared>>) target_semaphore(%run_scoped3A_104 : memref<!tpu.dma_semaphore, #tpu.memory_space<semaphore_mem>>)
      %dma_wait3A = arith.constant 0 : i32
      %dma_wait3A_114 = arith.constant 0 : i32
      %dma_wait3A_115 = tpu.memref_slice %arg6[%dma_wait3A, %dma_wait3A_114] : memref<632x16xf32, #tpu.memory_space<vmem>> -> memref<158x16xf32, #tpu.memory_space<vmem>>
      %dma_wait3A_116 = arith.constant 0 : i32
      %dma_wait3A_117 = tpu.memref_slice %arg7[%add3A_89, %dma_wait3A_116] : memref<10112x16xf32, #tpu.memory_space<vmem_shared>> -> memref<158x16xf32, #tpu.memory_space<vmem_shared>>
      %dma_wait3A_118 = arith.constant 0 : i32
      %dma_wait3A_119 = tpu.memref_slice %arg7[%add3A_89, %dma_wait3A_118] : memref<10112x16xf32, #tpu.memory_space<vmem_shared>> -> memref<158x16xf32, #tpu.memory_space<vmem_shared>>
      %dma_wait3A_120 = arith.constant 0 : i32
      %dma_wait3A_121 = arith.constant 0 : i32
      %dma_wait3A_122 = tpu.memref_slice %arg6[%dma_wait3A_120, %dma_wait3A_121] : memref<632x16xf32, #tpu.memory_space<vmem>> -> memref<158x16xf32, #tpu.memory_space<vmem>>
      tpu.wait_dma2 semaphore(%run_scoped3A_104 : memref<!tpu.dma_semaphore, #tpu.memory_space<semaphore_mem>>) src(%dma_wait3A_122 : memref<158x16xf32, #tpu.memory_space<vmem>>) dst(%dma_wait3A_119 : memref<158x16xf32, #tpu.memory_space<vmem_shared>>)
      tpu.yield
    }) : () -> ()
    %run_scoped3A = arith.constant 1 : i32
    "tpu.region"() ({
      %run_scoped3A_104 = tpu.sem_alloc : memref<!tpu.dma_semaphore, #tpu.memory_space<semaphore_mem>>
      %dma_start3A = tpu.memref_slice %arg2[%run_scoped3A, %mul3A_2] : memref<2x320000xi32, #tpu.memory_space<hbm>> -> memref<1x10000xi32, #tpu.memory_space<hbm>>
      %dma_start3A_105 = tpu.memref_squeeze %dma_start3A : memref<1x10000xi32, #tpu.memory_space<hbm>> -> memref<10000xi32, #tpu.memory_space<hbm>>
      %dma_start3A_106 = tpu.memref_slice %arg2[%run_scoped3A, %mul3A_2] : memref<2x320000xi32, #tpu.memory_space<hbm>> -> memref<1x10000xi32, #tpu.memory_space<hbm>>
      %dma_start3A_107 = tpu.memref_squeeze %dma_start3A_106 : memref<1x10000xi32, #tpu.memory_space<hbm>> -> memref<10000xi32, #tpu.memory_space<hbm>>
      tpu.enqueue_dma source(%dma_start3A_107 : memref<10000xi32, #tpu.memory_space<hbm>>) target(%arg4 : memref<10000xi32, #tpu.memory_space<vmem>>) target_semaphore(%run_scoped3A_104 : memref<!tpu.dma_semaphore, #tpu.memory_space<semaphore_mem>>)
      %dma_wait3A = tpu.memref_slice %arg2[%run_scoped3A, %mul3A_2] : memref<2x320000xi32, #tpu.memory_space<hbm>> -> memref<1x10000xi32, #tpu.memory_space<hbm>>
      %dma_wait3A_108 = tpu.memref_squeeze %dma_wait3A : memref<1x10000xi32, #tpu.memory_space<hbm>> -> memref<10000xi32, #tpu.memory_space<hbm>>
      %dma_wait3A_109 = tpu.memref_slice %arg2[%run_scoped3A, %mul3A_2] : memref<2x320000xi32, #tpu.memory_space<hbm>> -> memref<1x10000xi32, #tpu.memory_space<hbm>>
      %dma_wait3A_110 = tpu.memref_squeeze %dma_wait3A_109 : memref<1x10000xi32, #tpu.memory_space<hbm>> -> memref<10000xi32, #tpu.memory_space<hbm>>
      tpu.wait_dma2 semaphore(%run_scoped3A_104 : memref<!tpu.dma_semaphore, #tpu.memory_space<semaphore_mem>>) src(%dma_wait3A_110 : memref<10000xi32, #tpu.memory_space<hbm>>) dst(%arg4 : memref<10000xi32, #tpu.memory_space<vmem>>)
      tpu.yield
    }) : () -> ()
    %barrier3A = arith.constant 0 : index
    tpu.barrier barrier_id(%barrier3A)
    %scan3A_90 = arith.constant 0 : i32
    %scan3A_91 = arith.constant 0 : i32
    %scan3A_92 = arith.constant 13 : i32
    %scan3A_93 = arith.addi %scan3A_91, %scan3A_92 : i32
    %scan3A_94 = arith.constant 1 : i32
    %scan3A_95 = scf.for %scan3A_104 = %scan3A_91 to %scan3A_93 step %scan3A_94 iter_args(%scan3A_105 = %scan3A_90) -> (i32)  : i32 {
      %mul3A_106 = arith.constant 6 : i32
      %mul3A_107 = arith.muli %scan3A_104, %mul3A_106 : i32
      %add3A_108 = arith.constant 0 : i32
      %add3A_109 = arith.addi %mul3A_107, %add3A_108 : i32
      %mul3A_110 = arith.constant 128 : i32
      %mul3A_111 = arith.muli %add3A_109, %mul3A_110 : i32
      %dma_start3A = tpu.memref_slice %arg4[%mul3A_111] : memref<10000xi32, #tpu.memory_space<vmem>> -> memref<128xi32, #tpu.memory_space<vmem>>
      %dma_start3A_112 = arith.constant 0 : i32
      %dma_start3A_113 = arith.constant 0 : i32
      %dma_start3A_114 = tpu.memref_slice %arg7[%dma_start3A_112, %dma_start3A_113] : memref<10112x16xf32, #tpu.memory_space<vmem_shared>> -> memref<10112x16xf32, #tpu.memory_space<vmem_shared>>
      tpu.enqueue_indirect_dma source(%arg5 : memref<128x16xf32, #tpu.memory_space<vmem>>) target(%dma_start3A_114 : memref<10112x16xf32, #tpu.memory_space<vmem_shared>>) offsets(%dma_start3A : memref<128xi32, #tpu.memory_space<vmem>>) semaphore(%arg8 : memref<!tpu.dma_semaphore, #tpu.memory_space<semaphore_mem>>) {add = true}
      %add3A_115 = arith.constant 1 : i32
      %add3A_116 = arith.addi %mul3A_107, %add3A_115 : i32
      %mul3A_117 = arith.constant 128 : i32
      %mul3A_118 = arith.muli %add3A_116, %mul3A_117 : i32
      %dma_start3A_119 = tpu.memref_slice %arg4[%mul3A_118] : memref<10000xi32, #tpu.memory_space<vmem>> -> memref<128xi32, #tpu.memory_space<vmem>>
      %dma_start3A_120 = arith.constant 0 : i32
      %dma_start3A_121 = arith.constant 0 : i32
      %dma_start3A_122 = tpu.memref_slice %arg7[%dma_start3A_120, %dma_start3A_121] : memref<10112x16xf32, #tpu.memory_space<vmem_shared>> -> memref<10112x16xf32, #tpu.memory_space<vmem_shared>>
      tpu.enqueue_indirect_dma source(%arg5 : memref<128x16xf32, #tpu.memory_space<vmem>>) target(%dma_start3A_122 : memref<10112x16xf32, #tpu.memory_space<vmem_shared>>) offsets(%dma_start3A_119 : memref<128xi32, #tpu.memory_space<vmem>>) semaphore(%arg8 : memref<!tpu.dma_semaphore, #tpu.memory_space<semaphore_mem>>) {add = true}
      %add3A_123 = arith.constant 2 : i32
      %add3A_124 = arith.addi %mul3A_107, %add3A_123 : i32
      %mul3A_125 = arith.constant 128 : i32
      %mul3A_126 = arith.muli %add3A_124, %mul3A_125 : i32
      %dma_start3A_127 = tpu.memref_slice %arg4[%mul3A_126] : memref<10000xi32, #tpu.memory_space<vmem>> -> memref<128xi32, #tpu.memory_space<vmem>>
      %dma_start3A_128 = arith.constant 0 : i32
      %dma_start3A_129 = arith.constant 0 : i32
      %dma_start3A_130 = tpu.memref_slice %arg7[%dma_start3A_128, %dma_start3A_129] : memref<10112x16xf32, #tpu.memory_space<vmem_shared>> -> memref<10112x16xf32, #tpu.memory_space<vmem_shared>>
      tpu.enqueue_indirect_dma source(%arg5 : memref<128x16xf32, #tpu.memory_space<vmem>>) target(%dma_start3A_130 : memref<10112x16xf32, #tpu.memory_space<vmem_shared>>) offsets(%dma_start3A_127 : memref<128xi32, #tpu.memory_space<vmem>>) semaphore(%arg8 : memref<!tpu.dma_semaphore, #tpu.memory_space<semaphore_mem>>) {add = true}
      %add3A_131 = arith.constant 3 : i32
      %add3A_132 = arith.addi %mul3A_107, %add3A_131 : i32
      %mul3A_133 = arith.constant 128 : i32
      %mul3A_134 = arith.muli %add3A_132, %mul3A_133 : i32
      %dma_start3A_135 = tpu.memref_slice %arg4[%mul3A_134] : memref<10000xi32, #tpu.memory_space<vmem>> -> memref<128xi32, #tpu.memory_space<vmem>>
      %dma_start3A_136 = arith.constant 0 : i32
      %dma_start3A_137 = arith.constant 0 : i32
      %dma_start3A_138 = tpu.memref_slice %arg7[%dma_start3A_136, %dma_start3A_137] : memref<10112x16xf32, #tpu.memory_space<vmem_shared>> -> memref<10112x16xf32, #tpu.memory_space<vmem_shared>>
      tpu.enqueue_indirect_dma source(%arg5 : memref<128x16xf32, #tpu.memory_space<vmem>>) target(%dma_start3A_138 : memref<10112x16xf32, #tpu.memory_space<vmem_shared>>) offsets(%dma_start3A_135 : memref<128xi32, #tpu.memory_space<vmem>>) semaphore(%arg8 : memref<!tpu.dma_semaphore, #tpu.memory_space<semaphore_mem>>) {add = true}
      %add3A_139 = arith.constant 4 : i32
      %add3A_140 = arith.addi %mul3A_107, %add3A_139 : i32
      %mul3A_141 = arith.constant 128 : i32
      %mul3A_142 = arith.muli %add3A_140, %mul3A_141 : i32
      %dma_start3A_143 = tpu.memref_slice %arg4[%mul3A_142] : memref<10000xi32, #tpu.memory_space<vmem>> -> memref<128xi32, #tpu.memory_space<vmem>>
      %dma_start3A_144 = arith.constant 0 : i32
      %dma_start3A_145 = arith.constant 0 : i32
      %dma_start3A_146 = tpu.memref_slice %arg7[%dma_start3A_144, %dma_start3A_145] : memref<10112x16xf32, #tpu.memory_space<vmem_shared>> -> memref<10112x16xf32, #tpu.memory_space<vmem_shared>>
      tpu.enqueue_indirect_dma source(%arg5 : memref<128x16xf32, #tpu.memory_space<vmem>>) target(%dma_start3A_146 : memref<10112x16xf32, #tpu.memory_space<vmem_shared>>) offsets(%dma_start3A_143 : memref<128xi32, #tpu.memory_space<vmem>>) semaphore(%arg8 : memref<!tpu.dma_semaphore, #tpu.memory_space<semaphore_mem>>) {add = true}
      %add3A_147 = arith.constant 5 : i32
      %add3A_148 = arith.addi %mul3A_107, %add3A_147 : i32
      %mul3A_149 = arith.constant 128 : i32
      %mul3A_150 = arith.muli %add3A_148, %mul3A_149 : i32
      %dma_start3A_151 = tpu.memref_slice %arg4[%mul3A_150] : memref<10000xi32, #tpu.memory_space<vmem>> -> memref<128xi32, #tpu.memory_space<vmem>>
      %dma_start3A_152 = arith.constant 0 : i32
      %dma_start3A_153 = arith.constant 0 : i32
      %dma_start3A_154 = tpu.memref_slice %arg7[%dma_start3A_152, %dma_start3A_153] : memref<10112x16xf32, #tpu.memory_space<vmem_shared>> -> memref<10112x16xf32, #tpu.memory_space<vmem_shared>>
      tpu.enqueue_indirect_dma source(%arg5 : memref<128x16xf32, #tpu.memory_space<vmem>>) target(%dma_start3A_154 : memref<10112x16xf32, #tpu.memory_space<vmem_shared>>) offsets(%dma_start3A_151 : memref<128xi32, #tpu.memory_space<vmem>>) semaphore(%arg8 : memref<!tpu.dma_semaphore, #tpu.memory_space<semaphore_mem>>) {add = true}
      %dma_wait3A = tpu.memref_slice %arg4[%mul3A_111] : memref<10000xi32, #tpu.memory_space<vmem>> -> memref<128xi32, #tpu.memory_space<vmem>>
      %dma_wait3A_155 = arith.constant 0 : i32
      %dma_wait3A_156 = arith.constant 0 : i32
      %dma_wait3A_157 = tpu.memref_slice %arg7[%dma_wait3A_155, %dma_wait3A_156] : memref<10112x16xf32, #tpu.memory_space<vmem_shared>> -> memref<10112x16xf32, #tpu.memory_space<vmem_shared>>
      tpu.wait_indirect_dma semaphore(%arg8 : memref<!tpu.dma_semaphore, #tpu.memory_space<semaphore_mem>>) src(%arg5 : memref<128x16xf32, #tpu.memory_space<vmem>>) dst(%dma_wait3A_157 : memref<10112x16xf32, #tpu.memory_space<vmem_shared>>)
      %dma_wait3A_158 = tpu.memref_slice %arg4[%mul3A_118] : memref<10000xi32, #tpu.memory_space<vmem>> -> memref<128xi32, #tpu.memory_space<vmem>>
      %dma_wait3A_159 = arith.constant 0 : i32
      %dma_wait3A_160 = arith.constant 0 : i32
      %dma_wait3A_161 = tpu.memref_slice %arg7[%dma_wait3A_159, %dma_wait3A_160] : memref<10112x16xf32, #tpu.memory_space<vmem_shared>> -> memref<10112x16xf32, #tpu.memory_space<vmem_shared>>
      tpu.wait_indirect_dma semaphore(%arg8 : memref<!tpu.dma_semaphore, #tpu.memory_space<semaphore_mem>>) src(%arg5 : memref<128x16xf32, #tpu.memory_space<vmem>>) dst(%dma_wait3A_161 : memref<10112x16xf32, #tpu.memory_space<vmem_shared>>)
      %dma_wait3A_162 = tpu.memref_slice %arg4[%mul3A_126] : memref<10000xi32, #tpu.memory_space<vmem>> -> memref<128xi32, #tpu.memory_space<vmem>>
      %dma_wait3A_163 = arith.constant 0 : i32
      %dma_wait3A_164 = arith.constant 0 : i32
      %dma_wait3A_165 = tpu.memref_slice %arg7[%dma_wait3A_163, %dma_wait3A_164] : memref<10112x16xf32, #tpu.memory_space<vmem_shared>> -> memref<10112x16xf32, #tpu.memory_space<vmem_shared>>
      tpu.wait_indirect_dma semaphore(%arg8 : memref<!tpu.dma_semaphore, #tpu.memory_space<semaphore_mem>>) src(%arg5 : memref<128x16xf32, #tpu.memory_space<vmem>>) dst(%dma_wait3A_165 : memref<10112x16xf32, #tpu.memory_space<vmem_shared>>)
      %dma_wait3A_166 = tpu.memref_slice %arg4[%mul3A_134] : memref<10000xi32, #tpu.memory_space<vmem>> -> memref<128xi32, #tpu.memory_space<vmem>>
      %dma_wait3A_167 = arith.constant 0 : i32
      %dma_wait3A_168 = arith.constant 0 : i32
      %dma_wait3A_169 = tpu.memref_slice %arg7[%dma_wait3A_167, %dma_wait3A_168] : memref<10112x16xf32, #tpu.memory_space<vmem_shared>> -> memref<10112x16xf32, #tpu.memory_space<vmem_shared>>
      tpu.wait_indirect_dma semaphore(%arg8 : memref<!tpu.dma_semaphore, #tpu.memory_space<semaphore_mem>>) src(%arg5 : memref<128x16xf32, #tpu.memory_space<vmem>>) dst(%dma_wait3A_169 : memref<10112x16xf32, #tpu.memory_space<vmem_shared>>)
      %dma_wait3A_170 = tpu.memref_slice %arg4[%mul3A_142] : memref<10000xi32, #tpu.memory_space<vmem>> -> memref<128xi32, #tpu.memory_space<vmem>>
      %dma_wait3A_171 = arith.constant 0 : i32
      %dma_wait3A_172 = arith.constant 0 : i32
      %dma_wait3A_173 = tpu.memref_slice %arg7[%dma_wait3A_171, %dma_wait3A_172] : memref<10112x16xf32, #tpu.memory_space<vmem_shared>> -> memref<10112x16xf32, #tpu.memory_space<vmem_shared>>
      tpu.wait_indirect_dma semaphore(%arg8 : memref<!tpu.dma_semaphore, #tpu.memory_space<semaphore_mem>>) src(%arg5 : memref<128x16xf32, #tpu.memory_space<vmem>>) dst(%dma_wait3A_173 : memref<10112x16xf32, #tpu.memory_space<vmem_shared>>)
      %dma_wait3A_174 = tpu.memref_slice %arg4[%mul3A_150] : memref<10000xi32, #tpu.memory_space<vmem>> -> memref<128xi32, #tpu.memory_space<vmem>>
      %dma_wait3A_175 = arith.constant 0 : i32
      %dma_wait3A_176 = arith.constant 0 : i32
      %dma_wait3A_177 = tpu.memref_slice %arg7[%dma_wait3A_175, %dma_wait3A_176] : memref<10112x16xf32, #tpu.memory_space<vmem_shared>> -> memref<10112x16xf32, #tpu.memory_space<vmem_shared>>
      tpu.wait_indirect_dma semaphore(%arg8 : memref<!tpu.dma_semaphore, #tpu.memory_space<semaphore_mem>>) src(%arg5 : memref<128x16xf32, #tpu.memory_space<vmem>>) dst(%dma_wait3A_177 : memref<10112x16xf32, #tpu.memory_space<vmem_shared>>)
      %scan3A_178 = arith.constant 0 : i32
      scf.yield %scan3A_178 : i32
    }
    %scan3A_96 = arith.constant 13 : i32
    "tpu.region"() ({
      %run_scoped3A_104 = tpu.sem_alloc : memref<!tpu.dma_semaphore, #tpu.memory_space<semaphore_mem>>
      %dma_start3A = arith.constant 0 : i32
      %dma_start3A_105 = arith.constant 0 : i32
      %dma_start3A_106 = tpu.memref_slice %arg5[%dma_start3A, %dma_start3A_105] : memref<128x16xf32, #tpu.memory_space<vmem>> -> memref<16x16xf32, #tpu.memory_space<vmem>>
      %dma_start3A_107 = arith.constant 9984 : i32
      %dma_start3A_108 = tpu.memref_slice %arg4[%dma_start3A_107] : memref<10000xi32, #tpu.memory_space<vmem>> -> memref<16xi32, #tpu.memory_space<vmem>>
      %dma_start3A_109 = arith.constant 0 : i32
      %dma_start3A_110 = arith.constant 0 : i32
      %dma_start3A_111 = tpu.memref_slice %arg7[%dma_start3A_109, %dma_start3A_110] : memref<10112x16xf32, #tpu.memory_space<vmem_shared>> -> memref<10112x16xf32, #tpu.memory_space<vmem_shared>>
      tpu.enqueue_indirect_dma source(%dma_start3A_106 : memref<16x16xf32, #tpu.memory_space<vmem>>) target(%dma_start3A_111 : memref<10112x16xf32, #tpu.memory_space<vmem_shared>>) offsets(%dma_start3A_108 : memref<16xi32, #tpu.memory_space<vmem>>) semaphore(%run_scoped3A_104 : memref<!tpu.dma_semaphore, #tpu.memory_space<semaphore_mem>>) {add = true}
      %dma_wait3A = arith.constant 0 : i32
      %dma_wait3A_112 = arith.constant 0 : i32
      %dma_wait3A_113 = tpu.memref_slice %arg5[%dma_wait3A, %dma_wait3A_112] : memref<128x16xf32, #tpu.memory_space<vmem>> -> memref<16x16xf32, #tpu.memory_space<vmem>>
      %dma_wait3A_114 = arith.constant 9984 : i32
      %dma_wait3A_115 = tpu.memref_slice %arg4[%dma_wait3A_114] : memref<10000xi32, #tpu.memory_space<vmem>> -> memref<16xi32, #tpu.memory_space<vmem>>
      %dma_wait3A_116 = arith.constant 0 : i32
      %dma_wait3A_117 = arith.constant 0 : i32
      %dma_wait3A_118 = tpu.memref_slice %arg7[%dma_wait3A_116, %dma_wait3A_117] : memref<10112x16xf32, #tpu.memory_space<vmem_shared>> -> memref<10112x16xf32, #tpu.memory_space<vmem_shared>>
      tpu.wait_indirect_dma semaphore(%run_scoped3A_104 : memref<!tpu.dma_semaphore, #tpu.memory_space<semaphore_mem>>) src(%dma_wait3A_113 : memref<16x16xf32, #tpu.memory_space<vmem>>) dst(%dma_wait3A_118 : memref<10112x16xf32, #tpu.memory_space<vmem_shared>>)
      tpu.yield
    }) : () -> ()
    %barrier3A_97 = arith.constant 0 : index
    tpu.barrier barrier_id(%barrier3A_97)
    %mul3A_98 = arith.constant 632 : i32
    %mul3A_99 = arith.muli %arg1, %mul3A_98 : i32
    "tpu.region"() ({
      %run_scoped3A_104 = tpu.sem_alloc : memref<!tpu.dma_semaphore, #tpu.memory_space<semaphore_mem>>
      %dma_start3A = arith.constant 0 : i32
      %dma_start3A_105 = tpu.memref_slice %arg7[%mul3A_99, %dma_start3A] : memref<10112x16xf32, #tpu.memory_space<vmem_shared>> -> memref<632x16xf32, #tpu.memory_space<vmem_shared>>
      %dma_start3A_106 = arith.constant 0 : i32
      %dma_start3A_107 = tpu.memref_slice %arg7[%mul3A_99, %dma_start3A_106] : memref<10112x16xf32, #tpu.memory_space<vmem_shared>> -> memref<632x16xf32, #tpu.memory_space<vmem_shared>>
      tpu.enqueue_dma source(%dma_start3A_107 : memref<632x16xf32, #tpu.memory_space<vmem_shared>>) target(%arg6 : memref<632x16xf32, #tpu.memory_space<vmem>>) target_semaphore(%run_scoped3A_104 : memref<!tpu.dma_semaphore, #tpu.memory_space<semaphore_mem>>)
      %dma_wait3A = arith.constant 0 : i32
      %dma_wait3A_108 = tpu.memref_slice %arg7[%mul3A_99, %dma_wait3A] : memref<10112x16xf32, #tpu.memory_space<vmem_shared>> -> memref<632x16xf32, #tpu.memory_space<vmem_shared>>
      %dma_wait3A_109 = arith.constant 0 : i32
      %dma_wait3A_110 = tpu.memref_slice %arg7[%mul3A_99, %dma_wait3A_109] : memref<10112x16xf32, #tpu.memory_space<vmem_shared>> -> memref<632x16xf32, #tpu.memory_space<vmem_shared>>
      tpu.wait_dma2 semaphore(%run_scoped3A_104 : memref<!tpu.dma_semaphore, #tpu.memory_space<semaphore_mem>>) src(%dma_wait3A_110 : memref<632x16xf32, #tpu.memory_space<vmem_shared>>) dst(%arg6 : memref<632x16xf32, #tpu.memory_space<vmem>>)
      tpu.yield
    }) : () -> ()
    %mul3A_100 = arith.constant 632 : i32
    %mul3A_101 = arith.muli %arg1, %mul3A_100 : i32
    %mul3A_102 = arith.constant 16 : i32
    %mul3A_103 = arith.muli %arg0, %mul3A_102 : i32
    "tpu.region"() ({
      %run_scoped3A_104 = tpu.sem_alloc : memref<!tpu.dma_semaphore, #tpu.memory_space<semaphore_mem>>
      %dma_start3A = tpu.memref_slice %arg3[%mul3A_101, %mul3A_103] : memref<10112x128xf32, #tpu.memory_space<hbm>> -> memref<632x16xf32, #tpu.memory_space<hbm>>
      %dma_start3A_105 = tpu.memref_slice %arg3[%mul3A_101, %mul3A_103] : memref<10112x128xf32, #tpu.memory_space<hbm>> -> memref<632x16xf32, #tpu.memory_space<hbm>>
      tpu.enqueue_dma source(%arg6 : memref<632x16xf32, #tpu.memory_space<vmem>>) target(%dma_start3A_105 : memref<632x16xf32, #tpu.memory_space<hbm>>) target_semaphore(%run_scoped3A_104 : memref<!tpu.dma_semaphore, #tpu.memory_space<semaphore_mem>>)
      %dma_wait3A = tpu.memref_slice %arg3[%mul3A_101, %mul3A_103] : memref<10112x128xf32, #tpu.memory_space<hbm>> -> memref<632x16xf32, #tpu.memory_space<hbm>>
      %dma_wait3A_106 = tpu.memref_slice %arg3[%mul3A_101, %mul3A_103] : memref<10112x128xf32, #tpu.memory_space<hbm>> -> memref<632x16xf32, #tpu.memory_space<hbm>>
      tpu.wait_dma2 semaphore(%run_scoped3A_104 : memref<!tpu.dma_semaphore, #tpu.memory_space<semaphore_mem>>) src(%arg6 : memref<632x16xf32, #tpu.memory_space<vmem>>) dst(%dma_wait3A_106 : memref<632x16xf32, #tpu.memory_space<hbm>>)
      tpu.yield
    }) : () -> ()
    return
  }
}

#map = affine_map<(d0, d1) -> (0, 0)>
module attributes {stable_mosaic.version = 14 : i64} {
  func.func @_sc_agg_kernel(%arg0: i32, %arg1: i32, %arg2: memref<10112x128xf32, #tpu.memory_space<hbm>>, %arg3: memref<2x320000xi32, #tpu.memory_space<hbm>>, %arg4: memref<10112x128xf32, #tpu.memory_space<hbm>>, %arg5: memref<10000xi32, #tpu.memory_space<vmem>>, %arg6: memref<10000xi32, #tpu.memory_space<vmem>>, %arg7: memref<6x128x32xf32, #tpu.memory_space<vmem>>, %arg8: memref<16x32xf32, #tpu.memory_space<vmem>>, %arg9: memref<632x32xf32, #tpu.memory_space<vmem>>, %arg10: memref<10112x32xf32, #tpu.memory_space<vmem_shared>>, %arg11: memref<10112x32xf32, #tpu.memory_space<vmem_shared>>, %arg12: memref<!tpu.dma_semaphore, #tpu.memory_space<semaphore_mem>>, %arg13: memref<!tpu.dma_semaphore, #tpu.memory_space<semaphore_mem>>) attributes {dimension_semantics = [#tpu.dimension_semantics<core_parallel>, #tpu.dimension_semantics<subcore_parallel>], iteration_bounds = array<i64: 2, 16>, scalar_prefetch = 0 : i64, scratch_operands = 9 : i64, tpu.core_type = #tpu.core_type<sc_vector_subcore>, window_params = [{transform_indices = #map}, {transform_indices = #map}, {transform_indices = #map}]} {
    %mul3A = arith.constant 2 : i32
    %mul3A_0 = arith.muli %arg1, %mul3A : i32
    %add3A = arith.addi %mul3A_0, %arg0 : i32
    %mul3A_1 = arith.constant 10000 : i32
    %mul3A_2 = arith.muli %add3A, %mul3A_1 : i32
    %mul3A_3 = arith.constant 632 : i32
    %mul3A_4 = arith.muli %arg1, %mul3A_3 : i32
    "tpu.region"() ({
      %run_scoped3A_210 = tpu.sem_alloc : memref<!tpu.dma_semaphore, #tpu.memory_space<semaphore_mem>>
      %dma_start3A_211 = arith.constant 0 : i32
      %dma_start3A_212 = tpu.memref_slice %arg11[%mul3A_4, %dma_start3A_211] : memref<10112x32xf32, #tpu.memory_space<vmem_shared>> -> memref<632x32xf32, #tpu.memory_space<vmem_shared>>
      %dma_start3A_213 = arith.constant 0 : i32
      %dma_start3A_214 = tpu.memref_slice %arg2[%mul3A_4, %dma_start3A_213] : memref<10112x128xf32, #tpu.memory_space<hbm>> -> memref<632x32xf32, #tpu.memory_space<hbm>>
      tpu.enqueue_dma source(%dma_start3A_214 : memref<632x32xf32, #tpu.memory_space<hbm>>) target(%dma_start3A_212 : memref<632x32xf32, #tpu.memory_space<vmem_shared>>) target_semaphore(%run_scoped3A_210 : memref<!tpu.dma_semaphore, #tpu.memory_space<semaphore_mem>>)
      %dma_wait3A_215 = arith.constant 0 : i32
      %dma_wait3A_216 = tpu.memref_slice %arg11[%mul3A_4, %dma_wait3A_215] : memref<10112x32xf32, #tpu.memory_space<vmem_shared>> -> memref<632x32xf32, #tpu.memory_space<vmem_shared>>
      %dma_wait3A_217 = arith.constant 0 : i32
      %dma_wait3A_218 = tpu.memref_slice %arg2[%mul3A_4, %dma_wait3A_217] : memref<10112x128xf32, #tpu.memory_space<hbm>> -> memref<632x32xf32, #tpu.memory_space<hbm>>
      tpu.wait_dma2 semaphore(%run_scoped3A_210 : memref<!tpu.dma_semaphore, #tpu.memory_space<semaphore_mem>>) src(%dma_wait3A_218 : memref<632x32xf32, #tpu.memory_space<hbm>>) dst(%dma_wait3A_216 : memref<632x32xf32, #tpu.memory_space<vmem_shared>>)
      tpu.yield
    }) : () -> ()
    %scan3A = arith.constant 0 : i32
    %scan3A_5 = arith.constant 0 : i32
    %scan3A_6 = arith.constant 152 : i32
    %scan3A_7 = arith.addi %scan3A_5, %scan3A_6 : i32
    %scan3A_8 = arith.constant 8 : i32
    %scan3A_9 = scf.for %scan3A_210 = %scan3A_5 to %scan3A_7 step %scan3A_8 iter_args(%scan3A_211 = %scan3A) -> (i32)  : i32 {
      %broadcast_in_dim3A_212 = arith.constant 0.000000e+00 : f32
      %broadcast_in_dim3A_213 = vector.broadcast %broadcast_in_dim3A_212 : f32 to vector<16xf32>
      %swap3A_214 = arith.index_cast %scan3A_210 : i32 to index
      %swap3A_215 = arith.constant 0 : index
      %swap3A_216 = tpu.vector_load %arg9[%swap3A_214, %swap3A_215] {strides = array<i32>} : memref<632x32xf32, #tpu.memory_space<vmem>>, vector<1x16xf32>,
      %swap3A_217 = vector.shape_cast %swap3A_216 : vector<1x16xf32> to vector<16xf32>
      %swap3A_218 = vector.shape_cast %broadcast_in_dim3A_213 : vector<16xf32> to vector<1x16xf32>
      tpu.vector_store %arg9[%swap3A_214, %swap3A_215], %swap3A_218 {strides = array<i32>} : memref<632x32xf32, #tpu.memory_space<vmem>>, vector<1x16xf32>,
      %broadcast_in_dim3A_219 = arith.constant 0.000000e+00 : f32
      %broadcast_in_dim3A_220 = vector.broadcast %broadcast_in_dim3A_219 : f32 to vector<16xf32>
      %swap3A_221 = arith.index_cast %scan3A_210 : i32 to index
      %swap3A_222 = arith.constant 16 : index
      %swap3A_223 = tpu.vector_load %arg9[%swap3A_221, %swap3A_222] {strides = array<i32>} : memref<632x32xf32, #tpu.memory_space<vmem>>, vector<1x16xf32>,
      %swap3A_224 = vector.shape_cast %swap3A_223 : vector<1x16xf32> to vector<16xf32>
      %swap3A_225 = vector.shape_cast %broadcast_in_dim3A_220 : vector<16xf32> to vector<1x16xf32>
      tpu.vector_store %arg9[%swap3A_221, %swap3A_222], %swap3A_225 {strides = array<i32>} : memref<632x32xf32, #tpu.memory_space<vmem>>, vector<1x16xf32>,
      %scan3A_226 = arith.constant 0 : i32
      %scan3A_227 = arith.constant 1 : i32
      %scan3A_228 = arith.addi %scan3A_210, %scan3A_227 : i32
      %broadcast_in_dim3A_229 = arith.constant 0.000000e+00 : f32
      %broadcast_in_dim3A_230 = vector.broadcast %broadcast_in_dim3A_229 : f32 to vector<16xf32>
      %swap3A_231 = arith.index_cast %scan3A_228 : i32 to index
      %swap3A_232 = arith.constant 0 : index
      %swap3A_233 = tpu.vector_load %arg9[%swap3A_231, %swap3A_232] {strides = array<i32>} : memref<632x32xf32, #tpu.memory_space<vmem>>, vector<1x16xf32>,
      %swap3A_234 = vector.shape_cast %swap3A_233 : vector<1x16xf32> to vector<16xf32>
      %swap3A_235 = vector.shape_cast %broadcast_in_dim3A_230 : vector<16xf32> to vector<1x16xf32>
      tpu.vector_store %arg9[%swap3A_231, %swap3A_232], %swap3A_235 {strides = array<i32>} : memref<632x32xf32, #tpu.memory_space<vmem>>, vector<1x16xf32>,
      %broadcast_in_dim3A_236 = arith.constant 0.000000e+00 : f32
      %broadcast_in_dim3A_237 = vector.broadcast %broadcast_in_dim3A_236 : f32 to vector<16xf32>
      %swap3A_238 = arith.index_cast %scan3A_228 : i32 to index
      %swap3A_239 = arith.constant 16 : index
      %swap3A_240 = tpu.vector_load %arg9[%swap3A_238, %swap3A_239] {strides = array<i32>} : memref<632x32xf32, #tpu.memory_space<vmem>>, vector<1x16xf32>,
      %swap3A_241 = vector.shape_cast %swap3A_240 : vector<1x16xf32> to vector<16xf32>
      %swap3A_242 = vector.shape_cast %broadcast_in_dim3A_237 : vector<16xf32> to vector<1x16xf32>
      tpu.vector_store %arg9[%swap3A_238, %swap3A_239], %swap3A_242 {strides = array<i32>} : memref<632x32xf32, #tpu.memory_space<vmem>>, vector<1x16xf32>,
      %scan3A_243 = arith.constant 0 : i32
      %scan3A_244 = arith.constant 2 : i32
      %scan3A_245 = arith.addi %scan3A_210, %scan3A_244 : i32
      %broadcast_in_dim3A_246 = arith.constant 0.000000e+00 : f32
      %broadcast_in_dim3A_247 = vector.broadcast %broadcast_in_dim3A_246 : f32 to vector<16xf32>
      %swap3A_248 = arith.index_cast %scan3A_245 : i32 to index
      %swap3A_249 = arith.constant 0 : index
      %swap3A_250 = tpu.vector_load %arg9[%swap3A_248, %swap3A_249] {strides = array<i32>} : memref<632x32xf32, #tpu.memory_space<vmem>>, vector<1x16xf32>,
      %swap3A_251 = vector.shape_cast %swap3A_250 : vector<1x16xf32> to vector<16xf32>
      %swap3A_252 = vector.shape_cast %broadcast_in_dim3A_247 : vector<16xf32> to vector<1x16xf32>
      tpu.vector_store %arg9[%swap3A_248, %swap3A_249], %swap3A_252 {strides = array<i32>} : memref<632x32xf32, #tpu.memory_space<vmem>>, vector<1x16xf32>,
      %broadcast_in_dim3A_253 = arith.constant 0.000000e+00 : f32
      %broadcast_in_dim3A_254 = vector.broadcast %broadcast_in_dim3A_253 : f32 to vector<16xf32>
      %swap3A_255 = arith.index_cast %scan3A_245 : i32 to index
      %swap3A_256 = arith.constant 16 : index
      %swap3A_257 = tpu.vector_load %arg9[%swap3A_255, %swap3A_256] {strides = array<i32>} : memref<632x32xf32, #tpu.memory_space<vmem>>, vector<1x16xf32>,
      %swap3A_258 = vector.shape_cast %swap3A_257 : vector<1x16xf32> to vector<16xf32>
      %swap3A_259 = vector.shape_cast %broadcast_in_dim3A_254 : vector<16xf32> to vector<1x16xf32>
      tpu.vector_store %arg9[%swap3A_255, %swap3A_256], %swap3A_259 {strides = array<i32>} : memref<632x32xf32, #tpu.memory_space<vmem>>, vector<1x16xf32>,
      %scan3A_260 = arith.constant 0 : i32
      %scan3A_261 = arith.constant 3 : i32
      %scan3A_262 = arith.addi %scan3A_210, %scan3A_261 : i32
      %broadcast_in_dim3A_263 = arith.constant 0.000000e+00 : f32
      %broadcast_in_dim3A_264 = vector.broadcast %broadcast_in_dim3A_263 : f32 to vector<16xf32>
      %swap3A_265 = arith.index_cast %scan3A_262 : i32 to index
      %swap3A_266 = arith.constant 0 : index
      %swap3A_267 = tpu.vector_load %arg9[%swap3A_265, %swap3A_266] {strides = array<i32>} : memref<632x32xf32, #tpu.memory_space<vmem>>, vector<1x16xf32>,
      %swap3A_268 = vector.shape_cast %swap3A_267 : vector<1x16xf32> to vector<16xf32>
      %swap3A_269 = vector.shape_cast %broadcast_in_dim3A_264 : vector<16xf32> to vector<1x16xf32>
      tpu.vector_store %arg9[%swap3A_265, %swap3A_266], %swap3A_269 {strides = array<i32>} : memref<632x32xf32, #tpu.memory_space<vmem>>, vector<1x16xf32>,
      %broadcast_in_dim3A_270 = arith.constant 0.000000e+00 : f32
      %broadcast_in_dim3A_271 = vector.broadcast %broadcast_in_dim3A_270 : f32 to vector<16xf32>
      %swap3A_272 = arith.index_cast %scan3A_262 : i32 to index
      %swap3A_273 = arith.constant 16 : index
      %swap3A_274 = tpu.vector_load %arg9[%swap3A_272, %swap3A_273] {strides = array<i32>} : memref<632x32xf32, #tpu.memory_space<vmem>>, vector<1x16xf32>,
      %swap3A_275 = vector.shape_cast %swap3A_274 : vector<1x16xf32> to vector<16xf32>
      %swap3A_276 = vector.shape_cast %broadcast_in_dim3A_271 : vector<16xf32> to vector<1x16xf32>
      tpu.vector_store %arg9[%swap3A_272, %swap3A_273], %swap3A_276 {strides = array<i32>} : memref<632x32xf32, #tpu.memory_space<vmem>>, vector<1x16xf32>,
      %scan3A_277 = arith.constant 0 : i32
      %scan3A_278 = arith.constant 4 : i32
      %scan3A_279 = arith.addi %scan3A_210, %scan3A_278 : i32
      %broadcast_in_dim3A_280 = arith.constant 0.000000e+00 : f32
      %broadcast_in_dim3A_281 = vector.broadcast %broadcast_in_dim3A_280 : f32 to vector<16xf32>
      %swap3A_282 = arith.index_cast %scan3A_279 : i32 to index
      %swap3A_283 = arith.constant 0 : index
      %swap3A_284 = tpu.vector_load %arg9[%swap3A_282, %swap3A_283] {strides = array<i32>} : memref<632x32xf32, #tpu.memory_space<vmem>>, vector<1x16xf32>,
      %swap3A_285 = vector.shape_cast %swap3A_284 : vector<1x16xf32> to vector<16xf32>
      %swap3A_286 = vector.shape_cast %broadcast_in_dim3A_281 : vector<16xf32> to vector<1x16xf32>
      tpu.vector_store %arg9[%swap3A_282, %swap3A_283], %swap3A_286 {strides = array<i32>} : memref<632x32xf32, #tpu.memory_space<vmem>>, vector<1x16xf32>,
      %broadcast_in_dim3A_287 = arith.constant 0.000000e+00 : f32
      %broadcast_in_dim3A_288 = vector.broadcast %broadcast_in_dim3A_287 : f32 to vector<16xf32>
      %swap3A_289 = arith.index_cast %scan3A_279 : i32 to index
      %swap3A_290 = arith.constant 16 : index
      %swap3A_291 = tpu.vector_load %arg9[%swap3A_289, %swap3A_290] {strides = array<i32>} : memref<632x32xf32, #tpu.memory_space<vmem>>, vector<1x16xf32>,
      %swap3A_292 = vector.shape_cast %swap3A_291 : vector<1x16xf32> to vector<16xf32>
      %swap3A_293 = vector.shape_cast %broadcast_in_dim3A_288 : vector<16xf32> to vector<1x16xf32>
      tpu.vector_store %arg9[%swap3A_289, %swap3A_290], %swap3A_293 {strides = array<i32>} : memref<632x32xf32, #tpu.memory_space<vmem>>, vector<1x16xf32>,
      %scan3A_294 = arith.constant 0 : i32
      %scan3A_295 = arith.constant 5 : i32
      %scan3A_296 = arith.addi %scan3A_210, %scan3A_295 : i32
      %broadcast_in_dim3A_297 = arith.constant 0.000000e+00 : f32
      %broadcast_in_dim3A_298 = vector.broadcast %broadcast_in_dim3A_297 : f32 to vector<16xf32>
      %swap3A_299 = arith.index_cast %scan3A_296 : i32 to index
      %swap3A_300 = arith.constant 0 : index
      %swap3A_301 = tpu.vector_load %arg9[%swap3A_299, %swap3A_300] {strides = array<i32>} : memref<632x32xf32, #tpu.memory_space<vmem>>, vector<1x16xf32>,
      %swap3A_302 = vector.shape_cast %swap3A_301 : vector<1x16xf32> to vector<16xf32>
      %swap3A_303 = vector.shape_cast %broadcast_in_dim3A_298 : vector<16xf32> to vector<1x16xf32>
      tpu.vector_store %arg9[%swap3A_299, %swap3A_300], %swap3A_303 {strides = array<i32>} : memref<632x32xf32, #tpu.memory_space<vmem>>, vector<1x16xf32>,
      %broadcast_in_dim3A_304 = arith.constant 0.000000e+00 : f32
      %broadcast_in_dim3A_305 = vector.broadcast %broadcast_in_dim3A_304 : f32 to vector<16xf32>
      %swap3A_306 = arith.index_cast %scan3A_296 : i32 to index
      %swap3A_307 = arith.constant 16 : index
      %swap3A_308 = tpu.vector_load %arg9[%swap3A_306, %swap3A_307] {strides = array<i32>} : memref<632x32xf32, #tpu.memory_space<vmem>>, vector<1x16xf32>,
      %swap3A_309 = vector.shape_cast %swap3A_308 : vector<1x16xf32> to vector<16xf32>
      %swap3A_310 = vector.shape_cast %broadcast_in_dim3A_305 : vector<16xf32> to vector<1x16xf32>
      tpu.vector_store %arg9[%swap3A_306, %swap3A_307], %swap3A_310 {strides = array<i32>} : memref<632x32xf32, #tpu.memory_space<vmem>>, vector<1x16xf32>,
      %scan3A_311 = arith.constant 0 : i32
      %scan3A_312 = arith.constant 6 : i32
      %scan3A_313 = arith.addi %scan3A_210, %scan3A_312 : i32
      %broadcast_in_dim3A_314 = arith.constant 0.000000e+00 : f32
      %broadcast_in_dim3A_315 = vector.broadcast %broadcast_in_dim3A_314 : f32 to vector<16xf32>
      %swap3A_316 = arith.index_cast %scan3A_313 : i32 to index
      %swap3A_317 = arith.constant 0 : index
      %swap3A_318 = tpu.vector_load %arg9[%swap3A_316, %swap3A_317] {strides = array<i32>} : memref<632x32xf32, #tpu.memory_space<vmem>>, vector<1x16xf32>,
      %swap3A_319 = vector.shape_cast %swap3A_318 : vector<1x16xf32> to vector<16xf32>
      %swap3A_320 = vector.shape_cast %broadcast_in_dim3A_315 : vector<16xf32> to vector<1x16xf32>
      tpu.vector_store %arg9[%swap3A_316, %swap3A_317], %swap3A_320 {strides = array<i32>} : memref<632x32xf32, #tpu.memory_space<vmem>>, vector<1x16xf32>,
      %broadcast_in_dim3A_321 = arith.constant 0.000000e+00 : f32
      %broadcast_in_dim3A_322 = vector.broadcast %broadcast_in_dim3A_321 : f32 to vector<16xf32>
      %swap3A_323 = arith.index_cast %scan3A_313 : i32 to index
      %swap3A_324 = arith.constant 16 : index
      %swap3A_325 = tpu.vector_load %arg9[%swap3A_323, %swap3A_324] {strides = array<i32>} : memref<632x32xf32, #tpu.memory_space<vmem>>, vector<1x16xf32>,
      %swap3A_326 = vector.shape_cast %swap3A_325 : vector<1x16xf32> to vector<16xf32>
      %swap3A_327 = vector.shape_cast %broadcast_in_dim3A_322 : vector<16xf32> to vector<1x16xf32>
      tpu.vector_store %arg9[%swap3A_323, %swap3A_324], %swap3A_327 {strides = array<i32>} : memref<632x32xf32, #tpu.memory_space<vmem>>, vector<1x16xf32>,
      %scan3A_328 = arith.constant 0 : i32
      %scan3A_329 = arith.constant 7 : i32
      %scan3A_330 = arith.addi %scan3A_210, %scan3A_329 : i32
      %broadcast_in_dim3A_331 = arith.constant 0.000000e+00 : f32
      %broadcast_in_dim3A_332 = vector.broadcast %broadcast_in_dim3A_331 : f32 to vector<16xf32>
      %swap3A_333 = arith.index_cast %scan3A_330 : i32 to index
      %swap3A_334 = arith.constant 0 : index
      %swap3A_335 = tpu.vector_load %arg9[%swap3A_333, %swap3A_334] {strides = array<i32>} : memref<632x32xf32, #tpu.memory_space<vmem>>, vector<1x16xf32>,
      %swap3A_336 = vector.shape_cast %swap3A_335 : vector<1x16xf32> to vector<16xf32>
      %swap3A_337 = vector.shape_cast %broadcast_in_dim3A_332 : vector<16xf32> to vector<1x16xf32>
      tpu.vector_store %arg9[%swap3A_333, %swap3A_334], %swap3A_337 {strides = array<i32>} : memref<632x32xf32, #tpu.memory_space<vmem>>, vector<1x16xf32>,
      %broadcast_in_dim3A_338 = arith.constant 0.000000e+00 : f32
      %broadcast_in_dim3A_339 = vector.broadcast %broadcast_in_dim3A_338 : f32 to vector<16xf32>
      %swap3A_340 = arith.index_cast %scan3A_330 : i32 to index
      %swap3A_341 = arith.constant 16 : index
      %swap3A_342 = tpu.vector_load %arg9[%swap3A_340, %swap3A_341] {strides = array<i32>} : memref<632x32xf32, #tpu.memory_space<vmem>>, vector<1x16xf32>,
      %swap3A_343 = vector.shape_cast %swap3A_342 : vector<1x16xf32> to vector<16xf32>
      %swap3A_344 = vector.shape_cast %broadcast_in_dim3A_339 : vector<16xf32> to vector<1x16xf32>
      tpu.vector_store %arg9[%swap3A_340, %swap3A_341], %swap3A_344 {strides = array<i32>} : memref<632x32xf32, #tpu.memory_space<vmem>>, vector<1x16xf32>,
      %scan3A_345 = arith.constant 0 : i32
      scf.yield %scan3A_345 : i32
    }
    %scan3A_10 = arith.constant 152 : i32
    %scan3A_11 = arith.addi %scan3A_5, %scan3A_10 : i32
    %broadcast_in_dim3A = arith.constant 0.000000e+00 : f32
    %broadcast_in_dim3A_12 = vector.broadcast %broadcast_in_dim3A : f32 to vector<16xf32>
    %swap3A = arith.index_cast %scan3A_11 : i32 to index
    %swap3A_13 = arith.constant 0 : index
    %swap3A_14 = tpu.vector_load %arg9[%swap3A, %swap3A_13] {strides = array<i32>} : memref<632x32xf32, #tpu.memory_space<vmem>>, vector<1x16xf32>,
    %swap3A_15 = vector.shape_cast %swap3A_14 : vector<1x16xf32> to vector<16xf32>
    %swap3A_16 = vector.shape_cast %broadcast_in_dim3A_12 : vector<16xf32> to vector<1x16xf32>
    tpu.vector_store %arg9[%swap3A, %swap3A_13], %swap3A_16 {strides = array<i32>} : memref<632x32xf32, #tpu.memory_space<vmem>>, vector<1x16xf32>,
    %broadcast_in_dim3A_17 = arith.constant 0.000000e+00 : f32
    %broadcast_in_dim3A_18 = vector.broadcast %broadcast_in_dim3A_17 : f32 to vector<16xf32>
    %swap3A_19 = arith.index_cast %scan3A_11 : i32 to index
    %swap3A_20 = arith.constant 16 : index
    %swap3A_21 = tpu.vector_load %arg9[%swap3A_19, %swap3A_20] {strides = array<i32>} : memref<632x32xf32, #tpu.memory_space<vmem>>, vector<1x16xf32>,
    %swap3A_22 = vector.shape_cast %swap3A_21 : vector<1x16xf32> to vector<16xf32>
    %swap3A_23 = vector.shape_cast %broadcast_in_dim3A_18 : vector<16xf32> to vector<1x16xf32>
    tpu.vector_store %arg9[%swap3A_19, %swap3A_20], %swap3A_23 {strides = array<i32>} : memref<632x32xf32, #tpu.memory_space<vmem>>, vector<1x16xf32>,
    %scan3A_24 = arith.constant 0 : i32
    %scan3A_25 = arith.constant 153 : i32
    %scan3A_26 = arith.addi %scan3A_5, %scan3A_25 : i32
    %broadcast_in_dim3A_27 = arith.constant 0.000000e+00 : f32
    %broadcast_in_dim3A_28 = vector.broadcast %broadcast_in_dim3A_27 : f32 to vector<16xf32>
    %swap3A_29 = arith.index_cast %scan3A_26 : i32 to index
    %swap3A_30 = arith.constant 0 : index
    %swap3A_31 = tpu.vector_load %arg9[%swap3A_29, %swap3A_30] {strides = array<i32>} : memref<632x32xf32, #tpu.memory_space<vmem>>, vector<1x16xf32>,
    %swap3A_32 = vector.shape_cast %swap3A_31 : vector<1x16xf32> to vector<16xf32>
    %swap3A_33 = vector.shape_cast %broadcast_in_dim3A_28 : vector<16xf32> to vector<1x16xf32>
    tpu.vector_store %arg9[%swap3A_29, %swap3A_30], %swap3A_33 {strides = array<i32>} : memref<632x32xf32, #tpu.memory_space<vmem>>, vector<1x16xf32>,
    %broadcast_in_dim3A_34 = arith.constant 0.000000e+00 : f32
    %broadcast_in_dim3A_35 = vector.broadcast %broadcast_in_dim3A_34 : f32 to vector<16xf32>
    %swap3A_36 = arith.index_cast %scan3A_26 : i32 to index
    %swap3A_37 = arith.constant 16 : index
    %swap3A_38 = tpu.vector_load %arg9[%swap3A_36, %swap3A_37] {strides = array<i32>} : memref<632x32xf32, #tpu.memory_space<vmem>>, vector<1x16xf32>,
    %swap3A_39 = vector.shape_cast %swap3A_38 : vector<1x16xf32> to vector<16xf32>
    %swap3A_40 = vector.shape_cast %broadcast_in_dim3A_35 : vector<16xf32> to vector<1x16xf32>
    tpu.vector_store %arg9[%swap3A_36, %swap3A_37], %swap3A_40 {strides = array<i32>} : memref<632x32xf32, #tpu.memory_space<vmem>>, vector<1x16xf32>,
    %scan3A_41 = arith.constant 0 : i32
    %scan3A_42 = arith.constant 154 : i32
    %scan3A_43 = arith.addi %scan3A_5, %scan3A_42 : i32
    %broadcast_in_dim3A_44 = arith.constant 0.000000e+00 : f32
    %broadcast_in_dim3A_45 = vector.broadcast %broadcast_in_dim3A_44 : f32 to vector<16xf32>
    %swap3A_46 = arith.index_cast %scan3A_43 : i32 to index
    %swap3A_47 = arith.constant 0 : index
    %swap3A_48 = tpu.vector_load %arg9[%swap3A_46, %swap3A_47] {strides = array<i32>} : memref<632x32xf32, #tpu.memory_space<vmem>>, vector<1x16xf32>,
    %swap3A_49 = vector.shape_cast %swap3A_48 : vector<1x16xf32> to vector<16xf32>
    %swap3A_50 = vector.shape_cast %broadcast_in_dim3A_45 : vector<16xf32> to vector<1x16xf32>
    tpu.vector_store %arg9[%swap3A_46, %swap3A_47], %swap3A_50 {strides = array<i32>} : memref<632x32xf32, #tpu.memory_space<vmem>>, vector<1x16xf32>,
    %broadcast_in_dim3A_51 = arith.constant 0.000000e+00 : f32
    %broadcast_in_dim3A_52 = vector.broadcast %broadcast_in_dim3A_51 : f32 to vector<16xf32>
    %swap3A_53 = arith.index_cast %scan3A_43 : i32 to index
    %swap3A_54 = arith.constant 16 : index
    %swap3A_55 = tpu.vector_load %arg9[%swap3A_53, %swap3A_54] {strides = array<i32>} : memref<632x32xf32, #tpu.memory_space<vmem>>, vector<1x16xf32>,
    %swap3A_56 = vector.shape_cast %swap3A_55 : vector<1x16xf32> to vector<16xf32>
    %swap3A_57 = vector.shape_cast %broadcast_in_dim3A_52 : vector<16xf32> to vector<1x16xf32>
    tpu.vector_store %arg9[%swap3A_53, %swap3A_54], %swap3A_57 {strides = array<i32>} : memref<632x32xf32, #tpu.memory_space<vmem>>, vector<1x16xf32>,
    %scan3A_58 = arith.constant 0 : i32
    %scan3A_59 = arith.constant 155 : i32
    %scan3A_60 = arith.addi %scan3A_5, %scan3A_59 : i32
    %broadcast_in_dim3A_61 = arith.constant 0.000000e+00 : f32
    %broadcast_in_dim3A_62 = vector.broadcast %broadcast_in_dim3A_61 : f32 to vector<16xf32>
    %swap3A_63 = arith.index_cast %scan3A_60 : i32 to index
    %swap3A_64 = arith.constant 0 : index
    %swap3A_65 = tpu.vector_load %arg9[%swap3A_63, %swap3A_64] {strides = array<i32>} : memref<632x32xf32, #tpu.memory_space<vmem>>, vector<1x16xf32>,
    %swap3A_66 = vector.shape_cast %swap3A_65 : vector<1x16xf32> to vector<16xf32>
    %swap3A_67 = vector.shape_cast %broadcast_in_dim3A_62 : vector<16xf32> to vector<1x16xf32>
    tpu.vector_store %arg9[%swap3A_63, %swap3A_64], %swap3A_67 {strides = array<i32>} : memref<632x32xf32, #tpu.memory_space<vmem>>, vector<1x16xf32>,
    %broadcast_in_dim3A_68 = arith.constant 0.000000e+00 : f32
    %broadcast_in_dim3A_69 = vector.broadcast %broadcast_in_dim3A_68 : f32 to vector<16xf32>
    %swap3A_70 = arith.index_cast %scan3A_60 : i32 to index
    %swap3A_71 = arith.constant 16 : index
    %swap3A_72 = tpu.vector_load %arg9[%swap3A_70, %swap3A_71] {strides = array<i32>} : memref<632x32xf32, #tpu.memory_space<vmem>>, vector<1x16xf32>,
    %swap3A_73 = vector.shape_cast %swap3A_72 : vector<1x16xf32> to vector<16xf32>
    %swap3A_74 = vector.shape_cast %broadcast_in_dim3A_69 : vector<16xf32> to vector<1x16xf32>
    tpu.vector_store %arg9[%swap3A_70, %swap3A_71], %swap3A_74 {strides = array<i32>} : memref<632x32xf32, #tpu.memory_space<vmem>>, vector<1x16xf32>,
    %scan3A_75 = arith.constant 0 : i32
    %scan3A_76 = arith.constant 156 : i32
    %scan3A_77 = arith.addi %scan3A_5, %scan3A_76 : i32
    %broadcast_in_dim3A_78 = arith.constant 0.000000e+00 : f32
    %broadcast_in_dim3A_79 = vector.broadcast %broadcast_in_dim3A_78 : f32 to vector<16xf32>
    %swap3A_80 = arith.index_cast %scan3A_77 : i32 to index
    %swap3A_81 = arith.constant 0 : index
    %swap3A_82 = tpu.vector_load %arg9[%swap3A_80, %swap3A_81] {strides = array<i32>} : memref<632x32xf32, #tpu.memory_space<vmem>>, vector<1x16xf32>,
    %swap3A_83 = vector.shape_cast %swap3A_82 : vector<1x16xf32> to vector<16xf32>
    %swap3A_84 = vector.shape_cast %broadcast_in_dim3A_79 : vector<16xf32> to vector<1x16xf32>
    tpu.vector_store %arg9[%swap3A_80, %swap3A_81], %swap3A_84 {strides = array<i32>} : memref<632x32xf32, #tpu.memory_space<vmem>>, vector<1x16xf32>,
    %broadcast_in_dim3A_85 = arith.constant 0.000000e+00 : f32
    %broadcast_in_dim3A_86 = vector.broadcast %broadcast_in_dim3A_85 : f32 to vector<16xf32>
    %swap3A_87 = arith.index_cast %scan3A_77 : i32 to index
    %swap3A_88 = arith.constant 16 : index
    %swap3A_89 = tpu.vector_load %arg9[%swap3A_87, %swap3A_88] {strides = array<i32>} : memref<632x32xf32, #tpu.memory_space<vmem>>, vector<1x16xf32>,
    %swap3A_90 = vector.shape_cast %swap3A_89 : vector<1x16xf32> to vector<16xf32>
    %swap3A_91 = vector.shape_cast %broadcast_in_dim3A_86 : vector<16xf32> to vector<1x16xf32>
    tpu.vector_store %arg9[%swap3A_87, %swap3A_88], %swap3A_91 {strides = array<i32>} : memref<632x32xf32, #tpu.memory_space<vmem>>, vector<1x16xf32>,
    %scan3A_92 = arith.constant 0 : i32
    %scan3A_93 = arith.constant 157 : i32
    %scan3A_94 = arith.addi %scan3A_5, %scan3A_93 : i32
    %broadcast_in_dim3A_95 = arith.constant 0.000000e+00 : f32
    %broadcast_in_dim3A_96 = vector.broadcast %broadcast_in_dim3A_95 : f32 to vector<16xf32>
    %swap3A_97 = arith.index_cast %scan3A_94 : i32 to index
    %swap3A_98 = arith.constant 0 : index
    %swap3A_99 = tpu.vector_load %arg9[%swap3A_97, %swap3A_98] {strides = array<i32>} : memref<632x32xf32, #tpu.memory_space<vmem>>, vector<1x16xf32>,
    %swap3A_100 = vector.shape_cast %swap3A_99 : vector<1x16xf32> to vector<16xf32>
    %swap3A_101 = vector.shape_cast %broadcast_in_dim3A_96 : vector<16xf32> to vector<1x16xf32>
    tpu.vector_store %arg9[%swap3A_97, %swap3A_98], %swap3A_101 {strides = array<i32>} : memref<632x32xf32, #tpu.memory_space<vmem>>, vector<1x16xf32>,
    %broadcast_in_dim3A_102 = arith.constant 0.000000e+00 : f32
    %broadcast_in_dim3A_103 = vector.broadcast %broadcast_in_dim3A_102 : f32 to vector<16xf32>
    %swap3A_104 = arith.index_cast %scan3A_94 : i32 to index
    %swap3A_105 = arith.constant 16 : index
    %swap3A_106 = tpu.vector_load %arg9[%swap3A_104, %swap3A_105] {strides = array<i32>} : memref<632x32xf32, #tpu.memory_space<vmem>>, vector<1x16xf32>,
    %swap3A_107 = vector.shape_cast %swap3A_106 : vector<1x16xf32> to vector<16xf32>
    %swap3A_108 = vector.shape_cast %broadcast_in_dim3A_103 : vector<16xf32> to vector<1x16xf32>
    tpu.vector_store %arg9[%swap3A_104, %swap3A_105], %swap3A_108 {strides = array<i32>} : memref<632x32xf32, #tpu.memory_space<vmem>>, vector<1x16xf32>,
    %scan3A_109 = arith.constant 0 : i32
    %scan3A_110 = arith.constant 158 : i32
    %mul3A_111 = arith.constant 632 : i32
    %mul3A_112 = arith.muli %arg1, %mul3A_111 : i32
    %add3A_113 = arith.constant 0 : i32
    %add3A_114 = arith.addi %mul3A_112, %add3A_113 : i32
    "tpu.region"() ({
      %run_scoped3A_210 = tpu.sem_alloc : memref<!tpu.dma_semaphore, #tpu.memory_space<semaphore_mem>>
      %dma_start3A_211 = arith.constant 0 : i32
      %dma_start3A_212 = arith.constant 0 : i32
      %dma_start3A_213 = tpu.memref_slice %arg9[%dma_start3A_211, %dma_start3A_212] : memref<632x32xf32, #tpu.memory_space<vmem>> -> memref<158x32xf32, #tpu.memory_space<vmem>>
      %dma_start3A_214 = arith.constant 0 : i32
      %dma_start3A_215 = tpu.memref_slice %arg10[%add3A_114, %dma_start3A_214] : memref<10112x32xf32, #tpu.memory_space<vmem_shared>> -> memref<158x32xf32, #tpu.memory_space<vmem_shared>>
      %dma_start3A_216 = arith.constant 0 : i32
      %dma_start3A_217 = tpu.memref_slice %arg10[%add3A_114, %dma_start3A_216] : memref<10112x32xf32, #tpu.memory_space<vmem_shared>> -> memref<158x32xf32, #tpu.memory_space<vmem_shared>>
      %dma_start3A_218 = arith.constant 0 : i32
      %dma_start3A_219 = arith.constant 0 : i32
      %dma_start3A_220 = tpu.memref_slice %arg9[%dma_start3A_218, %dma_start3A_219] : memref<632x32xf32, #tpu.memory_space<vmem>> -> memref<158x32xf32, #tpu.memory_space<vmem>>
      tpu.enqueue_dma source(%dma_start3A_220 : memref<158x32xf32, #tpu.memory_space<vmem>>) target(%dma_start3A_217 : memref<158x32xf32, #tpu.memory_space<vmem_shared>>) target_semaphore(%run_scoped3A_210 : memref<!tpu.dma_semaphore, #tpu.memory_space<semaphore_mem>>)
      %dma_wait3A_221 = arith.constant 0 : i32
      %dma_wait3A_222 = arith.constant 0 : i32
      %dma_wait3A_223 = tpu.memref_slice %arg9[%dma_wait3A_221, %dma_wait3A_222] : memref<632x32xf32, #tpu.memory_space<vmem>> -> memref<158x32xf32, #tpu.memory_space<vmem>>
      %dma_wait3A_224 = arith.constant 0 : i32
      %dma_wait3A_225 = tpu.memref_slice %arg10[%add3A_114, %dma_wait3A_224] : memref<10112x32xf32, #tpu.memory_space<vmem_shared>> -> memref<158x32xf32, #tpu.memory_space<vmem_shared>>
      %dma_wait3A_226 = arith.constant 0 : i32
      %dma_wait3A_227 = tpu.memref_slice %arg10[%add3A_114, %dma_wait3A_226] : memref<10112x32xf32, #tpu.memory_space<vmem_shared>> -> memref<158x32xf32, #tpu.memory_space<vmem_shared>>
      %dma_wait3A_228 = arith.constant 0 : i32
      %dma_wait3A_229 = arith.constant 0 : i32
      %dma_wait3A_230 = tpu.memref_slice %arg9[%dma_wait3A_228, %dma_wait3A_229] : memref<632x32xf32, #tpu.memory_space<vmem>> -> memref<158x32xf32, #tpu.memory_space<vmem>>
      tpu.wait_dma2 semaphore(%run_scoped3A_210 : memref<!tpu.dma_semaphore, #tpu.memory_space<semaphore_mem>>) src(%dma_wait3A_230 : memref<158x32xf32, #tpu.memory_space<vmem>>) dst(%dma_wait3A_227 : memref<158x32xf32, #tpu.memory_space<vmem_shared>>)
      tpu.yield
    }) : () -> ()
    %mul3A_115 = arith.constant 632 : i32
    %mul3A_116 = arith.muli %arg1, %mul3A_115 : i32
    %add3A_117 = arith.constant 158 : i32
    %add3A_118 = arith.addi %mul3A_116, %add3A_117 : i32
    "tpu.region"() ({
      %run_scoped3A_210 = tpu.sem_alloc : memref<!tpu.dma_semaphore, #tpu.memory_space<semaphore_mem>>
      %dma_start3A_211 = arith.constant 0 : i32
      %dma_start3A_212 = arith.constant 0 : i32
      %dma_start3A_213 = tpu.memref_slice %arg9[%dma_start3A_211, %dma_start3A_212] : memref<632x32xf32, #tpu.memory_space<vmem>> -> memref<158x32xf32, #tpu.memory_space<vmem>>
      %dma_start3A_214 = arith.constant 0 : i32
      %dma_start3A_215 = tpu.memref_slice %arg10[%add3A_118, %dma_start3A_214] : memref<10112x32xf32, #tpu.memory_space<vmem_shared>> -> memref<158x32xf32, #tpu.memory_space<vmem_shared>>
      %dma_start3A_216 = arith.constant 0 : i32
      %dma_start3A_217 = tpu.memref_slice %arg10[%add3A_118, %dma_start3A_216] : memref<10112x32xf32, #tpu.memory_space<vmem_shared>> -> memref<158x32xf32, #tpu.memory_space<vmem_shared>>
      %dma_start3A_218 = arith.constant 0 : i32
      %dma_start3A_219 = arith.constant 0 : i32
      %dma_start3A_220 = tpu.memref_slice %arg9[%dma_start3A_218, %dma_start3A_219] : memref<632x32xf32, #tpu.memory_space<vmem>> -> memref<158x32xf32, #tpu.memory_space<vmem>>
      tpu.enqueue_dma source(%dma_start3A_220 : memref<158x32xf32, #tpu.memory_space<vmem>>) target(%dma_start3A_217 : memref<158x32xf32, #tpu.memory_space<vmem_shared>>) target_semaphore(%run_scoped3A_210 : memref<!tpu.dma_semaphore, #tpu.memory_space<semaphore_mem>>)
      %dma_wait3A_221 = arith.constant 0 : i32
      %dma_wait3A_222 = arith.constant 0 : i32
      %dma_wait3A_223 = tpu.memref_slice %arg9[%dma_wait3A_221, %dma_wait3A_222] : memref<632x32xf32, #tpu.memory_space<vmem>> -> memref<158x32xf32, #tpu.memory_space<vmem>>
      %dma_wait3A_224 = arith.constant 0 : i32
      %dma_wait3A_225 = tpu.memref_slice %arg10[%add3A_118, %dma_wait3A_224] : memref<10112x32xf32, #tpu.memory_space<vmem_shared>> -> memref<158x32xf32, #tpu.memory_space<vmem_shared>>
      %dma_wait3A_226 = arith.constant 0 : i32
      %dma_wait3A_227 = tpu.memref_slice %arg10[%add3A_118, %dma_wait3A_226] : memref<10112x32xf32, #tpu.memory_space<vmem_shared>> -> memref<158x32xf32, #tpu.memory_space<vmem_shared>>
      %dma_wait3A_228 = arith.constant 0 : i32
      %dma_wait3A_229 = arith.constant 0 : i32
      %dma_wait3A_230 = tpu.memref_slice %arg9[%dma_wait3A_228, %dma_wait3A_229] : memref<632x32xf32, #tpu.memory_space<vmem>> -> memref<158x32xf32, #tpu.memory_space<vmem>>
      tpu.wait_dma2 semaphore(%run_scoped3A_210 : memref<!tpu.dma_semaphore, #tpu.memory_space<semaphore_mem>>) src(%dma_wait3A_230 : memref<158x32xf32, #tpu.memory_space<vmem>>) dst(%dma_wait3A_227 : memref<158x32xf32, #tpu.memory_space<vmem_shared>>)
      tpu.yield
    }) : () -> ()
    %mul3A_119 = arith.constant 632 : i32
    %mul3A_120 = arith.muli %arg1, %mul3A_119 : i32
    %add3A_121 = arith.constant 316 : i32
    %add3A_122 = arith.addi %mul3A_120, %add3A_121 : i32
    "tpu.region"() ({
      %run_scoped3A_210 = tpu.sem_alloc : memref<!tpu.dma_semaphore, #tpu.memory_space<semaphore_mem>>
      %dma_start3A_211 = arith.constant 0 : i32
      %dma_start3A_212 = arith.constant 0 : i32
      %dma_start3A_213 = tpu.memref_slice %arg9[%dma_start3A_211, %dma_start3A_212] : memref<632x32xf32, #tpu.memory_space<vmem>> -> memref<158x32xf32, #tpu.memory_space<vmem>>
      %dma_start3A_214 = arith.constant 0 : i32
      %dma_start3A_215 = tpu.memref_slice %arg10[%add3A_122, %dma_start3A_214] : memref<10112x32xf32, #tpu.memory_space<vmem_shared>> -> memref<158x32xf32, #tpu.memory_space<vmem_shared>>
      %dma_start3A_216 = arith.constant 0 : i32
      %dma_start3A_217 = tpu.memref_slice %arg10[%add3A_122, %dma_start3A_216] : memref<10112x32xf32, #tpu.memory_space<vmem_shared>> -> memref<158x32xf32, #tpu.memory_space<vmem_shared>>
      %dma_start3A_218 = arith.constant 0 : i32
      %dma_start3A_219 = arith.constant 0 : i32
      %dma_start3A_220 = tpu.memref_slice %arg9[%dma_start3A_218, %dma_start3A_219] : memref<632x32xf32, #tpu.memory_space<vmem>> -> memref<158x32xf32, #tpu.memory_space<vmem>>
      tpu.enqueue_dma source(%dma_start3A_220 : memref<158x32xf32, #tpu.memory_space<vmem>>) target(%dma_start3A_217 : memref<158x32xf32, #tpu.memory_space<vmem_shared>>) target_semaphore(%run_scoped3A_210 : memref<!tpu.dma_semaphore, #tpu.memory_space<semaphore_mem>>)
      %dma_wait3A_221 = arith.constant 0 : i32
      %dma_wait3A_222 = arith.constant 0 : i32
      %dma_wait3A_223 = tpu.memref_slice %arg9[%dma_wait3A_221, %dma_wait3A_222] : memref<632x32xf32, #tpu.memory_space<vmem>> -> memref<158x32xf32, #tpu.memory_space<vmem>>
      %dma_wait3A_224 = arith.constant 0 : i32
      %dma_wait3A_225 = tpu.memref_slice %arg10[%add3A_122, %dma_wait3A_224] : memref<10112x32xf32, #tpu.memory_space<vmem_shared>> -> memref<158x32xf32, #tpu.memory_space<vmem_shared>>
      %dma_wait3A_226 = arith.constant 0 : i32
      %dma_wait3A_227 = tpu.memref_slice %arg10[%add3A_122, %dma_wait3A_226] : memref<10112x32xf32, #tpu.memory_space<vmem_shared>> -> memref<158x32xf32, #tpu.memory_space<vmem_shared>>
      %dma_wait3A_228 = arith.constant 0 : i32
      %dma_wait3A_229 = arith.constant 0 : i32
      %dma_wait3A_230 = tpu.memref_slice %arg9[%dma_wait3A_228, %dma_wait3A_229] : memref<632x32xf32, #tpu.memory_space<vmem>> -> memref<158x32xf32, #tpu.memory_space<vmem>>
      tpu.wait_dma2 semaphore(%run_scoped3A_210 : memref<!tpu.dma_semaphore, #tpu.memory_space<semaphore_mem>>) src(%dma_wait3A_230 : memref<158x32xf32, #tpu.memory_space<vmem>>) dst(%dma_wait3A_227 : memref<158x32xf32, #tpu.memory_space<vmem_shared>>)
      tpu.yield
    }) : () -> ()
    %mul3A_123 = arith.constant 632 : i32
    %mul3A_124 = arith.muli %arg1, %mul3A_123 : i32
    %add3A_125 = arith.constant 474 : i32
    %add3A_126 = arith.addi %mul3A_124, %add3A_125 : i32
    "tpu.region"() ({
      %run_scoped3A_210 = tpu.sem_alloc : memref<!tpu.dma_semaphore, #tpu.memory_space<semaphore_mem>>
      %dma_start3A_211 = arith.constant 0 : i32
      %dma_start3A_212 = arith.constant 0 : i32
      %dma_start3A_213 = tpu.memref_slice %arg9[%dma_start3A_211, %dma_start3A_212] : memref<632x32xf32, #tpu.memory_space<vmem>> -> memref<158x32xf32, #tpu.memory_space<vmem>>
      %dma_start3A_214 = arith.constant 0 : i32
      %dma_start3A_215 = tpu.memref_slice %arg10[%add3A_126, %dma_start3A_214] : memref<10112x32xf32, #tpu.memory_space<vmem_shared>> -> memref<158x32xf32, #tpu.memory_space<vmem_shared>>
      %dma_start3A_216 = arith.constant 0 : i32
      %dma_start3A_217 = tpu.memref_slice %arg10[%add3A_126, %dma_start3A_216] : memref<10112x32xf32, #tpu.memory_space<vmem_shared>> -> memref<158x32xf32, #tpu.memory_space<vmem_shared>>
      %dma_start3A_218 = arith.constant 0 : i32
      %dma_start3A_219 = arith.constant 0 : i32
      %dma_start3A_220 = tpu.memref_slice %arg9[%dma_start3A_218, %dma_start3A_219] : memref<632x32xf32, #tpu.memory_space<vmem>> -> memref<158x32xf32, #tpu.memory_space<vmem>>
      tpu.enqueue_dma source(%dma_start3A_220 : memref<158x32xf32, #tpu.memory_space<vmem>>) target(%dma_start3A_217 : memref<158x32xf32, #tpu.memory_space<vmem_shared>>) target_semaphore(%run_scoped3A_210 : memref<!tpu.dma_semaphore, #tpu.memory_space<semaphore_mem>>)
      %dma_wait3A_221 = arith.constant 0 : i32
      %dma_wait3A_222 = arith.constant 0 : i32
      %dma_wait3A_223 = tpu.memref_slice %arg9[%dma_wait3A_221, %dma_wait3A_222] : memref<632x32xf32, #tpu.memory_space<vmem>> -> memref<158x32xf32, #tpu.memory_space<vmem>>
      %dma_wait3A_224 = arith.constant 0 : i32
      %dma_wait3A_225 = tpu.memref_slice %arg10[%add3A_126, %dma_wait3A_224] : memref<10112x32xf32, #tpu.memory_space<vmem_shared>> -> memref<158x32xf32, #tpu.memory_space<vmem_shared>>
      %dma_wait3A_226 = arith.constant 0 : i32
      %dma_wait3A_227 = tpu.memref_slice %arg10[%add3A_126, %dma_wait3A_226] : memref<10112x32xf32, #tpu.memory_space<vmem_shared>> -> memref<158x32xf32, #tpu.memory_space<vmem_shared>>
      %dma_wait3A_228 = arith.constant 0 : i32
      %dma_wait3A_229 = arith.constant 0 : i32
      %dma_wait3A_230 = tpu.memref_slice %arg9[%dma_wait3A_228, %dma_wait3A_229] : memref<632x32xf32, #tpu.memory_space<vmem>> -> memref<158x32xf32, #tpu.memory_space<vmem>>
      tpu.wait_dma2 semaphore(%run_scoped3A_210 : memref<!tpu.dma_semaphore, #tpu.memory_space<semaphore_mem>>) src(%dma_wait3A_230 : memref<158x32xf32, #tpu.memory_space<vmem>>) dst(%dma_wait3A_227 : memref<158x32xf32, #tpu.memory_space<vmem_shared>>)
      tpu.yield
    }) : () -> ()
    %run_scoped3A = arith.constant 0 : i32
    "tpu.region"() ({
      %run_scoped3A_210 = tpu.sem_alloc : memref<!tpu.dma_semaphore, #tpu.memory_space<semaphore_mem>>
      %dma_start3A_211 = tpu.memref_slice %arg3[%run_scoped3A, %mul3A_2] : memref<2x320000xi32, #tpu.memory_space<hbm>> -> memref<1x10000xi32, #tpu.memory_space<hbm>>
      %dma_start3A_212 = tpu.memref_squeeze %dma_start3A_211 : memref<1x10000xi32, #tpu.memory_space<hbm>> -> memref<10000xi32, #tpu.memory_space<hbm>>
      %dma_start3A_213 = tpu.memref_slice %arg3[%run_scoped3A, %mul3A_2] : memref<2x320000xi32, #tpu.memory_space<hbm>> -> memref<1x10000xi32, #tpu.memory_space<hbm>>
      %dma_start3A_214 = tpu.memref_squeeze %dma_start3A_213 : memref<1x10000xi32, #tpu.memory_space<hbm>> -> memref<10000xi32, #tpu.memory_space<hbm>>
      tpu.enqueue_dma source(%dma_start3A_214 : memref<10000xi32, #tpu.memory_space<hbm>>) target(%arg5 : memref<10000xi32, #tpu.memory_space<vmem>>) target_semaphore(%run_scoped3A_210 : memref<!tpu.dma_semaphore, #tpu.memory_space<semaphore_mem>>)
      %dma_wait3A_215 = tpu.memref_slice %arg3[%run_scoped3A, %mul3A_2] : memref<2x320000xi32, #tpu.memory_space<hbm>> -> memref<1x10000xi32, #tpu.memory_space<hbm>>
      %dma_wait3A_216 = tpu.memref_squeeze %dma_wait3A_215 : memref<1x10000xi32, #tpu.memory_space<hbm>> -> memref<10000xi32, #tpu.memory_space<hbm>>
      %dma_wait3A_217 = tpu.memref_slice %arg3[%run_scoped3A, %mul3A_2] : memref<2x320000xi32, #tpu.memory_space<hbm>> -> memref<1x10000xi32, #tpu.memory_space<hbm>>
      %dma_wait3A_218 = tpu.memref_squeeze %dma_wait3A_217 : memref<1x10000xi32, #tpu.memory_space<hbm>> -> memref<10000xi32, #tpu.memory_space<hbm>>
      tpu.wait_dma2 semaphore(%run_scoped3A_210 : memref<!tpu.dma_semaphore, #tpu.memory_space<semaphore_mem>>) src(%dma_wait3A_218 : memref<10000xi32, #tpu.memory_space<hbm>>) dst(%arg5 : memref<10000xi32, #tpu.memory_space<vmem>>)
      tpu.yield
    }) : () -> ()
    %run_scoped3A_127 = arith.constant 1 : i32
    "tpu.region"() ({
      %run_scoped3A_210 = tpu.sem_alloc : memref<!tpu.dma_semaphore, #tpu.memory_space<semaphore_mem>>
      %dma_start3A_211 = tpu.memref_slice %arg3[%run_scoped3A_127, %mul3A_2] : memref<2x320000xi32, #tpu.memory_space<hbm>> -> memref<1x10000xi32, #tpu.memory_space<hbm>>
      %dma_start3A_212 = tpu.memref_squeeze %dma_start3A_211 : memref<1x10000xi32, #tpu.memory_space<hbm>> -> memref<10000xi32, #tpu.memory_space<hbm>>
      %dma_start3A_213 = tpu.memref_slice %arg3[%run_scoped3A_127, %mul3A_2] : memref<2x320000xi32, #tpu.memory_space<hbm>> -> memref<1x10000xi32, #tpu.memory_space<hbm>>
      %dma_start3A_214 = tpu.memref_squeeze %dma_start3A_213 : memref<1x10000xi32, #tpu.memory_space<hbm>> -> memref<10000xi32, #tpu.memory_space<hbm>>
      tpu.enqueue_dma source(%dma_start3A_214 : memref<10000xi32, #tpu.memory_space<hbm>>) target(%arg6 : memref<10000xi32, #tpu.memory_space<vmem>>) target_semaphore(%run_scoped3A_210 : memref<!tpu.dma_semaphore, #tpu.memory_space<semaphore_mem>>)
      %dma_wait3A_215 = tpu.memref_slice %arg3[%run_scoped3A_127, %mul3A_2] : memref<2x320000xi32, #tpu.memory_space<hbm>> -> memref<1x10000xi32, #tpu.memory_space<hbm>>
      %dma_wait3A_216 = tpu.memref_squeeze %dma_wait3A_215 : memref<1x10000xi32, #tpu.memory_space<hbm>> -> memref<10000xi32, #tpu.memory_space<hbm>>
      %dma_wait3A_217 = tpu.memref_slice %arg3[%run_scoped3A_127, %mul3A_2] : memref<2x320000xi32, #tpu.memory_space<hbm>> -> memref<1x10000xi32, #tpu.memory_space<hbm>>
      %dma_wait3A_218 = tpu.memref_squeeze %dma_wait3A_217 : memref<1x10000xi32, #tpu.memory_space<hbm>> -> memref<10000xi32, #tpu.memory_space<hbm>>
      tpu.wait_dma2 semaphore(%run_scoped3A_210 : memref<!tpu.dma_semaphore, #tpu.memory_space<semaphore_mem>>) src(%dma_wait3A_218 : memref<10000xi32, #tpu.memory_space<hbm>>) dst(%arg6 : memref<10000xi32, #tpu.memory_space<vmem>>)
      tpu.yield
    }) : () -> ()
    %barrier3A = arith.constant 0 : index
    tpu.barrier barrier_id(%barrier3A)
    %scan3A_128 = arith.constant 0 : i32
    %scan3A_129 = arith.constant 0 : i32
    %scan3A_130 = arith.constant 13 : i32
    %scan3A_131 = arith.addi %scan3A_129, %scan3A_130 : i32
    %scan3A_132 = arith.constant 1 : i32
    %scan3A_133 = scf.for %scan3A_210 = %scan3A_129 to %scan3A_131 step %scan3A_132 iter_args(%scan3A_211 = %scan3A_128) -> (i32)  : i32 {
      %mul3A_212 = arith.constant 6 : i32
      %mul3A_213 = arith.muli %scan3A_210, %mul3A_212 : i32
      %gt3A = arith.constant 0 : i32
      %gt3A_214 = arith.cmpi sgt, %scan3A_210, %gt3A : i32
      %convert_element_type3A = arith.extui %gt3A_214 : i1 to i32
      %cond3A = arith.constant 0 : i32
      %cond3A_215 = arith.cmpi ne, %convert_element_type3A, %cond3A : i32
      scf.if %cond3A_215 {
        %add3A_452 = arith.constant 0 : i32
        %add3A_453 = arith.addi %mul3A_213, %add3A_452 : i32
        %mul3A_454 = arith.constant 128 : i32
        %mul3A_455 = arith.muli %add3A_453, %mul3A_454 : i32
        %dma_wait3A_456 = arith.constant 0 : i32
        %dma_wait3A_457 = arith.constant 0 : i32
        %dma_wait3A_458 = arith.constant 0 : i32
        %dma_wait3A_459 = tpu.memref_slice %arg7[%dma_wait3A_456, %dma_wait3A_457, %dma_wait3A_458] : memref<6x128x32xf32, #tpu.memory_space<vmem>> -> memref<1x128x32xf32, #tpu.memory_space<vmem>>
        %dma_wait3A_460 = tpu.memref_squeeze %dma_wait3A_459 : memref<1x128x32xf32, #tpu.memory_space<vmem>> -> memref<128x32xf32, #tpu.memory_space<vmem>>
        %dma_wait3A_461 = tpu.memref_slice %arg6[%mul3A_455] : memref<10000xi32, #tpu.memory_space<vmem>> -> memref<128xi32, #tpu.memory_space<vmem>>
        %dma_wait3A_462 = arith.constant 0 : i32
        %dma_wait3A_463 = arith.constant 0 : i32
        %dma_wait3A_464 = tpu.memref_slice %arg10[%dma_wait3A_462, %dma_wait3A_463] : memref<10112x32xf32, #tpu.memory_space<vmem_shared>> -> memref<10112x32xf32, #tpu.memory_space<vmem_shared>>
        tpu.wait_indirect_dma semaphore(%arg13 : memref<!tpu.dma_semaphore, #tpu.memory_space<semaphore_mem>>) src(%dma_wait3A_460 : memref<128x32xf32, #tpu.memory_space<vmem>>) dst(%dma_wait3A_464 : memref<10112x32xf32, #tpu.memory_space<vmem_shared>>)
      } else {
      }
      %add3A_216 = arith.constant 0 : i32
      %add3A_217 = arith.addi %mul3A_213, %add3A_216 : i32
      %mul3A_218 = arith.constant 128 : i32
      %mul3A_219 = arith.muli %add3A_217, %mul3A_218 : i32
      %dma_start3A_220 = arith.constant 0 : i32
      %dma_start3A_221 = arith.constant 0 : i32
      %dma_start3A_222 = arith.constant 0 : i32
      %dma_start3A_223 = tpu.memref_slice %arg7[%dma_start3A_220, %dma_start3A_221, %dma_start3A_222] : memref<6x128x32xf32, #tpu.memory_space<vmem>> -> memref<1x128x32xf32, #tpu.memory_space<vmem>>
      %dma_start3A_224 = tpu.memref_squeeze %dma_start3A_223 : memref<1x128x32xf32, #tpu.memory_space<vmem>> -> memref<128x32xf32, #tpu.memory_space<vmem>>
      %dma_start3A_225 = tpu.memref_slice %arg5[%mul3A_219] : memref<10000xi32, #tpu.memory_space<vmem>> -> memref<128xi32, #tpu.memory_space<vmem>>
      %dma_start3A_226 = arith.constant 0 : i32
      %dma_start3A_227 = arith.constant 0 : i32
      %dma_start3A_228 = tpu.memref_slice %arg11[%dma_start3A_226, %dma_start3A_227] : memref<10112x32xf32, #tpu.memory_space<vmem_shared>> -> memref<10112x32xf32, #tpu.memory_space<vmem_shared>>
      tpu.enqueue_indirect_dma source(%dma_start3A_228 : memref<10112x32xf32, #tpu.memory_space<vmem_shared>>) target(%dma_start3A_224 : memref<128x32xf32, #tpu.memory_space<vmem>>) offsets(%dma_start3A_225 : memref<128xi32, #tpu.memory_space<vmem>>) semaphore(%arg12 : memref<!tpu.dma_semaphore, #tpu.memory_space<semaphore_mem>>)
      %gt3A_229 = arith.constant 0 : i32
      %gt3A_230 = arith.cmpi sgt, %scan3A_210, %gt3A_229 : i32
      %convert_element_type3A_231 = arith.extui %gt3A_230 : i1 to i32
      %cond3A_232 = arith.constant 0 : i32
      %cond3A_233 = arith.cmpi ne, %convert_element_type3A_231, %cond3A_232 : i32
      scf.if %cond3A_233 {
        %add3A_452 = arith.constant 1 : i32
        %add3A_453 = arith.addi %mul3A_213, %add3A_452 : i32
        %mul3A_454 = arith.constant 128 : i32
        %mul3A_455 = arith.muli %add3A_453, %mul3A_454 : i32
        %dma_wait3A_456 = arith.constant 1 : i32
        %dma_wait3A_457 = arith.constant 0 : i32
        %dma_wait3A_458 = arith.constant 0 : i32
        %dma_wait3A_459 = tpu.memref_slice %arg7[%dma_wait3A_456, %dma_wait3A_457, %dma_wait3A_458] : memref<6x128x32xf32, #tpu.memory_space<vmem>> -> memref<1x128x32xf32, #tpu.memory_space<vmem>>
        %dma_wait3A_460 = tpu.memref_squeeze %dma_wait3A_459 : memref<1x128x32xf32, #tpu.memory_space<vmem>> -> memref<128x32xf32, #tpu.memory_space<vmem>>
        %dma_wait3A_461 = tpu.memref_slice %arg6[%mul3A_455] : memref<10000xi32, #tpu.memory_space<vmem>> -> memref<128xi32, #tpu.memory_space<vmem>>
        %dma_wait3A_462 = arith.constant 0 : i32
        %dma_wait3A_463 = arith.constant 0 : i32
        %dma_wait3A_464 = tpu.memref_slice %arg10[%dma_wait3A_462, %dma_wait3A_463] : memref<10112x32xf32, #tpu.memory_space<vmem_shared>> -> memref<10112x32xf32, #tpu.memory_space<vmem_shared>>
        tpu.wait_indirect_dma semaphore(%arg13 : memref<!tpu.dma_semaphore, #tpu.memory_space<semaphore_mem>>) src(%dma_wait3A_460 : memref<128x32xf32, #tpu.memory_space<vmem>>) dst(%dma_wait3A_464 : memref<10112x32xf32, #tpu.memory_space<vmem_shared>>)
      } else {
      }
      %add3A_234 = arith.constant 1 : i32
      %add3A_235 = arith.addi %mul3A_213, %add3A_234 : i32
      %mul3A_236 = arith.constant 128 : i32
      %mul3A_237 = arith.muli %add3A_235, %mul3A_236 : i32
      %dma_start3A_238 = arith.constant 1 : i32
      %dma_start3A_239 = arith.constant 0 : i32
      %dma_start3A_240 = arith.constant 0 : i32
      %dma_start3A_241 = tpu.memref_slice %arg7[%dma_start3A_238, %dma_start3A_239, %dma_start3A_240] : memref<6x128x32xf32, #tpu.memory_space<vmem>> -> memref<1x128x32xf32, #tpu.memory_space<vmem>>
      %dma_start3A_242 = tpu.memref_squeeze %dma_start3A_241 : memref<1x128x32xf32, #tpu.memory_space<vmem>> -> memref<128x32xf32, #tpu.memory_space<vmem>>
      %dma_start3A_243 = tpu.memref_slice %arg5[%mul3A_237] : memref<10000xi32, #tpu.memory_space<vmem>> -> memref<128xi32, #tpu.memory_space<vmem>>
      %dma_start3A_244 = arith.constant 0 : i32
      %dma_start3A_245 = arith.constant 0 : i32
      %dma_start3A_246 = tpu.memref_slice %arg11[%dma_start3A_244, %dma_start3A_245] : memref<10112x32xf32, #tpu.memory_space<vmem_shared>> -> memref<10112x32xf32, #tpu.memory_space<vmem_shared>>
      tpu.enqueue_indirect_dma source(%dma_start3A_246 : memref<10112x32xf32, #tpu.memory_space<vmem_shared>>) target(%dma_start3A_242 : memref<128x32xf32, #tpu.memory_space<vmem>>) offsets(%dma_start3A_243 : memref<128xi32, #tpu.memory_space<vmem>>) semaphore(%arg12 : memref<!tpu.dma_semaphore, #tpu.memory_space<semaphore_mem>>)
      %gt3A_247 = arith.constant 0 : i32
      %gt3A_248 = arith.cmpi sgt, %scan3A_210, %gt3A_247 : i32
      %convert_element_type3A_249 = arith.extui %gt3A_248 : i1 to i32
      %cond3A_250 = arith.constant 0 : i32
      %cond3A_251 = arith.cmpi ne, %convert_element_type3A_249, %cond3A_250 : i32
      scf.if %cond3A_251 {
        %add3A_452 = arith.constant 2 : i32
        %add3A_453 = arith.addi %mul3A_213, %add3A_452 : i32
        %mul3A_454 = arith.constant 128 : i32
        %mul3A_455 = arith.muli %add3A_453, %mul3A_454 : i32
        %dma_wait3A_456 = arith.constant 2 : i32
        %dma_wait3A_457 = arith.constant 0 : i32
        %dma_wait3A_458 = arith.constant 0 : i32
        %dma_wait3A_459 = tpu.memref_slice %arg7[%dma_wait3A_456, %dma_wait3A_457, %dma_wait3A_458] : memref<6x128x32xf32, #tpu.memory_space<vmem>> -> memref<1x128x32xf32, #tpu.memory_space<vmem>>
        %dma_wait3A_460 = tpu.memref_squeeze %dma_wait3A_459 : memref<1x128x32xf32, #tpu.memory_space<vmem>> -> memref<128x32xf32, #tpu.memory_space<vmem>>
        %dma_wait3A_461 = tpu.memref_slice %arg6[%mul3A_455] : memref<10000xi32, #tpu.memory_space<vmem>> -> memref<128xi32, #tpu.memory_space<vmem>>
        %dma_wait3A_462 = arith.constant 0 : i32
        %dma_wait3A_463 = arith.constant 0 : i32
        %dma_wait3A_464 = tpu.memref_slice %arg10[%dma_wait3A_462, %dma_wait3A_463] : memref<10112x32xf32, #tpu.memory_space<vmem_shared>> -> memref<10112x32xf32, #tpu.memory_space<vmem_shared>>
        tpu.wait_indirect_dma semaphore(%arg13 : memref<!tpu.dma_semaphore, #tpu.memory_space<semaphore_mem>>) src(%dma_wait3A_460 : memref<128x32xf32, #tpu.memory_space<vmem>>) dst(%dma_wait3A_464 : memref<10112x32xf32, #tpu.memory_space<vmem_shared>>)
      } else {
      }
      %add3A_252 = arith.constant 2 : i32
      %add3A_253 = arith.addi %mul3A_213, %add3A_252 : i32
      %mul3A_254 = arith.constant 128 : i32
      %mul3A_255 = arith.muli %add3A_253, %mul3A_254 : i32
      %dma_start3A_256 = arith.constant 2 : i32
      %dma_start3A_257 = arith.constant 0 : i32
      %dma_start3A_258 = arith.constant 0 : i32
      %dma_start3A_259 = tpu.memref_slice %arg7[%dma_start3A_256, %dma_start3A_257, %dma_start3A_258] : memref<6x128x32xf32, #tpu.memory_space<vmem>> -> memref<1x128x32xf32, #tpu.memory_space<vmem>>
      %dma_start3A_260 = tpu.memref_squeeze %dma_start3A_259 : memref<1x128x32xf32, #tpu.memory_space<vmem>> -> memref<128x32xf32, #tpu.memory_space<vmem>>
      %dma_start3A_261 = tpu.memref_slice %arg5[%mul3A_255] : memref<10000xi32, #tpu.memory_space<vmem>> -> memref<128xi32, #tpu.memory_space<vmem>>
      %dma_start3A_262 = arith.constant 0 : i32
      %dma_start3A_263 = arith.constant 0 : i32
      %dma_start3A_264 = tpu.memref_slice %arg11[%dma_start3A_262, %dma_start3A_263] : memref<10112x32xf32, #tpu.memory_space<vmem_shared>> -> memref<10112x32xf32, #tpu.memory_space<vmem_shared>>
      tpu.enqueue_indirect_dma source(%dma_start3A_264 : memref<10112x32xf32, #tpu.memory_space<vmem_shared>>) target(%dma_start3A_260 : memref<128x32xf32, #tpu.memory_space<vmem>>) offsets(%dma_start3A_261 : memref<128xi32, #tpu.memory_space<vmem>>) semaphore(%arg12 : memref<!tpu.dma_semaphore, #tpu.memory_space<semaphore_mem>>)
      %gt3A_265 = arith.constant 0 : i32
      %gt3A_266 = arith.cmpi sgt, %scan3A_210, %gt3A_265 : i32
      %convert_element_type3A_267 = arith.extui %gt3A_266 : i1 to i32
      %cond3A_268 = arith.constant 0 : i32
      %cond3A_269 = arith.cmpi ne, %convert_element_type3A_267, %cond3A_268 : i32
      scf.if %cond3A_269 {
        %add3A_452 = arith.constant 3 : i32
        %add3A_453 = arith.addi %mul3A_213, %add3A_452 : i32
        %mul3A_454 = arith.constant 128 : i32
        %mul3A_455 = arith.muli %add3A_453, %mul3A_454 : i32
        %dma_wait3A_456 = arith.constant 3 : i32
        %dma_wait3A_457 = arith.constant 0 : i32
        %dma_wait3A_458 = arith.constant 0 : i32
        %dma_wait3A_459 = tpu.memref_slice %arg7[%dma_wait3A_456, %dma_wait3A_457, %dma_wait3A_458] : memref<6x128x32xf32, #tpu.memory_space<vmem>> -> memref<1x128x32xf32, #tpu.memory_space<vmem>>
        %dma_wait3A_460 = tpu.memref_squeeze %dma_wait3A_459 : memref<1x128x32xf32, #tpu.memory_space<vmem>> -> memref<128x32xf32, #tpu.memory_space<vmem>>
        %dma_wait3A_461 = tpu.memref_slice %arg6[%mul3A_455] : memref<10000xi32, #tpu.memory_space<vmem>> -> memref<128xi32, #tpu.memory_space<vmem>>
        %dma_wait3A_462 = arith.constant 0 : i32
        %dma_wait3A_463 = arith.constant 0 : i32
        %dma_wait3A_464 = tpu.memref_slice %arg10[%dma_wait3A_462, %dma_wait3A_463] : memref<10112x32xf32, #tpu.memory_space<vmem_shared>> -> memref<10112x32xf32, #tpu.memory_space<vmem_shared>>
        tpu.wait_indirect_dma semaphore(%arg13 : memref<!tpu.dma_semaphore, #tpu.memory_space<semaphore_mem>>) src(%dma_wait3A_460 : memref<128x32xf32, #tpu.memory_space<vmem>>) dst(%dma_wait3A_464 : memref<10112x32xf32, #tpu.memory_space<vmem_shared>>)
      } else {
      }
      %add3A_270 = arith.constant 3 : i32
      %add3A_271 = arith.addi %mul3A_213, %add3A_270 : i32
      %mul3A_272 = arith.constant 128 : i32
      %mul3A_273 = arith.muli %add3A_271, %mul3A_272 : i32
      %dma_start3A_274 = arith.constant 3 : i32
      %dma_start3A_275 = arith.constant 0 : i32
      %dma_start3A_276 = arith.constant 0 : i32
      %dma_start3A_277 = tpu.memref_slice %arg7[%dma_start3A_274, %dma_start3A_275, %dma_start3A_276] : memref<6x128x32xf32, #tpu.memory_space<vmem>> -> memref<1x128x32xf32, #tpu.memory_space<vmem>>
      %dma_start3A_278 = tpu.memref_squeeze %dma_start3A_277 : memref<1x128x32xf32, #tpu.memory_space<vmem>> -> memref<128x32xf32, #tpu.memory_space<vmem>>
      %dma_start3A_279 = tpu.memref_slice %arg5[%mul3A_273] : memref<10000xi32, #tpu.memory_space<vmem>> -> memref<128xi32, #tpu.memory_space<vmem>>
      %dma_start3A_280 = arith.constant 0 : i32
      %dma_start3A_281 = arith.constant 0 : i32
      %dma_start3A_282 = tpu.memref_slice %arg11[%dma_start3A_280, %dma_start3A_281] : memref<10112x32xf32, #tpu.memory_space<vmem_shared>> -> memref<10112x32xf32, #tpu.memory_space<vmem_shared>>
      tpu.enqueue_indirect_dma source(%dma_start3A_282 : memref<10112x32xf32, #tpu.memory_space<vmem_shared>>) target(%dma_start3A_278 : memref<128x32xf32, #tpu.memory_space<vmem>>) offsets(%dma_start3A_279 : memref<128xi32, #tpu.memory_space<vmem>>) semaphore(%arg12 : memref<!tpu.dma_semaphore, #tpu.memory_space<semaphore_mem>>)
      %gt3A_283 = arith.constant 0 : i32
      %gt3A_284 = arith.cmpi sgt, %scan3A_210, %gt3A_283 : i32
      %convert_element_type3A_285 = arith.extui %gt3A_284 : i1 to i32
      %cond3A_286 = arith.constant 0 : i32
      %cond3A_287 = arith.cmpi ne, %convert_element_type3A_285, %cond3A_286 : i32
      scf.if %cond3A_287 {
        %add3A_452 = arith.constant 4 : i32
        %add3A_453 = arith.addi %mul3A_213, %add3A_452 : i32
        %mul3A_454 = arith.constant 128 : i32
        %mul3A_455 = arith.muli %add3A_453, %mul3A_454 : i32
        %dma_wait3A_456 = arith.constant 4 : i32
        %dma_wait3A_457 = arith.constant 0 : i32
        %dma_wait3A_458 = arith.constant 0 : i32
        %dma_wait3A_459 = tpu.memref_slice %arg7[%dma_wait3A_456, %dma_wait3A_457, %dma_wait3A_458] : memref<6x128x32xf32, #tpu.memory_space<vmem>> -> memref<1x128x32xf32, #tpu.memory_space<vmem>>
        %dma_wait3A_460 = tpu.memref_squeeze %dma_wait3A_459 : memref<1x128x32xf32, #tpu.memory_space<vmem>> -> memref<128x32xf32, #tpu.memory_space<vmem>>
        %dma_wait3A_461 = tpu.memref_slice %arg6[%mul3A_455] : memref<10000xi32, #tpu.memory_space<vmem>> -> memref<128xi32, #tpu.memory_space<vmem>>
        %dma_wait3A_462 = arith.constant 0 : i32
        %dma_wait3A_463 = arith.constant 0 : i32
        %dma_wait3A_464 = tpu.memref_slice %arg10[%dma_wait3A_462, %dma_wait3A_463] : memref<10112x32xf32, #tpu.memory_space<vmem_shared>> -> memref<10112x32xf32, #tpu.memory_space<vmem_shared>>
        tpu.wait_indirect_dma semaphore(%arg13 : memref<!tpu.dma_semaphore, #tpu.memory_space<semaphore_mem>>) src(%dma_wait3A_460 : memref<128x32xf32, #tpu.memory_space<vmem>>) dst(%dma_wait3A_464 : memref<10112x32xf32, #tpu.memory_space<vmem_shared>>)
      } else {
      }
      %add3A_288 = arith.constant 4 : i32
      %add3A_289 = arith.addi %mul3A_213, %add3A_288 : i32
      %mul3A_290 = arith.constant 128 : i32
      %mul3A_291 = arith.muli %add3A_289, %mul3A_290 : i32
      %dma_start3A_292 = arith.constant 4 : i32
      %dma_start3A_293 = arith.constant 0 : i32
      %dma_start3A_294 = arith.constant 0 : i32
      %dma_start3A_295 = tpu.memref_slice %arg7[%dma_start3A_292, %dma_start3A_293, %dma_start3A_294] : memref<6x128x32xf32, #tpu.memory_space<vmem>> -> memref<1x128x32xf32, #tpu.memory_space<vmem>>
      %dma_start3A_296 = tpu.memref_squeeze %dma_start3A_295 : memref<1x128x32xf32, #tpu.memory_space<vmem>> -> memref<128x32xf32, #tpu.memory_space<vmem>>
      %dma_start3A_297 = tpu.memref_slice %arg5[%mul3A_291] : memref<10000xi32, #tpu.memory_space<vmem>> -> memref<128xi32, #tpu.memory_space<vmem>>
      %dma_start3A_298 = arith.constant 0 : i32
      %dma_start3A_299 = arith.constant 0 : i32
      %dma_start3A_300 = tpu.memref_slice %arg11[%dma_start3A_298, %dma_start3A_299] : memref<10112x32xf32, #tpu.memory_space<vmem_shared>> -> memref<10112x32xf32, #tpu.memory_space<vmem_shared>>
      tpu.enqueue_indirect_dma source(%dma_start3A_300 : memref<10112x32xf32, #tpu.memory_space<vmem_shared>>) target(%dma_start3A_296 : memref<128x32xf32, #tpu.memory_space<vmem>>) offsets(%dma_start3A_297 : memref<128xi32, #tpu.memory_space<vmem>>) semaphore(%arg12 : memref<!tpu.dma_semaphore, #tpu.memory_space<semaphore_mem>>)
      %gt3A_301 = arith.constant 0 : i32
      %gt3A_302 = arith.cmpi sgt, %scan3A_210, %gt3A_301 : i32
      %convert_element_type3A_303 = arith.extui %gt3A_302 : i1 to i32
      %cond3A_304 = arith.constant 0 : i32
      %cond3A_305 = arith.cmpi ne, %convert_element_type3A_303, %cond3A_304 : i32
      scf.if %cond3A_305 {
        %add3A_452 = arith.constant 5 : i32
        %add3A_453 = arith.addi %mul3A_213, %add3A_452 : i32
        %mul3A_454 = arith.constant 128 : i32
        %mul3A_455 = arith.muli %add3A_453, %mul3A_454 : i32
        %dma_wait3A_456 = arith.constant 5 : i32
        %dma_wait3A_457 = arith.constant 0 : i32
        %dma_wait3A_458 = arith.constant 0 : i32
        %dma_wait3A_459 = tpu.memref_slice %arg7[%dma_wait3A_456, %dma_wait3A_457, %dma_wait3A_458] : memref<6x128x32xf32, #tpu.memory_space<vmem>> -> memref<1x128x32xf32, #tpu.memory_space<vmem>>
        %dma_wait3A_460 = tpu.memref_squeeze %dma_wait3A_459 : memref<1x128x32xf32, #tpu.memory_space<vmem>> -> memref<128x32xf32, #tpu.memory_space<vmem>>
        %dma_wait3A_461 = tpu.memref_slice %arg6[%mul3A_455] : memref<10000xi32, #tpu.memory_space<vmem>> -> memref<128xi32, #tpu.memory_space<vmem>>
        %dma_wait3A_462 = arith.constant 0 : i32
        %dma_wait3A_463 = arith.constant 0 : i32
        %dma_wait3A_464 = tpu.memref_slice %arg10[%dma_wait3A_462, %dma_wait3A_463] : memref<10112x32xf32, #tpu.memory_space<vmem_shared>> -> memref<10112x32xf32, #tpu.memory_space<vmem_shared>>
        tpu.wait_indirect_dma semaphore(%arg13 : memref<!tpu.dma_semaphore, #tpu.memory_space<semaphore_mem>>) src(%dma_wait3A_460 : memref<128x32xf32, #tpu.memory_space<vmem>>) dst(%dma_wait3A_464 : memref<10112x32xf32, #tpu.memory_space<vmem_shared>>)
      } else {
      }
      %add3A_306 = arith.constant 5 : i32
      %add3A_307 = arith.addi %mul3A_213, %add3A_306 : i32
      %mul3A_308 = arith.constant 128 : i32
      %mul3A_309 = arith.muli %add3A_307, %mul3A_308 : i32
      %dma_start3A_310 = arith.constant 5 : i32
      %dma_start3A_311 = arith.constant 0 : i32
      %dma_start3A_312 = arith.constant 0 : i32
      %dma_start3A_313 = tpu.memref_slice %arg7[%dma_start3A_310, %dma_start3A_311, %dma_start3A_312] : memref<6x128x32xf32, #tpu.memory_space<vmem>> -> memref<1x128x32xf32, #tpu.memory_space<vmem>>
      %dma_start3A_314 = tpu.memref_squeeze %dma_start3A_313 : memref<1x128x32xf32, #tpu.memory_space<vmem>> -> memref<128x32xf32, #tpu.memory_space<vmem>>
      %dma_start3A_315 = tpu.memref_slice %arg5[%mul3A_309] : memref<10000xi32, #tpu.memory_space<vmem>> -> memref<128xi32, #tpu.memory_space<vmem>>
      %dma_start3A_316 = arith.constant 0 : i32
      %dma_start3A_317 = arith.constant 0 : i32
      %dma_start3A_318 = tpu.memref_slice %arg11[%dma_start3A_316, %dma_start3A_317] : memref<10112x32xf32, #tpu.memory_space<vmem_shared>> -> memref<10112x32xf32, #tpu.memory_space<vmem_shared>>
      tpu.enqueue_indirect_dma source(%dma_start3A_318 : memref<10112x32xf32, #tpu.memory_space<vmem_shared>>) target(%dma_start3A_314 : memref<128x32xf32, #tpu.memory_space<vmem>>) offsets(%dma_start3A_315 : memref<128xi32, #tpu.memory_space<vmem>>) semaphore(%arg12 : memref<!tpu.dma_semaphore, #tpu.memory_space<semaphore_mem>>)
      %dma_wait3A_319 = arith.constant 0 : i32
      %dma_wait3A_320 = arith.constant 0 : i32
      %dma_wait3A_321 = arith.constant 0 : i32
      %dma_wait3A_322 = tpu.memref_slice %arg7[%dma_wait3A_319, %dma_wait3A_320, %dma_wait3A_321] : memref<6x128x32xf32, #tpu.memory_space<vmem>> -> memref<1x128x32xf32, #tpu.memory_space<vmem>>
      %dma_wait3A_323 = tpu.memref_squeeze %dma_wait3A_322 : memref<1x128x32xf32, #tpu.memory_space<vmem>> -> memref<128x32xf32, #tpu.memory_space<vmem>>
      %dma_wait3A_324 = tpu.memref_slice %arg5[%mul3A_219] : memref<10000xi32, #tpu.memory_space<vmem>> -> memref<128xi32, #tpu.memory_space<vmem>>
      %dma_wait3A_325 = arith.constant 0 : i32
      %dma_wait3A_326 = arith.constant 0 : i32
      %dma_wait3A_327 = tpu.memref_slice %arg11[%dma_wait3A_325, %dma_wait3A_326] : memref<10112x32xf32, #tpu.memory_space<vmem_shared>> -> memref<10112x32xf32, #tpu.memory_space<vmem_shared>>
      tpu.wait_indirect_dma semaphore(%arg12 : memref<!tpu.dma_semaphore, #tpu.memory_space<semaphore_mem>>) src(%dma_wait3A_327 : memref<10112x32xf32, #tpu.memory_space<vmem_shared>>) dst(%dma_wait3A_323 : memref<128x32xf32, #tpu.memory_space<vmem>>)
      %add3A_328 = arith.constant 0 : i32
      %add3A_329 = arith.addi %mul3A_213, %add3A_328 : i32
      %mul3A_330 = arith.constant 128 : i32
      %mul3A_331 = arith.muli %add3A_329, %mul3A_330 : i32
      %dma_start3A_332 = arith.constant 0 : i32
      %dma_start3A_333 = arith.constant 0 : i32
      %dma_start3A_334 = arith.constant 0 : i32
      %dma_start3A_335 = tpu.memref_slice %arg7[%dma_start3A_332, %dma_start3A_333, %dma_start3A_334] : memref<6x128x32xf32, #tpu.memory_space<vmem>> -> memref<1x128x32xf32, #tpu.memory_space<vmem>>
      %dma_start3A_336 = tpu.memref_squeeze %dma_start3A_335 : memref<1x128x32xf32, #tpu.memory_space<vmem>> -> memref<128x32xf32, #tpu.memory_space<vmem>>
      %dma_start3A_337 = tpu.memref_slice %arg6[%mul3A_331] : memref<10000xi32, #tpu.memory_space<vmem>> -> memref<128xi32, #tpu.memory_space<vmem>>
      %dma_start3A_338 = arith.constant 0 : i32
      %dma_start3A_339 = arith.constant 0 : i32
      %dma_start3A_340 = tpu.memref_slice %arg10[%dma_start3A_338, %dma_start3A_339] : memref<10112x32xf32, #tpu.memory_space<vmem_shared>> -> memref<10112x32xf32, #tpu.memory_space<vmem_shared>>
      tpu.enqueue_indirect_dma source(%dma_start3A_336 : memref<128x32xf32, #tpu.memory_space<vmem>>) target(%dma_start3A_340 : memref<10112x32xf32, #tpu.memory_space<vmem_shared>>) offsets(%dma_start3A_337 : memref<128xi32, #tpu.memory_space<vmem>>) semaphore(%arg13 : memref<!tpu.dma_semaphore, #tpu.memory_space<semaphore_mem>>) {add = true}
      %dma_wait3A_341 = arith.constant 1 : i32
      %dma_wait3A_342 = arith.constant 0 : i32
      %dma_wait3A_343 = arith.constant 0 : i32
      %dma_wait3A_344 = tpu.memref_slice %arg7[%dma_wait3A_341, %dma_wait3A_342, %dma_wait3A_343] : memref<6x128x32xf32, #tpu.memory_space<vmem>> -> memref<1x128x32xf32, #tpu.memory_space<vmem>>
      %dma_wait3A_345 = tpu.memref_squeeze %dma_wait3A_344 : memref<1x128x32xf32, #tpu.memory_space<vmem>> -> memref<128x32xf32, #tpu.memory_space<vmem>>
      %dma_wait3A_346 = tpu.memref_slice %arg5[%mul3A_237] : memref<10000xi32, #tpu.memory_space<vmem>> -> memref<128xi32, #tpu.memory_space<vmem>>
      %dma_wait3A_347 = arith.constant 0 : i32
      %dma_wait3A_348 = arith.constant 0 : i32
      %dma_wait3A_349 = tpu.memref_slice %arg11[%dma_wait3A_347, %dma_wait3A_348] : memref<10112x32xf32, #tpu.memory_space<vmem_shared>> -> memref<10112x32xf32, #tpu.memory_space<vmem_shared>>
      tpu.wait_indirect_dma semaphore(%arg12 : memref<!tpu.dma_semaphore, #tpu.memory_space<semaphore_mem>>) src(%dma_wait3A_349 : memref<10112x32xf32, #tpu.memory_space<vmem_shared>>) dst(%dma_wait3A_345 : memref<128x32xf32, #tpu.memory_space<vmem>>)
      %add3A_350 = arith.constant 1 : i32
      %add3A_351 = arith.addi %mul3A_213, %add3A_350 : i32
      %mul3A_352 = arith.constant 128 : i32
      %mul3A_353 = arith.muli %add3A_351, %mul3A_352 : i32
      %dma_start3A_354 = arith.constant 1 : i32
      %dma_start3A_355 = arith.constant 0 : i32
      %dma_start3A_356 = arith.constant 0 : i32
      %dma_start3A_357 = tpu.memref_slice %arg7[%dma_start3A_354, %dma_start3A_355, %dma_start3A_356] : memref<6x128x32xf32, #tpu.memory_space<vmem>> -> memref<1x128x32xf32, #tpu.memory_space<vmem>>
      %dma_start3A_358 = tpu.memref_squeeze %dma_start3A_357 : memref<1x128x32xf32, #tpu.memory_space<vmem>> -> memref<128x32xf32, #tpu.memory_space<vmem>>
      %dma_start3A_359 = tpu.memref_slice %arg6[%mul3A_353] : memref<10000xi32, #tpu.memory_space<vmem>> -> memref<128xi32, #tpu.memory_space<vmem>>
      %dma_start3A_360 = arith.constant 0 : i32
      %dma_start3A_361 = arith.constant 0 : i32
      %dma_start3A_362 = tpu.memref_slice %arg10[%dma_start3A_360, %dma_start3A_361] : memref<10112x32xf32, #tpu.memory_space<vmem_shared>> -> memref<10112x32xf32, #tpu.memory_space<vmem_shared>>
      tpu.enqueue_indirect_dma source(%dma_start3A_358 : memref<128x32xf32, #tpu.memory_space<vmem>>) target(%dma_start3A_362 : memref<10112x32xf32, #tpu.memory_space<vmem_shared>>) offsets(%dma_start3A_359 : memref<128xi32, #tpu.memory_space<vmem>>) semaphore(%arg13 : memref<!tpu.dma_semaphore, #tpu.memory_space<semaphore_mem>>) {add = true}
      %dma_wait3A_363 = arith.constant 2 : i32
      %dma_wait3A_364 = arith.constant 0 : i32
      %dma_wait3A_365 = arith.constant 0 : i32
      %dma_wait3A_366 = tpu.memref_slice %arg7[%dma_wait3A_363, %dma_wait3A_364, %dma_wait3A_365] : memref<6x128x32xf32, #tpu.memory_space<vmem>> -> memref<1x128x32xf32, #tpu.memory_space<vmem>>
      %dma_wait3A_367 = tpu.memref_squeeze %dma_wait3A_366 : memref<1x128x32xf32, #tpu.memory_space<vmem>> -> memref<128x32xf32, #tpu.memory_space<vmem>>
      %dma_wait3A_368 = tpu.memref_slice %arg5[%mul3A_255] : memref<10000xi32, #tpu.memory_space<vmem>> -> memref<128xi32, #tpu.memory_space<vmem>>
      %dma_wait3A_369 = arith.constant 0 : i32
      %dma_wait3A_370 = arith.constant 0 : i32
      %dma_wait3A_371 = tpu.memref_slice %arg11[%dma_wait3A_369, %dma_wait3A_370] : memref<10112x32xf32, #tpu.memory_space<vmem_shared>> -> memref<10112x32xf32, #tpu.memory_space<vmem_shared>>
      tpu.wait_indirect_dma semaphore(%arg12 : memref<!tpu.dma_semaphore, #tpu.memory_space<semaphore_mem>>) src(%dma_wait3A_371 : memref<10112x32xf32, #tpu.memory_space<vmem_shared>>) dst(%dma_wait3A_367 : memref<128x32xf32, #tpu.memory_space<vmem>>)
      %add3A_372 = arith.constant 2 : i32
      %add3A_373 = arith.addi %mul3A_213, %add3A_372 : i32
      %mul3A_374 = arith.constant 128 : i32
      %mul3A_375 = arith.muli %add3A_373, %mul3A_374 : i32
      %dma_start3A_376 = arith.constant 2 : i32
      %dma_start3A_377 = arith.constant 0 : i32
      %dma_start3A_378 = arith.constant 0 : i32
      %dma_start3A_379 = tpu.memref_slice %arg7[%dma_start3A_376, %dma_start3A_377, %dma_start3A_378] : memref<6x128x32xf32, #tpu.memory_space<vmem>> -> memref<1x128x32xf32, #tpu.memory_space<vmem>>
      %dma_start3A_380 = tpu.memref_squeeze %dma_start3A_379 : memref<1x128x32xf32, #tpu.memory_space<vmem>> -> memref<128x32xf32, #tpu.memory_space<vmem>>
      %dma_start3A_381 = tpu.memref_slice %arg6[%mul3A_375] : memref<10000xi32, #tpu.memory_space<vmem>> -> memref<128xi32, #tpu.memory_space<vmem>>
      %dma_start3A_382 = arith.constant 0 : i32
      %dma_start3A_383 = arith.constant 0 : i32
      %dma_start3A_384 = tpu.memref_slice %arg10[%dma_start3A_382, %dma_start3A_383] : memref<10112x32xf32, #tpu.memory_space<vmem_shared>> -> memref<10112x32xf32, #tpu.memory_space<vmem_shared>>
      tpu.enqueue_indirect_dma source(%dma_start3A_380 : memref<128x32xf32, #tpu.memory_space<vmem>>) target(%dma_start3A_384 : memref<10112x32xf32, #tpu.memory_space<vmem_shared>>) offsets(%dma_start3A_381 : memref<128xi32, #tpu.memory_space<vmem>>) semaphore(%arg13 : memref<!tpu.dma_semaphore, #tpu.memory_space<semaphore_mem>>) {add = true}
      %dma_wait3A_385 = arith.constant 3 : i32
      %dma_wait3A_386 = arith.constant 0 : i32
      %dma_wait3A_387 = arith.constant 0 : i32
      %dma_wait3A_388 = tpu.memref_slice %arg7[%dma_wait3A_385, %dma_wait3A_386, %dma_wait3A_387] : memref<6x128x32xf32, #tpu.memory_space<vmem>> -> memref<1x128x32xf32, #tpu.memory_space<vmem>>
      %dma_wait3A_389 = tpu.memref_squeeze %dma_wait3A_388 : memref<1x128x32xf32, #tpu.memory_space<vmem>> -> memref<128x32xf32, #tpu.memory_space<vmem>>
      %dma_wait3A_390 = tpu.memref_slice %arg5[%mul3A_273] : memref<10000xi32, #tpu.memory_space<vmem>> -> memref<128xi32, #tpu.memory_space<vmem>>
      %dma_wait3A_391 = arith.constant 0 : i32
      %dma_wait3A_392 = arith.constant 0 : i32
      %dma_wait3A_393 = tpu.memref_slice %arg11[%dma_wait3A_391, %dma_wait3A_392] : memref<10112x32xf32, #tpu.memory_space<vmem_shared>> -> memref<10112x32xf32, #tpu.memory_space<vmem_shared>>
      tpu.wait_indirect_dma semaphore(%arg12 : memref<!tpu.dma_semaphore, #tpu.memory_space<semaphore_mem>>) src(%dma_wait3A_393 : memref<10112x32xf32, #tpu.memory_space<vmem_shared>>) dst(%dma_wait3A_389 : memref<128x32xf32, #tpu.memory_space<vmem>>)
      %add3A_394 = arith.constant 3 : i32
      %add3A_395 = arith.addi %mul3A_213, %add3A_394 : i32
      %mul3A_396 = arith.constant 128 : i32
      %mul3A_397 = arith.muli %add3A_395, %mul3A_396 : i32
      %dma_start3A_398 = arith.constant 3 : i32
      %dma_start3A_399 = arith.constant 0 : i32
      %dma_start3A_400 = arith.constant 0 : i32
      %dma_start3A_401 = tpu.memref_slice %arg7[%dma_start3A_398, %dma_start3A_399, %dma_start3A_400] : memref<6x128x32xf32, #tpu.memory_space<vmem>> -> memref<1x128x32xf32, #tpu.memory_space<vmem>>
      %dma_start3A_402 = tpu.memref_squeeze %dma_start3A_401 : memref<1x128x32xf32, #tpu.memory_space<vmem>> -> memref<128x32xf32, #tpu.memory_space<vmem>>
      %dma_start3A_403 = tpu.memref_slice %arg6[%mul3A_397] : memref<10000xi32, #tpu.memory_space<vmem>> -> memref<128xi32, #tpu.memory_space<vmem>>
      %dma_start3A_404 = arith.constant 0 : i32
      %dma_start3A_405 = arith.constant 0 : i32
      %dma_start3A_406 = tpu.memref_slice %arg10[%dma_start3A_404, %dma_start3A_405] : memref<10112x32xf32, #tpu.memory_space<vmem_shared>> -> memref<10112x32xf32, #tpu.memory_space<vmem_shared>>
      tpu.enqueue_indirect_dma source(%dma_start3A_402 : memref<128x32xf32, #tpu.memory_space<vmem>>) target(%dma_start3A_406 : memref<10112x32xf32, #tpu.memory_space<vmem_shared>>) offsets(%dma_start3A_403 : memref<128xi32, #tpu.memory_space<vmem>>) semaphore(%arg13 : memref<!tpu.dma_semaphore, #tpu.memory_space<semaphore_mem>>) {add = true}
      %dma_wait3A_407 = arith.constant 4 : i32
      %dma_wait3A_408 = arith.constant 0 : i32
      %dma_wait3A_409 = arith.constant 0 : i32
      %dma_wait3A_410 = tpu.memref_slice %arg7[%dma_wait3A_407, %dma_wait3A_408, %dma_wait3A_409] : memref<6x128x32xf32, #tpu.memory_space<vmem>> -> memref<1x128x32xf32, #tpu.memory_space<vmem>>
      %dma_wait3A_411 = tpu.memref_squeeze %dma_wait3A_410 : memref<1x128x32xf32, #tpu.memory_space<vmem>> -> memref<128x32xf32, #tpu.memory_space<vmem>>
      %dma_wait3A_412 = tpu.memref_slice %arg5[%mul3A_291] : memref<10000xi32, #tpu.memory_space<vmem>> -> memref<128xi32, #tpu.memory_space<vmem>>
      %dma_wait3A_413 = arith.constant 0 : i32
      %dma_wait3A_414 = arith.constant 0 : i32
      %dma_wait3A_415 = tpu.memref_slice %arg11[%dma_wait3A_413, %dma_wait3A_414] : memref<10112x32xf32, #tpu.memory_space<vmem_shared>> -> memref<10112x32xf32, #tpu.memory_space<vmem_shared>>
      tpu.wait_indirect_dma semaphore(%arg12 : memref<!tpu.dma_semaphore, #tpu.memory_space<semaphore_mem>>) src(%dma_wait3A_415 : memref<10112x32xf32, #tpu.memory_space<vmem_shared>>) dst(%dma_wait3A_411 : memref<128x32xf32, #tpu.memory_space<vmem>>)
      %add3A_416 = arith.constant 4 : i32
      %add3A_417 = arith.addi %mul3A_213, %add3A_416 : i32
      %mul3A_418 = arith.constant 128 : i32
      %mul3A_419 = arith.muli %add3A_417, %mul3A_418 : i32
      %dma_start3A_420 = arith.constant 4 : i32
      %dma_start3A_421 = arith.constant 0 : i32
      %dma_start3A_422 = arith.constant 0 : i32
      %dma_start3A_423 = tpu.memref_slice %arg7[%dma_start3A_420, %dma_start3A_421, %dma_start3A_422] : memref<6x128x32xf32, #tpu.memory_space<vmem>> -> memref<1x128x32xf32, #tpu.memory_space<vmem>>
      %dma_start3A_424 = tpu.memref_squeeze %dma_start3A_423 : memref<1x128x32xf32, #tpu.memory_space<vmem>> -> memref<128x32xf32, #tpu.memory_space<vmem>>
      %dma_start3A_425 = tpu.memref_slice %arg6[%mul3A_419] : memref<10000xi32, #tpu.memory_space<vmem>> -> memref<128xi32, #tpu.memory_space<vmem>>
      %dma_start3A_426 = arith.constant 0 : i32
      %dma_start3A_427 = arith.constant 0 : i32
      %dma_start3A_428 = tpu.memref_slice %arg10[%dma_start3A_426, %dma_start3A_427] : memref<10112x32xf32, #tpu.memory_space<vmem_shared>> -> memref<10112x32xf32, #tpu.memory_space<vmem_shared>>
      tpu.enqueue_indirect_dma source(%dma_start3A_424 : memref<128x32xf32, #tpu.memory_space<vmem>>) target(%dma_start3A_428 : memref<10112x32xf32, #tpu.memory_space<vmem_shared>>) offsets(%dma_start3A_425 : memref<128xi32, #tpu.memory_space<vmem>>) semaphore(%arg13 : memref<!tpu.dma_semaphore, #tpu.memory_space<semaphore_mem>>) {add = true}
      %dma_wait3A_429 = arith.constant 5 : i32
      %dma_wait3A_430 = arith.constant 0 : i32
      %dma_wait3A_431 = arith.constant 0 : i32
      %dma_wait3A_432 = tpu.memref_slice %arg7[%dma_wait3A_429, %dma_wait3A_430, %dma_wait3A_431] : memref<6x128x32xf32, #tpu.memory_space<vmem>> -> memref<1x128x32xf32, #tpu.memory_space<vmem>>
      %dma_wait3A_433 = tpu.memref_squeeze %dma_wait3A_432 : memref<1x128x32xf32, #tpu.memory_space<vmem>> -> memref<128x32xf32, #tpu.memory_space<vmem>>
      %dma_wait3A_434 = tpu.memref_slice %arg5[%mul3A_309] : memref<10000xi32, #tpu.memory_space<vmem>> -> memref<128xi32, #tpu.memory_space<vmem>>
      %dma_wait3A_435 = arith.constant 0 : i32
      %dma_wait3A_436 = arith.constant 0 : i32
      %dma_wait3A_437 = tpu.memref_slice %arg11[%dma_wait3A_435, %dma_wait3A_436] : memref<10112x32xf32, #tpu.memory_space<vmem_shared>> -> memref<10112x32xf32, #tpu.memory_space<vmem_shared>>
      tpu.wait_indirect_dma semaphore(%arg12 : memref<!tpu.dma_semaphore, #tpu.memory_space<semaphore_mem>>) src(%dma_wait3A_437 : memref<10112x32xf32, #tpu.memory_space<vmem_shared>>) dst(%dma_wait3A_433 : memref<128x32xf32, #tpu.memory_space<vmem>>)
      %add3A_438 = arith.constant 5 : i32
      %add3A_439 = arith.addi %mul3A_213, %add3A_438 : i32
      %mul3A_440 = arith.constant 128 : i32
      %mul3A_441 = arith.muli %add3A_439, %mul3A_440 : i32
      %dma_start3A_442 = arith.constant 5 : i32
      %dma_start3A_443 = arith.constant 0 : i32
      %dma_start3A_444 = arith.constant 0 : i32
      %dma_start3A_445 = tpu.memref_slice %arg7[%dma_start3A_442, %dma_start3A_443, %dma_start3A_444] : memref<6x128x32xf32, #tpu.memory_space<vmem>> -> memref<1x128x32xf32, #tpu.memory_space<vmem>>
      %dma_start3A_446 = tpu.memref_squeeze %dma_start3A_445 : memref<1x128x32xf32, #tpu.memory_space<vmem>> -> memref<128x32xf32, #tpu.memory_space<vmem>>
      %dma_start3A_447 = tpu.memref_slice %arg6[%mul3A_441] : memref<10000xi32, #tpu.memory_space<vmem>> -> memref<128xi32, #tpu.memory_space<vmem>>
      %dma_start3A_448 = arith.constant 0 : i32
      %dma_start3A_449 = arith.constant 0 : i32
      %dma_start3A_450 = tpu.memref_slice %arg10[%dma_start3A_448, %dma_start3A_449] : memref<10112x32xf32, #tpu.memory_space<vmem_shared>> -> memref<10112x32xf32, #tpu.memory_space<vmem_shared>>
      tpu.enqueue_indirect_dma source(%dma_start3A_446 : memref<128x32xf32, #tpu.memory_space<vmem>>) target(%dma_start3A_450 : memref<10112x32xf32, #tpu.memory_space<vmem_shared>>) offsets(%dma_start3A_447 : memref<128xi32, #tpu.memory_space<vmem>>) semaphore(%arg13 : memref<!tpu.dma_semaphore, #tpu.memory_space<semaphore_mem>>) {add = true}
      %scan3A_451 = arith.constant 0 : i32
      scf.yield %scan3A_451 : i32
    }
    %scan3A_134 = arith.constant 13 : i32
    %dma_start3A = arith.constant 9984 : i32
    %dma_start3A_135 = tpu.memref_slice %arg5[%dma_start3A] : memref<10000xi32, #tpu.memory_space<vmem>> -> memref<16xi32, #tpu.memory_space<vmem>>
    %dma_start3A_136 = arith.constant 0 : i32
    %dma_start3A_137 = arith.constant 0 : i32
    %dma_start3A_138 = tpu.memref_slice %arg11[%dma_start3A_136, %dma_start3A_137] : memref<10112x32xf32, #tpu.memory_space<vmem_shared>> -> memref<10112x32xf32, #tpu.memory_space<vmem_shared>>
    tpu.enqueue_indirect_dma source(%dma_start3A_138 : memref<10112x32xf32, #tpu.memory_space<vmem_shared>>) target(%arg8 : memref<16x32xf32, #tpu.memory_space<vmem>>) offsets(%dma_start3A_135 : memref<16xi32, #tpu.memory_space<vmem>>) semaphore(%arg12 : memref<!tpu.dma_semaphore, #tpu.memory_space<semaphore_mem>>)
    %dma_wait3A = arith.constant 9984 : i32
    %dma_wait3A_139 = tpu.memref_slice %arg5[%dma_wait3A] : memref<10000xi32, #tpu.memory_space<vmem>> -> memref<16xi32, #tpu.memory_space<vmem>>
    %dma_wait3A_140 = arith.constant 0 : i32
    %dma_wait3A_141 = arith.constant 0 : i32
    %dma_wait3A_142 = tpu.memref_slice %arg11[%dma_wait3A_140, %dma_wait3A_141] : memref<10112x32xf32, #tpu.memory_space<vmem_shared>> -> memref<10112x32xf32, #tpu.memory_space<vmem_shared>>
    tpu.wait_indirect_dma semaphore(%arg12 : memref<!tpu.dma_semaphore, #tpu.memory_space<semaphore_mem>>) src(%dma_wait3A_142 : memref<10112x32xf32, #tpu.memory_space<vmem_shared>>) dst(%arg8 : memref<16x32xf32, #tpu.memory_space<vmem>>)
    "tpu.region"() ({
      %run_scoped3A_210 = tpu.sem_alloc : memref<!tpu.dma_semaphore, #tpu.memory_space<semaphore_mem>>
      %dma_start3A_211 = arith.constant 9984 : i32
      %dma_start3A_212 = tpu.memref_slice %arg6[%dma_start3A_211] : memref<10000xi32, #tpu.memory_space<vmem>> -> memref<16xi32, #tpu.memory_space<vmem>>
      %dma_start3A_213 = arith.constant 0 : i32
      %dma_start3A_214 = arith.constant 0 : i32
      %dma_start3A_215 = tpu.memref_slice %arg10[%dma_start3A_213, %dma_start3A_214] : memref<10112x32xf32, #tpu.memory_space<vmem_shared>> -> memref<10112x32xf32, #tpu.memory_space<vmem_shared>>
      tpu.enqueue_indirect_dma source(%arg8 : memref<16x32xf32, #tpu.memory_space<vmem>>) target(%dma_start3A_215 : memref<10112x32xf32, #tpu.memory_space<vmem_shared>>) offsets(%dma_start3A_212 : memref<16xi32, #tpu.memory_space<vmem>>) semaphore(%run_scoped3A_210 : memref<!tpu.dma_semaphore, #tpu.memory_space<semaphore_mem>>) {add = true}
      %dma_wait3A_216 = arith.constant 9984 : i32
      %dma_wait3A_217 = tpu.memref_slice %arg6[%dma_wait3A_216] : memref<10000xi32, #tpu.memory_space<vmem>> -> memref<16xi32, #tpu.memory_space<vmem>>
      %dma_wait3A_218 = arith.constant 0 : i32
      %dma_wait3A_219 = arith.constant 0 : i32
      %dma_wait3A_220 = tpu.memref_slice %arg10[%dma_wait3A_218, %dma_wait3A_219] : memref<10112x32xf32, #tpu.memory_space<vmem_shared>> -> memref<10112x32xf32, #tpu.memory_space<vmem_shared>>
      tpu.wait_indirect_dma semaphore(%run_scoped3A_210 : memref<!tpu.dma_semaphore, #tpu.memory_space<semaphore_mem>>) src(%arg8 : memref<16x32xf32, #tpu.memory_space<vmem>>) dst(%dma_wait3A_220 : memref<10112x32xf32, #tpu.memory_space<vmem_shared>>)
      tpu.yield
    }) : () -> ()
    %dma_wait3A_143 = arith.constant 0 : i32
    %dma_wait3A_144 = arith.constant 0 : i32
    %dma_wait3A_145 = arith.constant 0 : i32
    %dma_wait3A_146 = tpu.memref_slice %arg7[%dma_wait3A_143, %dma_wait3A_144, %dma_wait3A_145] : memref<6x128x32xf32, #tpu.memory_space<vmem>> -> memref<1x128x32xf32, #tpu.memory_space<vmem>>
    %dma_wait3A_147 = tpu.memref_squeeze %dma_wait3A_146 : memref<1x128x32xf32, #tpu.memory_space<vmem>> -> memref<128x32xf32, #tpu.memory_space<vmem>>
    %dma_wait3A_148 = arith.constant 0 : i32
    %dma_wait3A_149 = tpu.memref_slice %arg6[%dma_wait3A_148] : memref<10000xi32, #tpu.memory_space<vmem>> -> memref<128xi32, #tpu.memory_space<vmem>>
    %dma_wait3A_150 = arith.constant 0 : i32
    %dma_wait3A_151 = arith.constant 0 : i32
    %dma_wait3A_152 = tpu.memref_slice %arg10[%dma_wait3A_150, %dma_wait3A_151] : memref<10112x32xf32, #tpu.memory_space<vmem_shared>> -> memref<10112x32xf32, #tpu.memory_space<vmem_shared>>
    tpu.wait_indirect_dma semaphore(%arg13 : memref<!tpu.dma_semaphore, #tpu.memory_space<semaphore_mem>>) src(%dma_wait3A_147 : memref<128x32xf32, #tpu.memory_space<vmem>>) dst(%dma_wait3A_152 : memref<10112x32xf32, #tpu.memory_space<vmem_shared>>)
    %dma_wait3A_153 = arith.constant 1 : i32
    %dma_wait3A_154 = arith.constant 0 : i32
    %dma_wait3A_155 = arith.constant 0 : i32
    %dma_wait3A_156 = tpu.memref_slice %arg7[%dma_wait3A_153, %dma_wait3A_154, %dma_wait3A_155] : memref<6x128x32xf32, #tpu.memory_space<vmem>> -> memref<1x128x32xf32, #tpu.memory_space<vmem>>
    %dma_wait3A_157 = tpu.memref_squeeze %dma_wait3A_156 : memref<1x128x32xf32, #tpu.memory_space<vmem>> -> memref<128x32xf32, #tpu.memory_space<vmem>>
    %dma_wait3A_158 = arith.constant 128 : i32
    %dma_wait3A_159 = tpu.memref_slice %arg6[%dma_wait3A_158] : memref<10000xi32, #tpu.memory_space<vmem>> -> memref<128xi32, #tpu.memory_space<vmem>>
    %dma_wait3A_160 = arith.constant 0 : i32
    %dma_wait3A_161 = arith.constant 0 : i32
    %dma_wait3A_162 = tpu.memref_slice %arg10[%dma_wait3A_160, %dma_wait3A_161] : memref<10112x32xf32, #tpu.memory_space<vmem_shared>> -> memref<10112x32xf32, #tpu.memory_space<vmem_shared>>
    tpu.wait_indirect_dma semaphore(%arg13 : memref<!tpu.dma_semaphore, #tpu.memory_space<semaphore_mem>>) src(%dma_wait3A_157 : memref<128x32xf32, #tpu.memory_space<vmem>>) dst(%dma_wait3A_162 : memref<10112x32xf32, #tpu.memory_space<vmem_shared>>)
    %dma_wait3A_163 = arith.constant 2 : i32
    %dma_wait3A_164 = arith.constant 0 : i32
    %dma_wait3A_165 = arith.constant 0 : i32
    %dma_wait3A_166 = tpu.memref_slice %arg7[%dma_wait3A_163, %dma_wait3A_164, %dma_wait3A_165] : memref<6x128x32xf32, #tpu.memory_space<vmem>> -> memref<1x128x32xf32, #tpu.memory_space<vmem>>
    %dma_wait3A_167 = tpu.memref_squeeze %dma_wait3A_166 : memref<1x128x32xf32, #tpu.memory_space<vmem>> -> memref<128x32xf32, #tpu.memory_space<vmem>>
    %dma_wait3A_168 = arith.constant 256 : i32
    %dma_wait3A_169 = tpu.memref_slice %arg6[%dma_wait3A_168] : memref<10000xi32, #tpu.memory_space<vmem>> -> memref<128xi32, #tpu.memory_space<vmem>>
    %dma_wait3A_170 = arith.constant 0 : i32
    %dma_wait3A_171 = arith.constant 0 : i32
    %dma_wait3A_172 = tpu.memref_slice %arg10[%dma_wait3A_170, %dma_wait3A_171] : memref<10112x32xf32, #tpu.memory_space<vmem_shared>> -> memref<10112x32xf32, #tpu.memory_space<vmem_shared>>
    tpu.wait_indirect_dma semaphore(%arg13 : memref<!tpu.dma_semaphore, #tpu.memory_space<semaphore_mem>>) src(%dma_wait3A_167 : memref<128x32xf32, #tpu.memory_space<vmem>>) dst(%dma_wait3A_172 : memref<10112x32xf32, #tpu.memory_space<vmem_shared>>)
    %dma_wait3A_173 = arith.constant 3 : i32
    %dma_wait3A_174 = arith.constant 0 : i32
    %dma_wait3A_175 = arith.constant 0 : i32
    %dma_wait3A_176 = tpu.memref_slice %arg7[%dma_wait3A_173, %dma_wait3A_174, %dma_wait3A_175] : memref<6x128x32xf32, #tpu.memory_space<vmem>> -> memref<1x128x32xf32, #tpu.memory_space<vmem>>
    %dma_wait3A_177 = tpu.memref_squeeze %dma_wait3A_176 : memref<1x128x32xf32, #tpu.memory_space<vmem>> -> memref<128x32xf32, #tpu.memory_space<vmem>>
    %dma_wait3A_178 = arith.constant 384 : i32
    %dma_wait3A_179 = tpu.memref_slice %arg6[%dma_wait3A_178] : memref<10000xi32, #tpu.memory_space<vmem>> -> memref<128xi32, #tpu.memory_space<vmem>>
    %dma_wait3A_180 = arith.constant 0 : i32
    %dma_wait3A_181 = arith.constant 0 : i32
    %dma_wait3A_182 = tpu.memref_slice %arg10[%dma_wait3A_180, %dma_wait3A_181] : memref<10112x32xf32, #tpu.memory_space<vmem_shared>> -> memref<10112x32xf32, #tpu.memory_space<vmem_shared>>
    tpu.wait_indirect_dma semaphore(%arg13 : memref<!tpu.dma_semaphore, #tpu.memory_space<semaphore_mem>>) src(%dma_wait3A_177 : memref<128x32xf32, #tpu.memory_space<vmem>>) dst(%dma_wait3A_182 : memref<10112x32xf32, #tpu.memory_space<vmem_shared>>)
    %dma_wait3A_183 = arith.constant 4 : i32
    %dma_wait3A_184 = arith.constant 0 : i32
    %dma_wait3A_185 = arith.constant 0 : i32
    %dma_wait3A_186 = tpu.memref_slice %arg7[%dma_wait3A_183, %dma_wait3A_184, %dma_wait3A_185] : memref<6x128x32xf32, #tpu.memory_space<vmem>> -> memref<1x128x32xf32, #tpu.memory_space<vmem>>
    %dma_wait3A_187 = tpu.memref_squeeze %dma_wait3A_186 : memref<1x128x32xf32, #tpu.memory_space<vmem>> -> memref<128x32xf32, #tpu.memory_space<vmem>>
    %dma_wait3A_188 = arith.constant 512 : i32
    %dma_wait3A_189 = tpu.memref_slice %arg6[%dma_wait3A_188] : memref<10000xi32, #tpu.memory_space<vmem>> -> memref<128xi32, #tpu.memory_space<vmem>>
    %dma_wait3A_190 = arith.constant 0 : i32
    %dma_wait3A_191 = arith.constant 0 : i32
    %dma_wait3A_192 = tpu.memref_slice %arg10[%dma_wait3A_190, %dma_wait3A_191] : memref<10112x32xf32, #tpu.memory_space<vmem_shared>> -> memref<10112x32xf32, #tpu.memory_space<vmem_shared>>
    tpu.wait_indirect_dma semaphore(%arg13 : memref<!tpu.dma_semaphore, #tpu.memory_space<semaphore_mem>>) src(%dma_wait3A_187 : memref<128x32xf32, #tpu.memory_space<vmem>>) dst(%dma_wait3A_192 : memref<10112x32xf32, #tpu.memory_space<vmem_shared>>)
    %dma_wait3A_193 = arith.constant 5 : i32
    %dma_wait3A_194 = arith.constant 0 : i32
    %dma_wait3A_195 = arith.constant 0 : i32
    %dma_wait3A_196 = tpu.memref_slice %arg7[%dma_wait3A_193, %dma_wait3A_194, %dma_wait3A_195] : memref<6x128x32xf32, #tpu.memory_space<vmem>> -> memref<1x128x32xf32, #tpu.memory_space<vmem>>
    %dma_wait3A_197 = tpu.memref_squeeze %dma_wait3A_196 : memref<1x128x32xf32, #tpu.memory_space<vmem>> -> memref<128x32xf32, #tpu.memory_space<vmem>>
    %dma_wait3A_198 = arith.constant 640 : i32
    %dma_wait3A_199 = tpu.memref_slice %arg6[%dma_wait3A_198] : memref<10000xi32, #tpu.memory_space<vmem>> -> memref<128xi32, #tpu.memory_space<vmem>>
    %dma_wait3A_200 = arith.constant 0 : i32
    %dma_wait3A_201 = arith.constant 0 : i32
    %dma_wait3A_202 = tpu.memref_slice %arg10[%dma_wait3A_200, %dma_wait3A_201] : memref<10112x32xf32, #tpu.memory_space<vmem_shared>> -> memref<10112x32xf32, #tpu.memory_space<vmem_shared>>
    tpu.wait_indirect_dma semaphore(%arg13 : memref<!tpu.dma_semaphore, #tpu.memory_space<semaphore_mem>>) src(%dma_wait3A_197 : memref<128x32xf32, #tpu.memory_space<vmem>>) dst(%dma_wait3A_202 : memref<10112x32xf32, #tpu.memory_space<vmem_shared>>)
    %barrier3A_203 = arith.constant 0 : index
    tpu.barrier barrier_id(%barrier3A_203)
    %mul3A_204 = arith.constant 632 : i32
    %mul3A_205 = arith.muli %arg1, %mul3A_204 : i32
    "tpu.region"() ({
      %run_scoped3A_210 = tpu.sem_alloc : memref<!tpu.dma_semaphore, #tpu.memory_space<semaphore_mem>>
      %dma_start3A_211 = arith.constant 0 : i32
      %dma_start3A_212 = tpu.memref_slice %arg10[%mul3A_205, %dma_start3A_211] : memref<10112x32xf32, #tpu.memory_space<vmem_shared>> -> memref<632x32xf32, #tpu.memory_space<vmem_shared>>
      %dma_start3A_213 = arith.constant 0 : i32
      %dma_start3A_214 = tpu.memref_slice %arg10[%mul3A_205, %dma_start3A_213] : memref<10112x32xf32, #tpu.memory_space<vmem_shared>> -> memref<632x32xf32, #tpu.memory_space<vmem_shared>>
      tpu.enqueue_dma source(%dma_start3A_214 : memref<632x32xf32, #tpu.memory_space<vmem_shared>>) target(%arg9 : memref<632x32xf32, #tpu.memory_space<vmem>>) target_semaphore(%run_scoped3A_210 : memref<!tpu.dma_semaphore, #tpu.memory_space<semaphore_mem>>)
      %dma_wait3A_215 = arith.constant 0 : i32
      %dma_wait3A_216 = tpu.memref_slice %arg10[%mul3A_205, %dma_wait3A_215] : memref<10112x32xf32, #tpu.memory_space<vmem_shared>> -> memref<632x32xf32, #tpu.memory_space<vmem_shared>>
      %dma_wait3A_217 = arith.constant 0 : i32
      %dma_wait3A_218 = tpu.memref_slice %arg10[%mul3A_205, %dma_wait3A_217] : memref<10112x32xf32, #tpu.memory_space<vmem_shared>> -> memref<632x32xf32, #tpu.memory_space<vmem_shared>>
      tpu.wait_dma2 semaphore(%run_scoped3A_210 : memref<!tpu.dma_semaphore, #tpu.memory_space<semaphore_mem>>) src(%dma_wait3A_218 : memref<632x32xf32, #tpu.memory_space<vmem_shared>>) dst(%arg9 : memref<632x32xf32, #tpu.memory_space<vmem>>)
      tpu.yield
    }) : () -> ()
    %mul3A_206 = arith.constant 632 : i32
    %mul3A_207 = arith.muli %arg1, %mul3A_206 : i32
    %mul3A_208 = arith.constant 32 : i32
    %mul3A_209 = arith.muli %arg0, %mul3A_208 : i32
    "tpu.region"() ({
      %run_scoped3A_210 = tpu.sem_alloc : memref<!tpu.dma_semaphore, #tpu.memory_space<semaphore_mem>>
      %dma_start3A_211 = tpu.memref_slice %arg4[%mul3A_207, %mul3A_209] : memref<10112x128xf32, #tpu.memory_space<hbm>> -> memref<632x32xf32, #tpu.memory_space<hbm>>
      %dma_start3A_212 = tpu.memref_slice %arg4[%mul3A_207, %mul3A_209] : memref<10112x128xf32, #tpu.memory_space<hbm>> -> memref<632x32xf32, #tpu.memory_space<hbm>>
      tpu.enqueue_dma source(%arg9 : memref<632x32xf32, #tpu.memory_space<vmem>>) target(%dma_start3A_212 : memref<632x32xf32, #tpu.memory_space<hbm>>) target_semaphore(%run_scoped3A_210 : memref<!tpu.dma_semaphore, #tpu.memory_space<semaphore_mem>>)
      %dma_wait3A_213 = tpu.memref_slice %arg4[%mul3A_207, %mul3A_209] : memref<10112x128xf32, #tpu.memory_space<hbm>> -> memref<632x32xf32, #tpu.memory_space<hbm>>
      %dma_wait3A_214 = tpu.memref_slice %arg4[%mul3A_207, %mul3A_209] : memref<10112x128xf32, #tpu.memory_space<hbm>> -> memref<632x32xf32, #tpu.memory_space<hbm>>
      tpu.wait_dma2 semaphore(%run_scoped3A_210 : memref<!tpu.dma_semaphore, #tpu.memory_space<semaphore_mem>>) src(%arg9 : memref<632x32xf32, #tpu.memory_space<vmem>>) dst(%dma_wait3A_214 : memref<632x32xf32, #tpu.memory_space<hbm>>)
      tpu.yield
    }) : () -> ()
    return
  }
}

#map = affine_map<(d0, d1) -> (0, 0)>
module attributes {stable_mosaic.version = 14 : i64} {
  func.func @_sc_agg_kernel(%arg0: i32, %arg1: i32, %arg2: memref<10112x128xf32, #tpu.memory_space<hbm>>, %arg3: memref<2x320000xi32, #tpu.memory_space<hbm>>, %arg4: memref<10112x128xf32, #tpu.memory_space<hbm>>, %arg5: memref<10000xi32, #tpu.memory_space<vmem>>, %arg6: memref<10000xi32, #tpu.memory_space<vmem>>, %arg7: memref<6x128x32xf32, #tpu.memory_space<vmem>>, %arg8: memref<16x32xf32, #tpu.memory_space<vmem>>, %arg9: memref<632x32xf32, #tpu.memory_space<vmem>>, %arg10: memref<10112x32xf32, #tpu.memory_space<vmem_shared>>, %arg11: memref<10112x32xf32, #tpu.memory_space<vmem_shared>>, %arg12: memref<!tpu.dma_semaphore, #tpu.memory_space<semaphore_mem>>, %arg13: memref<!tpu.dma_semaphore, #tpu.memory_space<semaphore_mem>>) attributes {dimension_semantics = [#tpu.dimension_semantics<core_parallel>, #tpu.dimension_semantics<subcore_parallel>], iteration_bounds = array<i64: 2, 16>, scalar_prefetch = 0 : i64, scratch_operands = 9 : i64, tpu.core_type = #tpu.core_type<sc_vector_subcore>, window_params = [{transform_indices = #map}, {transform_indices = #map}, {transform_indices = #map}]} {
    %mul3A = arith.constant 2 : i32
    %mul3A_0 = arith.muli %arg1, %mul3A : i32
    %add3A = arith.addi %mul3A_0, %arg0 : i32
    %mul3A_1 = arith.constant 10000 : i32
    %mul3A_2 = arith.muli %add3A, %mul3A_1 : i32
    %mul3A_3 = arith.constant 632 : i32
    %mul3A_4 = arith.muli %arg1, %mul3A_3 : i32
    "tpu.region"() ({
      %run_scoped3A_210 = tpu.sem_alloc : memref<!tpu.dma_semaphore, #tpu.memory_space<semaphore_mem>>
      %dma_start3A_211 = arith.constant 0 : i32
      %dma_start3A_212 = tpu.memref_slice %arg11[%mul3A_4, %dma_start3A_211] : memref<10112x32xf32, #tpu.memory_space<vmem_shared>> -> memref<632x32xf32, #tpu.memory_space<vmem_shared>>
      %dma_start3A_213 = arith.constant 0 : i32
      %dma_start3A_214 = tpu.memref_slice %arg2[%mul3A_4, %dma_start3A_213] : memref<10112x128xf32, #tpu.memory_space<hbm>> -> memref<632x32xf32, #tpu.memory_space<hbm>>
      tpu.enqueue_dma source(%dma_start3A_214 : memref<632x32xf32, #tpu.memory_space<hbm>>) target(%dma_start3A_212 : memref<632x32xf32, #tpu.memory_space<vmem_shared>>) target_semaphore(%run_scoped3A_210 : memref<!tpu.dma_semaphore, #tpu.memory_space<semaphore_mem>>)
      %dma_wait3A_215 = arith.constant 0 : i32
      %dma_wait3A_216 = tpu.memref_slice %arg11[%mul3A_4, %dma_wait3A_215] : memref<10112x32xf32, #tpu.memory_space<vmem_shared>> -> memref<632x32xf32, #tpu.memory_space<vmem_shared>>
      %dma_wait3A_217 = arith.constant 0 : i32
      %dma_wait3A_218 = tpu.memref_slice %arg2[%mul3A_4, %dma_wait3A_217] : memref<10112x128xf32, #tpu.memory_space<hbm>> -> memref<632x32xf32, #tpu.memory_space<hbm>>
      tpu.wait_dma2 semaphore(%run_scoped3A_210 : memref<!tpu.dma_semaphore, #tpu.memory_space<semaphore_mem>>) src(%dma_wait3A_218 : memref<632x32xf32, #tpu.memory_space<hbm>>) dst(%dma_wait3A_216 : memref<632x32xf32, #tpu.memory_space<vmem_shared>>)
      tpu.yield
    }) : () -> ()
    %scan3A = arith.constant 0 : i32
    %scan3A_5 = arith.constant 0 : i32
    %scan3A_6 = arith.constant 152 : i32
    %scan3A_7 = arith.addi %scan3A_5, %scan3A_6 : i32
    %scan3A_8 = arith.constant 8 : i32
    %scan3A_9 = scf.for %scan3A_210 = %scan3A_5 to %scan3A_7 step %scan3A_8 iter_args(%scan3A_211 = %scan3A) -> (i32)  : i32 {
      %broadcast_in_dim3A_212 = arith.constant 0.000000e+00 : f32
      %broadcast_in_dim3A_213 = vector.broadcast %broadcast_in_dim3A_212 : f32 to vector<16xf32>
      %swap3A_214 = arith.index_cast %scan3A_210 : i32 to index
      %swap3A_215 = arith.constant 0 : index
      %swap3A_216 = tpu.vector_load %arg9[%swap3A_214, %swap3A_215] {strides = array<i32>} : memref<632x32xf32, #tpu.memory_space<vmem>>, vector<1x16xf32>,
      %swap3A_217 = vector.shape_cast %swap3A_216 : vector<1x16xf32> to vector<16xf32>
      %swap3A_218 = vector.shape_cast %broadcast_in_dim3A_213 : vector<16xf32> to vector<1x16xf32>
      tpu.vector_store %arg9[%swap3A_214, %swap3A_215], %swap3A_218 {strides = array<i32>} : memref<632x32xf32, #tpu.memory_space<vmem>>, vector<1x16xf32>,
      %broadcast_in_dim3A_219 = arith.constant 0.000000e+00 : f32
      %broadcast_in_dim3A_220 = vector.broadcast %broadcast_in_dim3A_219 : f32 to vector<16xf32>
      %swap3A_221 = arith.index_cast %scan3A_210 : i32 to index
      %swap3A_222 = arith.constant 16 : index
      %swap3A_223 = tpu.vector_load %arg9[%swap3A_221, %swap3A_222] {strides = array<i32>} : memref<632x32xf32, #tpu.memory_space<vmem>>, vector<1x16xf32>,
      %swap3A_224 = vector.shape_cast %swap3A_223 : vector<1x16xf32> to vector<16xf32>
      %swap3A_225 = vector.shape_cast %broadcast_in_dim3A_220 : vector<16xf32> to vector<1x16xf32>
      tpu.vector_store %arg9[%swap3A_221, %swap3A_222], %swap3A_225 {strides = array<i32>} : memref<632x32xf32, #tpu.memory_space<vmem>>, vector<1x16xf32>,
      %scan3A_226 = arith.constant 0 : i32
      %scan3A_227 = arith.constant 1 : i32
      %scan3A_228 = arith.addi %scan3A_210, %scan3A_227 : i32
      %broadcast_in_dim3A_229 = arith.constant 0.000000e+00 : f32
      %broadcast_in_dim3A_230 = vector.broadcast %broadcast_in_dim3A_229 : f32 to vector<16xf32>
      %swap3A_231 = arith.index_cast %scan3A_228 : i32 to index
      %swap3A_232 = arith.constant 0 : index
      %swap3A_233 = tpu.vector_load %arg9[%swap3A_231, %swap3A_232] {strides = array<i32>} : memref<632x32xf32, #tpu.memory_space<vmem>>, vector<1x16xf32>,
      %swap3A_234 = vector.shape_cast %swap3A_233 : vector<1x16xf32> to vector<16xf32>
      %swap3A_235 = vector.shape_cast %broadcast_in_dim3A_230 : vector<16xf32> to vector<1x16xf32>
      tpu.vector_store %arg9[%swap3A_231, %swap3A_232], %swap3A_235 {strides = array<i32>} : memref<632x32xf32, #tpu.memory_space<vmem>>, vector<1x16xf32>,
      %broadcast_in_dim3A_236 = arith.constant 0.000000e+00 : f32
      %broadcast_in_dim3A_237 = vector.broadcast %broadcast_in_dim3A_236 : f32 to vector<16xf32>
      %swap3A_238 = arith.index_cast %scan3A_228 : i32 to index
      %swap3A_239 = arith.constant 16 : index
      %swap3A_240 = tpu.vector_load %arg9[%swap3A_238, %swap3A_239] {strides = array<i32>} : memref<632x32xf32, #tpu.memory_space<vmem>>, vector<1x16xf32>,
      %swap3A_241 = vector.shape_cast %swap3A_240 : vector<1x16xf32> to vector<16xf32>
      %swap3A_242 = vector.shape_cast %broadcast_in_dim3A_237 : vector<16xf32> to vector<1x16xf32>
      tpu.vector_store %arg9[%swap3A_238, %swap3A_239], %swap3A_242 {strides = array<i32>} : memref<632x32xf32, #tpu.memory_space<vmem>>, vector<1x16xf32>,
      %scan3A_243 = arith.constant 0 : i32
      %scan3A_244 = arith.constant 2 : i32
      %scan3A_245 = arith.addi %scan3A_210, %scan3A_244 : i32
      %broadcast_in_dim3A_246 = arith.constant 0.000000e+00 : f32
      %broadcast_in_dim3A_247 = vector.broadcast %broadcast_in_dim3A_246 : f32 to vector<16xf32>
      %swap3A_248 = arith.index_cast %scan3A_245 : i32 to index
      %swap3A_249 = arith.constant 0 : index
      %swap3A_250 = tpu.vector_load %arg9[%swap3A_248, %swap3A_249] {strides = array<i32>} : memref<632x32xf32, #tpu.memory_space<vmem>>, vector<1x16xf32>,
      %swap3A_251 = vector.shape_cast %swap3A_250 : vector<1x16xf32> to vector<16xf32>
      %swap3A_252 = vector.shape_cast %broadcast_in_dim3A_247 : vector<16xf32> to vector<1x16xf32>
      tpu.vector_store %arg9[%swap3A_248, %swap3A_249], %swap3A_252 {strides = array<i32>} : memref<632x32xf32, #tpu.memory_space<vmem>>, vector<1x16xf32>,
      %broadcast_in_dim3A_253 = arith.constant 0.000000e+00 : f32
      %broadcast_in_dim3A_254 = vector.broadcast %broadcast_in_dim3A_253 : f32 to vector<16xf32>
      %swap3A_255 = arith.index_cast %scan3A_245 : i32 to index
      %swap3A_256 = arith.constant 16 : index
      %swap3A_257 = tpu.vector_load %arg9[%swap3A_255, %swap3A_256] {strides = array<i32>} : memref<632x32xf32, #tpu.memory_space<vmem>>, vector<1x16xf32>,
      %swap3A_258 = vector.shape_cast %swap3A_257 : vector<1x16xf32> to vector<16xf32>
      %swap3A_259 = vector.shape_cast %broadcast_in_dim3A_254 : vector<16xf32> to vector<1x16xf32>
      tpu.vector_store %arg9[%swap3A_255, %swap3A_256], %swap3A_259 {strides = array<i32>} : memref<632x32xf32, #tpu.memory_space<vmem>>, vector<1x16xf32>,
      %scan3A_260 = arith.constant 0 : i32
      %scan3A_261 = arith.constant 3 : i32
      %scan3A_262 = arith.addi %scan3A_210, %scan3A_261 : i32
      %broadcast_in_dim3A_263 = arith.constant 0.000000e+00 : f32
      %broadcast_in_dim3A_264 = vector.broadcast %broadcast_in_dim3A_263 : f32 to vector<16xf32>
      %swap3A_265 = arith.index_cast %scan3A_262 : i32 to index
      %swap3A_266 = arith.constant 0 : index
      %swap3A_267 = tpu.vector_load %arg9[%swap3A_265, %swap3A_266] {strides = array<i32>} : memref<632x32xf32, #tpu.memory_space<vmem>>, vector<1x16xf32>,
      %swap3A_268 = vector.shape_cast %swap3A_267 : vector<1x16xf32> to vector<16xf32>
      %swap3A_269 = vector.shape_cast %broadcast_in_dim3A_264 : vector<16xf32> to vector<1x16xf32>
      tpu.vector_store %arg9[%swap3A_265, %swap3A_266], %swap3A_269 {strides = array<i32>} : memref<632x32xf32, #tpu.memory_space<vmem>>, vector<1x16xf32>,
      %broadcast_in_dim3A_270 = arith.constant 0.000000e+00 : f32
      %broadcast_in_dim3A_271 = vector.broadcast %broadcast_in_dim3A_270 : f32 to vector<16xf32>
      %swap3A_272 = arith.index_cast %scan3A_262 : i32 to index
      %swap3A_273 = arith.constant 16 : index
      %swap3A_274 = tpu.vector_load %arg9[%swap3A_272, %swap3A_273] {strides = array<i32>} : memref<632x32xf32, #tpu.memory_space<vmem>>, vector<1x16xf32>,
      %swap3A_275 = vector.shape_cast %swap3A_274 : vector<1x16xf32> to vector<16xf32>
      %swap3A_276 = vector.shape_cast %broadcast_in_dim3A_271 : vector<16xf32> to vector<1x16xf32>
      tpu.vector_store %arg9[%swap3A_272, %swap3A_273], %swap3A_276 {strides = array<i32>} : memref<632x32xf32, #tpu.memory_space<vmem>>, vector<1x16xf32>,
      %scan3A_277 = arith.constant 0 : i32
      %scan3A_278 = arith.constant 4 : i32
      %scan3A_279 = arith.addi %scan3A_210, %scan3A_278 : i32
      %broadcast_in_dim3A_280 = arith.constant 0.000000e+00 : f32
      %broadcast_in_dim3A_281 = vector.broadcast %broadcast_in_dim3A_280 : f32 to vector<16xf32>
      %swap3A_282 = arith.index_cast %scan3A_279 : i32 to index
      %swap3A_283 = arith.constant 0 : index
      %swap3A_284 = tpu.vector_load %arg9[%swap3A_282, %swap3A_283] {strides = array<i32>} : memref<632x32xf32, #tpu.memory_space<vmem>>, vector<1x16xf32>,
      %swap3A_285 = vector.shape_cast %swap3A_284 : vector<1x16xf32> to vector<16xf32>
      %swap3A_286 = vector.shape_cast %broadcast_in_dim3A_281 : vector<16xf32> to vector<1x16xf32>
      tpu.vector_store %arg9[%swap3A_282, %swap3A_283], %swap3A_286 {strides = array<i32>} : memref<632x32xf32, #tpu.memory_space<vmem>>, vector<1x16xf32>,
      %broadcast_in_dim3A_287 = arith.constant 0.000000e+00 : f32
      %broadcast_in_dim3A_288 = vector.broadcast %broadcast_in_dim3A_287 : f32 to vector<16xf32>
      %swap3A_289 = arith.index_cast %scan3A_279 : i32 to index
      %swap3A_290 = arith.constant 16 : index
      %swap3A_291 = tpu.vector_load %arg9[%swap3A_289, %swap3A_290] {strides = array<i32>} : memref<632x32xf32, #tpu.memory_space<vmem>>, vector<1x16xf32>,
      %swap3A_292 = vector.shape_cast %swap3A_291 : vector<1x16xf32> to vector<16xf32>
      %swap3A_293 = vector.shape_cast %broadcast_in_dim3A_288 : vector<16xf32> to vector<1x16xf32>
      tpu.vector_store %arg9[%swap3A_289, %swap3A_290], %swap3A_293 {strides = array<i32>} : memref<632x32xf32, #tpu.memory_space<vmem>>, vector<1x16xf32>,
      %scan3A_294 = arith.constant 0 : i32
      %scan3A_295 = arith.constant 5 : i32
      %scan3A_296 = arith.addi %scan3A_210, %scan3A_295 : i32
      %broadcast_in_dim3A_297 = arith.constant 0.000000e+00 : f32
      %broadcast_in_dim3A_298 = vector.broadcast %broadcast_in_dim3A_297 : f32 to vector<16xf32>
      %swap3A_299 = arith.index_cast %scan3A_296 : i32 to index
      %swap3A_300 = arith.constant 0 : index
      %swap3A_301 = tpu.vector_load %arg9[%swap3A_299, %swap3A_300] {strides = array<i32>} : memref<632x32xf32, #tpu.memory_space<vmem>>, vector<1x16xf32>,
      %swap3A_302 = vector.shape_cast %swap3A_301 : vector<1x16xf32> to vector<16xf32>
      %swap3A_303 = vector.shape_cast %broadcast_in_dim3A_298 : vector<16xf32> to vector<1x16xf32>
      tpu.vector_store %arg9[%swap3A_299, %swap3A_300], %swap3A_303 {strides = array<i32>} : memref<632x32xf32, #tpu.memory_space<vmem>>, vector<1x16xf32>,
      %broadcast_in_dim3A_304 = arith.constant 0.000000e+00 : f32
      %broadcast_in_dim3A_305 = vector.broadcast %broadcast_in_dim3A_304 : f32 to vector<16xf32>
      %swap3A_306 = arith.index_cast %scan3A_296 : i32 to index
      %swap3A_307 = arith.constant 16 : index
      %swap3A_308 = tpu.vector_load %arg9[%swap3A_306, %swap3A_307] {strides = array<i32>} : memref<632x32xf32, #tpu.memory_space<vmem>>, vector<1x16xf32>,
      %swap3A_309 = vector.shape_cast %swap3A_308 : vector<1x16xf32> to vector<16xf32>
      %swap3A_310 = vector.shape_cast %broadcast_in_dim3A_305 : vector<16xf32> to vector<1x16xf32>
      tpu.vector_store %arg9[%swap3A_306, %swap3A_307], %swap3A_310 {strides = array<i32>} : memref<632x32xf32, #tpu.memory_space<vmem>>, vector<1x16xf32>,
      %scan3A_311 = arith.constant 0 : i32
      %scan3A_312 = arith.constant 6 : i32
      %scan3A_313 = arith.addi %scan3A_210, %scan3A_312 : i32
      %broadcast_in_dim3A_314 = arith.constant 0.000000e+00 : f32
      %broadcast_in_dim3A_315 = vector.broadcast %broadcast_in_dim3A_314 : f32 to vector<16xf32>
      %swap3A_316 = arith.index_cast %scan3A_313 : i32 to index
      %swap3A_317 = arith.constant 0 : index
      %swap3A_318 = tpu.vector_load %arg9[%swap3A_316, %swap3A_317] {strides = array<i32>} : memref<632x32xf32, #tpu.memory_space<vmem>>, vector<1x16xf32>,
      %swap3A_319 = vector.shape_cast %swap3A_318 : vector<1x16xf32> to vector<16xf32>
      %swap3A_320 = vector.shape_cast %broadcast_in_dim3A_315 : vector<16xf32> to vector<1x16xf32>
      tpu.vector_store %arg9[%swap3A_316, %swap3A_317], %swap3A_320 {strides = array<i32>} : memref<632x32xf32, #tpu.memory_space<vmem>>, vector<1x16xf32>,
      %broadcast_in_dim3A_321 = arith.constant 0.000000e+00 : f32
      %broadcast_in_dim3A_322 = vector.broadcast %broadcast_in_dim3A_321 : f32 to vector<16xf32>
      %swap3A_323 = arith.index_cast %scan3A_313 : i32 to index
      %swap3A_324 = arith.constant 16 : index
      %swap3A_325 = tpu.vector_load %arg9[%swap3A_323, %swap3A_324] {strides = array<i32>} : memref<632x32xf32, #tpu.memory_space<vmem>>, vector<1x16xf32>,
      %swap3A_326 = vector.shape_cast %swap3A_325 : vector<1x16xf32> to vector<16xf32>
      %swap3A_327 = vector.shape_cast %broadcast_in_dim3A_322 : vector<16xf32> to vector<1x16xf32>
      tpu.vector_store %arg9[%swap3A_323, %swap3A_324], %swap3A_327 {strides = array<i32>} : memref<632x32xf32, #tpu.memory_space<vmem>>, vector<1x16xf32>,
      %scan3A_328 = arith.constant 0 : i32
      %scan3A_329 = arith.constant 7 : i32
      %scan3A_330 = arith.addi %scan3A_210, %scan3A_329 : i32
      %broadcast_in_dim3A_331 = arith.constant 0.000000e+00 : f32
      %broadcast_in_dim3A_332 = vector.broadcast %broadcast_in_dim3A_331 : f32 to vector<16xf32>
      %swap3A_333 = arith.index_cast %scan3A_330 : i32 to index
      %swap3A_334 = arith.constant 0 : index
      %swap3A_335 = tpu.vector_load %arg9[%swap3A_333, %swap3A_334] {strides = array<i32>} : memref<632x32xf32, #tpu.memory_space<vmem>>, vector<1x16xf32>,
      %swap3A_336 = vector.shape_cast %swap3A_335 : vector<1x16xf32> to vector<16xf32>
      %swap3A_337 = vector.shape_cast %broadcast_in_dim3A_332 : vector<16xf32> to vector<1x16xf32>
      tpu.vector_store %arg9[%swap3A_333, %swap3A_334], %swap3A_337 {strides = array<i32>} : memref<632x32xf32, #tpu.memory_space<vmem>>, vector<1x16xf32>,
      %broadcast_in_dim3A_338 = arith.constant 0.000000e+00 : f32
      %broadcast_in_dim3A_339 = vector.broadcast %broadcast_in_dim3A_338 : f32 to vector<16xf32>
      %swap3A_340 = arith.index_cast %scan3A_330 : i32 to index
      %swap3A_341 = arith.constant 16 : index
      %swap3A_342 = tpu.vector_load %arg9[%swap3A_340, %swap3A_341] {strides = array<i32>} : memref<632x32xf32, #tpu.memory_space<vmem>>, vector<1x16xf32>,
      %swap3A_343 = vector.shape_cast %swap3A_342 : vector<1x16xf32> to vector<16xf32>
      %swap3A_344 = vector.shape_cast %broadcast_in_dim3A_339 : vector<16xf32> to vector<1x16xf32>
      tpu.vector_store %arg9[%swap3A_340, %swap3A_341], %swap3A_344 {strides = array<i32>} : memref<632x32xf32, #tpu.memory_space<vmem>>, vector<1x16xf32>,
      %scan3A_345 = arith.constant 0 : i32
      scf.yield %scan3A_345 : i32
    }
    %scan3A_10 = arith.constant 152 : i32
    %scan3A_11 = arith.addi %scan3A_5, %scan3A_10 : i32
    %broadcast_in_dim3A = arith.constant 0.000000e+00 : f32
    %broadcast_in_dim3A_12 = vector.broadcast %broadcast_in_dim3A : f32 to vector<16xf32>
    %swap3A = arith.index_cast %scan3A_11 : i32 to index
    %swap3A_13 = arith.constant 0 : index
    %swap3A_14 = tpu.vector_load %arg9[%swap3A, %swap3A_13] {strides = array<i32>} : memref<632x32xf32, #tpu.memory_space<vmem>>, vector<1x16xf32>,
    %swap3A_15 = vector.shape_cast %swap3A_14 : vector<1x16xf32> to vector<16xf32>
    %swap3A_16 = vector.shape_cast %broadcast_in_dim3A_12 : vector<16xf32> to vector<1x16xf32>
    tpu.vector_store %arg9[%swap3A, %swap3A_13], %swap3A_16 {strides = array<i32>} : memref<632x32xf32, #tpu.memory_space<vmem>>, vector<1x16xf32>,
    %broadcast_in_dim3A_17 = arith.constant 0.000000e+00 : f32
    %broadcast_in_dim3A_18 = vector.broadcast %broadcast_in_dim3A_17 : f32 to vector<16xf32>
    %swap3A_19 = arith.index_cast %scan3A_11 : i32 to index
    %swap3A_20 = arith.constant 16 : index
    %swap3A_21 = tpu.vector_load %arg9[%swap3A_19, %swap3A_20] {strides = array<i32>} : memref<632x32xf32, #tpu.memory_space<vmem>>, vector<1x16xf32>,
    %swap3A_22 = vector.shape_cast %swap3A_21 : vector<1x16xf32> to vector<16xf32>
    %swap3A_23 = vector.shape_cast %broadcast_in_dim3A_18 : vector<16xf32> to vector<1x16xf32>
    tpu.vector_store %arg9[%swap3A_19, %swap3A_20], %swap3A_23 {strides = array<i32>} : memref<632x32xf32, #tpu.memory_space<vmem>>, vector<1x16xf32>,
    %scan3A_24 = arith.constant 0 : i32
    %scan3A_25 = arith.constant 153 : i32
    %scan3A_26 = arith.addi %scan3A_5, %scan3A_25 : i32
    %broadcast_in_dim3A_27 = arith.constant 0.000000e+00 : f32
    %broadcast_in_dim3A_28 = vector.broadcast %broadcast_in_dim3A_27 : f32 to vector<16xf32>
    %swap3A_29 = arith.index_cast %scan3A_26 : i32 to index
    %swap3A_30 = arith.constant 0 : index
    %swap3A_31 = tpu.vector_load %arg9[%swap3A_29, %swap3A_30] {strides = array<i32>} : memref<632x32xf32, #tpu.memory_space<vmem>>, vector<1x16xf32>,
    %swap3A_32 = vector.shape_cast %swap3A_31 : vector<1x16xf32> to vector<16xf32>
    %swap3A_33 = vector.shape_cast %broadcast_in_dim3A_28 : vector<16xf32> to vector<1x16xf32>
    tpu.vector_store %arg9[%swap3A_29, %swap3A_30], %swap3A_33 {strides = array<i32>} : memref<632x32xf32, #tpu.memory_space<vmem>>, vector<1x16xf32>,
    %broadcast_in_dim3A_34 = arith.constant 0.000000e+00 : f32
    %broadcast_in_dim3A_35 = vector.broadcast %broadcast_in_dim3A_34 : f32 to vector<16xf32>
    %swap3A_36 = arith.index_cast %scan3A_26 : i32 to index
    %swap3A_37 = arith.constant 16 : index
    %swap3A_38 = tpu.vector_load %arg9[%swap3A_36, %swap3A_37] {strides = array<i32>} : memref<632x32xf32, #tpu.memory_space<vmem>>, vector<1x16xf32>,
    %swap3A_39 = vector.shape_cast %swap3A_38 : vector<1x16xf32> to vector<16xf32>
    %swap3A_40 = vector.shape_cast %broadcast_in_dim3A_35 : vector<16xf32> to vector<1x16xf32>
    tpu.vector_store %arg9[%swap3A_36, %swap3A_37], %swap3A_40 {strides = array<i32>} : memref<632x32xf32, #tpu.memory_space<vmem>>, vector<1x16xf32>,
    %scan3A_41 = arith.constant 0 : i32
    %scan3A_42 = arith.constant 154 : i32
    %scan3A_43 = arith.addi %scan3A_5, %scan3A_42 : i32
    %broadcast_in_dim3A_44 = arith.constant 0.000000e+00 : f32
    %broadcast_in_dim3A_45 = vector.broadcast %broadcast_in_dim3A_44 : f32 to vector<16xf32>
    %swap3A_46 = arith.index_cast %scan3A_43 : i32 to index
    %swap3A_47 = arith.constant 0 : index
    %swap3A_48 = tpu.vector_load %arg9[%swap3A_46, %swap3A_47] {strides = array<i32>} : memref<632x32xf32, #tpu.memory_space<vmem>>, vector<1x16xf32>,
    %swap3A_49 = vector.shape_cast %swap3A_48 : vector<1x16xf32> to vector<16xf32>
    %swap3A_50 = vector.shape_cast %broadcast_in_dim3A_45 : vector<16xf32> to vector<1x16xf32>
    tpu.vector_store %arg9[%swap3A_46, %swap3A_47], %swap3A_50 {strides = array<i32>} : memref<632x32xf32, #tpu.memory_space<vmem>>, vector<1x16xf32>,
    %broadcast_in_dim3A_51 = arith.constant 0.000000e+00 : f32
    %broadcast_in_dim3A_52 = vector.broadcast %broadcast_in_dim3A_51 : f32 to vector<16xf32>
    %swap3A_53 = arith.index_cast %scan3A_43 : i32 to index
    %swap3A_54 = arith.constant 16 : index
    %swap3A_55 = tpu.vector_load %arg9[%swap3A_53, %swap3A_54] {strides = array<i32>} : memref<632x32xf32, #tpu.memory_space<vmem>>, vector<1x16xf32>,
    %swap3A_56 = vector.shape_cast %swap3A_55 : vector<1x16xf32> to vector<16xf32>
    %swap3A_57 = vector.shape_cast %broadcast_in_dim3A_52 : vector<16xf32> to vector<1x16xf32>
    tpu.vector_store %arg9[%swap3A_53, %swap3A_54], %swap3A_57 {strides = array<i32>} : memref<632x32xf32, #tpu.memory_space<vmem>>, vector<1x16xf32>,
    %scan3A_58 = arith.constant 0 : i32
    %scan3A_59 = arith.constant 155 : i32
    %scan3A_60 = arith.addi %scan3A_5, %scan3A_59 : i32
    %broadcast_in_dim3A_61 = arith.constant 0.000000e+00 : f32
    %broadcast_in_dim3A_62 = vector.broadcast %broadcast_in_dim3A_61 : f32 to vector<16xf32>
    %swap3A_63 = arith.index_cast %scan3A_60 : i32 to index
    %swap3A_64 = arith.constant 0 : index
    %swap3A_65 = tpu.vector_load %arg9[%swap3A_63, %swap3A_64] {strides = array<i32>} : memref<632x32xf32, #tpu.memory_space<vmem>>, vector<1x16xf32>,
    %swap3A_66 = vector.shape_cast %swap3A_65 : vector<1x16xf32> to vector<16xf32>
    %swap3A_67 = vector.shape_cast %broadcast_in_dim3A_62 : vector<16xf32> to vector<1x16xf32>
    tpu.vector_store %arg9[%swap3A_63, %swap3A_64], %swap3A_67 {strides = array<i32>} : memref<632x32xf32, #tpu.memory_space<vmem>>, vector<1x16xf32>,
    %broadcast_in_dim3A_68 = arith.constant 0.000000e+00 : f32
    %broadcast_in_dim3A_69 = vector.broadcast %broadcast_in_dim3A_68 : f32 to vector<16xf32>
    %swap3A_70 = arith.index_cast %scan3A_60 : i32 to index
    %swap3A_71 = arith.constant 16 : index
    %swap3A_72 = tpu.vector_load %arg9[%swap3A_70, %swap3A_71] {strides = array<i32>} : memref<632x32xf32, #tpu.memory_space<vmem>>, vector<1x16xf32>,
    %swap3A_73 = vector.shape_cast %swap3A_72 : vector<1x16xf32> to vector<16xf32>
    %swap3A_74 = vector.shape_cast %broadcast_in_dim3A_69 : vector<16xf32> to vector<1x16xf32>
    tpu.vector_store %arg9[%swap3A_70, %swap3A_71], %swap3A_74 {strides = array<i32>} : memref<632x32xf32, #tpu.memory_space<vmem>>, vector<1x16xf32>,
    %scan3A_75 = arith.constant 0 : i32
    %scan3A_76 = arith.constant 156 : i32
    %scan3A_77 = arith.addi %scan3A_5, %scan3A_76 : i32
    %broadcast_in_dim3A_78 = arith.constant 0.000000e+00 : f32
    %broadcast_in_dim3A_79 = vector.broadcast %broadcast_in_dim3A_78 : f32 to vector<16xf32>
    %swap3A_80 = arith.index_cast %scan3A_77 : i32 to index
    %swap3A_81 = arith.constant 0 : index
    %swap3A_82 = tpu.vector_load %arg9[%swap3A_80, %swap3A_81] {strides = array<i32>} : memref<632x32xf32, #tpu.memory_space<vmem>>, vector<1x16xf32>,
    %swap3A_83 = vector.shape_cast %swap3A_82 : vector<1x16xf32> to vector<16xf32>
    %swap3A_84 = vector.shape_cast %broadcast_in_dim3A_79 : vector<16xf32> to vector<1x16xf32>
    tpu.vector_store %arg9[%swap3A_80, %swap3A_81], %swap3A_84 {strides = array<i32>} : memref<632x32xf32, #tpu.memory_space<vmem>>, vector<1x16xf32>,
    %broadcast_in_dim3A_85 = arith.constant 0.000000e+00 : f32
    %broadcast_in_dim3A_86 = vector.broadcast %broadcast_in_dim3A_85 : f32 to vector<16xf32>
    %swap3A_87 = arith.index_cast %scan3A_77 : i32 to index
    %swap3A_88 = arith.constant 16 : index
    %swap3A_89 = tpu.vector_load %arg9[%swap3A_87, %swap3A_88] {strides = array<i32>} : memref<632x32xf32, #tpu.memory_space<vmem>>, vector<1x16xf32>,
    %swap3A_90 = vector.shape_cast %swap3A_89 : vector<1x16xf32> to vector<16xf32>
    %swap3A_91 = vector.shape_cast %broadcast_in_dim3A_86 : vector<16xf32> to vector<1x16xf32>
    tpu.vector_store %arg9[%swap3A_87, %swap3A_88], %swap3A_91 {strides = array<i32>} : memref<632x32xf32, #tpu.memory_space<vmem>>, vector<1x16xf32>,
    %scan3A_92 = arith.constant 0 : i32
    %scan3A_93 = arith.constant 157 : i32
    %scan3A_94 = arith.addi %scan3A_5, %scan3A_93 : i32
    %broadcast_in_dim3A_95 = arith.constant 0.000000e+00 : f32
    %broadcast_in_dim3A_96 = vector.broadcast %broadcast_in_dim3A_95 : f32 to vector<16xf32>
    %swap3A_97 = arith.index_cast %scan3A_94 : i32 to index
    %swap3A_98 = arith.constant 0 : index
    %swap3A_99 = tpu.vector_load %arg9[%swap3A_97, %swap3A_98] {strides = array<i32>} : memref<632x32xf32, #tpu.memory_space<vmem>>, vector<1x16xf32>,
    %swap3A_100 = vector.shape_cast %swap3A_99 : vector<1x16xf32> to vector<16xf32>
    %swap3A_101 = vector.shape_cast %broadcast_in_dim3A_96 : vector<16xf32> to vector<1x16xf32>
    tpu.vector_store %arg9[%swap3A_97, %swap3A_98], %swap3A_101 {strides = array<i32>} : memref<632x32xf32, #tpu.memory_space<vmem>>, vector<1x16xf32>,
    %broadcast_in_dim3A_102 = arith.constant 0.000000e+00 : f32
    %broadcast_in_dim3A_103 = vector.broadcast %broadcast_in_dim3A_102 : f32 to vector<16xf32>
    %swap3A_104 = arith.index_cast %scan3A_94 : i32 to index
    %swap3A_105 = arith.constant 16 : index
    %swap3A_106 = tpu.vector_load %arg9[%swap3A_104, %swap3A_105] {strides = array<i32>} : memref<632x32xf32, #tpu.memory_space<vmem>>, vector<1x16xf32>,
    %swap3A_107 = vector.shape_cast %swap3A_106 : vector<1x16xf32> to vector<16xf32>
    %swap3A_108 = vector.shape_cast %broadcast_in_dim3A_103 : vector<16xf32> to vector<1x16xf32>
    tpu.vector_store %arg9[%swap3A_104, %swap3A_105], %swap3A_108 {strides = array<i32>} : memref<632x32xf32, #tpu.memory_space<vmem>>, vector<1x16xf32>,
    %scan3A_109 = arith.constant 0 : i32
    %scan3A_110 = arith.constant 158 : i32
    %mul3A_111 = arith.constant 632 : i32
    %mul3A_112 = arith.muli %arg1, %mul3A_111 : i32
    %add3A_113 = arith.constant 0 : i32
    %add3A_114 = arith.addi %mul3A_112, %add3A_113 : i32
    "tpu.region"() ({
      %run_scoped3A_210 = tpu.sem_alloc : memref<!tpu.dma_semaphore, #tpu.memory_space<semaphore_mem>>
      %dma_start3A_211 = arith.constant 0 : i32
      %dma_start3A_212 = arith.constant 0 : i32
      %dma_start3A_213 = tpu.memref_slice %arg9[%dma_start3A_211, %dma_start3A_212] : memref<632x32xf32, #tpu.memory_space<vmem>> -> memref<158x32xf32, #tpu.memory_space<vmem>>
      %dma_start3A_214 = arith.constant 0 : i32
      %dma_start3A_215 = tpu.memref_slice %arg10[%add3A_114, %dma_start3A_214] : memref<10112x32xf32, #tpu.memory_space<vmem_shared>> -> memref<158x32xf32, #tpu.memory_space<vmem_shared>>
      %dma_start3A_216 = arith.constant 0 : i32
      %dma_start3A_217 = tpu.memref_slice %arg10[%add3A_114, %dma_start3A_216] : memref<10112x32xf32, #tpu.memory_space<vmem_shared>> -> memref<158x32xf32, #tpu.memory_space<vmem_shared>>
      %dma_start3A_218 = arith.constant 0 : i32
      %dma_start3A_219 = arith.constant 0 : i32
      %dma_start3A_220 = tpu.memref_slice %arg9[%dma_start3A_218, %dma_start3A_219] : memref<632x32xf32, #tpu.memory_space<vmem>> -> memref<158x32xf32, #tpu.memory_space<vmem>>
      tpu.enqueue_dma source(%dma_start3A_220 : memref<158x32xf32, #tpu.memory_space<vmem>>) target(%dma_start3A_217 : memref<158x32xf32, #tpu.memory_space<vmem_shared>>) target_semaphore(%run_scoped3A_210 : memref<!tpu.dma_semaphore, #tpu.memory_space<semaphore_mem>>)
      %dma_wait3A_221 = arith.constant 0 : i32
      %dma_wait3A_222 = arith.constant 0 : i32
      %dma_wait3A_223 = tpu.memref_slice %arg9[%dma_wait3A_221, %dma_wait3A_222] : memref<632x32xf32, #tpu.memory_space<vmem>> -> memref<158x32xf32, #tpu.memory_space<vmem>>
      %dma_wait3A_224 = arith.constant 0 : i32
      %dma_wait3A_225 = tpu.memref_slice %arg10[%add3A_114, %dma_wait3A_224] : memref<10112x32xf32, #tpu.memory_space<vmem_shared>> -> memref<158x32xf32, #tpu.memory_space<vmem_shared>>
      %dma_wait3A_226 = arith.constant 0 : i32
      %dma_wait3A_227 = tpu.memref_slice %arg10[%add3A_114, %dma_wait3A_226] : memref<10112x32xf32, #tpu.memory_space<vmem_shared>> -> memref<158x32xf32, #tpu.memory_space<vmem_shared>>
      %dma_wait3A_228 = arith.constant 0 : i32
      %dma_wait3A_229 = arith.constant 0 : i32
      %dma_wait3A_230 = tpu.memref_slice %arg9[%dma_wait3A_228, %dma_wait3A_229] : memref<632x32xf32, #tpu.memory_space<vmem>> -> memref<158x32xf32, #tpu.memory_space<vmem>>
      tpu.wait_dma2 semaphore(%run_scoped3A_210 : memref<!tpu.dma_semaphore, #tpu.memory_space<semaphore_mem>>) src(%dma_wait3A_230 : memref<158x32xf32, #tpu.memory_space<vmem>>) dst(%dma_wait3A_227 : memref<158x32xf32, #tpu.memory_space<vmem_shared>>)
      tpu.yield
    }) : () -> ()
    %mul3A_115 = arith.constant 632 : i32
    %mul3A_116 = arith.muli %arg1, %mul3A_115 : i32
    %add3A_117 = arith.constant 158 : i32
    %add3A_118 = arith.addi %mul3A_116, %add3A_117 : i32
    "tpu.region"() ({
      %run_scoped3A_210 = tpu.sem_alloc : memref<!tpu.dma_semaphore, #tpu.memory_space<semaphore_mem>>
      %dma_start3A_211 = arith.constant 0 : i32
      %dma_start3A_212 = arith.constant 0 : i32
      %dma_start3A_213 = tpu.memref_slice %arg9[%dma_start3A_211, %dma_start3A_212] : memref<632x32xf32, #tpu.memory_space<vmem>> -> memref<158x32xf32, #tpu.memory_space<vmem>>
      %dma_start3A_214 = arith.constant 0 : i32
      %dma_start3A_215 = tpu.memref_slice %arg10[%add3A_118, %dma_start3A_214] : memref<10112x32xf32, #tpu.memory_space<vmem_shared>> -> memref<158x32xf32, #tpu.memory_space<vmem_shared>>
      %dma_start3A_216 = arith.constant 0 : i32
      %dma_start3A_217 = tpu.memref_slice %arg10[%add3A_118, %dma_start3A_216] : memref<10112x32xf32, #tpu.memory_space<vmem_shared>> -> memref<158x32xf32, #tpu.memory_space<vmem_shared>>
      %dma_start3A_218 = arith.constant 0 : i32
      %dma_start3A_219 = arith.constant 0 : i32
      %dma_start3A_220 = tpu.memref_slice %arg9[%dma_start3A_218, %dma_start3A_219] : memref<632x32xf32, #tpu.memory_space<vmem>> -> memref<158x32xf32, #tpu.memory_space<vmem>>
      tpu.enqueue_dma source(%dma_start3A_220 : memref<158x32xf32, #tpu.memory_space<vmem>>) target(%dma_start3A_217 : memref<158x32xf32, #tpu.memory_space<vmem_shared>>) target_semaphore(%run_scoped3A_210 : memref<!tpu.dma_semaphore, #tpu.memory_space<semaphore_mem>>)
      %dma_wait3A_221 = arith.constant 0 : i32
      %dma_wait3A_222 = arith.constant 0 : i32
      %dma_wait3A_223 = tpu.memref_slice %arg9[%dma_wait3A_221, %dma_wait3A_222] : memref<632x32xf32, #tpu.memory_space<vmem>> -> memref<158x32xf32, #tpu.memory_space<vmem>>
      %dma_wait3A_224 = arith.constant 0 : i32
      %dma_wait3A_225 = tpu.memref_slice %arg10[%add3A_118, %dma_wait3A_224] : memref<10112x32xf32, #tpu.memory_space<vmem_shared>> -> memref<158x32xf32, #tpu.memory_space<vmem_shared>>
      %dma_wait3A_226 = arith.constant 0 : i32
      %dma_wait3A_227 = tpu.memref_slice %arg10[%add3A_118, %dma_wait3A_226] : memref<10112x32xf32, #tpu.memory_space<vmem_shared>> -> memref<158x32xf32, #tpu.memory_space<vmem_shared>>
      %dma_wait3A_228 = arith.constant 0 : i32
      %dma_wait3A_229 = arith.constant 0 : i32
      %dma_wait3A_230 = tpu.memref_slice %arg9[%dma_wait3A_228, %dma_wait3A_229] : memref<632x32xf32, #tpu.memory_space<vmem>> -> memref<158x32xf32, #tpu.memory_space<vmem>>
      tpu.wait_dma2 semaphore(%run_scoped3A_210 : memref<!tpu.dma_semaphore, #tpu.memory_space<semaphore_mem>>) src(%dma_wait3A_230 : memref<158x32xf32, #tpu.memory_space<vmem>>) dst(%dma_wait3A_227 : memref<158x32xf32, #tpu.memory_space<vmem_shared>>)
      tpu.yield
    }) : () -> ()
    %mul3A_119 = arith.constant 632 : i32
    %mul3A_120 = arith.muli %arg1, %mul3A_119 : i32
    %add3A_121 = arith.constant 316 : i32
    %add3A_122 = arith.addi %mul3A_120, %add3A_121 : i32
    "tpu.region"() ({
      %run_scoped3A_210 = tpu.sem_alloc : memref<!tpu.dma_semaphore, #tpu.memory_space<semaphore_mem>>
      %dma_start3A_211 = arith.constant 0 : i32
      %dma_start3A_212 = arith.constant 0 : i32
      %dma_start3A_213 = tpu.memref_slice %arg9[%dma_start3A_211, %dma_start3A_212] : memref<632x32xf32, #tpu.memory_space<vmem>> -> memref<158x32xf32, #tpu.memory_space<vmem>>
      %dma_start3A_214 = arith.constant 0 : i32
      %dma_start3A_215 = tpu.memref_slice %arg10[%add3A_122, %dma_start3A_214] : memref<10112x32xf32, #tpu.memory_space<vmem_shared>> -> memref<158x32xf32, #tpu.memory_space<vmem_shared>>
      %dma_start3A_216 = arith.constant 0 : i32
      %dma_start3A_217 = tpu.memref_slice %arg10[%add3A_122, %dma_start3A_216] : memref<10112x32xf32, #tpu.memory_space<vmem_shared>> -> memref<158x32xf32, #tpu.memory_space<vmem_shared>>
      %dma_start3A_218 = arith.constant 0 : i32
      %dma_start3A_219 = arith.constant 0 : i32
      %dma_start3A_220 = tpu.memref_slice %arg9[%dma_start3A_218, %dma_start3A_219] : memref<632x32xf32, #tpu.memory_space<vmem>> -> memref<158x32xf32, #tpu.memory_space<vmem>>
      tpu.enqueue_dma source(%dma_start3A_220 : memref<158x32xf32, #tpu.memory_space<vmem>>) target(%dma_start3A_217 : memref<158x32xf32, #tpu.memory_space<vmem_shared>>) target_semaphore(%run_scoped3A_210 : memref<!tpu.dma_semaphore, #tpu.memory_space<semaphore_mem>>)
      %dma_wait3A_221 = arith.constant 0 : i32
      %dma_wait3A_222 = arith.constant 0 : i32
      %dma_wait3A_223 = tpu.memref_slice %arg9[%dma_wait3A_221, %dma_wait3A_222] : memref<632x32xf32, #tpu.memory_space<vmem>> -> memref<158x32xf32, #tpu.memory_space<vmem>>
      %dma_wait3A_224 = arith.constant 0 : i32
      %dma_wait3A_225 = tpu.memref_slice %arg10[%add3A_122, %dma_wait3A_224] : memref<10112x32xf32, #tpu.memory_space<vmem_shared>> -> memref<158x32xf32, #tpu.memory_space<vmem_shared>>
      %dma_wait3A_226 = arith.constant 0 : i32
      %dma_wait3A_227 = tpu.memref_slice %arg10[%add3A_122, %dma_wait3A_226] : memref<10112x32xf32, #tpu.memory_space<vmem_shared>> -> memref<158x32xf32, #tpu.memory_space<vmem_shared>>
      %dma_wait3A_228 = arith.constant 0 : i32
      %dma_wait3A_229 = arith.constant 0 : i32
      %dma_wait3A_230 = tpu.memref_slice %arg9[%dma_wait3A_228, %dma_wait3A_229] : memref<632x32xf32, #tpu.memory_space<vmem>> -> memref<158x32xf32, #tpu.memory_space<vmem>>
      tpu.wait_dma2 semaphore(%run_scoped3A_210 : memref<!tpu.dma_semaphore, #tpu.memory_space<semaphore_mem>>) src(%dma_wait3A_230 : memref<158x32xf32, #tpu.memory_space<vmem>>) dst(%dma_wait3A_227 : memref<158x32xf32, #tpu.memory_space<vmem_shared>>)
      tpu.yield
    }) : () -> ()
    %mul3A_123 = arith.constant 632 : i32
    %mul3A_124 = arith.muli %arg1, %mul3A_123 : i32
    %add3A_125 = arith.constant 474 : i32
    %add3A_126 = arith.addi %mul3A_124, %add3A_125 : i32
    "tpu.region"() ({
      %run_scoped3A_210 = tpu.sem_alloc : memref<!tpu.dma_semaphore, #tpu.memory_space<semaphore_mem>>
      %dma_start3A_211 = arith.constant 0 : i32
      %dma_start3A_212 = arith.constant 0 : i32
      %dma_start3A_213 = tpu.memref_slice %arg9[%dma_start3A_211, %dma_start3A_212] : memref<632x32xf32, #tpu.memory_space<vmem>> -> memref<158x32xf32, #tpu.memory_space<vmem>>
      %dma_start3A_214 = arith.constant 0 : i32
      %dma_start3A_215 = tpu.memref_slice %arg10[%add3A_126, %dma_start3A_214] : memref<10112x32xf32, #tpu.memory_space<vmem_shared>> -> memref<158x32xf32, #tpu.memory_space<vmem_shared>>
      %dma_start3A_216 = arith.constant 0 : i32
      %dma_start3A_217 = tpu.memref_slice %arg10[%add3A_126, %dma_start3A_216] : memref<10112x32xf32, #tpu.memory_space<vmem_shared>> -> memref<158x32xf32, #tpu.memory_space<vmem_shared>>
      %dma_start3A_218 = arith.constant 0 : i32
      %dma_start3A_219 = arith.constant 0 : i32
      %dma_start3A_220 = tpu.memref_slice %arg9[%dma_start3A_218, %dma_start3A_219] : memref<632x32xf32, #tpu.memory_space<vmem>> -> memref<158x32xf32, #tpu.memory_space<vmem>>
      tpu.enqueue_dma source(%dma_start3A_220 : memref<158x32xf32, #tpu.memory_space<vmem>>) target(%dma_start3A_217 : memref<158x32xf32, #tpu.memory_space<vmem_shared>>) target_semaphore(%run_scoped3A_210 : memref<!tpu.dma_semaphore, #tpu.memory_space<semaphore_mem>>)
      %dma_wait3A_221 = arith.constant 0 : i32
      %dma_wait3A_222 = arith.constant 0 : i32
      %dma_wait3A_223 = tpu.memref_slice %arg9[%dma_wait3A_221, %dma_wait3A_222] : memref<632x32xf32, #tpu.memory_space<vmem>> -> memref<158x32xf32, #tpu.memory_space<vmem>>
      %dma_wait3A_224 = arith.constant 0 : i32
      %dma_wait3A_225 = tpu.memref_slice %arg10[%add3A_126, %dma_wait3A_224] : memref<10112x32xf32, #tpu.memory_space<vmem_shared>> -> memref<158x32xf32, #tpu.memory_space<vmem_shared>>
      %dma_wait3A_226 = arith.constant 0 : i32
      %dma_wait3A_227 = tpu.memref_slice %arg10[%add3A_126, %dma_wait3A_226] : memref<10112x32xf32, #tpu.memory_space<vmem_shared>> -> memref<158x32xf32, #tpu.memory_space<vmem_shared>>
      %dma_wait3A_228 = arith.constant 0 : i32
      %dma_wait3A_229 = arith.constant 0 : i32
      %dma_wait3A_230 = tpu.memref_slice %arg9[%dma_wait3A_228, %dma_wait3A_229] : memref<632x32xf32, #tpu.memory_space<vmem>> -> memref<158x32xf32, #tpu.memory_space<vmem>>
      tpu.wait_dma2 semaphore(%run_scoped3A_210 : memref<!tpu.dma_semaphore, #tpu.memory_space<semaphore_mem>>) src(%dma_wait3A_230 : memref<158x32xf32, #tpu.memory_space<vmem>>) dst(%dma_wait3A_227 : memref<158x32xf32, #tpu.memory_space<vmem_shared>>)
      tpu.yield
    }) : () -> ()
    %run_scoped3A = arith.constant 0 : i32
    "tpu.region"() ({
      %run_scoped3A_210 = tpu.sem_alloc : memref<!tpu.dma_semaphore, #tpu.memory_space<semaphore_mem>>
      %dma_start3A_211 = tpu.memref_slice %arg3[%run_scoped3A, %mul3A_2] : memref<2x320000xi32, #tpu.memory_space<hbm>> -> memref<1x10000xi32, #tpu.memory_space<hbm>>
      %dma_start3A_212 = tpu.memref_squeeze %dma_start3A_211 : memref<1x10000xi32, #tpu.memory_space<hbm>> -> memref<10000xi32, #tpu.memory_space<hbm>>
      %dma_start3A_213 = tpu.memref_slice %arg3[%run_scoped3A, %mul3A_2] : memref<2x320000xi32, #tpu.memory_space<hbm>> -> memref<1x10000xi32, #tpu.memory_space<hbm>>
      %dma_start3A_214 = tpu.memref_squeeze %dma_start3A_213 : memref<1x10000xi32, #tpu.memory_space<hbm>> -> memref<10000xi32, #tpu.memory_space<hbm>>
      tpu.enqueue_dma source(%dma_start3A_214 : memref<10000xi32, #tpu.memory_space<hbm>>) target(%arg5 : memref<10000xi32, #tpu.memory_space<vmem>>) target_semaphore(%run_scoped3A_210 : memref<!tpu.dma_semaphore, #tpu.memory_space<semaphore_mem>>)
      %dma_wait3A_215 = tpu.memref_slice %arg3[%run_scoped3A, %mul3A_2] : memref<2x320000xi32, #tpu.memory_space<hbm>> -> memref<1x10000xi32, #tpu.memory_space<hbm>>
      %dma_wait3A_216 = tpu.memref_squeeze %dma_wait3A_215 : memref<1x10000xi32, #tpu.memory_space<hbm>> -> memref<10000xi32, #tpu.memory_space<hbm>>
      %dma_wait3A_217 = tpu.memref_slice %arg3[%run_scoped3A, %mul3A_2] : memref<2x320000xi32, #tpu.memory_space<hbm>> -> memref<1x10000xi32, #tpu.memory_space<hbm>>
      %dma_wait3A_218 = tpu.memref_squeeze %dma_wait3A_217 : memref<1x10000xi32, #tpu.memory_space<hbm>> -> memref<10000xi32, #tpu.memory_space<hbm>>
      tpu.wait_dma2 semaphore(%run_scoped3A_210 : memref<!tpu.dma_semaphore, #tpu.memory_space<semaphore_mem>>) src(%dma_wait3A_218 : memref<10000xi32, #tpu.memory_space<hbm>>) dst(%arg5 : memref<10000xi32, #tpu.memory_space<vmem>>)
      tpu.yield
    }) : () -> ()
    %run_scoped3A_127 = arith.constant 1 : i32
    "tpu.region"() ({
      %run_scoped3A_210 = tpu.sem_alloc : memref<!tpu.dma_semaphore, #tpu.memory_space<semaphore_mem>>
      %dma_start3A_211 = tpu.memref_slice %arg3[%run_scoped3A_127, %mul3A_2] : memref<2x320000xi32, #tpu.memory_space<hbm>> -> memref<1x10000xi32, #tpu.memory_space<hbm>>
      %dma_start3A_212 = tpu.memref_squeeze %dma_start3A_211 : memref<1x10000xi32, #tpu.memory_space<hbm>> -> memref<10000xi32, #tpu.memory_space<hbm>>
      %dma_start3A_213 = tpu.memref_slice %arg3[%run_scoped3A_127, %mul3A_2] : memref<2x320000xi32, #tpu.memory_space<hbm>> -> memref<1x10000xi32, #tpu.memory_space<hbm>>
      %dma_start3A_214 = tpu.memref_squeeze %dma_start3A_213 : memref<1x10000xi32, #tpu.memory_space<hbm>> -> memref<10000xi32, #tpu.memory_space<hbm>>
      tpu.enqueue_dma source(%dma_start3A_214 : memref<10000xi32, #tpu.memory_space<hbm>>) target(%arg6 : memref<10000xi32, #tpu.memory_space<vmem>>) target_semaphore(%run_scoped3A_210 : memref<!tpu.dma_semaphore, #tpu.memory_space<semaphore_mem>>)
      %dma_wait3A_215 = tpu.memref_slice %arg3[%run_scoped3A_127, %mul3A_2] : memref<2x320000xi32, #tpu.memory_space<hbm>> -> memref<1x10000xi32, #tpu.memory_space<hbm>>
      %dma_wait3A_216 = tpu.memref_squeeze %dma_wait3A_215 : memref<1x10000xi32, #tpu.memory_space<hbm>> -> memref<10000xi32, #tpu.memory_space<hbm>>
      %dma_wait3A_217 = tpu.memref_slice %arg3[%run_scoped3A_127, %mul3A_2] : memref<2x320000xi32, #tpu.memory_space<hbm>> -> memref<1x10000xi32, #tpu.memory_space<hbm>>
      %dma_wait3A_218 = tpu.memref_squeeze %dma_wait3A_217 : memref<1x10000xi32, #tpu.memory_space<hbm>> -> memref<10000xi32, #tpu.memory_space<hbm>>
      tpu.wait_dma2 semaphore(%run_scoped3A_210 : memref<!tpu.dma_semaphore, #tpu.memory_space<semaphore_mem>>) src(%dma_wait3A_218 : memref<10000xi32, #tpu.memory_space<hbm>>) dst(%arg6 : memref<10000xi32, #tpu.memory_space<vmem>>)
      tpu.yield
    }) : () -> ()
    %barrier3A = arith.constant 0 : index
    tpu.barrier barrier_id(%barrier3A)
    %scan3A_128 = arith.constant 0 : i32
    %scan3A_129 = arith.constant 0 : i32
    %scan3A_130 = arith.constant 13 : i32
    %scan3A_131 = arith.addi %scan3A_129, %scan3A_130 : i32
    %scan3A_132 = arith.constant 1 : i32
    %scan3A_133 = scf.for %scan3A_210 = %scan3A_129 to %scan3A_131 step %scan3A_132 iter_args(%scan3A_211 = %scan3A_128) -> (i32)  : i32 {
      %mul3A_212 = arith.constant 6 : i32
      %mul3A_213 = arith.muli %scan3A_210, %mul3A_212 : i32
      %gt3A = arith.constant 0 : i32
      %gt3A_214 = arith.cmpi sgt, %scan3A_210, %gt3A : i32
      %convert_element_type3A = arith.extui %gt3A_214 : i1 to i32
      %cond3A = arith.constant 0 : i32
      %cond3A_215 = arith.cmpi ne, %convert_element_type3A, %cond3A : i32
      scf.if %cond3A_215 {
        %add3A_452 = arith.constant 0 : i32
        %add3A_453 = arith.addi %mul3A_213, %add3A_452 : i32
        %mul3A_454 = arith.constant 128 : i32
        %mul3A_455 = arith.muli %add3A_453, %mul3A_454 : i32
        %dma_wait3A_456 = arith.constant 0 : i32
        %dma_wait3A_457 = arith.constant 0 : i32
        %dma_wait3A_458 = arith.constant 0 : i32
        %dma_wait3A_459 = tpu.memref_slice %arg7[%dma_wait3A_456, %dma_wait3A_457, %dma_wait3A_458] : memref<6x128x32xf32, #tpu.memory_space<vmem>> -> memref<1x128x32xf32, #tpu.memory_space<vmem>>
        %dma_wait3A_460 = tpu.memref_squeeze %dma_wait3A_459 : memref<1x128x32xf32, #tpu.memory_space<vmem>> -> memref<128x32xf32, #tpu.memory_space<vmem>>
        %dma_wait3A_461 = tpu.memref_slice %arg6[%mul3A_455] : memref<10000xi32, #tpu.memory_space<vmem>> -> memref<128xi32, #tpu.memory_space<vmem>>
        %dma_wait3A_462 = arith.constant 0 : i32
        %dma_wait3A_463 = arith.constant 0 : i32
        %dma_wait3A_464 = tpu.memref_slice %arg10[%dma_wait3A_462, %dma_wait3A_463] : memref<10112x32xf32, #tpu.memory_space<vmem_shared>> -> memref<10112x32xf32, #tpu.memory_space<vmem_shared>>
        tpu.wait_indirect_dma semaphore(%arg13 : memref<!tpu.dma_semaphore, #tpu.memory_space<semaphore_mem>>) src(%dma_wait3A_460 : memref<128x32xf32, #tpu.memory_space<vmem>>) dst(%dma_wait3A_464 : memref<10112x32xf32, #tpu.memory_space<vmem_shared>>)
      } else {
      }
      %add3A_216 = arith.constant 0 : i32
      %add3A_217 = arith.addi %mul3A_213, %add3A_216 : i32
      %mul3A_218 = arith.constant 128 : i32
      %mul3A_219 = arith.muli %add3A_217, %mul3A_218 : i32
      %dma_start3A_220 = arith.constant 0 : i32
      %dma_start3A_221 = arith.constant 0 : i32
      %dma_start3A_222 = arith.constant 0 : i32
      %dma_start3A_223 = tpu.memref_slice %arg7[%dma_start3A_220, %dma_start3A_221, %dma_start3A_222] : memref<6x128x32xf32, #tpu.memory_space<vmem>> -> memref<1x128x32xf32, #tpu.memory_space<vmem>>
      %dma_start3A_224 = tpu.memref_squeeze %dma_start3A_223 : memref<1x128x32xf32, #tpu.memory_space<vmem>> -> memref<128x32xf32, #tpu.memory_space<vmem>>
      %dma_start3A_225 = tpu.memref_slice %arg5[%mul3A_219] : memref<10000xi32, #tpu.memory_space<vmem>> -> memref<128xi32, #tpu.memory_space<vmem>>
      %dma_start3A_226 = arith.constant 0 : i32
      %dma_start3A_227 = arith.constant 0 : i32
      %dma_start3A_228 = tpu.memref_slice %arg11[%dma_start3A_226, %dma_start3A_227] : memref<10112x32xf32, #tpu.memory_space<vmem_shared>> -> memref<10112x32xf32, #tpu.memory_space<vmem_shared>>
      tpu.enqueue_indirect_dma source(%dma_start3A_228 : memref<10112x32xf32, #tpu.memory_space<vmem_shared>>) target(%dma_start3A_224 : memref<128x32xf32, #tpu.memory_space<vmem>>) offsets(%dma_start3A_225 : memref<128xi32, #tpu.memory_space<vmem>>) semaphore(%arg12 : memref<!tpu.dma_semaphore, #tpu.memory_space<semaphore_mem>>)
      %gt3A_229 = arith.constant 0 : i32
      %gt3A_230 = arith.cmpi sgt, %scan3A_210, %gt3A_229 : i32
      %convert_element_type3A_231 = arith.extui %gt3A_230 : i1 to i32
      %cond3A_232 = arith.constant 0 : i32
      %cond3A_233 = arith.cmpi ne, %convert_element_type3A_231, %cond3A_232 : i32
      scf.if %cond3A_233 {
        %add3A_452 = arith.constant 1 : i32
        %add3A_453 = arith.addi %mul3A_213, %add3A_452 : i32
        %mul3A_454 = arith.constant 128 : i32
        %mul3A_455 = arith.muli %add3A_453, %mul3A_454 : i32
        %dma_wait3A_456 = arith.constant 1 : i32
        %dma_wait3A_457 = arith.constant 0 : i32
        %dma_wait3A_458 = arith.constant 0 : i32
        %dma_wait3A_459 = tpu.memref_slice %arg7[%dma_wait3A_456, %dma_wait3A_457, %dma_wait3A_458] : memref<6x128x32xf32, #tpu.memory_space<vmem>> -> memref<1x128x32xf32, #tpu.memory_space<vmem>>
        %dma_wait3A_460 = tpu.memref_squeeze %dma_wait3A_459 : memref<1x128x32xf32, #tpu.memory_space<vmem>> -> memref<128x32xf32, #tpu.memory_space<vmem>>
        %dma_wait3A_461 = tpu.memref_slice %arg6[%mul3A_455] : memref<10000xi32, #tpu.memory_space<vmem>> -> memref<128xi32, #tpu.memory_space<vmem>>
        %dma_wait3A_462 = arith.constant 0 : i32
        %dma_wait3A_463 = arith.constant 0 : i32
        %dma_wait3A_464 = tpu.memref_slice %arg10[%dma_wait3A_462, %dma_wait3A_463] : memref<10112x32xf32, #tpu.memory_space<vmem_shared>> -> memref<10112x32xf32, #tpu.memory_space<vmem_shared>>
        tpu.wait_indirect_dma semaphore(%arg13 : memref<!tpu.dma_semaphore, #tpu.memory_space<semaphore_mem>>) src(%dma_wait3A_460 : memref<128x32xf32, #tpu.memory_space<vmem>>) dst(%dma_wait3A_464 : memref<10112x32xf32, #tpu.memory_space<vmem_shared>>)
      } else {
      }
      %add3A_234 = arith.constant 1 : i32
      %add3A_235 = arith.addi %mul3A_213, %add3A_234 : i32
      %mul3A_236 = arith.constant 128 : i32
      %mul3A_237 = arith.muli %add3A_235, %mul3A_236 : i32
      %dma_start3A_238 = arith.constant 1 : i32
      %dma_start3A_239 = arith.constant 0 : i32
      %dma_start3A_240 = arith.constant 0 : i32
      %dma_start3A_241 = tpu.memref_slice %arg7[%dma_start3A_238, %dma_start3A_239, %dma_start3A_240] : memref<6x128x32xf32, #tpu.memory_space<vmem>> -> memref<1x128x32xf32, #tpu.memory_space<vmem>>
      %dma_start3A_242 = tpu.memref_squeeze %dma_start3A_241 : memref<1x128x32xf32, #tpu.memory_space<vmem>> -> memref<128x32xf32, #tpu.memory_space<vmem>>
      %dma_start3A_243 = tpu.memref_slice %arg5[%mul3A_237] : memref<10000xi32, #tpu.memory_space<vmem>> -> memref<128xi32, #tpu.memory_space<vmem>>
      %dma_start3A_244 = arith.constant 0 : i32
      %dma_start3A_245 = arith.constant 0 : i32
      %dma_start3A_246 = tpu.memref_slice %arg11[%dma_start3A_244, %dma_start3A_245] : memref<10112x32xf32, #tpu.memory_space<vmem_shared>> -> memref<10112x32xf32, #tpu.memory_space<vmem_shared>>
      tpu.enqueue_indirect_dma source(%dma_start3A_246 : memref<10112x32xf32, #tpu.memory_space<vmem_shared>>) target(%dma_start3A_242 : memref<128x32xf32, #tpu.memory_space<vmem>>) offsets(%dma_start3A_243 : memref<128xi32, #tpu.memory_space<vmem>>) semaphore(%arg12 : memref<!tpu.dma_semaphore, #tpu.memory_space<semaphore_mem>>)
      %gt3A_247 = arith.constant 0 : i32
      %gt3A_248 = arith.cmpi sgt, %scan3A_210, %gt3A_247 : i32
      %convert_element_type3A_249 = arith.extui %gt3A_248 : i1 to i32
      %cond3A_250 = arith.constant 0 : i32
      %cond3A_251 = arith.cmpi ne, %convert_element_type3A_249, %cond3A_250 : i32
      scf.if %cond3A_251 {
        %add3A_452 = arith.constant 2 : i32
        %add3A_453 = arith.addi %mul3A_213, %add3A_452 : i32
        %mul3A_454 = arith.constant 128 : i32
        %mul3A_455 = arith.muli %add3A_453, %mul3A_454 : i32
        %dma_wait3A_456 = arith.constant 2 : i32
        %dma_wait3A_457 = arith.constant 0 : i32
        %dma_wait3A_458 = arith.constant 0 : i32
        %dma_wait3A_459 = tpu.memref_slice %arg7[%dma_wait3A_456, %dma_wait3A_457, %dma_wait3A_458] : memref<6x128x32xf32, #tpu.memory_space<vmem>> -> memref<1x128x32xf32, #tpu.memory_space<vmem>>
        %dma_wait3A_460 = tpu.memref_squeeze %dma_wait3A_459 : memref<1x128x32xf32, #tpu.memory_space<vmem>> -> memref<128x32xf32, #tpu.memory_space<vmem>>
        %dma_wait3A_461 = tpu.memref_slice %arg6[%mul3A_455] : memref<10000xi32, #tpu.memory_space<vmem>> -> memref<128xi32, #tpu.memory_space<vmem>>
        %dma_wait3A_462 = arith.constant 0 : i32
        %dma_wait3A_463 = arith.constant 0 : i32
        %dma_wait3A_464 = tpu.memref_slice %arg10[%dma_wait3A_462, %dma_wait3A_463] : memref<10112x32xf32, #tpu.memory_space<vmem_shared>> -> memref<10112x32xf32, #tpu.memory_space<vmem_shared>>
        tpu.wait_indirect_dma semaphore(%arg13 : memref<!tpu.dma_semaphore, #tpu.memory_space<semaphore_mem>>) src(%dma_wait3A_460 : memref<128x32xf32, #tpu.memory_space<vmem>>) dst(%dma_wait3A_464 : memref<10112x32xf32, #tpu.memory_space<vmem_shared>>)
      } else {
      }
      %add3A_252 = arith.constant 2 : i32
      %add3A_253 = arith.addi %mul3A_213, %add3A_252 : i32
      %mul3A_254 = arith.constant 128 : i32
      %mul3A_255 = arith.muli %add3A_253, %mul3A_254 : i32
      %dma_start3A_256 = arith.constant 2 : i32
      %dma_start3A_257 = arith.constant 0 : i32
      %dma_start3A_258 = arith.constant 0 : i32
      %dma_start3A_259 = tpu.memref_slice %arg7[%dma_start3A_256, %dma_start3A_257, %dma_start3A_258] : memref<6x128x32xf32, #tpu.memory_space<vmem>> -> memref<1x128x32xf32, #tpu.memory_space<vmem>>
      %dma_start3A_260 = tpu.memref_squeeze %dma_start3A_259 : memref<1x128x32xf32, #tpu.memory_space<vmem>> -> memref<128x32xf32, #tpu.memory_space<vmem>>
      %dma_start3A_261 = tpu.memref_slice %arg5[%mul3A_255] : memref<10000xi32, #tpu.memory_space<vmem>> -> memref<128xi32, #tpu.memory_space<vmem>>
      %dma_start3A_262 = arith.constant 0 : i32
      %dma_start3A_263 = arith.constant 0 : i32
      %dma_start3A_264 = tpu.memref_slice %arg11[%dma_start3A_262, %dma_start3A_263] : memref<10112x32xf32, #tpu.memory_space<vmem_shared>> -> memref<10112x32xf32, #tpu.memory_space<vmem_shared>>
      tpu.enqueue_indirect_dma source(%dma_start3A_264 : memref<10112x32xf32, #tpu.memory_space<vmem_shared>>) target(%dma_start3A_260 : memref<128x32xf32, #tpu.memory_space<vmem>>) offsets(%dma_start3A_261 : memref<128xi32, #tpu.memory_space<vmem>>) semaphore(%arg12 : memref<!tpu.dma_semaphore, #tpu.memory_space<semaphore_mem>>)
      %gt3A_265 = arith.constant 0 : i32
      %gt3A_266 = arith.cmpi sgt, %scan3A_210, %gt3A_265 : i32
      %convert_element_type3A_267 = arith.extui %gt3A_266 : i1 to i32
      %cond3A_268 = arith.constant 0 : i32
      %cond3A_269 = arith.cmpi ne, %convert_element_type3A_267, %cond3A_268 : i32
      scf.if %cond3A_269 {
        %add3A_452 = arith.constant 3 : i32
        %add3A_453 = arith.addi %mul3A_213, %add3A_452 : i32
        %mul3A_454 = arith.constant 128 : i32
        %mul3A_455 = arith.muli %add3A_453, %mul3A_454 : i32
        %dma_wait3A_456 = arith.constant 3 : i32
        %dma_wait3A_457 = arith.constant 0 : i32
        %dma_wait3A_458 = arith.constant 0 : i32
        %dma_wait3A_459 = tpu.memref_slice %arg7[%dma_wait3A_456, %dma_wait3A_457, %dma_wait3A_458] : memref<6x128x32xf32, #tpu.memory_space<vmem>> -> memref<1x128x32xf32, #tpu.memory_space<vmem>>
        %dma_wait3A_460 = tpu.memref_squeeze %dma_wait3A_459 : memref<1x128x32xf32, #tpu.memory_space<vmem>> -> memref<128x32xf32, #tpu.memory_space<vmem>>
        %dma_wait3A_461 = tpu.memref_slice %arg6[%mul3A_455] : memref<10000xi32, #tpu.memory_space<vmem>> -> memref<128xi32, #tpu.memory_space<vmem>>
        %dma_wait3A_462 = arith.constant 0 : i32
        %dma_wait3A_463 = arith.constant 0 : i32
        %dma_wait3A_464 = tpu.memref_slice %arg10[%dma_wait3A_462, %dma_wait3A_463] : memref<10112x32xf32, #tpu.memory_space<vmem_shared>> -> memref<10112x32xf32, #tpu.memory_space<vmem_shared>>
        tpu.wait_indirect_dma semaphore(%arg13 : memref<!tpu.dma_semaphore, #tpu.memory_space<semaphore_mem>>) src(%dma_wait3A_460 : memref<128x32xf32, #tpu.memory_space<vmem>>) dst(%dma_wait3A_464 : memref<10112x32xf32, #tpu.memory_space<vmem_shared>>)
      } else {
      }
      %add3A_270 = arith.constant 3 : i32
      %add3A_271 = arith.addi %mul3A_213, %add3A_270 : i32
      %mul3A_272 = arith.constant 128 : i32
      %mul3A_273 = arith.muli %add3A_271, %mul3A_272 : i32
      %dma_start3A_274 = arith.constant 3 : i32
      %dma_start3A_275 = arith.constant 0 : i32
      %dma_start3A_276 = arith.constant 0 : i32
      %dma_start3A_277 = tpu.memref_slice %arg7[%dma_start3A_274, %dma_start3A_275, %dma_start3A_276] : memref<6x128x32xf32, #tpu.memory_space<vmem>> -> memref<1x128x32xf32, #tpu.memory_space<vmem>>
      %dma_start3A_278 = tpu.memref_squeeze %dma_start3A_277 : memref<1x128x32xf32, #tpu.memory_space<vmem>> -> memref<128x32xf32, #tpu.memory_space<vmem>>
      %dma_start3A_279 = tpu.memref_slice %arg5[%mul3A_273] : memref<10000xi32, #tpu.memory_space<vmem>> -> memref<128xi32, #tpu.memory_space<vmem>>
      %dma_start3A_280 = arith.constant 0 : i32
      %dma_start3A_281 = arith.constant 0 : i32
      %dma_start3A_282 = tpu.memref_slice %arg11[%dma_start3A_280, %dma_start3A_281] : memref<10112x32xf32, #tpu.memory_space<vmem_shared>> -> memref<10112x32xf32, #tpu.memory_space<vmem_shared>>
      tpu.enqueue_indirect_dma source(%dma_start3A_282 : memref<10112x32xf32, #tpu.memory_space<vmem_shared>>) target(%dma_start3A_278 : memref<128x32xf32, #tpu.memory_space<vmem>>) offsets(%dma_start3A_279 : memref<128xi32, #tpu.memory_space<vmem>>) semaphore(%arg12 : memref<!tpu.dma_semaphore, #tpu.memory_space<semaphore_mem>>)
      %gt3A_283 = arith.constant 0 : i32
      %gt3A_284 = arith.cmpi sgt, %scan3A_210, %gt3A_283 : i32
      %convert_element_type3A_285 = arith.extui %gt3A_284 : i1 to i32
      %cond3A_286 = arith.constant 0 : i32
      %cond3A_287 = arith.cmpi ne, %convert_element_type3A_285, %cond3A_286 : i32
      scf.if %cond3A_287 {
        %add3A_452 = arith.constant 4 : i32
        %add3A_453 = arith.addi %mul3A_213, %add3A_452 : i32
        %mul3A_454 = arith.constant 128 : i32
        %mul3A_455 = arith.muli %add3A_453, %mul3A_454 : i32
        %dma_wait3A_456 = arith.constant 4 : i32
        %dma_wait3A_457 = arith.constant 0 : i32
        %dma_wait3A_458 = arith.constant 0 : i32
        %dma_wait3A_459 = tpu.memref_slice %arg7[%dma_wait3A_456, %dma_wait3A_457, %dma_wait3A_458] : memref<6x128x32xf32, #tpu.memory_space<vmem>> -> memref<1x128x32xf32, #tpu.memory_space<vmem>>
        %dma_wait3A_460 = tpu.memref_squeeze %dma_wait3A_459 : memref<1x128x32xf32, #tpu.memory_space<vmem>> -> memref<128x32xf32, #tpu.memory_space<vmem>>
        %dma_wait3A_461 = tpu.memref_slice %arg6[%mul3A_455] : memref<10000xi32, #tpu.memory_space<vmem>> -> memref<128xi32, #tpu.memory_space<vmem>>
        %dma_wait3A_462 = arith.constant 0 : i32
        %dma_wait3A_463 = arith.constant 0 : i32
        %dma_wait3A_464 = tpu.memref_slice %arg10[%dma_wait3A_462, %dma_wait3A_463] : memref<10112x32xf32, #tpu.memory_space<vmem_shared>> -> memref<10112x32xf32, #tpu.memory_space<vmem_shared>>
        tpu.wait_indirect_dma semaphore(%arg13 : memref<!tpu.dma_semaphore, #tpu.memory_space<semaphore_mem>>) src(%dma_wait3A_460 : memref<128x32xf32, #tpu.memory_space<vmem>>) dst(%dma_wait3A_464 : memref<10112x32xf32, #tpu.memory_space<vmem_shared>>)
      } else {
      }
      %add3A_288 = arith.constant 4 : i32
      %add3A_289 = arith.addi %mul3A_213, %add3A_288 : i32
      %mul3A_290 = arith.constant 128 : i32
      %mul3A_291 = arith.muli %add3A_289, %mul3A_290 : i32
      %dma_start3A_292 = arith.constant 4 : i32
      %dma_start3A_293 = arith.constant 0 : i32
      %dma_start3A_294 = arith.constant 0 : i32
      %dma_start3A_295 = tpu.memref_slice %arg7[%dma_start3A_292, %dma_start3A_293, %dma_start3A_294] : memref<6x128x32xf32, #tpu.memory_space<vmem>> -> memref<1x128x32xf32, #tpu.memory_space<vmem>>
      %dma_start3A_296 = tpu.memref_squeeze %dma_start3A_295 : memref<1x128x32xf32, #tpu.memory_space<vmem>> -> memref<128x32xf32, #tpu.memory_space<vmem>>
      %dma_start3A_297 = tpu.memref_slice %arg5[%mul3A_291] : memref<10000xi32, #tpu.memory_space<vmem>> -> memref<128xi32, #tpu.memory_space<vmem>>
      %dma_start3A_298 = arith.constant 0 : i32
      %dma_start3A_299 = arith.constant 0 : i32
      %dma_start3A_300 = tpu.memref_slice %arg11[%dma_start3A_298, %dma_start3A_299] : memref<10112x32xf32, #tpu.memory_space<vmem_shared>> -> memref<10112x32xf32, #tpu.memory_space<vmem_shared>>
      tpu.enqueue_indirect_dma source(%dma_start3A_300 : memref<10112x32xf32, #tpu.memory_space<vmem_shared>>) target(%dma_start3A_296 : memref<128x32xf32, #tpu.memory_space<vmem>>) offsets(%dma_start3A_297 : memref<128xi32, #tpu.memory_space<vmem>>) semaphore(%arg12 : memref<!tpu.dma_semaphore, #tpu.memory_space<semaphore_mem>>)
      %gt3A_301 = arith.constant 0 : i32
      %gt3A_302 = arith.cmpi sgt, %scan3A_210, %gt3A_301 : i32
      %convert_element_type3A_303 = arith.extui %gt3A_302 : i1 to i32
      %cond3A_304 = arith.constant 0 : i32
      %cond3A_305 = arith.cmpi ne, %convert_element_type3A_303, %cond3A_304 : i32
      scf.if %cond3A_305 {
        %add3A_452 = arith.constant 5 : i32
        %add3A_453 = arith.addi %mul3A_213, %add3A_452 : i32
        %mul3A_454 = arith.constant 128 : i32
        %mul3A_455 = arith.muli %add3A_453, %mul3A_454 : i32
        %dma_wait3A_456 = arith.constant 5 : i32
        %dma_wait3A_457 = arith.constant 0 : i32
        %dma_wait3A_458 = arith.constant 0 : i32
        %dma_wait3A_459 = tpu.memref_slice %arg7[%dma_wait3A_456, %dma_wait3A_457, %dma_wait3A_458] : memref<6x128x32xf32, #tpu.memory_space<vmem>> -> memref<1x128x32xf32, #tpu.memory_space<vmem>>
        %dma_wait3A_460 = tpu.memref_squeeze %dma_wait3A_459 : memref<1x128x32xf32, #tpu.memory_space<vmem>> -> memref<128x32xf32, #tpu.memory_space<vmem>>
        %dma_wait3A_461 = tpu.memref_slice %arg6[%mul3A_455] : memref<10000xi32, #tpu.memory_space<vmem>> -> memref<128xi32, #tpu.memory_space<vmem>>
        %dma_wait3A_462 = arith.constant 0 : i32
        %dma_wait3A_463 = arith.constant 0 : i32
        %dma_wait3A_464 = tpu.memref_slice %arg10[%dma_wait3A_462, %dma_wait3A_463] : memref<10112x32xf32, #tpu.memory_space<vmem_shared>> -> memref<10112x32xf32, #tpu.memory_space<vmem_shared>>
        tpu.wait_indirect_dma semaphore(%arg13 : memref<!tpu.dma_semaphore, #tpu.memory_space<semaphore_mem>>) src(%dma_wait3A_460 : memref<128x32xf32, #tpu.memory_space<vmem>>) dst(%dma_wait3A_464 : memref<10112x32xf32, #tpu.memory_space<vmem_shared>>)
      } else {
      }
      %add3A_306 = arith.constant 5 : i32
      %add3A_307 = arith.addi %mul3A_213, %add3A_306 : i32
      %mul3A_308 = arith.constant 128 : i32
      %mul3A_309 = arith.muli %add3A_307, %mul3A_308 : i32
      %dma_start3A_310 = arith.constant 5 : i32
      %dma_start3A_311 = arith.constant 0 : i32
      %dma_start3A_312 = arith.constant 0 : i32
      %dma_start3A_313 = tpu.memref_slice %arg7[%dma_start3A_310, %dma_start3A_311, %dma_start3A_312] : memref<6x128x32xf32, #tpu.memory_space<vmem>> -> memref<1x128x32xf32, #tpu.memory_space<vmem>>
      %dma_start3A_314 = tpu.memref_squeeze %dma_start3A_313 : memref<1x128x32xf32, #tpu.memory_space<vmem>> -> memref<128x32xf32, #tpu.memory_space<vmem>>
      %dma_start3A_315 = tpu.memref_slice %arg5[%mul3A_309] : memref<10000xi32, #tpu.memory_space<vmem>> -> memref<128xi32, #tpu.memory_space<vmem>>
      %dma_start3A_316 = arith.constant 0 : i32
      %dma_start3A_317 = arith.constant 0 : i32
      %dma_start3A_318 = tpu.memref_slice %arg11[%dma_start3A_316, %dma_start3A_317] : memref<10112x32xf32, #tpu.memory_space<vmem_shared>> -> memref<10112x32xf32, #tpu.memory_space<vmem_shared>>
      tpu.enqueue_indirect_dma source(%dma_start3A_318 : memref<10112x32xf32, #tpu.memory_space<vmem_shared>>) target(%dma_start3A_314 : memref<128x32xf32, #tpu.memory_space<vmem>>) offsets(%dma_start3A_315 : memref<128xi32, #tpu.memory_space<vmem>>) semaphore(%arg12 : memref<!tpu.dma_semaphore, #tpu.memory_space<semaphore_mem>>)
      %dma_wait3A_319 = arith.constant 0 : i32
      %dma_wait3A_320 = arith.constant 0 : i32
      %dma_wait3A_321 = arith.constant 0 : i32
      %dma_wait3A_322 = tpu.memref_slice %arg7[%dma_wait3A_319, %dma_wait3A_320, %dma_wait3A_321] : memref<6x128x32xf32, #tpu.memory_space<vmem>> -> memref<1x128x32xf32, #tpu.memory_space<vmem>>
      %dma_wait3A_323 = tpu.memref_squeeze %dma_wait3A_322 : memref<1x128x32xf32, #tpu.memory_space<vmem>> -> memref<128x32xf32, #tpu.memory_space<vmem>>
      %dma_wait3A_324 = tpu.memref_slice %arg5[%mul3A_219] : memref<10000xi32, #tpu.memory_space<vmem>> -> memref<128xi32, #tpu.memory_space<vmem>>
      %dma_wait3A_325 = arith.constant 0 : i32
      %dma_wait3A_326 = arith.constant 0 : i32
      %dma_wait3A_327 = tpu.memref_slice %arg11[%dma_wait3A_325, %dma_wait3A_326] : memref<10112x32xf32, #tpu.memory_space<vmem_shared>> -> memref<10112x32xf32, #tpu.memory_space<vmem_shared>>
      tpu.wait_indirect_dma semaphore(%arg12 : memref<!tpu.dma_semaphore, #tpu.memory_space<semaphore_mem>>) src(%dma_wait3A_327 : memref<10112x32xf32, #tpu.memory_space<vmem_shared>>) dst(%dma_wait3A_323 : memref<128x32xf32, #tpu.memory_space<vmem>>)
      %add3A_328 = arith.constant 0 : i32
      %add3A_329 = arith.addi %mul3A_213, %add3A_328 : i32
      %mul3A_330 = arith.constant 128 : i32
      %mul3A_331 = arith.muli %add3A_329, %mul3A_330 : i32
      %dma_start3A_332 = arith.constant 0 : i32
      %dma_start3A_333 = arith.constant 0 : i32
      %dma_start3A_334 = arith.constant 0 : i32
      %dma_start3A_335 = tpu.memref_slice %arg7[%dma_start3A_332, %dma_start3A_333, %dma_start3A_334] : memref<6x128x32xf32, #tpu.memory_space<vmem>> -> memref<1x128x32xf32, #tpu.memory_space<vmem>>
      %dma_start3A_336 = tpu.memref_squeeze %dma_start3A_335 : memref<1x128x32xf32, #tpu.memory_space<vmem>> -> memref<128x32xf32, #tpu.memory_space<vmem>>
      %dma_start3A_337 = tpu.memref_slice %arg6[%mul3A_331] : memref<10000xi32, #tpu.memory_space<vmem>> -> memref<128xi32, #tpu.memory_space<vmem>>
      %dma_start3A_338 = arith.constant 0 : i32
      %dma_start3A_339 = arith.constant 0 : i32
      %dma_start3A_340 = tpu.memref_slice %arg10[%dma_start3A_338, %dma_start3A_339] : memref<10112x32xf32, #tpu.memory_space<vmem_shared>> -> memref<10112x32xf32, #tpu.memory_space<vmem_shared>>
      tpu.enqueue_indirect_dma source(%dma_start3A_336 : memref<128x32xf32, #tpu.memory_space<vmem>>) target(%dma_start3A_340 : memref<10112x32xf32, #tpu.memory_space<vmem_shared>>) offsets(%dma_start3A_337 : memref<128xi32, #tpu.memory_space<vmem>>) semaphore(%arg13 : memref<!tpu.dma_semaphore, #tpu.memory_space<semaphore_mem>>) {add = true}
      %dma_wait3A_341 = arith.constant 1 : i32
      %dma_wait3A_342 = arith.constant 0 : i32
      %dma_wait3A_343 = arith.constant 0 : i32
      %dma_wait3A_344 = tpu.memref_slice %arg7[%dma_wait3A_341, %dma_wait3A_342, %dma_wait3A_343] : memref<6x128x32xf32, #tpu.memory_space<vmem>> -> memref<1x128x32xf32, #tpu.memory_space<vmem>>
      %dma_wait3A_345 = tpu.memref_squeeze %dma_wait3A_344 : memref<1x128x32xf32, #tpu.memory_space<vmem>> -> memref<128x32xf32, #tpu.memory_space<vmem>>
      %dma_wait3A_346 = tpu.memref_slice %arg5[%mul3A_237] : memref<10000xi32, #tpu.memory_space<vmem>> -> memref<128xi32, #tpu.memory_space<vmem>>
      %dma_wait3A_347 = arith.constant 0 : i32
      %dma_wait3A_348 = arith.constant 0 : i32
      %dma_wait3A_349 = tpu.memref_slice %arg11[%dma_wait3A_347, %dma_wait3A_348] : memref<10112x32xf32, #tpu.memory_space<vmem_shared>> -> memref<10112x32xf32, #tpu.memory_space<vmem_shared>>
      tpu.wait_indirect_dma semaphore(%arg12 : memref<!tpu.dma_semaphore, #tpu.memory_space<semaphore_mem>>) src(%dma_wait3A_349 : memref<10112x32xf32, #tpu.memory_space<vmem_shared>>) dst(%dma_wait3A_345 : memref<128x32xf32, #tpu.memory_space<vmem>>)
      %add3A_350 = arith.constant 1 : i32
      %add3A_351 = arith.addi %mul3A_213, %add3A_350 : i32
      %mul3A_352 = arith.constant 128 : i32
      %mul3A_353 = arith.muli %add3A_351, %mul3A_352 : i32
      %dma_start3A_354 = arith.constant 1 : i32
      %dma_start3A_355 = arith.constant 0 : i32
      %dma_start3A_356 = arith.constant 0 : i32
      %dma_start3A_357 = tpu.memref_slice %arg7[%dma_start3A_354, %dma_start3A_355, %dma_start3A_356] : memref<6x128x32xf32, #tpu.memory_space<vmem>> -> memref<1x128x32xf32, #tpu.memory_space<vmem>>
      %dma_start3A_358 = tpu.memref_squeeze %dma_start3A_357 : memref<1x128x32xf32, #tpu.memory_space<vmem>> -> memref<128x32xf32, #tpu.memory_space<vmem>>
      %dma_start3A_359 = tpu.memref_slice %arg6[%mul3A_353] : memref<10000xi32, #tpu.memory_space<vmem>> -> memref<128xi32, #tpu.memory_space<vmem>>
      %dma_start3A_360 = arith.constant 0 : i32
      %dma_start3A_361 = arith.constant 0 : i32
      %dma_start3A_362 = tpu.memref_slice %arg10[%dma_start3A_360, %dma_start3A_361] : memref<10112x32xf32, #tpu.memory_space<vmem_shared>> -> memref<10112x32xf32, #tpu.memory_space<vmem_shared>>
      tpu.enqueue_indirect_dma source(%dma_start3A_358 : memref<128x32xf32, #tpu.memory_space<vmem>>) target(%dma_start3A_362 : memref<10112x32xf32, #tpu.memory_space<vmem_shared>>) offsets(%dma_start3A_359 : memref<128xi32, #tpu.memory_space<vmem>>) semaphore(%arg13 : memref<!tpu.dma_semaphore, #tpu.memory_space<semaphore_mem>>) {add = true}
      %dma_wait3A_363 = arith.constant 2 : i32
      %dma_wait3A_364 = arith.constant 0 : i32
      %dma_wait3A_365 = arith.constant 0 : i32
      %dma_wait3A_366 = tpu.memref_slice %arg7[%dma_wait3A_363, %dma_wait3A_364, %dma_wait3A_365] : memref<6x128x32xf32, #tpu.memory_space<vmem>> -> memref<1x128x32xf32, #tpu.memory_space<vmem>>
      %dma_wait3A_367 = tpu.memref_squeeze %dma_wait3A_366 : memref<1x128x32xf32, #tpu.memory_space<vmem>> -> memref<128x32xf32, #tpu.memory_space<vmem>>
      %dma_wait3A_368 = tpu.memref_slice %arg5[%mul3A_255] : memref<10000xi32, #tpu.memory_space<vmem>> -> memref<128xi32, #tpu.memory_space<vmem>>
      %dma_wait3A_369 = arith.constant 0 : i32
      %dma_wait3A_370 = arith.constant 0 : i32
      %dma_wait3A_371 = tpu.memref_slice %arg11[%dma_wait3A_369, %dma_wait3A_370] : memref<10112x32xf32, #tpu.memory_space<vmem_shared>> -> memref<10112x32xf32, #tpu.memory_space<vmem_shared>>
      tpu.wait_indirect_dma semaphore(%arg12 : memref<!tpu.dma_semaphore, #tpu.memory_space<semaphore_mem>>) src(%dma_wait3A_371 : memref<10112x32xf32, #tpu.memory_space<vmem_shared>>) dst(%dma_wait3A_367 : memref<128x32xf32, #tpu.memory_space<vmem>>)
      %add3A_372 = arith.constant 2 : i32
      %add3A_373 = arith.addi %mul3A_213, %add3A_372 : i32
      %mul3A_374 = arith.constant 128 : i32
      %mul3A_375 = arith.muli %add3A_373, %mul3A_374 : i32
      %dma_start3A_376 = arith.constant 2 : i32
      %dma_start3A_377 = arith.constant 0 : i32
      %dma_start3A_378 = arith.constant 0 : i32
      %dma_start3A_379 = tpu.memref_slice %arg7[%dma_start3A_376, %dma_start3A_377, %dma_start3A_378] : memref<6x128x32xf32, #tpu.memory_space<vmem>> -> memref<1x128x32xf32, #tpu.memory_space<vmem>>
      %dma_start3A_380 = tpu.memref_squeeze %dma_start3A_379 : memref<1x128x32xf32, #tpu.memory_space<vmem>> -> memref<128x32xf32, #tpu.memory_space<vmem>>
      %dma_start3A_381 = tpu.memref_slice %arg6[%mul3A_375] : memref<10000xi32, #tpu.memory_space<vmem>> -> memref<128xi32, #tpu.memory_space<vmem>>
      %dma_start3A_382 = arith.constant 0 : i32
      %dma_start3A_383 = arith.constant 0 : i32
      %dma_start3A_384 = tpu.memref_slice %arg10[%dma_start3A_382, %dma_start3A_383] : memref<10112x32xf32, #tpu.memory_space<vmem_shared>> -> memref<10112x32xf32, #tpu.memory_space<vmem_shared>>
      tpu.enqueue_indirect_dma source(%dma_start3A_380 : memref<128x32xf32, #tpu.memory_space<vmem>>) target(%dma_start3A_384 : memref<10112x32xf32, #tpu.memory_space<vmem_shared>>) offsets(%dma_start3A_381 : memref<128xi32, #tpu.memory_space<vmem>>) semaphore(%arg13 : memref<!tpu.dma_semaphore, #tpu.memory_space<semaphore_mem>>) {add = true}
      %dma_wait3A_385 = arith.constant 3 : i32
      %dma_wait3A_386 = arith.constant 0 : i32
      %dma_wait3A_387 = arith.constant 0 : i32
      %dma_wait3A_388 = tpu.memref_slice %arg7[%dma_wait3A_385, %dma_wait3A_386, %dma_wait3A_387] : memref<6x128x32xf32, #tpu.memory_space<vmem>> -> memref<1x128x32xf32, #tpu.memory_space<vmem>>
      %dma_wait3A_389 = tpu.memref_squeeze %dma_wait3A_388 : memref<1x128x32xf32, #tpu.memory_space<vmem>> -> memref<128x32xf32, #tpu.memory_space<vmem>>
      %dma_wait3A_390 = tpu.memref_slice %arg5[%mul3A_273] : memref<10000xi32, #tpu.memory_space<vmem>> -> memref<128xi32, #tpu.memory_space<vmem>>
      %dma_wait3A_391 = arith.constant 0 : i32
      %dma_wait3A_392 = arith.constant 0 : i32
      %dma_wait3A_393 = tpu.memref_slice %arg11[%dma_wait3A_391, %dma_wait3A_392] : memref<10112x32xf32, #tpu.memory_space<vmem_shared>> -> memref<10112x32xf32, #tpu.memory_space<vmem_shared>>
      tpu.wait_indirect_dma semaphore(%arg12 : memref<!tpu.dma_semaphore, #tpu.memory_space<semaphore_mem>>) src(%dma_wait3A_393 : memref<10112x32xf32, #tpu.memory_space<vmem_shared>>) dst(%dma_wait3A_389 : memref<128x32xf32, #tpu.memory_space<vmem>>)
      %add3A_394 = arith.constant 3 : i32
      %add3A_395 = arith.addi %mul3A_213, %add3A_394 : i32
      %mul3A_396 = arith.constant 128 : i32
      %mul3A_397 = arith.muli %add3A_395, %mul3A_396 : i32
      %dma_start3A_398 = arith.constant 3 : i32
      %dma_start3A_399 = arith.constant 0 : i32
      %dma_start3A_400 = arith.constant 0 : i32
      %dma_start3A_401 = tpu.memref_slice %arg7[%dma_start3A_398, %dma_start3A_399, %dma_start3A_400] : memref<6x128x32xf32, #tpu.memory_space<vmem>> -> memref<1x128x32xf32, #tpu.memory_space<vmem>>
      %dma_start3A_402 = tpu.memref_squeeze %dma_start3A_401 : memref<1x128x32xf32, #tpu.memory_space<vmem>> -> memref<128x32xf32, #tpu.memory_space<vmem>>
      %dma_start3A_403 = tpu.memref_slice %arg6[%mul3A_397] : memref<10000xi32, #tpu.memory_space<vmem>> -> memref<128xi32, #tpu.memory_space<vmem>>
      %dma_start3A_404 = arith.constant 0 : i32
      %dma_start3A_405 = arith.constant 0 : i32
      %dma_start3A_406 = tpu.memref_slice %arg10[%dma_start3A_404, %dma_start3A_405] : memref<10112x32xf32, #tpu.memory_space<vmem_shared>> -> memref<10112x32xf32, #tpu.memory_space<vmem_shared>>
      tpu.enqueue_indirect_dma source(%dma_start3A_402 : memref<128x32xf32, #tpu.memory_space<vmem>>) target(%dma_start3A_406 : memref<10112x32xf32, #tpu.memory_space<vmem_shared>>) offsets(%dma_start3A_403 : memref<128xi32, #tpu.memory_space<vmem>>) semaphore(%arg13 : memref<!tpu.dma_semaphore, #tpu.memory_space<semaphore_mem>>) {add = true}
      %dma_wait3A_407 = arith.constant 4 : i32
      %dma_wait3A_408 = arith.constant 0 : i32
      %dma_wait3A_409 = arith.constant 0 : i32
      %dma_wait3A_410 = tpu.memref_slice %arg7[%dma_wait3A_407, %dma_wait3A_408, %dma_wait3A_409] : memref<6x128x32xf32, #tpu.memory_space<vmem>> -> memref<1x128x32xf32, #tpu.memory_space<vmem>>
      %dma_wait3A_411 = tpu.memref_squeeze %dma_wait3A_410 : memref<1x128x32xf32, #tpu.memory_space<vmem>> -> memref<128x32xf32, #tpu.memory_space<vmem>>
      %dma_wait3A_412 = tpu.memref_slice %arg5[%mul3A_291] : memref<10000xi32, #tpu.memory_space<vmem>> -> memref<128xi32, #tpu.memory_space<vmem>>
      %dma_wait3A_413 = arith.constant 0 : i32
      %dma_wait3A_414 = arith.constant 0 : i32
      %dma_wait3A_415 = tpu.memref_slice %arg11[%dma_wait3A_413, %dma_wait3A_414] : memref<10112x32xf32, #tpu.memory_space<vmem_shared>> -> memref<10112x32xf32, #tpu.memory_space<vmem_shared>>
      tpu.wait_indirect_dma semaphore(%arg12 : memref<!tpu.dma_semaphore, #tpu.memory_space<semaphore_mem>>) src(%dma_wait3A_415 : memref<10112x32xf32, #tpu.memory_space<vmem_shared>>) dst(%dma_wait3A_411 : memref<128x32xf32, #tpu.memory_space<vmem>>)
      %add3A_416 = arith.constant 4 : i32
      %add3A_417 = arith.addi %mul3A_213, %add3A_416 : i32
      %mul3A_418 = arith.constant 128 : i32
      %mul3A_419 = arith.muli %add3A_417, %mul3A_418 : i32
      %dma_start3A_420 = arith.constant 4 : i32
      %dma_start3A_421 = arith.constant 0 : i32
      %dma_start3A_422 = arith.constant 0 : i32
      %dma_start3A_423 = tpu.memref_slice %arg7[%dma_start3A_420, %dma_start3A_421, %dma_start3A_422] : memref<6x128x32xf32, #tpu.memory_space<vmem>> -> memref<1x128x32xf32, #tpu.memory_space<vmem>>
      %dma_start3A_424 = tpu.memref_squeeze %dma_start3A_423 : memref<1x128x32xf32, #tpu.memory_space<vmem>> -> memref<128x32xf32, #tpu.memory_space<vmem>>
      %dma_start3A_425 = tpu.memref_slice %arg6[%mul3A_419] : memref<10000xi32, #tpu.memory_space<vmem>> -> memref<128xi32, #tpu.memory_space<vmem>>
      %dma_start3A_426 = arith.constant 0 : i32
      %dma_start3A_427 = arith.constant 0 : i32
      %dma_start3A_428 = tpu.memref_slice %arg10[%dma_start3A_426, %dma_start3A_427] : memref<10112x32xf32, #tpu.memory_space<vmem_shared>> -> memref<10112x32xf32, #tpu.memory_space<vmem_shared>>
      tpu.enqueue_indirect_dma source(%dma_start3A_424 : memref<128x32xf32, #tpu.memory_space<vmem>>) target(%dma_start3A_428 : memref<10112x32xf32, #tpu.memory_space<vmem_shared>>) offsets(%dma_start3A_425 : memref<128xi32, #tpu.memory_space<vmem>>) semaphore(%arg13 : memref<!tpu.dma_semaphore, #tpu.memory_space<semaphore_mem>>) {add = true}
      %dma_wait3A_429 = arith.constant 5 : i32
      %dma_wait3A_430 = arith.constant 0 : i32
      %dma_wait3A_431 = arith.constant 0 : i32
      %dma_wait3A_432 = tpu.memref_slice %arg7[%dma_wait3A_429, %dma_wait3A_430, %dma_wait3A_431] : memref<6x128x32xf32, #tpu.memory_space<vmem>> -> memref<1x128x32xf32, #tpu.memory_space<vmem>>
      %dma_wait3A_433 = tpu.memref_squeeze %dma_wait3A_432 : memref<1x128x32xf32, #tpu.memory_space<vmem>> -> memref<128x32xf32, #tpu.memory_space<vmem>>
      %dma_wait3A_434 = tpu.memref_slice %arg5[%mul3A_309] : memref<10000xi32, #tpu.memory_space<vmem>> -> memref<128xi32, #tpu.memory_space<vmem>>
      %dma_wait3A_435 = arith.constant 0 : i32
      %dma_wait3A_436 = arith.constant 0 : i32
      %dma_wait3A_437 = tpu.memref_slice %arg11[%dma_wait3A_435, %dma_wait3A_436] : memref<10112x32xf32, #tpu.memory_space<vmem_shared>> -> memref<10112x32xf32, #tpu.memory_space<vmem_shared>>
      tpu.wait_indirect_dma semaphore(%arg12 : memref<!tpu.dma_semaphore, #tpu.memory_space<semaphore_mem>>) src(%dma_wait3A_437 : memref<10112x32xf32, #tpu.memory_space<vmem_shared>>) dst(%dma_wait3A_433 : memref<128x32xf32, #tpu.memory_space<vmem>>)
      %add3A_438 = arith.constant 5 : i32
      %add3A_439 = arith.addi %mul3A_213, %add3A_438 : i32
      %mul3A_440 = arith.constant 128 : i32
      %mul3A_441 = arith.muli %add3A_439, %mul3A_440 : i32
      %dma_start3A_442 = arith.constant 5 : i32
      %dma_start3A_443 = arith.constant 0 : i32
      %dma_start3A_444 = arith.constant 0 : i32
      %dma_start3A_445 = tpu.memref_slice %arg7[%dma_start3A_442, %dma_start3A_443, %dma_start3A_444] : memref<6x128x32xf32, #tpu.memory_space<vmem>> -> memref<1x128x32xf32, #tpu.memory_space<vmem>>
      %dma_start3A_446 = tpu.memref_squeeze %dma_start3A_445 : memref<1x128x32xf32, #tpu.memory_space<vmem>> -> memref<128x32xf32, #tpu.memory_space<vmem>>
      %dma_start3A_447 = tpu.memref_slice %arg6[%mul3A_441] : memref<10000xi32, #tpu.memory_space<vmem>> -> memref<128xi32, #tpu.memory_space<vmem>>
      %dma_start3A_448 = arith.constant 0 : i32
      %dma_start3A_449 = arith.constant 0 : i32
      %dma_start3A_450 = tpu.memref_slice %arg10[%dma_start3A_448, %dma_start3A_449] : memref<10112x32xf32, #tpu.memory_space<vmem_shared>> -> memref<10112x32xf32, #tpu.memory_space<vmem_shared>>
      tpu.enqueue_indirect_dma source(%dma_start3A_446 : memref<128x32xf32, #tpu.memory_space<vmem>>) target(%dma_start3A_450 : memref<10112x32xf32, #tpu.memory_space<vmem_shared>>) offsets(%dma_start3A_447 : memref<128xi32, #tpu.memory_space<vmem>>) semaphore(%arg13 : memref<!tpu.dma_semaphore, #tpu.memory_space<semaphore_mem>>) {add = true}
      %scan3A_451 = arith.constant 0 : i32
      scf.yield %scan3A_451 : i32
    }
    %scan3A_134 = arith.constant 13 : i32
    %dma_start3A = arith.constant 9984 : i32
    %dma_start3A_135 = tpu.memref_slice %arg5[%dma_start3A] : memref<10000xi32, #tpu.memory_space<vmem>> -> memref<16xi32, #tpu.memory_space<vmem>>
    %dma_start3A_136 = arith.constant 0 : i32
    %dma_start3A_137 = arith.constant 0 : i32
    %dma_start3A_138 = tpu.memref_slice %arg11[%dma_start3A_136, %dma_start3A_137] : memref<10112x32xf32, #tpu.memory_space<vmem_shared>> -> memref<10112x32xf32, #tpu.memory_space<vmem_shared>>
    tpu.enqueue_indirect_dma source(%dma_start3A_138 : memref<10112x32xf32, #tpu.memory_space<vmem_shared>>) target(%arg8 : memref<16x32xf32, #tpu.memory_space<vmem>>) offsets(%dma_start3A_135 : memref<16xi32, #tpu.memory_space<vmem>>) semaphore(%arg12 : memref<!tpu.dma_semaphore, #tpu.memory_space<semaphore_mem>>)
    %dma_wait3A = arith.constant 9984 : i32
    %dma_wait3A_139 = tpu.memref_slice %arg5[%dma_wait3A] : memref<10000xi32, #tpu.memory_space<vmem>> -> memref<16xi32, #tpu.memory_space<vmem>>
    %dma_wait3A_140 = arith.constant 0 : i32
    %dma_wait3A_141 = arith.constant 0 : i32
    %dma_wait3A_142 = tpu.memref_slice %arg11[%dma_wait3A_140, %dma_wait3A_141] : memref<10112x32xf32, #tpu.memory_space<vmem_shared>> -> memref<10112x32xf32, #tpu.memory_space<vmem_shared>>
    tpu.wait_indirect_dma semaphore(%arg12 : memref<!tpu.dma_semaphore, #tpu.memory_space<semaphore_mem>>) src(%dma_wait3A_142 : memref<10112x32xf32, #tpu.memory_space<vmem_shared>>) dst(%arg8 : memref<16x32xf32, #tpu.memory_space<vmem>>)
    "tpu.region"() ({
      %run_scoped3A_210 = tpu.sem_alloc : memref<!tpu.dma_semaphore, #tpu.memory_space<semaphore_mem>>
      %dma_start3A_211 = arith.constant 9984 : i32
      %dma_start3A_212 = tpu.memref_slice %arg6[%dma_start3A_211] : memref<10000xi32, #tpu.memory_space<vmem>> -> memref<16xi32, #tpu.memory_space<vmem>>
      %dma_start3A_213 = arith.constant 0 : i32
      %dma_start3A_214 = arith.constant 0 : i32
      %dma_start3A_215 = tpu.memref_slice %arg10[%dma_start3A_213, %dma_start3A_214] : memref<10112x32xf32, #tpu.memory_space<vmem_shared>> -> memref<10112x32xf32, #tpu.memory_space<vmem_shared>>
      tpu.enqueue_indirect_dma source(%arg8 : memref<16x32xf32, #tpu.memory_space<vmem>>) target(%dma_start3A_215 : memref<10112x32xf32, #tpu.memory_space<vmem_shared>>) offsets(%dma_start3A_212 : memref<16xi32, #tpu.memory_space<vmem>>) semaphore(%run_scoped3A_210 : memref<!tpu.dma_semaphore, #tpu.memory_space<semaphore_mem>>) {add = true}
      %dma_wait3A_216 = arith.constant 9984 : i32
      %dma_wait3A_217 = tpu.memref_slice %arg6[%dma_wait3A_216] : memref<10000xi32, #tpu.memory_space<vmem>> -> memref<16xi32, #tpu.memory_space<vmem>>
      %dma_wait3A_218 = arith.constant 0 : i32
      %dma_wait3A_219 = arith.constant 0 : i32
      %dma_wait3A_220 = tpu.memref_slice %arg10[%dma_wait3A_218, %dma_wait3A_219] : memref<10112x32xf32, #tpu.memory_space<vmem_shared>> -> memref<10112x32xf32, #tpu.memory_space<vmem_shared>>
      tpu.wait_indirect_dma semaphore(%run_scoped3A_210 : memref<!tpu.dma_semaphore, #tpu.memory_space<semaphore_mem>>) src(%arg8 : memref<16x32xf32, #tpu.memory_space<vmem>>) dst(%dma_wait3A_220 : memref<10112x32xf32, #tpu.memory_space<vmem_shared>>)
      tpu.yield
    }) : () -> ()
    %dma_wait3A_143 = arith.constant 0 : i32
    %dma_wait3A_144 = arith.constant 0 : i32
    %dma_wait3A_145 = arith.constant 0 : i32
    %dma_wait3A_146 = tpu.memref_slice %arg7[%dma_wait3A_143, %dma_wait3A_144, %dma_wait3A_145] : memref<6x128x32xf32, #tpu.memory_space<vmem>> -> memref<1x128x32xf32, #tpu.memory_space<vmem>>
    %dma_wait3A_147 = tpu.memref_squeeze %dma_wait3A_146 : memref<1x128x32xf32, #tpu.memory_space<vmem>> -> memref<128x32xf32, #tpu.memory_space<vmem>>
    %dma_wait3A_148 = arith.constant 0 : i32
    %dma_wait3A_149 = tpu.memref_slice %arg6[%dma_wait3A_148] : memref<10000xi32, #tpu.memory_space<vmem>> -> memref<128xi32, #tpu.memory_space<vmem>>
    %dma_wait3A_150 = arith.constant 0 : i32
    %dma_wait3A_151 = arith.constant 0 : i32
    %dma_wait3A_152 = tpu.memref_slice %arg10[%dma_wait3A_150, %dma_wait3A_151] : memref<10112x32xf32, #tpu.memory_space<vmem_shared>> -> memref<10112x32xf32, #tpu.memory_space<vmem_shared>>
    tpu.wait_indirect_dma semaphore(%arg13 : memref<!tpu.dma_semaphore, #tpu.memory_space<semaphore_mem>>) src(%dma_wait3A_147 : memref<128x32xf32, #tpu.memory_space<vmem>>) dst(%dma_wait3A_152 : memref<10112x32xf32, #tpu.memory_space<vmem_shared>>)
    %dma_wait3A_153 = arith.constant 1 : i32
    %dma_wait3A_154 = arith.constant 0 : i32
    %dma_wait3A_155 = arith.constant 0 : i32
    %dma_wait3A_156 = tpu.memref_slice %arg7[%dma_wait3A_153, %dma_wait3A_154, %dma_wait3A_155] : memref<6x128x32xf32, #tpu.memory_space<vmem>> -> memref<1x128x32xf32, #tpu.memory_space<vmem>>
    %dma_wait3A_157 = tpu.memref_squeeze %dma_wait3A_156 : memref<1x128x32xf32, #tpu.memory_space<vmem>> -> memref<128x32xf32, #tpu.memory_space<vmem>>
    %dma_wait3A_158 = arith.constant 128 : i32
    %dma_wait3A_159 = tpu.memref_slice %arg6[%dma_wait3A_158] : memref<10000xi32, #tpu.memory_space<vmem>> -> memref<128xi32, #tpu.memory_space<vmem>>
    %dma_wait3A_160 = arith.constant 0 : i32
    %dma_wait3A_161 = arith.constant 0 : i32
    %dma_wait3A_162 = tpu.memref_slice %arg10[%dma_wait3A_160, %dma_wait3A_161] : memref<10112x32xf32, #tpu.memory_space<vmem_shared>> -> memref<10112x32xf32, #tpu.memory_space<vmem_shared>>
    tpu.wait_indirect_dma semaphore(%arg13 : memref<!tpu.dma_semaphore, #tpu.memory_space<semaphore_mem>>) src(%dma_wait3A_157 : memref<128x32xf32, #tpu.memory_space<vmem>>) dst(%dma_wait3A_162 : memref<10112x32xf32, #tpu.memory_space<vmem_shared>>)
    %dma_wait3A_163 = arith.constant 2 : i32
    %dma_wait3A_164 = arith.constant 0 : i32
    %dma_wait3A_165 = arith.constant 0 : i32
    %dma_wait3A_166 = tpu.memref_slice %arg7[%dma_wait3A_163, %dma_wait3A_164, %dma_wait3A_165] : memref<6x128x32xf32, #tpu.memory_space<vmem>> -> memref<1x128x32xf32, #tpu.memory_space<vmem>>
    %dma_wait3A_167 = tpu.memref_squeeze %dma_wait3A_166 : memref<1x128x32xf32, #tpu.memory_space<vmem>> -> memref<128x32xf32, #tpu.memory_space<vmem>>
    %dma_wait3A_168 = arith.constant 256 : i32
    %dma_wait3A_169 = tpu.memref_slice %arg6[%dma_wait3A_168] : memref<10000xi32, #tpu.memory_space<vmem>> -> memref<128xi32, #tpu.memory_space<vmem>>
    %dma_wait3A_170 = arith.constant 0 : i32
    %dma_wait3A_171 = arith.constant 0 : i32
    %dma_wait3A_172 = tpu.memref_slice %arg10[%dma_wait3A_170, %dma_wait3A_171] : memref<10112x32xf32, #tpu.memory_space<vmem_shared>> -> memref<10112x32xf32, #tpu.memory_space<vmem_shared>>
    tpu.wait_indirect_dma semaphore(%arg13 : memref<!tpu.dma_semaphore, #tpu.memory_space<semaphore_mem>>) src(%dma_wait3A_167 : memref<128x32xf32, #tpu.memory_space<vmem>>) dst(%dma_wait3A_172 : memref<10112x32xf32, #tpu.memory_space<vmem_shared>>)
    %dma_wait3A_173 = arith.constant 3 : i32
    %dma_wait3A_174 = arith.constant 0 : i32
    %dma_wait3A_175 = arith.constant 0 : i32
    %dma_wait3A_176 = tpu.memref_slice %arg7[%dma_wait3A_173, %dma_wait3A_174, %dma_wait3A_175] : memref<6x128x32xf32, #tpu.memory_space<vmem>> -> memref<1x128x32xf32, #tpu.memory_space<vmem>>
    %dma_wait3A_177 = tpu.memref_squeeze %dma_wait3A_176 : memref<1x128x32xf32, #tpu.memory_space<vmem>> -> memref<128x32xf32, #tpu.memory_space<vmem>>
    %dma_wait3A_178 = arith.constant 384 : i32
    %dma_wait3A_179 = tpu.memref_slice %arg6[%dma_wait3A_178] : memref<10000xi32, #tpu.memory_space<vmem>> -> memref<128xi32, #tpu.memory_space<vmem>>
    %dma_wait3A_180 = arith.constant 0 : i32
    %dma_wait3A_181 = arith.constant 0 : i32
    %dma_wait3A_182 = tpu.memref_slice %arg10[%dma_wait3A_180, %dma_wait3A_181] : memref<10112x32xf32, #tpu.memory_space<vmem_shared>> -> memref<10112x32xf32, #tpu.memory_space<vmem_shared>>
    tpu.wait_indirect_dma semaphore(%arg13 : memref<!tpu.dma_semaphore, #tpu.memory_space<semaphore_mem>>) src(%dma_wait3A_177 : memref<128x32xf32, #tpu.memory_space<vmem>>) dst(%dma_wait3A_182 : memref<10112x32xf32, #tpu.memory_space<vmem_shared>>)
    %dma_wait3A_183 = arith.constant 4 : i32
    %dma_wait3A_184 = arith.constant 0 : i32
    %dma_wait3A_185 = arith.constant 0 : i32
    %dma_wait3A_186 = tpu.memref_slice %arg7[%dma_wait3A_183, %dma_wait3A_184, %dma_wait3A_185] : memref<6x128x32xf32, #tpu.memory_space<vmem>> -> memref<1x128x32xf32, #tpu.memory_space<vmem>>
    %dma_wait3A_187 = tpu.memref_squeeze %dma_wait3A_186 : memref<1x128x32xf32, #tpu.memory_space<vmem>> -> memref<128x32xf32, #tpu.memory_space<vmem>>
    %dma_wait3A_188 = arith.constant 512 : i32
    %dma_wait3A_189 = tpu.memref_slice %arg6[%dma_wait3A_188] : memref<10000xi32, #tpu.memory_space<vmem>> -> memref<128xi32, #tpu.memory_space<vmem>>
    %dma_wait3A_190 = arith.constant 0 : i32
    %dma_wait3A_191 = arith.constant 0 : i32
    %dma_wait3A_192 = tpu.memref_slice %arg10[%dma_wait3A_190, %dma_wait3A_191] : memref<10112x32xf32, #tpu.memory_space<vmem_shared>> -> memref<10112x32xf32, #tpu.memory_space<vmem_shared>>
    tpu.wait_indirect_dma semaphore(%arg13 : memref<!tpu.dma_semaphore, #tpu.memory_space<semaphore_mem>>) src(%dma_wait3A_187 : memref<128x32xf32, #tpu.memory_space<vmem>>) dst(%dma_wait3A_192 : memref<10112x32xf32, #tpu.memory_space<vmem_shared>>)
    %dma_wait3A_193 = arith.constant 5 : i32
    %dma_wait3A_194 = arith.constant 0 : i32
    %dma_wait3A_195 = arith.constant 0 : i32
    %dma_wait3A_196 = tpu.memref_slice %arg7[%dma_wait3A_193, %dma_wait3A_194, %dma_wait3A_195] : memref<6x128x32xf32, #tpu.memory_space<vmem>> -> memref<1x128x32xf32, #tpu.memory_space<vmem>>
    %dma_wait3A_197 = tpu.memref_squeeze %dma_wait3A_196 : memref<1x128x32xf32, #tpu.memory_space<vmem>> -> memref<128x32xf32, #tpu.memory_space<vmem>>
    %dma_wait3A_198 = arith.constant 640 : i32
    %dma_wait3A_199 = tpu.memref_slice %arg6[%dma_wait3A_198] : memref<10000xi32, #tpu.memory_space<vmem>> -> memref<128xi32, #tpu.memory_space<vmem>>
    %dma_wait3A_200 = arith.constant 0 : i32
    %dma_wait3A_201 = arith.constant 0 : i32
    %dma_wait3A_202 = tpu.memref_slice %arg10[%dma_wait3A_200, %dma_wait3A_201] : memref<10112x32xf32, #tpu.memory_space<vmem_shared>> -> memref<10112x32xf32, #tpu.memory_space<vmem_shared>>
    tpu.wait_indirect_dma semaphore(%arg13 : memref<!tpu.dma_semaphore, #tpu.memory_space<semaphore_mem>>) src(%dma_wait3A_197 : memref<128x32xf32, #tpu.memory_space<vmem>>) dst(%dma_wait3A_202 : memref<10112x32xf32, #tpu.memory_space<vmem_shared>>)
    %barrier3A_203 = arith.constant 0 : index
    tpu.barrier barrier_id(%barrier3A_203)
    %mul3A_204 = arith.constant 632 : i32
    %mul3A_205 = arith.muli %arg1, %mul3A_204 : i32
    "tpu.region"() ({
      %run_scoped3A_210 = tpu.sem_alloc : memref<!tpu.dma_semaphore, #tpu.memory_space<semaphore_mem>>
      %dma_start3A_211 = arith.constant 0 : i32
      %dma_start3A_212 = tpu.memref_slice %arg10[%mul3A_205, %dma_start3A_211] : memref<10112x32xf32, #tpu.memory_space<vmem_shared>> -> memref<632x32xf32, #tpu.memory_space<vmem_shared>>
      %dma_start3A_213 = arith.constant 0 : i32
      %dma_start3A_214 = tpu.memref_slice %arg10[%mul3A_205, %dma_start3A_213] : memref<10112x32xf32, #tpu.memory_space<vmem_shared>> -> memref<632x32xf32, #tpu.memory_space<vmem_shared>>
      tpu.enqueue_dma source(%dma_start3A_214 : memref<632x32xf32, #tpu.memory_space<vmem_shared>>) target(%arg9 : memref<632x32xf32, #tpu.memory_space<vmem>>) target_semaphore(%run_scoped3A_210 : memref<!tpu.dma_semaphore, #tpu.memory_space<semaphore_mem>>)
      %dma_wait3A_215 = arith.constant 0 : i32
      %dma_wait3A_216 = tpu.memref_slice %arg10[%mul3A_205, %dma_wait3A_215] : memref<10112x32xf32, #tpu.memory_space<vmem_shared>> -> memref<632x32xf32, #tpu.memory_space<vmem_shared>>
      %dma_wait3A_217 = arith.constant 0 : i32
      %dma_wait3A_218 = tpu.memref_slice %arg10[%mul3A_205, %dma_wait3A_217] : memref<10112x32xf32, #tpu.memory_space<vmem_shared>> -> memref<632x32xf32, #tpu.memory_space<vmem_shared>>
      tpu.wait_dma2 semaphore(%run_scoped3A_210 : memref<!tpu.dma_semaphore, #tpu.memory_space<semaphore_mem>>) src(%dma_wait3A_218 : memref<632x32xf32, #tpu.memory_space<vmem_shared>>) dst(%arg9 : memref<632x32xf32, #tpu.memory_space<vmem>>)
      tpu.yield
    }) : () -> ()
    %mul3A_206 = arith.constant 632 : i32
    %mul3A_207 = arith.muli %arg1, %mul3A_206 : i32
    %mul3A_208 = arith.constant 32 : i32
    %mul3A_209 = arith.muli %arg0, %mul3A_208 : i32
    "tpu.region"() ({
      %run_scoped3A_210 = tpu.sem_alloc : memref<!tpu.dma_semaphore, #tpu.memory_space<semaphore_mem>>
      %dma_start3A_211 = tpu.memref_slice %arg4[%mul3A_207, %mul3A_209] : memref<10112x128xf32, #tpu.memory_space<hbm>> -> memref<632x32xf32, #tpu.memory_space<hbm>>
      %dma_start3A_212 = tpu.memref_slice %arg4[%mul3A_207, %mul3A_209] : memref<10112x128xf32, #tpu.memory_space<hbm>> -> memref<632x32xf32, #tpu.memory_space<hbm>>
      tpu.enqueue_dma source(%arg9 : memref<632x32xf32, #tpu.memory_space<vmem>>) target(%dma_start3A_212 : memref<632x32xf32, #tpu.memory_space<hbm>>) target_semaphore(%run_scoped3A_210 : memref<!tpu.dma_semaphore, #tpu.memory_space<semaphore_mem>>)
      %dma_wait3A_213 = tpu.memref_slice %arg4[%mul3A_207, %mul3A_209] : memref<10112x128xf32, #tpu.memory_space<hbm>> -> memref<632x32xf32, #tpu.memory_space<hbm>>
      %dma_wait3A_214 = tpu.memref_slice %arg4[%mul3A_207, %mul3A_209] : memref<10112x128xf32, #tpu.memory_space<hbm>> -> memref<632x32xf32, #tpu.memory_space<hbm>>
      tpu.wait_dma2 semaphore(%run_scoped3A_210 : memref<!tpu.dma_semaphore, #tpu.memory_space<semaphore_mem>>) src(%arg9 : memref<632x32xf32, #tpu.memory_space<vmem>>) dst(%dma_wait3A_214 : memref<632x32xf32, #tpu.memory_space<hbm>>)
      tpu.yield
    }) : () -> ()
    return
  }
}

module attributes {stable_mosaic.version = 14 : i64} {
  func.func @_tc_a2_body(%arg0: i32, %arg1: memref<2000x32xf32, #tpu.memory_space<vmem>>, %arg2: memref<2000x128xf32, #tpu.memory_space<vmem>>, %arg3: memref<2000x128xf32, #tpu.memory_space<vmem>>) attributes {dimension_semantics = [#tpu.dimension_semantics<arbitrary>], iteration_bounds = array<i64: 5>, scalar_prefetch = 0 : i64, scratch_operands = 0 : i64, tpu.core_type = #tpu.core_type<tc>, window_params = [{transform_indices = @transform_0, window_bounds = array<i64: 2000, 32>}, {transform_indices = @transform_1, window_bounds = array<i64: 2000, 128>}, {transform_indices = @transform_2, window_bounds = array<i64: 2000, 128>}]} {
    %get3A = arith.constant 0 : index
    %get3A_0 = arith.constant 0 : index
    %get3A_1 = vector.load %arg2[%get3A, %get3A_0] : memref<2000x128xf32, #tpu.memory_space<vmem>>, vector<2000x1xf32>
    %get3A_2 = arith.constant 0 : index
    %get3A_3 = arith.constant 16 : index
    %get3A_4 = vector.load %arg2[%get3A_2, %get3A_3] : memref<2000x128xf32, #tpu.memory_space<vmem>>, vector<2000x1xf32>
    %add3A = arith.addf %get3A_1, %get3A_4 : vector<2000x1xf32>
    %add3A_5 = arith.constant 1.000000e+00 : f32
    %add3A_6 = vector.broadcast %add3A_5 : f32 to vector<2000x1xf32>
    %add3A_7 = arith.addf %add3A, %add3A_6 : vector<2000x1xf32>
    %rsqrt3A = math.rsqrt %add3A_7 : vector<2000x1xf32>
    %get3A_8 = arith.constant 0 : index
    %get3A_9 = arith.constant 0 : index
    %get3A_10 = vector.load %arg1[%get3A_8, %get3A_9] : memref<2000x32xf32, #tpu.memory_space<vmem>>, vector<2000x32xf32>
    %mul3A = vector.broadcast %rsqrt3A : vector<2000x1xf32> to vector<2000x32xf32>
    %mul3A_11 = arith.mulf %get3A_10, %mul3A : vector<2000x32xf32>
    %swap3A = arith.constant 0 : index
    %swap3A_12 = arith.constant 0 : index
    %swap3A_13 = vector.load %arg3[%swap3A, %swap3A_12] : memref<2000x128xf32, #tpu.memory_space<vmem>>, vector<2000x32xf32>
    tpu.vector_store %arg3[%swap3A, %swap3A_12], %mul3A_11 {strides = array<i32>} : memref<2000x128xf32, #tpu.memory_space<vmem>>, vector<2000x32xf32>,
    %swap3A_14 = arith.constant 0 : index
    %swap3A_15 = arith.constant 32 : index
    %swap3A_16 = vector.load %arg3[%swap3A_14, %swap3A_15] : memref<2000x128xf32, #tpu.memory_space<vmem>>, vector<2000x1xf32>
    tpu.vector_store %arg3[%swap3A_14, %swap3A_15], %rsqrt3A {strides = array<i32>} : memref<2000x128xf32, #tpu.memory_space<vmem>>, vector<2000x1xf32>,
    return
  }
  func.func @transform_0(%arg0: i32) -> (i32, i32) {
    %c0_i32 = arith.constant 0 : i32
    %c0_i32_0 = arith.constant 0 : i32
    return %arg0, %c0_i32 : i32, i32
  }
  func.func @transform_1(%arg0: i32) -> (i32, i32) {
    %c0_i32 = arith.constant 0 : i32
    %c0_i32_0 = arith.constant 0 : i32
    return %arg0, %c0_i32 : i32, i32
  }
  func.func @transform_2(%arg0: i32) -> (i32, i32) {
    %c0_i32 = arith.constant 0 : i32
    %c0_i32_0 = arith.constant 0 : i32
    return %arg0, %c0_i32 : i32, i32
  }
}

module attributes {stable_mosaic.version = 14 : i64} {
  func.func @_tc_a1_body(%arg0: i32, %arg1: memref<2000x128xf32, #tpu.memory_space<vmem>>, %arg2: memref<128x32xf32, #tpu.memory_space<vmem>>, %arg3: memref<2000x32xf32, #tpu.memory_space<vmem>>) attributes {dimension_semantics = [#tpu.dimension_semantics<arbitrary>], iteration_bounds = array<i64: 5>, scalar_prefetch = 0 : i64, scratch_operands = 0 : i64, tpu.core_type = #tpu.core_type<tc>, window_params = [{transform_indices = @transform_0, window_bounds = array<i64: 2000, 128>}, {pipeline_mode = #tpu.pipeline_mode<synchronous>, transform_indices = @transform_1, window_bounds = array<i64: 128, 32>}, {transform_indices = @transform_2, window_bounds = array<i64: 2000, 32>}]} {
    %get3A = arith.constant 0 : index
    %get3A_0 = arith.constant 0 : index
    %get3A_1 = vector.load %arg1[%get3A, %get3A_0] : memref<2000x128xf32, #tpu.memory_space<vmem>>, vector<2000x128xf32>
    %reduce_sum3A = arith.constant dense<0.000000e+00> : vector<2000xf32>
    %reduce_sum3A_2 = vector.multi_reduction <add>, %get3A_1, %reduce_sum3A [1] : vector<2000x128xf32> to vector<2000xf32>
    %broadcast_in_dim3A = vector.shape_cast %reduce_sum3A_2 : vector<2000xf32> to vector<2000x1xf32>
    %max3A = arith.constant 1.000000e+00 : f32
    %max3A_3 = vector.broadcast %max3A : f32 to vector<2000x1xf32>
    %max3A_4 = arith.maximumf %broadcast_in_dim3A, %max3A_3 : vector<2000x1xf32>
    %div3A = vector.broadcast %max3A_4 : vector<2000x1xf32> to vector<2000x128xf32>
    %div3A_5 = arith.divf %get3A_1, %div3A : vector<2000x128xf32>
    %get3A_6 = arith.constant 0 : index
    %get3A_7 = arith.constant 0 : index
    %get3A_8 = vector.load %arg2[%get3A_6, %get3A_7] : memref<128x32xf32, #tpu.memory_space<vmem>>, vector<128x32xf32>
    %dot_general3A = arith.constant dense<0.000000e+00> : vector<2000x32xf32>
    %dot_general3A_9 = tpu.matmul %div3A_5, %get3A_8, %dot_general3A {dimension_numbers = #tpu.dot_dimension_numbers<[1], [0], [0], [1], [0, 0, 1, 1], [], []>, transpose_lhs_hint = false} : vector<2000x128xf32>, vector<128x32xf32>, vector<2000x32xf32> -> vector<2000x32xf32>
    %swap3A = arith.constant 0 : index
    %swap3A_10 = arith.constant 0 : index
    %swap3A_11 = vector.load %arg3[%swap3A, %swap3A_10] : memref<2000x32xf32, #tpu.memory_space<vmem>>, vector<2000x32xf32>
    tpu.vector_store %arg3[%swap3A, %swap3A_10], %dot_general3A_9 {strides = array<i32>} : memref<2000x32xf32, #tpu.memory_space<vmem>>, vector<2000x32xf32>,
    return
  }
  func.func @transform_0(%arg0: i32) -> (i32, i32) {
    %c0_i32 = arith.constant 0 : i32
    %c0_i32_0 = arith.constant 0 : i32
    return %arg0, %c0_i32 : i32, i32
  }
  func.func @transform_1(%arg0: i32) -> (i32, i32) {
    %c0_i32 = arith.constant 0 : i32
    %c0_i32_0 = arith.constant 0 : i32
    %c0_i32_1 = arith.constant 0 : i32
    return %c0_i32, %c0_i32_0 : i32, i32
  }
  func.func @transform_2(%arg0: i32) -> (i32, i32) {
    %c0_i32 = arith.constant 0 : i32
    %c0_i32_0 = arith.constant 0 : i32
    return %arg0, %c0_i32 : i32, i32
  }
}

module attributes {stable_mosaic.version = 14 : i64} {
  func.func @_tc_b_body(%arg0: i32, %arg1: memref<2000x128xf32, #tpu.memory_space<vmem>>, %arg2: memref<2000x128xf32, #tpu.memory_space<vmem>>, %arg3: memref<1x32xf32, #tpu.memory_space<vmem>>, %arg4: memref<32x32xf32, #tpu.memory_space<vmem>>, %arg5: memref<2000x128xf32, #tpu.memory_space<vmem>>) attributes {dimension_semantics = [#tpu.dimension_semantics<arbitrary>], iteration_bounds = array<i64: 5>, scalar_prefetch = 0 : i64, scratch_operands = 0 : i64, tpu.core_type = #tpu.core_type<tc>, window_params = [{transform_indices = @transform_0, window_bounds = array<i64: 2000, 128>}, {transform_indices = @transform_1, window_bounds = array<i64: 2000, 128>}, {pipeline_mode = #tpu.pipeline_mode<synchronous>, transform_indices = @transform_2, window_bounds = array<i64: 1, 32>}, {pipeline_mode = #tpu.pipeline_mode<synchronous>, transform_indices = @transform_3, window_bounds = array<i64: 32, 32>}, {transform_indices = @transform_4, window_bounds = array<i64: 2000, 128>}]} {
    %get3A = arith.constant 0 : index
    %get3A_0 = arith.constant 32 : index
    %get3A_1 = vector.load %arg2[%get3A, %get3A_0] : memref<2000x128xf32, #tpu.memory_space<vmem>>, vector<2000x1xf32>
    %get3A_2 = arith.constant 0 : index
    %get3A_3 = arith.constant 0 : index
    %get3A_4 = vector.load %arg1[%get3A_2, %get3A_3] : memref<2000x128xf32, #tpu.memory_space<vmem>>, vector<2000x32xf32>
    %get3A_5 = arith.constant 0 : index
    %get3A_6 = arith.constant 32 : index
    %get3A_7 = vector.load %arg1[%get3A_5, %get3A_6] : memref<2000x128xf32, #tpu.memory_space<vmem>>, vector<2000x32xf32>
    %add3A = arith.addf %get3A_4, %get3A_7 : vector<2000x32xf32>
    %get3A_8 = arith.constant 0 : index
    %get3A_9 = arith.constant 0 : index
    %get3A_10 = vector.load %arg2[%get3A_8, %get3A_9] : memref<2000x128xf32, #tpu.memory_space<vmem>>, vector<2000x32xf32>
    %add3A_11 = arith.addf %add3A, %get3A_10 : vector<2000x32xf32>
    %mul3A = vector.broadcast %get3A_1 : vector<2000x1xf32> to vector<2000x32xf32>
    %mul3A_12 = arith.mulf %mul3A, %add3A_11 : vector<2000x32xf32>
    %get3A_13 = arith.constant 0 : index
    %get3A_14 = arith.constant 0 : index
    %get3A_15 = vector.load %arg3[%get3A_13, %get3A_14] : memref<1x32xf32, #tpu.memory_space<vmem>>, vector<1x32xf32>
    %add3A_16 = vector.broadcast %get3A_15 : vector<1x32xf32> to vector<2000x32xf32>
    %add3A_17 = arith.addf %mul3A_12, %add3A_16 : vector<2000x32xf32>
    %max3A = arith.constant 0.000000e+00 : f32
    %max3A_18 = vector.broadcast %max3A : f32 to vector<2000x32xf32>
    %max3A_19 = arith.maximumf %add3A_17, %max3A_18 : vector<2000x32xf32>
    %get3A_20 = arith.constant 0 : index
    %get3A_21 = arith.constant 0 : index
    %get3A_22 = vector.load %arg4[%get3A_20, %get3A_21] : memref<32x32xf32, #tpu.memory_space<vmem>>, vector<32x32xf32>
    %dot_general3A = arith.constant dense<0.000000e+00> : vector<2000x32xf32>
    %dot_general3A_23 = tpu.matmul %max3A_19, %get3A_22, %dot_general3A {dimension_numbers = #tpu.dot_dimension_numbers<[1], [0], [0], [1], [0, 0, 1, 1], [], []>, transpose_lhs_hint = false} : vector<2000x32xf32>, vector<32x32xf32>, vector<2000x32xf32> -> vector<2000x32xf32>
    %mul3A_24 = vector.broadcast %get3A_1 : vector<2000x1xf32> to vector<2000x32xf32>
    %mul3A_25 = arith.mulf %dot_general3A_23, %mul3A_24 : vector<2000x32xf32>
    %swap3A = arith.constant 0 : index
    %swap3A_26 = arith.constant 0 : index
    %swap3A_27 = vector.load %arg5[%swap3A, %swap3A_26] : memref<2000x128xf32, #tpu.memory_space<vmem>>, vector<2000x32xf32>
    tpu.vector_store %arg5[%swap3A, %swap3A_26], %mul3A_25 {strides = array<i32>} : memref<2000x128xf32, #tpu.memory_space<vmem>>, vector<2000x32xf32>,
    %swap3A_28 = arith.constant 0 : index
    %swap3A_29 = arith.constant 32 : index
    %swap3A_30 = vector.load %arg5[%swap3A_28, %swap3A_29] : memref<2000x128xf32, #tpu.memory_space<vmem>>, vector<2000x1xf32>
    tpu.vector_store %arg5[%swap3A_28, %swap3A_29], %get3A_1 {strides = array<i32>} : memref<2000x128xf32, #tpu.memory_space<vmem>>, vector<2000x1xf32>,
    return
  }
  func.func @transform_0(%arg0: i32) -> (i32, i32) {
    %c0_i32 = arith.constant 0 : i32
    %c0_i32_0 = arith.constant 0 : i32
    return %arg0, %c0_i32 : i32, i32
  }
  func.func @transform_1(%arg0: i32) -> (i32, i32) {
    %c0_i32 = arith.constant 0 : i32
    %c0_i32_0 = arith.constant 0 : i32
    return %arg0, %c0_i32 : i32, i32
  }
  func.func @transform_2(%arg0: i32) -> (i32, i32) {
    %c0_i32 = arith.constant 0 : i32
    %c0_i32_0 = arith.constant 0 : i32
    %c0_i32_1 = arith.constant 0 : i32
    return %c0_i32, %c0_i32_0 : i32, i32
  }
  func.func @transform_3(%arg0: i32) -> (i32, i32) {
    %c0_i32 = arith.constant 0 : i32
    %c0_i32_0 = arith.constant 0 : i32
    %c0_i32_1 = arith.constant 0 : i32
    return %c0_i32, %c0_i32_0 : i32, i32
  }
  func.func @transform_4(%arg0: i32) -> (i32, i32) {
    %c0_i32 = arith.constant 0 : i32
    %c0_i32_0 = arith.constant 0 : i32
    return %arg0, %c0_i32 : i32, i32
  }
}

module attributes {stable_mosaic.version = 14 : i64} {
  func.func @_tc_c_body(%arg0: i32, %arg1: memref<2000x128xf32, #tpu.memory_space<vmem>>, %arg2: memref<2000x128xf32, #tpu.memory_space<vmem>>, %arg3: memref<1x32xf32, #tpu.memory_space<vmem>>, %arg4: memref<1x1x2000xi32, #tpu.memory_space<vmem>>, %arg5: memref<32x32xf32, #tpu.memory_space<vmem>>, %arg6: memref<1x32xf32, #tpu.memory_space<vmem>>, %arg7: memref<32x10xf32, #tpu.memory_space<vmem>>, %arg8: memref<1x10xf32, #tpu.memory_space<vmem>>, %arg9: memref<64x10xf32, #tpu.memory_space<vmem>>, %arg10: memref<64x32xf32, #tpu.memory_space<vmem>>) attributes {dimension_semantics = [#tpu.dimension_semantics<arbitrary>], iteration_bounds = array<i64: 5>, scalar_prefetch = 0 : i64, scratch_operands = 1 : i64, tpu.core_type = #tpu.core_type<tc>, window_params = [{transform_indices = @transform_0, window_bounds = array<i64: 2000, 128>}, {transform_indices = @transform_1, window_bounds = array<i64: 2000, 128>}, {pipeline_mode = #tpu.pipeline_mode<synchronous>, transform_indices = @transform_2, window_bounds = array<i64: 1, 32>}, {transform_indices = @transform_3, window_bounds = array<i64: 1, 1, 2000>}, {pipeline_mode = #tpu.pipeline_mode<synchronous>, transform_indices = @transform_4, window_bounds = array<i64: 32, 32>}, {pipeline_mode = #tpu.pipeline_mode<synchronous>, transform_indices = @transform_5, window_bounds = array<i64: 1, 32>}, {pipeline_mode = #tpu.pipeline_mode<synchronous>, transform_indices = @transform_6, window_bounds = array<i64: 32, 10>}, {pipeline_mode = #tpu.pipeline_mode<synchronous>, transform_indices = @transform_7, window_bounds = array<i64: 1, 10>}, {pipeline_mode = #tpu.pipeline_mode<synchronous>, transform_indices = @transform_8, window_bounds = array<i64: 64, 10>}]} {
    %eq3A = arith.constant 0 : i32
    %eq3A_0 = arith.cmpi eq, %arg0, %eq3A : i32
    %convert_element_type3A = arith.extui %eq3A_0 : i1 to i32
    %cond3A = arith.constant 0 : i32
    %cond3A_1 = arith.cmpi ne, %convert_element_type3A, %cond3A : i32
    scf.if %cond3A_1 {
      %broadcast_in_dim3A_42 = arith.constant 0.000000e+00 : f32
      %broadcast_in_dim3A_43 = vector.broadcast %broadcast_in_dim3A_42 : f32 to vector<64x32xf32>
      %swap3A_44 = arith.constant 0 : index
      %swap3A_45 = arith.constant 0 : index
      %swap3A_46 = vector.load %arg10[%swap3A_44, %swap3A_45] : memref<64x32xf32, #tpu.memory_space<vmem>>, vector<64x32xf32>
      tpu.vector_store %arg10[%swap3A_44, %swap3A_45], %broadcast_in_dim3A_43 {strides = array<i32>} : memref<64x32xf32, #tpu.memory_space<vmem>>, vector<64x32xf32>,
    } else {
    }
    %get3A = arith.constant 0 : index
    %get3A_2 = arith.constant 32 : index
    %get3A_3 = vector.load %arg2[%get3A, %get3A_2] : memref<2000x128xf32, #tpu.memory_space<vmem>>, vector<2000x1xf32>
    %get3A_4 = arith.constant 0 : index
    %get3A_5 = arith.constant 0 : index
    %get3A_6 = vector.load %arg1[%get3A_4, %get3A_5] : memref<2000x128xf32, #tpu.memory_space<vmem>>, vector<2000x32xf32>
    %get3A_7 = arith.constant 0 : index
    %get3A_8 = arith.constant 32 : index
    %get3A_9 = vector.load %arg1[%get3A_7, %get3A_8] : memref<2000x128xf32, #tpu.memory_space<vmem>>, vector<2000x32xf32>
    %add3A = arith.addf %get3A_6, %get3A_9 : vector<2000x32xf32>
    %get3A_10 = arith.constant 0 : index
    %get3A_11 = arith.constant 0 : index
    %get3A_12 = vector.load %arg2[%get3A_10, %get3A_11] : memref<2000x128xf32, #tpu.memory_space<vmem>>, vector<2000x32xf32>
    %add3A_13 = arith.addf %add3A, %get3A_12 : vector<2000x32xf32>
    %mul3A = vector.broadcast %get3A_3 : vector<2000x1xf32> to vector<2000x32xf32>
    %mul3A_14 = arith.mulf %mul3A, %add3A_13 : vector<2000x32xf32>
    %get3A_15 = arith.constant 0 : index
    %get3A_16 = arith.constant 0 : index
    %get3A_17 = vector.load %arg3[%get3A_15, %get3A_16] : memref<1x32xf32, #tpu.memory_space<vmem>>, vector<1x32xf32>
    %add3A_18 = vector.broadcast %get3A_17 : vector<1x32xf32> to vector<2000x32xf32>
    %add3A_19 = arith.addf %mul3A_14, %add3A_18 : vector<2000x32xf32>
    %get3A_20 = arith.constant 0 : index
    %get3A_21 = arith.constant 0 : index
    %get3A_22 = arith.constant 0 : index
    %get3A_23 = vector.load %arg4[%get3A_20, %get3A_21, %get3A_22] : memref<1x1x2000xi32, #tpu.memory_space<vmem>>, vector<1x1x2000xi32>
    %get3A_24 = vector.shape_cast %get3A_23 : vector<1x1x2000xi32> to vector<2000xi32>
    %broadcast_in_dim3A = vector.shape_cast %get3A_24 : vector<2000xi32> to vector<2000x1xi32>
    %iota3A = tpu.iota {dimensions = array<i32: 1>} : vector<1x64xi32>
    %eq3A_25 = vector.broadcast %broadcast_in_dim3A : vector<2000x1xi32> to vector<2000x64xi32>
    %eq3A_26 = vector.broadcast %iota3A : vector<1x64xi32> to vector<2000x64xi32>
    %eq3A_27 = arith.cmpi eq, %eq3A_25, %eq3A_26 : vector<2000x64xi32>
    %convert_element_type3A_28 = arith.extui %eq3A_27 : vector<2000x64xi1> to vector<2000x64xi32>
    %convert_element_type3A_29 = arith.sitofp %convert_element_type3A_28 : vector<2000x64xi32> to vector<2000x64xf32>
    %dot_general3A = arith.constant dense<0.000000e+00> : vector<64x32xf32>
    %dot_general3A_30 = tpu.matmul %convert_element_type3A_29, %add3A_19, %dot_general3A {dimension_numbers = #tpu.dot_dimension_numbers<[0], [0], [1], [1], [0, 1, 1, 1], [], []>, transpose_lhs_hint = false} : vector<2000x64xf32>, vector<2000x32xf32>, vector<64x32xf32> -> vector<64x32xf32>
    %get3A_31 = arith.constant 0 : index
    %get3A_32 = arith.constant 0 : index
    %get3A_33 = vector.load %arg10[%get3A_31, %get3A_32] : memref<64x32xf32, #tpu.memory_space<vmem>>, vector<64x32xf32>
    %add3A_34 = arith.addf %get3A_33, %dot_general3A_30 : vector<64x32xf32>
    %swap3A = arith.constant 0 : index
    %swap3A_35 = arith.constant 0 : index
    %swap3A_36 = vector.load %arg10[%swap3A, %swap3A_35] : memref<64x32xf32, #tpu.memory_space<vmem>>, vector<64x32xf32>
    tpu.vector_store %arg10[%swap3A, %swap3A_35], %add3A_34 {strides = array<i32>} : memref<64x32xf32, #tpu.memory_space<vmem>>, vector<64x32xf32>,
    %eq3A_37 = arith.constant 4 : i32
    %eq3A_38 = arith.cmpi eq, %arg0, %eq3A_37 : i32
    %convert_element_type3A_39 = arith.extui %eq3A_38 : i1 to i32
    %cond3A_40 = arith.constant 0 : i32
    %cond3A_41 = arith.cmpi ne, %convert_element_type3A_39, %cond3A_40 : i32
    scf.if %cond3A_41 {
      %get3A_42 = arith.constant 0 : index
      %get3A_43 = arith.constant 0 : index
      %get3A_44 = vector.load %arg5[%get3A_42, %get3A_43] : memref<32x32xf32, #tpu.memory_space<vmem>>, vector<32x32xf32>
      %dot_general3A_45 = arith.constant dense<0.000000e+00> : vector<64x32xf32>
      %dot_general3A_46 = tpu.matmul %add3A_34, %get3A_44, %dot_general3A_45 {dimension_numbers = #tpu.dot_dimension_numbers<[1], [0], [0], [1], [0, 0, 1, 1], [], []>, transpose_lhs_hint = false} : vector<64x32xf32>, vector<32x32xf32>, vector<64x32xf32> -> vector<64x32xf32>
      %get3A_47 = arith.constant 0 : index
      %get3A_48 = arith.constant 0 : index
      %get3A_49 = vector.load %arg6[%get3A_47, %get3A_48] : memref<1x32xf32, #tpu.memory_space<vmem>>, vector<1x32xf32>
      %add3A_50 = vector.broadcast %get3A_49 : vector<1x32xf32> to vector<64x32xf32>
      %add3A_51 = arith.addf %dot_general3A_46, %add3A_50 : vector<64x32xf32>
      %max3A = arith.constant 0.000000e+00 : f32
      %max3A_52 = vector.broadcast %max3A : f32 to vector<64x32xf32>
      %max3A_53 = arith.maximumf %add3A_51, %max3A_52 : vector<64x32xf32>
      %get3A_54 = arith.constant 0 : index
      %get3A_55 = arith.constant 0 : index
      %get3A_56 = vector.load %arg7[%get3A_54, %get3A_55] : memref<32x10xf32, #tpu.memory_space<vmem>>, vector<32x10xf32>
      %dot_general3A_57 = arith.constant dense<0.000000e+00> : vector<64x10xf32>
      %dot_general3A_58 = tpu.matmul %max3A_53, %get3A_56, %dot_general3A_57 {dimension_numbers = #tpu.dot_dimension_numbers<[1], [0], [0], [1], [0, 0, 1, 1], [], []>, transpose_lhs_hint = false} : vector<64x32xf32>, vector<32x10xf32>, vector<64x10xf32> -> vector<64x10xf32>
      %get3A_59 = arith.constant 0 : index
      %get3A_60 = arith.constant 0 : index
      %get3A_61 = vector.load %arg8[%get3A_59, %get3A_60] : memref<1x10xf32, #tpu.memory_space<vmem>>, vector<1x10xf32>
      %add3A_62 = vector.broadcast %get3A_61 : vector<1x10xf32> to vector<64x10xf32>
      %add3A_63 = arith.addf %dot_general3A_58, %add3A_62 : vector<64x10xf32>
      %reduce_max3A = arith.constant dense<0xFF800000> : vector<64xf32>
      %reduce_max3A_64 = vector.multi_reduction <maximumf>, %add3A_63, %reduce_max3A [1] : vector<64x10xf32> to vector<64xf32>
      %broadcast_in_dim3A_65 = vector.shape_cast %reduce_max3A_64 : vector<64xf32> to vector<64x1xf32>
      %sub3A = vector.broadcast %broadcast_in_dim3A_65 : vector<64x1xf32> to vector<64x10xf32>
      %sub3A_66 = arith.subf %add3A_63, %sub3A : vector<64x10xf32>
      %exp3A = math.exp %sub3A_66 : vector<64x10xf32>
      %reduce_sum3A = arith.constant dense<0.000000e+00> : vector<64xf32>
      %reduce_sum3A_67 = vector.multi_reduction <add>, %exp3A, %reduce_sum3A [1] : vector<64x10xf32> to vector<64xf32>
      %broadcast_in_dim3A_68 = vector.shape_cast %reduce_sum3A_67 : vector<64xf32> to vector<64x1xf32>
      %log3A = math.log %broadcast_in_dim3A_68 : vector<64x1xf32>
      %sub3A_69 = vector.broadcast %log3A : vector<64x1xf32> to vector<64x10xf32>
      %sub3A_70 = arith.subf %sub3A_66, %sub3A_69 : vector<64x10xf32>
      %swap3A_71 = arith.constant 0 : index
      %swap3A_72 = arith.constant 0 : index
      %swap3A_73 = vector.load %arg9[%swap3A_71, %swap3A_72] : memref<64x10xf32, #tpu.memory_space<vmem>>, vector<64x10xf32>
      tpu.vector_store %arg9[%swap3A_71, %swap3A_72], %sub3A_70 {strides = array<i32>} : memref<64x10xf32, #tpu.memory_space<vmem>>, vector<64x10xf32>,
    } else {
    }
    return
  }
  func.func @transform_0(%arg0: i32) -> (i32, i32) {
    %c0_i32 = arith.constant 0 : i32
    %c0_i32_0 = arith.constant 0 : i32
    return %arg0, %c0_i32 : i32, i32
  }
  func.func @transform_1(%arg0: i32) -> (i32, i32) {
    %c0_i32 = arith.constant 0 : i32
    %c0_i32_0 = arith.constant 0 : i32
    return %arg0, %c0_i32 : i32, i32
  }
  func.func @transform_2(%arg0: i32) -> (i32, i32) {
    %c0_i32 = arith.constant 0 : i32
    %c0_i32_0 = arith.constant 0 : i32
    %c0_i32_1 = arith.constant 0 : i32
    return %c0_i32, %c0_i32_0 : i32, i32
  }
  func.func @transform_3(%arg0: i32) -> (i32, i32, i32) {
    %c0_i32 = arith.constant 0 : i32
    %c0_i32_0 = arith.constant 0 : i32
    %c0_i32_1 = arith.constant 0 : i32
    return %arg0, %c0_i32, %c0_i32_0 : i32, i32, i32
  }
  func.func @transform_4(%arg0: i32) -> (i32, i32) {
    %c0_i32 = arith.constant 0 : i32
    %c0_i32_0 = arith.constant 0 : i32
    %c0_i32_1 = arith.constant 0 : i32
    return %c0_i32, %c0_i32_0 : i32, i32
  }
  func.func @transform_5(%arg0: i32) -> (i32, i32) {
    %c0_i32 = arith.constant 0 : i32
    %c0_i32_0 = arith.constant 0 : i32
    %c0_i32_1 = arith.constant 0 : i32
    return %c0_i32, %c0_i32_0 : i32, i32
  }
  func.func @transform_6(%arg0: i32) -> (i32, i32) {
    %c0_i32 = arith.constant 0 : i32
    %c0_i32_0 = arith.constant 0 : i32
    %c0_i32_1 = arith.constant 0 : i32
    return %c0_i32, %c0_i32_0 : i32, i32
  }
  func.func @transform_7(%arg0: i32) -> (i32, i32) {
    %c0_i32 = arith.constant 0 : i32
    %c0_i32_0 = arith.constant 0 : i32
    %c0_i32_1 = arith.constant 0 : i32
    return %c0_i32, %c0_i32_0 : i32, i32
  }
  func.func @transform_8(%arg0: i32) -> (i32, i32) {
    %c0_i32 = arith.constant 0 : i32
    %c0_i32_0 = arith.constant 0 : i32
    %c0_i32_1 = arith.constant 0 : i32
    return %c0_i32, %c0_i32_0 : i32, i32
  }
}

</mosaic_0001>

<sc_bundles>
// kernel: kernel.12.cloned.1.call-start
scs
__scs_entry_jumppad:
0x0: {  	(pc) =	sbr.rel $0x88, $3  }
0x1: {  	(tag) =	ssettag $0x0;
	lr =	simm.s32 $0x1  }
0x2: {  	[smem:$0x3F96] =	sst lr;
	_ =	strace $0xD0000000  }
0x3: {  	_ = 	snop  }
0x4: {  	_ = 	snop  }
0x5: {  	_ = 	snop  }
0x6: {  	_ = 	snop  }
0x7: {  	_ = 	snop  }
__scs_overlays_trampoline_lowered:
0x8: {  	[smem:$0x3FA5] =	sst s0  }
0x9: {  	[smem:$0x3FA6] =	sst s1  }
0xa: {  	[smem:$0x3FA7] =	sst s2  }
0xb: {  	[smem:$0x3FA8] =	sst s3  }
0xc: {  	[smem:$0x3FA9] =	sst s4  }
0xd: {  	[smem:$0x3FAA] =	sst s5  }
0xe: {  	[smem:$0x3FAB] =	sst s6  }
0xf: {  	[smem:$0x3FAC] =	sst s7  }
0x10: {  	[smem:$0x3FAD] =	sst s8  }
0x11: {  	[smem:$0x3FAE] =	sst s9;
	s0 =	simm.s32 @!p0 $0x0  }
0x12: {  	s1 =	sld [smem:$0x3F94];
	s0 =	simm.s32 @p0 $0x1  }
0x13: {  	[smem:$0x3FAF] =	sst s0;
	s0 =	simm.s32 @!p1 $0x0  }
0x14: {  	s2 =	sld [smem:$0x3F93];
	s0 =	simm.s32 @p1 $0x1  }
0x15: {  	[smem:$0x3FB0] =	sst s0;
	s0 =	simm.s32 @!p2 $0x0  }
0x16: {  	s3 =	sld [smem:$0x3FDB];
	s0 =	simm.s32 @p2 $0x1  }
0x17: {  	s4 =	simm.s32 $0x1BF5;
	[smem:$0x3FB2] =	sst s0  }
0x18: {  	s0 =	sld [smem:$0x3F95];
	_ =	swait.ge [sflag:s4], $0x0  }
0x19: {  	s7 =	sld [smem:$0x3F96]  }
0x1a: {  	s8 =	sadd.s32 $0xFFFFE003, lr  }
0x1b: {  	s9 =	sadd.s32 $0xFFFFFEF7, lr;
	s5 =	simm.s32 $0xFFFFFFFF;
	p2 =	slt.u32 s8, $0xFFFFF086  }
0x1c: {  	p1 =	slt.u32 s9, $0xF7A;
	s5 =	simm.s32 @!p2 $0x0  }
0x1d: {  	s5 =	simm.s32 @p1 $0x1;
	p0 =	seq.s32 s7, s2  }
0x1e: {  	s7 =	smul.u32 @!p0 $0xF7A, s2;
	p2 =	seq.s32 @!p0 s5, $0x0  }
0x1f: {  	s9 =	smul.u32 $0xF7A, s1;
	s8 =	simm.s32 @!p0 $0x1BF5;
	p2 =	por !p2, p0  }
0x20: {  	[sflag:s8] =	ssyncset.s32 @!p0 $0xFFFFF086;
	s6 =	sadd.s32 @!p0 s3, s7;
	s7 =	simm.s32 @!p0 $0x108  }
0x21: {  	s3 =	sadd.s32 s3, s9;
	s6 =	sadd.s32 @!p0 $0x88, s6;
	s7 =	simm.s32 @p2 $0x1082  }
0x22: {  	[simem:s7], [sflag:s8] =	dma.local @!p0 [hbm:s6], $0xF7A  }
0x23: {  	s9 =	sor.u32 $0xD0000000, s2;
	s6 =	simm.s32 $0x108;
	_ =	swait.ge @!p0 [sflag:s8], $0x0  }
0x24: {  	s3 =	sadd.s32 $0x88, s3;
	s6 =	simm.s32 @!p1 $0x1082;
	[sflag:s4] =	ssyncset.s32 $0xFFFFF086  }
0x25: {  	[simem:s6], [sflag:s4] =	dma.local [hbm:s3], $0xF7A  }
0x26: {  	[smem:$0x3F96] =	sst s1;
	(tag) =	ssettag s2;
	_ =	strace s9  }
0x27: {  	s1 =	sld [smem:$0x3FA6]  }
0x28: {  	s2 =	sld [smem:$0x3FA7]  }
0x29: {  	s4 =	sld [smem:$0x3FA9]  }
0x2a: {  	p0 =	seq.s32 s5, $0x0;
	s5 =	sld [smem:$0x3FAA]  }
0x2b: {  	s6 =	sld [smem:$0x3FAB]  }
0x2c: {  	s7 =	sld [smem:$0x3FAC]  }
0x2d: {  	s3 =	simm.s32 $0x108;
	s8 =	sld [smem:$0x3FAD]  }
0x2e: {  	s3 =	simm.s32 @!p0 $0x1082;
	s9 =	sld [smem:$0x3FAE]  }
0x2f: {  	lr =	sadd.s32 s0, s3;
	s0 =	sld [smem:$0x3FA5]  }
0x30: {  	s3 =	sld [smem:$0x3FA8]  }
0x31: {  	[smem:$0x3FB1] =	sst s10  }
0x32: {  	s10 =	sld [smem:$0x3FAF];
	_ =	sdelay $0x3  }
0x33: {  	p0 =	seq.s32 s10, $0x1;
	s10 =	sld [smem:$0x3FB1];
	_ =	sdelay $0x3  }
0x34: {  	[smem:$0x3FB1] =	sst s10  }
0x35: {  	s10 =	sld [smem:$0x3FB0];
	_ =	sdelay $0x3  }
0x36: {  	p1 =	seq.s32 s10, $0x1;
	s10 =	sld [smem:$0x3FB1];
	_ =	sdelay $0x3  }
0x37: {  	[smem:$0x3FB1] =	sst s10  }
0x38: {  	s10 =	sld [smem:$0x3FB2]  }
0x39: {  	_ = 	snop;
	(pc) =	sbr.ind lr, $3  }
0x3a: {  	_ = 	snop  }
0x3b: {  	_ = 	snop  }
0x3c: {  	p2 =	seq.s32 s10, $0x1;
	s10 =	sld [smem:$0x3FB1]  }
0x3d: {  	_ =	shalt  }
0x3e: {  	_ =	shalt  }
0x3f: {  	_ =	shalt  }
0x40: {  	_ =	shalt  }
0x41: {  	_ =	shalt  }
0x42: {  	_ =	shalt  }
0x43: {  	_ =	shalt  }
0x44: {  	_ =	shalt  }
0x45: {  	_ =	shalt  }
0x46: {  	_ =	shalt  }
0x47: {  	_ =	shalt  }
0x48: {  	_ =	shalt  }
0x49: {  	_ =	shalt  }
0x4a: {  	_ =	shalt  }
0x4b: {  	_ =	shalt  }
0x4c: {  	_ =	shalt  }
0x4d: {  	_ =	shalt  }
0x4e: {  	_ =	shalt  }
0x4f: {  	_ =	shalt  }
0x50: {  	_ =	shalt  }
0x51: {  	_ =	shalt  }
0x52: {  	_ =	shalt  }
0x53: {  	_ =	shalt  }
0x54: {  	_ =	shalt  }
0x55: {  	_ =	shalt  }
0x56: {  	_ =	shalt  }
0x57: {  	_ =	shalt  }
0x58: {  	_ =	shalt  }
0x59: {  	_ =	shalt  }
0x5a: {  	_ =	shalt  }
0x5b: {  	_ =	shalt  }
0x5c: {  	_ =	shalt  }
0x5d: {  	_ =	shalt  }
0x5e: {  	_ =	shalt  }
0x5f: {  	_ =	shalt  }
0x60: {  	_ =	shalt  }
0x61: {  	_ =	shalt  }
0x62: {  	_ =	shalt  }
0x63: {  	_ =	shalt  }
0x64: {  	_ =	shalt  }
0x65: {  	_ =	shalt  }
0x66: {  	_ =	shalt  }
0x67: {  	_ =	shalt  }
0x68: {  	_ =	shalt  }
0x69: {  	_ =	shalt  }
0x6a: {  	_ =	shalt  }
0x6b: {  	_ =	shalt  }
0x6c: {  	_ =	shalt  }
0x6d: {  	_ =	shalt  }
0x6e: {  	_ =	shalt  }
0x6f: {  	_ =	shalt  }
0x70: {  	_ =	shalt  }
0x71: {  	_ =	shalt  }
0x72: {  	_ =	shalt  }
0x73: {  	_ =	shalt  }
0x74: {  	_ =	shalt  }
0x75: {  	_ =	shalt  }
0x76: {  	_ =	shalt  }
0x77: {  	_ =	shalt  }
0x78: {  	_ =	shalt  }
0x79: {  	_ =	shalt  }
0x7a: {  	_ =	shalt  }
0x7b: {  	_ =	shalt  }
0x7c: {  	_ =	shalt  }
0x7d: {  	_ =	shalt  }
0x7e: {  	_ =	shalt  }
0x7f: {  	_ =	shalt  }
0x80: {  	_ =	shalt  }
0x81: {  	_ =	shalt  }
0x82: {  	_ =	shalt  }
0x83: {  	_ =	shalt  }
0x84: {  	_ =	shalt  }
0x85: {  	_ =	shalt  }
0x86: {  	_ =	shalt  }
0x87: {  	_ =	shalt  }
.Lfunc_end0:
.L_simem_size_0:
called_computation.1_lowered:
.L_overlay_start_0:
0x88: {  	s2 =	sld [smem:$0x3FD9]  }
0x89: {  	s3 =	sld [smem:$0x3FFE];
	_ =	sdelay $0x1  }
0x8a: {  	s1 =	srdreg.scid  }
0x8b: {  	s0 =	sand.u32 $0x1, s1  }
0x8c: {  	s16 =	sshll.u32 s0, $0xA;
	s2 =	sadd.s32 s3, s2  }
0x8d: {  	s2 =	sadd.s32 s2, s16  }
0x8e: {  	[smem:$0x3FBD] =	sst s2  }
0x8f: {  	_ = 	snop  }
0x90: {  	(tm) =	ssettm $0x1  }
0x91: {  	s17 =	sld [smem:$0x3FFB];
	_ =	sdelay $0x3  }
0x92: {  	_ =	strace s17  }
0x93: {  	s2 =	sld [smem:$0x3FFC];
	_ =	sdelay $0x3  }
0x94: {  	_ =	strace s2  }
0x95: {  	s2 =	sld [smem:$0x3FFD];
	_ =	sdelay $0x3  }
0x96: {  	_ =	strace s2  }
0x97: {  	_ =	strace $0x8FFFFFFF  }
0x98: {  	s18 =	sld [smem:$0x3FDB];
	_ =	sdelay $0x1  }
0x99: {  	s19 =	simm.s32 $_scs_section_size  }
0x9a: {  	s4 =	simm.s32 $_size__tile_overlayer_lowered;
	s5 =	simm.s32 $_tile_overlayer_lowered  }
0x9b: {  	s22 =	simm.s32 $0x1BFF;
	s21 =	sshll.u32 s5, $0x1;
	s2 =	sadd.s32 s19, s18  }
0x9c: {  	s6 =	simm.s32 $0x0;
	s20 =	sshll.u32 s4, $0x1;
	s4 =	sadd.s32 s21, s2  }
0x9d: {  	[timem:s6], [sflag:s22] =	dma.local [hbm:s4], s20  }
0x9e: {  	_ =	swait.ge [sflag:s22], s20  }
0x9f: {  	s3 =	ssub.s32 $0x0, s20;
	[sflag:s22] =	ssyncset.done $0x0  }
0xa0: {  	[sflag:s22] =	ssyncadd.s32 s3;
	_ =	sdelay $0x1  }
0xa1: {  	s23 =	simm.s32 $0x1B8B  }
0xa2: {  	_ =	swait.ge [sflag:s23], $0x1  }
0xa3: {  	[sflag:s23] =	ssyncset.done $0x0  }
0xa4: {  	s25 =	simm.s32 $0x1B8E;
	s24 =	sld [smem:$0x3FFE];
	[sflag:s23] =	ssyncadd.s32 $0xFFFFFFFF  }
0xa5: {  	s26 =	simm.s32 $execute0_lowered;
	[smem:$0x3FD2] =	sst s25  }
0xa6: {  	s4 =	sshll.u32 s26, $0x1;
	_ =	strace $0x80000049;
	[dreg:$0x1] =	wrdreg $0xFFFFFFFF  }
0xa7: {  	s28 =	simm.s32 $_size_execute0_lowered;
	s2 =	sadd.s32 s2, s4;
	[dreg:$0x0] =	wrdreg $0x0  }
0xa8: {  	s4 =	sshll.u32 s28, $0x1;
	[dreg:$0x2] =	wrdreg s2  }
0xa9: {  	[dreg:$0x3] =	wrdreg s4  }
0xaa: {  	[dreg:$0x4] =	wrdreg $0xC0  }
0xab: {  	_ =	task [dreg:s6], $0x5FFFF  }
0xac: {  	[dreg:$0x1] =	wrdreg $0xFFFFFFFF  }
0xad: {  	[dreg:$0x0] =	wrdreg $0x60  }
0xae: {  	[dreg:$0x2] =	wrdreg s24  }
0xaf: {  	[dreg:$0x3] =	wrdreg $0x14E200  }
0xb0: {  	[dreg:$0x4] =	wrdreg $0xFF200  }
0xb1: {  	[dreg:$0x5] =	wrdreg $0x9  }
0xb2: {  	_ =	task.clear_ibuf [dreg:s6], $0x6FFFF;
	_ =	strace $0x90000049  }
0xb3: {  	s29 =	simm.s32 $0x9;
	_ =	strace $0x8000004B  }
0xb4: {  	_ =	swait.ge [sflag:s29], $0x1  }
0xb5: {  	[sflag:s29] =	ssyncadd.s32 $0xFFFFFFFF  }
0xb6: {  	_ =	strace $0x9000004B  }
0xb7: {  	_ =	sfence  }
0xb8: {  	s30 =	sld [smem:$0x0];
	_ =	sdelay $0x2  }
0xb9: {  	s31 =	sshll.u32 s1, $0xD;
	s1 =	sshrl.u32 s1, $0x2  }
0xba: {  	s3 =	sand.u32 $0x4000, s31;
	s1 =	sadd.s32 s1, s30  }
0xbb: {  	s0 =	sor.u32 s3, s0;
	s1 =	sshll.u32 s1, $0x11  }
0xbc: {  	s0 =	sor.u32 s1, s0  }
0xbd: {  	s0 =	sadd.s32 $0x8F2B, s0  }
0xbe: {  	[sflag:s0] =	ssyncadd.remote.s32 $0x1  }
0xbf: {  	_ =	sfence.sel $0xFFFF  }
0xc0: {  	[dreg:$0x0] =	wrdreg $0xFFFFFFFF;
	(pc) =	sbr.abs _section_cstart, $3  }
0xc1: {  	[dreg:$0x1] =	wrdreg $0xFFFFFFFF  }
0xc2: {  	_ =	task.clear_ibuf [dreg:s6], $0x2FFFF;
	_ =	strace $0x9FFFFFFF  }
0xc3: {  	(tm) =	ssettm $0x7FFFFFFF  }
tec
execute0_lowered:
.L_overlay_start_1:
0x0: {  	(tag) =	ssettag $0x1  }
0x1: {  	s0 =	rddreg [dreg:$0x0]  }
0x2: {  	s1 =	rddreg [dreg:$0x1]  }
0x3: {  	s3 =	rddreg [dreg:$0x2]  }
0x4: {  	s10 =	stileid.u32;
	s2 =	srdreg.scid;
	s6 =	simm.s32 $0x0  }
0x5: {  	s16 =	simm.s32 $0x1;
	s24 =	simm.s32 $0x4E20;
	s25 =	simm.s32 $0x5E20  }
0x6: {  	s26 =	simm.s32 $0x6E20;
	s29 =	simm.s32 $0x7E20;
	s31 =	simm.s32 $0x8E20  }
0x7: {  	s28 =	simm.s32 $0x2;
	s30 =	simm.s32 $0x0;
	s4 =	smul.u32 $0x13C00, s10  }
0x8: {  	s2 =	sand.u32 $0x1, s2;
	s5 =	sshll.u32 s10, $0x1;
	[smem:$0x7FF] =	sst s6  }
0x9: {  	s9 =	smul.u32 $0x4F00, s10;
	_ =	strace $0x8000004A;
	[dreg:$0x4] =	wrdreg s24  }
0xa: {  	s19 =	sshll.u32 s10, $0x6;
	s5 =	sor.u32 s2, s5;
	[dreg:$0x5] =	wrdreg s25  }
0xb: {  	s7 =	sshll.u32 s2, $0x5;
	s2 =	ssub.s32 $0x2, s2;
	[dreg:$0x6] =	wrdreg s26  }
0xc: {  	s21 =	sor.u32 $0x1C03, s19;
	s19 =	simm.s32 $0x3;
	[dreg:$0x7] =	wrdreg s29  }
0xd: {  	[dreg:$0x8] =	wrdreg s31;
	s25 =	simm.s32 $0xAE20;
	s18 =	sshrl.u32 s4, $0x3  }
0xe: {  	s5 =	smul.u32 $0x2710, s5;
	s7 =	sor.u32 s7, s4;
	s8 =	sshrl.u32 s2, $0x1  }
0xf: {  	s15 =	sadd.s32 s9, s1;
	s4 =	sshrl.u32 s4, $0x2;
	[dreg:$0xa] =	wrdreg s21  }
0x10: {  	s6 =	sadd.s32 s18, s0;
	s7 =	sshrl.u32 s7, $0x3;
	s2 =	ssub.s32 s2, s8  }
0x11: {  	s4 =	sadd.s32 s4, s3;
	s15 =	sshrl.u32 s15, $0x3;
	s18 =	simm.s32 $0x10  }
0x12: {  	s5 =	sshrl.u32 s5, $0x3;
	s20 =	sadd.s32 $0x16E00, s6;
	s22 =	sadd.s32 $0x13C0, s4  }
0x13: {  	s23 =	sadd.s32 $0x2780, s4;
	s10 =	sadd.s32 $0x3B40, s4;
	[dreg:$0x9] =	wrdreg s20  }
0x14: {  	s14 =	smax.u32 s2, $0x1;
	s12 =	sadd.s32 s5, s0;
	[dreg:$0xb] =	wrdreg s22  }
0x15: {  	s0 =	sadd.s32 s7, s0;
	s7 =	sadd.s32 s9, s3;
	[dreg:$0xc] =	wrdreg s23  }
0x16: {  	s20 =	simm.s32 $0xB020;
	s22 =	simm.s32 $0x80;
	s23 =	simm.s32 $0x9E20  }
0x17: {  	v0 =	vimm.f32 $0.0e+00;
	s11 =	sadd.s32 $0x3400, s12;
	s12 =	sadd.s32 $0xD040, s12;
	s13 =	sadd.s32 $0x3E600, s0  }
.LBB2_1:
0x18: {  	s0 =	rddreg [dreg:$0x9]  }
0x19: {  	s2 =	rddreg [dreg:$0xa];
	s4 =	simm.s32 $0x4  }
0x1a: {  	[spmem:s15@s4], [sflag:s2] =	dma.strided [hbm:s0@s18], $0x9E0, s16, $0x4   }
0x1b: {  	_ =	swait.ge [sflag:s19], $0x9E0  }
0x1c: {  	[sflag:s19] =	ssyncset.done $0x0  }
0x1d: {  	s0 =	simm.s32 $0xB0A0;
	[sflag:s19] =	ssyncadd.s32 $0xFFFFF620  }
0x1e: {  	[tilespmem:s0+$0xFFFFFF80] =	vst v0  }
0x1f: {  	[tilespmem:s0+$0x70] =	vst v0  }
0x20: {  	[tilespmem:s0+$0x60] =	vst v0  }
0x21: {  	[tilespmem:s0+$0x50] =	vst v0  }
0x22: {  	[tilespmem:s0+$0x40] =	vst v0  }
0x23: {  	[tilespmem:s0+$0x30] =	vst v0  }
0x24: {  	[tilespmem:s0+$0x20] =	vst v0  }
0x25: {  	[tilespmem:s0+$0x10] =	vst v0  }
0x26: {  	[tilespmem:s0+$0x0] =	vst v0  }
0x27: {  	[tilespmem:s0+$0xFFFFFFF0] =	vst v0  }
0x28: {  	[tilespmem:s0+$0xFFFFFFE0] =	vst v0  }
0x29: {  	[tilespmem:s0+$0xFFFFFFD0] =	vst v0  }
0x2a: {  	[tilespmem:s0+$0xFFFFFFC0] =	vst v0  }
0x2b: {  	[tilespmem:s0+$0xFFFFFFB0] =	vst v0  }
0x2c: {  	s2 =	simm.s32 $0x0;
	[tilespmem:s0+$0xFFFFFFA0] =	vst v0  }
.LBB2_2:
0x2d: {  	s2 =	sadd.s32 $0x8, s2;
	[tilespmem:s0+$0xFFFFFF90] =	vst v0;
	s0 =	sadd.s32 $0x100, s0  }
0x2e: {  	[tilespmem:s0+$0xFFFFFF80] =	vst v0;
	p0 =	slt.u32 s2, $0x90  }
0x2f: {  	[tilespmem:s0+$0x70] =	vst v0  }
0x30: {  	[tilespmem:s0+$0x60] =	vst v0  }
0x31: {  	[tilespmem:s0+$0x50] =	vst v0  }
0x32: {  	[tilespmem:s0+$0x40] =	vst v0  }
0x33: {  	[tilespmem:s0+$0x30] =	vst v0  }
0x34: {  	[tilespmem:s0+$0x20] =	vst v0  }
0x35: {  	[tilespmem:s0+$0x10] =	vst v0  }
0x36: {  	[tilespmem:s0+$0x0] =	vst v0  }
0x37: {  	[tilespmem:s0+$0xFFFFFFF0] =	vst v0  }
.Ltmp0:
0x38: {  	[tilespmem:s0+$0xFFFFFFE0] =	vst v0;
	(pc) =	sbr.rel @p0 .LBB2_2-.Ltmp0, $4  }
0x39: {  	[tilespmem:s0+$0xFFFFFFD0] =	vst v0  }
0x3a: {  	[tilespmem:s0+$0xFFFFFFC0] =	vst v0  }
0x3b: {  	[tilespmem:s0+$0xFFFFFFB0] =	vst v0  }
0x3c: {  	[tilespmem:s0+$0xFFFFFFA0] =	vst v0  }
0x3d: {  	[tilespmem:s0+$0xFFFFFF90] =	vst v0  }
0x3e: {  	[tilespmem:$0xC320] =	vst v0  }
0x3f: {  	[tilespmem:$0xC330] =	vst v0  }
0x40: {  	[tilespmem:$0xC340] =	vst v0  }
0x41: {  	[tilespmem:$0xC350] =	vst v0  }
0x42: {  	[tilespmem:$0xC360] =	vst v0  }
0x43: {  	[tilespmem:$0xC370] =	vst v0  }
0x44: {  	[tilespmem:$0xC380] =	vst v0  }
0x45: {  	[tilespmem:$0xC390] =	vst v0  }
0x46: {  	[tilespmem:$0xC3A0] =	vst v0  }
0x47: {  	[tilespmem:$0xC3B0] =	vst v0  }
0x48: {  	[tilespmem:$0xC3C0] =	vst v0  }
0x49: {  	[tilespmem:$0xC3D0] =	vst v0  }
0x4a: {  	[spmem:s7] =	stream.linear.scatter [tilespmem:s20], [sflag:$0x3], $0x13C0, $0x38;
	[tilespmem:$0x19D20] =	vst v63  }
0x4b: {  	_ =	swait.ge [sflag:s19], $0x13C0  }
0x4c: {  	[sflag:s19] =	ssyncset.done $0x0  }
0x4d: {  	s4 =	rddreg [dreg:$0xb];
	[sflag:s19] =	ssyncadd.s32 $0xFFFFEC40  }
0x4e: {  	[spmem:s4] =	stream.linear.scatter [tilespmem:s20], [sflag:$0x3], $0x13C0, $0x38;
	[tilespmem:$0x19D20] =	vst v63  }
0x4f: {  	_ =	swait.ge [sflag:s19], $0x13C0  }
0x50: {  	[sflag:s19] =	ssyncset.done $0x0  }
0x51: {  	s5 =	rddreg [dreg:$0xc];
	[sflag:s19] =	ssyncadd.s32 $0xFFFFEC40  }
0x52: {  	[spmem:s5] =	stream.linear.scatter [tilespmem:s20], [sflag:$0x3], $0x13C0, $0x38;
	[tilespmem:$0x19D20] =	vst v63  }
0x53: {  	_ =	swait.ge [sflag:s19], $0x13C0  }
0x54: {  	[sflag:s19] =	ssyncset.done $0x0  }
0x55: {  	[sflag:s19] =	ssyncadd.s32 $0xFFFFEC40  }
0x56: {  	[spmem:s10] =	stream.linear.scatter [tilespmem:s20], [sflag:$0x3], $0x13C0, $0x38;
	[tilespmem:$0x19D20] =	vst v63  }
0x57: {  	_ =	swait.ge [sflag:s19], $0x13C0  }
0x58: {  	[sflag:s19] =	ssyncset.done $0x0  }
0x59: {  	s6 =	simm.s32 $0x0;
	[sflag:s19] =	ssyncadd.s32 $0xFFFFEC40  }
0x5a: {  	[tilespmem:s6], [sflag:$0x3] =	stream.linear.gather [hbm4b:s11+s6], $0x2710, $0x38;
	[tilespmem:$0x19D20] =	vst v63  }
0x5b: {  	_ =	swait.ge [sflag:s19], $0x2710  }
0x5c: {  	[sflag:s19] =	ssyncset.done $0x0  }
0x5d: {  	s2 =	simm.s32 $0x2710;
	[sflag:s19] =	ssyncadd.s32 $0xFFFFD8F0  }
0x5e: {  	[tilespmem:s2], [sflag:$0x3] =	stream.linear.gather [hbm4b:s12+s6], $0x2710, $0x38;
	[tilespmem:$0x19D20] =	vst v63  }
0x5f: {  	_ =	swait.ge [sflag:s19], $0x2710  }
0x60: {  	[sflag:s19] =	ssyncset.done $0x0  }
0x61: {  	p0 =	por $0x0, $0x0;
	[sflag:s19] =	ssyncadd.s32 $0xFFFFD8F0  }
0x62: {  	s0 =	simm.s32 @p0 $0x2;
	[bflag:$0x0] =	sbarrier.arrive $0xFFFF  }
0x63: {  	_ =	swait.ge @p0 [sflag:s0], $0x1000  }
0x64: {  	s17 =	simm.s32 @p0 $0x4E20;
	[sflag:s0] =	ssyncset.done @p0 $0x0  }
0x65: {  	s4 =	simm.s32 @p0 $0x80;
	s2 =	simm.s32 @p0 $0x0;
	[sflag:s0] =	ssyncadd.s32 @p0 $0xFFFFF000  }
0x66: {  	[tilespmem:s17], [sflag:$0x1] =	stream.indirect.gather @p0 [spmem:s1], $0x20, s2, s4, $0xb8;
	[tilespmem:$0x19D20] =	vst v63  }
0x67: {  	_ =	swait.ge @p0 [sflag:s0], $0x1000  }
0x68: {  	[sflag:s0] =	ssyncset.done @p0 $0x0  }
0x69: {  	s2 =	simm.s32 @p0 $0x80;
	s17 =	simm.s32 @p0 $0x5E20;
	[sflag:s0] =	ssyncadd.s32 @p0 $0xFFFFF000  }
0x6a: {  	[tilespmem:s17], [sflag:$0x1] =	stream.indirect.gather @p0 [spmem:s1], $0x20, s2, s4, $0xb8;
	[tilespmem:$0x19D20] =	vst v63  }
0x6b: {  	_ =	swait.ge @p0 [sflag:s0], $0x1000  }
0x6c: {  	[sflag:s0] =	ssyncset.done @p0 $0x0  }
0x6d: {  	s2 =	simm.s32 @p0 $0x100;
	s17 =	simm.s32 @p0 $0x6E20;
	[sflag:s0] =	ssyncadd.s32 @p0 $0xFFFFF000  }
0x6e: {  	[tilespmem:s17], [sflag:$0x1] =	stream.indirect.gather @p0 [spmem:s1], $0x20, s2, s4, $0xb8;
	[tilespmem:$0x19D20] =	vst v63  }
0x6f: {  	_ =	swait.ge @p0 [sflag:s0], $0x1000  }
0x70: {  	[sflag:s0] =	ssyncset.done @p0 $0x0  }
0x71: {  	s2 =	simm.s32 @p0 $0x180;
	s17 =	simm.s32 @p0 $0x7E20;
	[sflag:s0] =	ssyncadd.s32 @p0 $0xFFFFF000  }
0x72: {  	[tilespmem:s17], [sflag:$0x1] =	stream.indirect.gather @p0 [spmem:s1], $0x20, s2, s4, $0xb8;
	[tilespmem:$0x19D20] =	vst v63  }
0x73: {  	_ =	swait.ge @p0 [sflag:s0], $0x1000  }
0x74: {  	[sflag:s0] =	ssyncset.done @p0 $0x0  }
0x75: {  	s2 =	simm.s32 $0x200;
	s17 =	simm.s32 @p0 $0x8E20;
	[sflag:s0] =	ssyncadd.s32 @p0 $0xFFFFF000  }
0x76: {  	[tilespmem:s17], [sflag:$0x1] =	stream.indirect.gather @p0 [spmem:s1], $0x20, s2, s4, $0xb8;
	[tilespmem:$0x19D20] =	vst v63  }
0x77: {  	_ =	swait.ge @p0 [sflag:s0], $0x1000  }
0x78: {  	s2 =	simm.s32 @!p0 $0x80;
	[sflag:s0] =	ssyncset.done @p0 $0x0  }
0x79: {  	s4 =	simm.s32 @!p0 $0x0;
	[sflag:s0] =	ssyncadd.s32 @p0 $0xFFFFF000;
	s0 =	simm.s32 @!p0 $0x4E20  }
0x7a: {  	[tilespmem:s0], [sflag:$0x1] =	stream.indirect.gather @!p0 [spmem:s1], $0x20, s4, s2, $0xb8;
	[tilespmem:$0x19D20] =	vst v63  }
0x7b: {  	s0 =	simm.s32 @!p0 $0x5E20  }
0x7c: {  	[tilespmem:s0], [sflag:$0x1] =	stream.indirect.gather @!p0 [spmem:s1], $0x20, s2, s2, $0xb8;
	[tilespmem:$0x19D20] =	vst v63  }
0x7d: {  	s4 =	simm.s32 @!p0 $0x6E20;
	s0 =	simm.s32 @!p0 $0x100  }
0x7e: {  	[tilespmem:s4], [sflag:$0x1] =	stream.indirect.gather @!p0 [spmem:s1], $0x20, s0, s2, $0xb8;
	[tilespmem:$0x19D20] =	vst v63  }
0x7f: {  	s17 =	simm.s32 @!p0 $0x7E20;
	s4 =	simm.s32 @p0 $0x0;
	s0 =	simm.s32 @!p0 $0x180  }
0x80: {  	[tilespmem:s17], [sflag:$0x1] =	stream.indirect.gather @!p0 [spmem:s1], $0x20, s0, s2, $0xb8;
	[tilespmem:$0x19D20] =	vst v63  }
0x81: {  	s4 =	simm.s32 @!p0 $0x0;
	s0 =	simm.s32 @!p0 $0x200;
	s17 =	simm.s32 @!p0 $0x8E20  }
0x82: {  	[tilespmem:s17], [sflag:$0x1] =	stream.indirect.gather @!p0 [spmem:s1], $0x20, s0, s2, $0xb8;
	[tilespmem:$0x19D20] =	vst v63  }
0x83: {  	s8 =	sadd.s32 $0x280, s4  }
0x84: {  	[tilespmem:s23], [sflag:$0x1] =	stream.indirect.gather [spmem:s1], $0x20, s8, s22, $0xb8;
	[tilespmem:$0x19D20] =	vst v63  }
0x85: {  	_ =	swait.ge [sflag:s16], $0x1000  }
0x86: {  	[sflag:s16] =	ssyncset.done $0x0  }
0x87: {  	s17 =	sadd.s32 $0x2710, s4;
	s9 =	rddreg [dreg:$0x4];
	[sflag:s16] =	ssyncadd.s32 $0xFFFFF000  }
0x88: {  	[spmem:s3] =	stream.indirect.scatter.add.f32 [tilespmem:s9], [sflag:$0x2], $0x20, s17, s22, $0xb8;
	[tilespmem:$0x19D20] =	vst v63  }
0x89: {  	s0 =	simm.s32 @p0 $0x80;
	_ =	swait.ge [sflag:s16], $0x1000  }
0x8a: {  	s0 =	simm.s32 @!p0 $0x80;
	[sflag:s16] =	ssyncset.done $0x0  }
0x8b: {  	s0 =	sadd.s32 $0x2710, s0;
	s21 =	rddreg [dreg:$0x5];
	[sflag:s16] =	ssyncadd.s32 $0xFFFFF000  }
0x8c: {  	[spmem:s3] =	stream.indirect.scatter.add.f32 [tilespmem:s21], [sflag:$0x2], $0x20, s0, s22, $0xb8;
	[tilespmem:$0x19D20] =	vst v63  }
0x8d: {  	s0 =	simm.s32 @p0 $0x100;
	_ =	swait.ge [sflag:s16], $0x1000  }
0x8e: {  	s0 =	simm.s32 @!p0 $0x100;
	[sflag:s16] =	ssyncset.done $0x0  }
0x8f: {  	s24 =	rddreg [dreg:$0x6];
	s0 =	sadd.s32 $0x2710, s0;
	[sflag:s16] =	ssyncadd.s32 $0xFFFFF000  }
0x90: {  	[spmem:s3] =	stream.indirect.scatter.add.f32 [tilespmem:s24], [sflag:$0x2], $0x20, s0, s22, $0xb8;
	[tilespmem:$0x19D20] =	vst v63  }
0x91: {  	s0 =	simm.s32 @p0 $0x180;
	_ =	swait.ge [sflag:s16], $0x1000  }
0x92: {  	s0 =	simm.s32 @!p0 $0x180;
	[sflag:s16] =	ssyncset.done $0x0  }
0x93: {  	s26 =	rddreg [dreg:$0x7];
	s0 =	sadd.s32 $0x2710, s0;
	[sflag:s16] =	ssyncadd.s32 $0xFFFFF000  }
0x94: {  	[spmem:s3] =	stream.indirect.scatter.add.f32 [tilespmem:s26], [sflag:$0x2], $0x20, s0, s22, $0xb8;
	[tilespmem:$0x19D20] =	vst v63  }
0x95: {  	s31 =	simm.s32 $0x500;
	s0 =	simm.s32 $0x200;
	_ =	swait.ge [sflag:s16], $0x1000  }
0x96: {  	s2 =	simm.s32 $0x500;
	s0 =	simm.s32 @!p0 $0x200;
	[sflag:s16] =	ssyncset.done $0x0  }
0x97: {  	s29 =	rddreg [dreg:$0x8];
	s0 =	sadd.s32 $0x2710, s0;
	[sflag:s16] =	ssyncadd.s32 $0xFFFFF000  }
0x98: {  	[spmem:s3] =	stream.indirect.scatter.add.f32 [tilespmem:s29], [sflag:$0x2], $0x20, s0, s22, $0xb8;
	[tilespmem:$0x19D20] =	vst v63  }
0x99: {  	s24 =	sadd.s32 $0x2990, s4;
	p0 =	por $0x1, $0x1;
	s0 =	simm.s32 $0x800  }
.LBB2_4:
0x9a: {  	_ =	swait.ge [sflag:s16], $0x1000  }
0x9b: {  	[sflag:s16] =	ssyncset.done $0x0  }
0x9c: {  	s4 =	simm.s32 @p0 $0x2;
	[sflag:s16] =	ssyncadd.s32 $0xFFFFF000  }
0x9d: {  	[spmem:s3] =	stream.indirect.scatter.add.f32 [tilespmem:s23], [sflag:$0x2], $0x20, s24, s22, $0xb8;
	[tilespmem:$0x19D20] =	vst v63  }
0x9e: {  	_ =	swait.ge @p0 [sflag:s4], $0x1000  }
0x9f: {  	s26 =	sadd.s32 @p0 $0xFFFFFE00, s2;
	[sflag:s4] =	ssyncset.done @p0 $0x0  }
0xa0: {  	s6 =	simm.s32 @p0 $0x80;
	s8 =	simm.s32 @p0 $0x4E20;
	[sflag:s4] =	ssyncadd.s32 @p0 $0xFFFFF000  }
0xa1: {  	[tilespmem:s8], [sflag:$0x1] =	stream.indirect.gather @p0 [spmem:s1], $0x20, s26, s6, $0xb8;
	[tilespmem:$0x19D20] =	vst v63  }
0xa2: {  	s17 =	sadd.s32 @p0 $0xFFFFFE00, s31;
	_ =	swait.ge @p0 [sflag:s4], $0x1000  }
0xa3: {  	s5 =	smov.u32 s0;
	s29 =	sadd.s32 @p0 $0xFFFFFE80, s31;
	[sflag:s4] =	ssyncset.done @p0 $0x0  }
0xa4: {  	s9 =	simm.s32 @p0 $0x5E20;
	s8 =	sadd.s32 @p0 $0xFFFFFE80, s2;
	[sflag:s4] =	ssyncadd.s32 @p0 $0xFFFFF000  }
0xa5: {  	[tilespmem:s9], [sflag:$0x1] =	stream.indirect.gather @p0 [spmem:s1], $0x20, s8, s6, $0xb8;
	[tilespmem:$0x19D20] =	vst v63  }
0xa6: {  	s21 =	sadd.s32 @p0 $0xFFFFFF00, s31;
	s24 =	sadd.s32 @p0 $0xFFFFFF80, s31;
	_ =	swait.ge @p0 [sflag:s4], $0x1000  }
0xa7: {  	s26 =	smov.u32 s31;
	s31 =	smov.u32 s5;
	[sflag:s4] =	ssyncset.done @p0 $0x0  }
0xa8: {  	s5 =	sadd.s32 @p0 $0xFFFFFF00, s2;
	s8 =	simm.s32 @p0 $0x6E20;
	[sflag:s4] =	ssyncadd.s32 @p0 $0xFFFFF000  }
0xa9: {  	[tilespmem:s8], [sflag:$0x1] =	stream.indirect.gather @p0 [spmem:s1], $0x20, s5, s6, $0xb8;
	[tilespmem:$0x19D20] =	vst v63  }
0xaa: {  	_ =	swait.ge @p0 [sflag:s4], $0x1000  }
0xab: {  	[sflag:s4] =	ssyncset.done @p0 $0x0  }
0xac: {  	s5 =	sadd.s32 @p0 $0xFFFFFF80, s2;
	s8 =	simm.s32 @p0 $0x7E20;
	[sflag:s4] =	ssyncadd.s32 @p0 $0xFFFFF000  }
0xad: {  	[tilespmem:s8], [sflag:$0x1] =	stream.indirect.gather @p0 [spmem:s1], $0x20, s5, s6, $0xb8;
	[tilespmem:$0x19D20] =	vst v63  }
0xae: {  	_ =	swait.ge @p0 [sflag:s4], $0x1000  }
0xaf: {  	[sflag:s4] =	ssyncset.done @p0 $0x0  }
0xb0: {  	s5 =	simm.s32 @p0 $0x8E20;
	[sflag:s4] =	ssyncadd.s32 @p0 $0xFFFFF000  }
0xb1: {  	[tilespmem:s5], [sflag:$0x1] =	stream.indirect.gather @p0 [spmem:s1], $0x20, s2, s6, $0xb8;
	[tilespmem:$0x19D20] =	vst v63  }
0xb2: {  	_ =	swait.ge @p0 [sflag:s4], $0x1000  }
0xb3: {  	s5 =	simm.s32 @!p0 $0x80;
	[sflag:s4] =	ssyncset.done @p0 $0x0  }
0xb4: {  	s6 =	simm.s32 @!p0 $0x0;
	[sflag:s4] =	ssyncadd.s32 @p0 $0xFFFFF000;
	s4 =	simm.s32 @!p0 $0x4E20  }
0xb5: {  	[tilespmem:s4], [sflag:$0x1] =	stream.indirect.gather @!p0 [spmem:s1], $0x20, s6, s5, $0xb8;
	[tilespmem:$0x19D20] =	vst v63  }
0xb6: {  	s4 =	simm.s32 @!p0 $0x5E20  }
0xb7: {  	[tilespmem:s4], [sflag:$0x1] =	stream.indirect.gather @!p0 [spmem:s1], $0x20, s5, s5, $0xb8;
	[tilespmem:$0x19D20] =	vst v63  }
0xb8: {  	s6 =	simm.s32 @!p0 $0x6E20;
	s4 =	simm.s32 @!p0 $0x100  }
0xb9: {  	[tilespmem:s6], [sflag:$0x1] =	stream.indirect.gather @!p0 [spmem:s1], $0x20, s4, s5, $0xb8;
	[tilespmem:$0x19D20] =	vst v63  }
0xba: {  	s4 =	simm.s32 @!p0 $0x180;
	s6 =	simm.s32 @!p0 $0x7E20  }
0xbb: {  	[tilespmem:s6], [sflag:$0x1] =	stream.indirect.gather @!p0 [spmem:s1], $0x20, s4, s5, $0xb8;
	[tilespmem:$0x19D20] =	vst v63  }
0xbc: {  	s17 =	simm.s32 @!p0 $0x0;
	s4 =	simm.s32 @!p0 $0x200;
	s6 =	simm.s32 @!p0 $0x8E20  }
0xbd: {  	[tilespmem:s6], [sflag:$0x1] =	stream.indirect.gather @!p0 [spmem:s1], $0x20, s4, s5, $0xb8;
	[tilespmem:$0x19D20] =	vst v63  }
0xbe: {  	s5 =	sadd.s32 $0x280, s17  }
0xbf: {  	[tilespmem:s23], [sflag:$0x1] =	stream.indirect.gather [spmem:s1], $0x20, s5, s22, $0xb8;
	[tilespmem:$0x19D20] =	vst v63  }
0xc0: {  	_ =	swait.ge [sflag:s16], $0x1000  }
0xc1: {  	[sflag:s16] =	ssyncset.done $0x0  }
0xc2: {  	s8 =	sadd.s32 $0x2710, s17;
	s6 =	rddreg [dreg:$0x4];
	[sflag:s16] =	ssyncadd.s32 $0xFFFFF000  }
0xc3: {  	[spmem:s3] =	stream.indirect.scatter.add.f32 [tilespmem:s6], [sflag:$0x2], $0x20, s8, s22, $0xb8;
	[tilespmem:$0x19D20] =	vst v63  }
0xc4: {  	_ =	swait.ge [sflag:s16], $0x1000  }
0xc5: {  	s29 =	simm.s32 @!p0 $0x80;
	[sflag:s16] =	ssyncset.done $0x0  }
0xc6: {  	s29 =	sadd.s32 $0x2710, s29;
	s9 =	rddreg [dreg:$0x5];
	[sflag:s16] =	ssyncadd.s32 $0xFFFFF000  }
0xc7: {  	[spmem:s3] =	stream.indirect.scatter.add.f32 [tilespmem:s9], [sflag:$0x2], $0x20, s29, s22, $0xb8;
	[tilespmem:$0x19D20] =	vst v63  }
0xc8: {  	_ =	swait.ge [sflag:s16], $0x1000  }
0xc9: {  	s21 =	simm.s32 @!p0 $0x100;
	[sflag:s16] =	ssyncset.done $0x0  }
0xca: {  	s6 =	sadd.s32 $0x2710, s21;
	s5 =	rddreg [dreg:$0x6];
	[sflag:s16] =	ssyncadd.s32 $0xFFFFF000  }
0xcb: {  	[spmem:s3] =	stream.indirect.scatter.add.f32 [tilespmem:s5], [sflag:$0x2], $0x20, s6, s22, $0xb8;
	[tilespmem:$0x19D20] =	vst v63  }
0xcc: {  	s0 =	sadd.s32 $0x300, s0;
	_ =	swait.ge [sflag:s16], $0x1000  }
0xcd: {  	p1 =	sne.s32 s0, $0x2900;
	s24 =	simm.s32 @!p0 $0x180;
	[sflag:s16] =	ssyncset.done $0x0  }
0xce: {  	s9 =	sadd.s32 $0x2710, s24;
	s8 =	rddreg [dreg:$0x7];
	[sflag:s16] =	ssyncadd.s32 $0xFFFFF000  }
0xcf: {  	[spmem:s3] =	stream.indirect.scatter.add.f32 [tilespmem:s8], [sflag:$0x2], $0x20, s9, s22, $0xb8;
	[tilespmem:$0x19D20] =	vst v63  }
.Ltmp1:
0xd0: {  	_ = 	snop;
	(pc) =	sbr.rel @p1 .LBB2_4-.Ltmp1, $4  }
0xd1: {  	s26 =	simm.s32 @!p0 $0x200;
	s2 =	sadd.s32 $0x300, s2;
	_ =	swait.ge [sflag:s16], $0x1000  }
0xd2: {  	p0 =	sne.s32 s31, $0x200;
	s29 =	sadd.s32 $0x2710, s26;
	[sflag:s16] =	ssyncset.done $0x0  }
0xd3: {  	s24 =	sadd.s32 $0x2990, s17;
	s21 =	rddreg [dreg:$0x8];
	[sflag:s16] =	ssyncadd.s32 $0xFFFFF000  }
0xd4: {  	[spmem:s3] =	stream.indirect.scatter.add.f32 [tilespmem:s21], [sflag:$0x2], $0x20, s29, s22, $0xb8;
	[tilespmem:$0x19D20] =	vst v63  }
0xd5: {  	_ =	swait.ge [sflag:s16], $0x1000  }
0xd6: {  	[sflag:s16] =	ssyncset.done $0x0  }
0xd7: {  	s0 =	simm.s32 @p0 $0x2;
	[sflag:s16] =	ssyncadd.s32 $0xFFFFF000  }
0xd8: {  	[spmem:s3] =	stream.indirect.scatter.add.f32 [tilespmem:s23], [sflag:$0x2], $0x20, s24, s22, $0xb8;
	[tilespmem:$0x19D20] =	vst v63  }
0xd9: {  	_ =	swait.ge @p0 [sflag:s0], $0x1000  }
0xda: {  	s4 =	sadd.s32 @p0 $0xFFFFFE00, s2;
	[sflag:s0] =	ssyncset.done @p0 $0x0  }
0xdb: {  	s5 =	simm.s32 @p0 $0x80;
	s6 =	simm.s32 @p0 $0x4E20;
	[sflag:s0] =	ssyncadd.s32 @p0 $0xFFFFF000  }
0xdc: {  	[tilespmem:s6], [sflag:$0x1] =	stream.indirect.gather @p0 [spmem:s1], $0x20, s4, s5, $0xb8;
	[tilespmem:$0x19D20] =	vst v63  }
0xdd: {  	_ =	swait.ge @p0 [sflag:s0], $0x1000  }
0xde: {  	[sflag:s0] =	ssyncset.done @p0 $0x0  }
0xdf: {  	s4 =	sadd.s32 @p0 $0xFFFFFE80, s2;
	s6 =	simm.s32 @p0 $0x5E20;
	[sflag:s0] =	ssyncadd.s32 @p0 $0xFFFFF000  }
0xe0: {  	[tilespmem:s6], [sflag:$0x1] =	stream.indirect.gather @p0 [spmem:s1], $0x20, s4, s5, $0xb8;
	[tilespmem:$0x19D20] =	vst v63  }
0xe1: {  	_ =	swait.ge @p0 [sflag:s0], $0x1000  }
0xe2: {  	[sflag:s0] =	ssyncset.done @p0 $0x0  }
0xe3: {  	s4 =	sadd.s32 @p0 $0xFFFFFF00, s2;
	s6 =	simm.s32 @p0 $0x6E20;
	[sflag:s0] =	ssyncadd.s32 @p0 $0xFFFFF000  }
0xe4: {  	[tilespmem:s6], [sflag:$0x1] =	stream.indirect.gather @p0 [spmem:s1], $0x20, s4, s5, $0xb8;
	[tilespmem:$0x19D20] =	vst v63  }
0xe5: {  	_ =	swait.ge @p0 [sflag:s0], $0x1000  }
0xe6: {  	[sflag:s0] =	ssyncset.done @p0 $0x0  }
0xe7: {  	s4 =	sadd.s32 @p0 $0xFFFFFF80, s2;
	s6 =	simm.s32 @p0 $0x7E20;
	[sflag:s0] =	ssyncadd.s32 @p0 $0xFFFFF000  }
0xe8: {  	[tilespmem:s6], [sflag:$0x1] =	stream.indirect.gather @p0 [spmem:s1], $0x20, s4, s5, $0xb8;
	[tilespmem:$0x19D20] =	vst v63  }
0xe9: {  	_ =	swait.ge @p0 [sflag:s0], $0x1000  }
0xea: {  	[sflag:s0] =	ssyncset.done @p0 $0x0  }
0xeb: {  	s4 =	simm.s32 @p0 $0x8E20;
	[sflag:s0] =	ssyncadd.s32 @p0 $0xFFFFF000  }
0xec: {  	[tilespmem:s4], [sflag:$0x1] =	stream.indirect.gather @p0 [spmem:s1], $0x20, s2, s5, $0xb8;
	[tilespmem:$0x19D20] =	vst v63  }
0xed: {  	_ =	swait.ge @p0 [sflag:s0], $0x1000  }
0xee: {  	s2 =	simm.s32 @!p0 $0x80;
	[sflag:s0] =	ssyncset.done @p0 $0x0  }
0xef: {  	s4 =	simm.s32 @!p0 $0x0;
	[sflag:s0] =	ssyncadd.s32 @p0 $0xFFFFF000;
	s0 =	simm.s32 @!p0 $0x4E20  }
0xf0: {  	[tilespmem:s0], [sflag:$0x1] =	stream.indirect.gather @!p0 [spmem:s1], $0x20, s4, s2, $0xb8;
	[tilespmem:$0x19D20] =	vst v63  }
0xf1: {  	s0 =	simm.s32 @!p0 $0x5E20  }
0xf2: {  	[tilespmem:s0], [sflag:$0x1] =	stream.indirect.gather @!p0 [spmem:s1], $0x20, s2, s2, $0xb8;
	[tilespmem:$0x19D20] =	vst v63  }
0xf3: {  	s4 =	simm.s32 @!p0 $0x6E20;
	s0 =	simm.s32 @!p0 $0x100  }
0xf4: {  	[tilespmem:s4], [sflag:$0x1] =	stream.indirect.gather @!p0 [spmem:s1], $0x20, s0, s2, $0xb8;
	[tilespmem:$0x19D20] =	vst v63  }
0xf5: {  	s0 =	simm.s32 @!p0 $0x180;
	s4 =	simm.s32 @!p0 $0x7E20  }
0xf6: {  	[tilespmem:s4], [sflag:$0x1] =	stream.indirect.gather @!p0 [spmem:s1], $0x20, s0, s2, $0xb8;
	[tilespmem:$0x19D20] =	vst v63  }
0xf7: {  	s0 =	simm.s32 @!p0 $0x200;
	s4 =	simm.s32 @!p0 $0x8E20  }
0xf8: {  	[tilespmem:s4], [sflag:$0x1] =	stream.indirect.gather @!p0 [spmem:s1], $0x20, s0, s2, $0xb8;
	[tilespmem:$0x19D20] =	vst v63  }
0xf9: {  	s0 =	sadd.s32 @p0 $0xFFFFFE00, s31  }
0xfa: {  	s0 =	simm.s32 @!p0 $0x0  }
0xfb: {  	s4 =	sadd.s32 $0x280, s0  }
0xfc: {  	[tilespmem:s23], [sflag:$0x1] =	stream.indirect.gather [spmem:s1], $0x20, s4, s22, $0xb8;
	[tilespmem:$0x19D20] =	vst v63  }
0xfd: {  	_ =	swait.ge [sflag:s16], $0x1000  }
0xfe: {  	[sflag:s16] =	ssyncset.done $0x0  }
0xff: {  	s6 =	sadd.s32 $0x2710, s0;
	s5 =	rddreg [dreg:$0x4];
	[sflag:s16] =	ssyncadd.s32 $0xFFFFF000  }
0x100: {  	[spmem:s3] =	stream.indirect.scatter.add.f32 [tilespmem:s5], [sflag:$0x2], $0x20, s6, s22, $0xb8;
	[tilespmem:$0x19D20] =	vst v63  }
0x101: {  	s2 =	sadd.s32 @p0 $0xFFFFFE80, s31;
	_ =	swait.ge [sflag:s16], $0x1000  }
0x102: {  	s2 =	simm.s32 @!p0 $0x80;
	[sflag:s16] =	ssyncset.done $0x0  }
0x103: {  	s2 =	sadd.s32 $0x2710, s2;
	s8 =	rddreg [dreg:$0x5];
	[sflag:s16] =	ssyncadd.s32 $0xFFFFF000  }
0x104: {  	[spmem:s3] =	stream.indirect.scatter.add.f32 [tilespmem:s8], [sflag:$0x2], $0x20, s2, s22, $0xb8;
	[tilespmem:$0x19D20] =	vst v63  }
0x105: {  	s2 =	sadd.s32 @p0 $0xFFFFFF00, s31;
	_ =	swait.ge [sflag:s16], $0x1000  }
0x106: {  	s2 =	simm.s32 @!p0 $0x100;
	[sflag:s16] =	ssyncset.done $0x0  }
0x107: {  	s9 =	rddreg [dreg:$0x6];
	s2 =	sadd.s32 $0x2710, s2;
	[sflag:s16] =	ssyncadd.s32 $0xFFFFF000  }
0x108: {  	[spmem:s3] =	stream.indirect.scatter.add.f32 [tilespmem:s9], [sflag:$0x2], $0x20, s2, s22, $0xb8;
	[tilespmem:$0x19D20] =	vst v63  }
0x109: {  	s2 =	sadd.s32 @p0 $0xFFFFFF80, s31;
	_ =	swait.ge [sflag:s16], $0x1000  }
0x10a: {  	s2 =	simm.s32 @!p0 $0x180;
	[sflag:s16] =	ssyncset.done $0x0  }
0x10b: {  	s17 =	rddreg [dreg:$0x7];
	s2 =	sadd.s32 $0x2710, s2;
	[sflag:s16] =	ssyncadd.s32 $0xFFFFF000  }
0x10c: {  	[spmem:s3] =	stream.indirect.scatter.add.f32 [tilespmem:s17], [sflag:$0x2], $0x20, s2, s22, $0xb8;
	[tilespmem:$0x19D20] =	vst v63  }
0x10d: {  	_ =	swait.ge [sflag:s16], $0x1000  }
0x10e: {  	s31 =	simm.s32 @!p0 $0x200;
	[sflag:s16] =	ssyncset.done $0x0  }
0x10f: {  	s24 =	sadd.s32 $0x2710, s31;
	s21 =	rddreg [dreg:$0x8];
	[sflag:s16] =	ssyncadd.s32 $0xFFFFF000  }
0x110: {  	[spmem:s3] =	stream.indirect.scatter.add.f32 [tilespmem:s21], [sflag:$0x2], $0x20, s24, s22, $0xb8;
	[tilespmem:$0x19D20] =	vst v63  }
0x111: {  	_ =	swait.ge [sflag:s16], $0x1000  }
0x112: {  	[sflag:s16] =	ssyncset.done $0x0  }
0x113: {  	s0 =	sadd.s32 $0x2990, s0;
	[sflag:s16] =	ssyncadd.s32 $0xFFFFF000  }
0x114: {  	[spmem:s3] =	stream.indirect.scatter.add.f32 [tilespmem:s23], [sflag:$0x2], $0x20, s0, s22, $0xb8;
	[tilespmem:$0x19D20] =	vst v63  }
0x115: {  	s26 =	simm.s32 $0x2700  }
0x116: {  	[tilespmem:s25], [sflag:$0x1] =	stream.indirect.gather [spmem:s1], $0x20, s26, s18, $0xb8;
	[tilespmem:$0x19D20] =	vst v63  }
0x117: {  	_ =	swait.ge [sflag:s16], $0x200  }
0x118: {  	[sflag:s16] =	ssyncset.done $0x0  }
0x119: {  	s29 =	simm.s32 $0x4E10;
	[sflag:s16] =	ssyncadd.s32 $0xFFFFFE00  }
0x11a: {  	[spmem:s3] =	stream.indirect.scatter.add.f32 [tilespmem:s25], [sflag:$0x3], $0x20, s29, s18, $0xb8;
	[tilespmem:$0x19D20] =	vst v63  }
0x11b: {  	_ =	swait.ge [sflag:s19], $0x200  }
0x11c: {  	[sflag:s19] =	ssyncset.done $0x0  }
0x11d: {  	[sflag:s19] =	ssyncadd.s32 $0xFFFFFE00  }
0x11e: {  	_ =	swait.ge [sflag:s28], $0x1000  }
0x11f: {  	[sflag:s28] =	ssyncset.done $0x0  }
0x120: {  	[sflag:s28] =	ssyncadd.s32 $0xFFFFF000  }
0x121: {  	_ =	swait.ge [sflag:s28], $0x1000  }
0x122: {  	[sflag:s28] =	ssyncset.done $0x0  }
0x123: {  	[sflag:s28] =	ssyncadd.s32 $0xFFFFF000  }
0x124: {  	_ =	swait.ge [sflag:s28], $0x1000  }
0x125: {  	[sflag:s28] =	ssyncset.done $0x0  }
0x126: {  	[sflag:s28] =	ssyncadd.s32 $0xFFFFF000  }
0x127: {  	_ =	swait.ge [sflag:s28], $0x1000  }
0x128: {  	[sflag:s28] =	ssyncset.done $0x0  }
0x129: {  	[sflag:s28] =	ssyncadd.s32 $0xFFFFF000  }
0x12a: {  	_ =	swait.ge [sflag:s28], $0x1000  }
0x12b: {  	[sflag:s28] =	ssyncset.done $0x0  }
0x12c: {  	[sflag:s28] =	ssyncadd.s32 $0xFFFFF000  }
0x12d: {  	_ =	swait.ge [sflag:s28], $0x1000  }
0x12e: {  	[sflag:s28] =	ssyncset.done $0x0  }
0x12f: {  	[sflag:s28] =	ssyncadd.s32 $0xFFFFF000  }
0x130: {  	[bflag:$0x0] =	sbarrier.arrive $0xFFFF  }
0x131: {  	[tilespmem:s20], [sflag:$0x3] =	stream.linear.gather [spmem:s7], $0x4F00, $0x38;
	[tilespmem:$0x19D20] =	vst v63  }
0x132: {  	s30 =	sadd.s32 $0x1, s30;
	_ =	swait.ge [sflag:s19], $0x4F00  }
0x133: {  	p0 =	sne.s32 s30, s14;
	[sflag:s19] =	ssyncset.done $0x0  }
.Ltmp2:
0x134: {  	s31 =	simm.s32 $0x20;
	[sflag:s19] =	ssyncadd.s32 $0xFFFFB100;
	(pc) =	sbr.rel @p0 .LBB2_1-.Ltmp2, $4  }
0x135: {  	[hbm4b:s13+s31] =	stream.strided.scatter [tilespmem:s20], [sflag:$0x3], $0x4F00, s22, s31, $0x38;
	[tilespmem:$0x19D20] =	vst v63  }
0x136: {  	_ =	swait.ge [sflag:s19], $0x4F00  }
0x137: {  	[sflag:s19] =	ssyncset.done $0x0  }
0x138: {  	[sflag:s19] =	ssyncadd.s32 $0xFFFFB100  }
0x139: {  	_ =	sfence.sel $0x180000  }
0x13a: {  	[bflag:$0x0] =	sbarrier.arrive $0xFFFF  }
0x13b: {  	_ =	strace $0x9000004A  }
0x13c: {  	s0 =	stileid.u32;
	[bflag:$0x2] =	sbarrier.arrive $0xFFFF  }
0x13d: {  	p0 =	sne.s32 s0, $0x0;
	s0 =	rddreg [dreg:$0x3]  }
0x13e: {  	s0 =	sadd.s32 @!p0 $0x100000, s0  }
0x13f: {  	[sflag:s0] =	ssyncadd.tile.s32 @!p0 $0x1;
	_ =	shalt  }
.Lfunc_end2:
_tile_overlayer_lowered:
.L_overlay_start_2:
0x140: {  	(tag) =	ssettag $0x2  }
0x141: {  	s0 =	rddreg [dreg:$0x0];
	s2 =	stileid.u32  }
0x142: {  	s1 =	rddreg [dreg:$0x1];
	p0 =	sne.s32 s2, $0x0  }
0x143: {  	s3 =	rddreg [dreg:$0x2];
	[bflag:$0x3] =	sbarrier.arrive $0xFFFF;
	s2 =	simm.s32 @!p0 $0x1C03  }
0x144: {  	[timem:s3], [sflag:s2] =	dma.local @!p0 [hbm:s0], s1  }
0x145: {  	s0 =	simm.s32 @!p0 $0x3  }
0x146: {  	_ =	swait.ge @!p0 [sflag:s0], s1  }
0x147: {  	s1 =	ssub.s32 @!p0 $0x0, s1;
	[sflag:s0] =	ssyncset.done @!p0 $0x0  }
0x148: {  	[sflag:s0] =	ssyncadd.s32 @!p0 s1  }
0x149: {  	[bflag:$0x3] =	sbarrier.arrive $0xFFFF  }
0x14a: {  	_ =	shalt  }

// kernel: kernel.15.cloned.1.call-start
scs
__scs_entry_jumppad:
0x0: {  	(pc) =	sbr.rel $0x88, $3  }
0x1: {  	(tag) =	ssettag $0x0;
	lr =	simm.s32 $0x1  }
0x2: {  	[smem:$0x3F96] =	sst lr;
	_ =	strace $0xD0000000  }
0x3: {  	_ = 	snop  }
0x4: {  	_ = 	snop  }
0x5: {  	_ = 	snop  }
0x6: {  	_ = 	snop  }
0x7: {  	_ = 	snop  }
__scs_overlays_trampoline_lowered:
0x8: {  	[smem:$0x3FA5] =	sst s0  }
0x9: {  	[smem:$0x3FA6] =	sst s1  }
0xa: {  	[smem:$0x3FA7] =	sst s2  }
0xb: {  	[smem:$0x3FA8] =	sst s3  }
0xc: {  	[smem:$0x3FA9] =	sst s4  }
0xd: {  	[smem:$0x3FAA] =	sst s5  }
0xe: {  	[smem:$0x3FAB] =	sst s6  }
0xf: {  	[smem:$0x3FAC] =	sst s7  }
0x10: {  	[smem:$0x3FAD] =	sst s8  }
0x11: {  	[smem:$0x3FAE] =	sst s9;
	s0 =	simm.s32 @!p0 $0x0  }
0x12: {  	s1 =	sld [smem:$0x3F94];
	s0 =	simm.s32 @p0 $0x1  }
0x13: {  	[smem:$0x3FAF] =	sst s0;
	s0 =	simm.s32 @!p1 $0x0  }
0x14: {  	s2 =	sld [smem:$0x3F93];
	s0 =	simm.s32 @p1 $0x1  }
0x15: {  	[smem:$0x3FB0] =	sst s0;
	s0 =	simm.s32 @!p2 $0x0  }
0x16: {  	s3 =	sld [smem:$0x3FDB];
	s0 =	simm.s32 @p2 $0x1  }
0x17: {  	s4 =	simm.s32 $0x1BF5;
	[smem:$0x3FB2] =	sst s0  }
0x18: {  	s0 =	sld [smem:$0x3F95];
	_ =	swait.ge [sflag:s4], $0x0  }
0x19: {  	s7 =	sld [smem:$0x3F96]  }
0x1a: {  	s8 =	sadd.s32 $0xFFFFE003, lr  }
0x1b: {  	s9 =	sadd.s32 $0xFFFFFEF7, lr;
	s5 =	simm.s32 $0xFFFFFFFF;
	p2 =	slt.u32 s8, $0xFFFFF086  }
0x1c: {  	p1 =	slt.u32 s9, $0xF7A;
	s5 =	simm.s32 @!p2 $0x0  }
0x1d: {  	s5 =	simm.s32 @p1 $0x1;
	p0 =	seq.s32 s7, s2  }
0x1e: {  	s7 =	smul.u32 @!p0 $0xF7A, s2;
	p2 =	seq.s32 @!p0 s5, $0x0  }
0x1f: {  	s9 =	smul.u32 $0xF7A, s1;
	s8 =	simm.s32 @!p0 $0x1BF5;
	p2 =	por !p2, p0  }
0x20: {  	[sflag:s8] =	ssyncset.s32 @!p0 $0xFFFFF086;
	s6 =	sadd.s32 @!p0 s3, s7;
	s7 =	simm.s32 @!p0 $0x108  }
0x21: {  	s3 =	sadd.s32 s3, s9;
	s6 =	sadd.s32 @!p0 $0x88, s6;
	s7 =	simm.s32 @p2 $0x1082  }
0x22: {  	[simem:s7], [sflag:s8] =	dma.local @!p0 [hbm:s6], $0xF7A  }
0x23: {  	s9 =	sor.u32 $0xD0000000, s2;
	s6 =	simm.s32 $0x108;
	_ =	swait.ge @!p0 [sflag:s8], $0x0  }
0x24: {  	s3 =	sadd.s32 $0x88, s3;
	s6 =	simm.s32 @!p1 $0x1082;
	[sflag:s4] =	ssyncset.s32 $0xFFFFF086  }
0x25: {  	[simem:s6], [sflag:s4] =	dma.local [hbm:s3], $0xF7A  }
0x26: {  	[smem:$0x3F96] =	sst s1;
	(tag) =	ssettag s2;
	_ =	strace s9  }
0x27: {  	s1 =	sld [smem:$0x3FA6]  }
0x28: {  	s2 =	sld [smem:$0x3FA7]  }
0x29: {  	s4 =	sld [smem:$0x3FA9]  }
0x2a: {  	p0 =	seq.s32 s5, $0x0;
	s5 =	sld [smem:$0x3FAA]  }
0x2b: {  	s6 =	sld [smem:$0x3FAB]  }
0x2c: {  	s7 =	sld [smem:$0x3FAC]  }
0x2d: {  	s3 =	simm.s32 $0x108;
	s8 =	sld [smem:$0x3FAD]  }
0x2e: {  	s3 =	simm.s32 @!p0 $0x1082;
	s9 =	sld [smem:$0x3FAE]  }
0x2f: {  	lr =	sadd.s32 s0, s3;
	s0 =	sld [smem:$0x3FA5]  }
0x30: {  	s3 =	sld [smem:$0x3FA8]  }
0x31: {  	[smem:$0x3FB1] =	sst s10  }
0x32: {  	s10 =	sld [smem:$0x3FAF];
	_ =	sdelay $0x3  }
0x33: {  	p0 =	seq.s32 s10, $0x1;
	s10 =	sld [smem:$0x3FB1];
	_ =	sdelay $0x3  }
0x34: {  	[smem:$0x3FB1] =	sst s10  }
0x35: {  	s10 =	sld [smem:$0x3FB0];
	_ =	sdelay $0x3  }
0x36: {  	p1 =	seq.s32 s10, $0x1;
	s10 =	sld [smem:$0x3FB1];
	_ =	sdelay $0x3  }
0x37: {  	[smem:$0x3FB1] =	sst s10  }
0x38: {  	s10 =	sld [smem:$0x3FB2]  }
0x39: {  	_ = 	snop;
	(pc) =	sbr.ind lr, $3  }
0x3a: {  	_ = 	snop  }
0x3b: {  	_ = 	snop  }
0x3c: {  	p2 =	seq.s32 s10, $0x1;
	s10 =	sld [smem:$0x3FB1]  }
0x3d: {  	_ =	shalt  }
0x3e: {  	_ =	shalt  }
0x3f: {  	_ =	shalt  }
0x40: {  	_ =	shalt  }
0x41: {  	_ =	shalt  }
0x42: {  	_ =	shalt  }
0x43: {  	_ =	shalt  }
0x44: {  	_ =	shalt  }
0x45: {  	_ =	shalt  }
0x46: {  	_ =	shalt  }
0x47: {  	_ =	shalt  }
0x48: {  	_ =	shalt  }
0x49: {  	_ =	shalt  }
0x4a: {  	_ =	shalt  }
0x4b: {  	_ =	shalt  }
0x4c: {  	_ =	shalt  }
0x4d: {  	_ =	shalt  }
0x4e: {  	_ =	shalt  }
0x4f: {  	_ =	shalt  }
0x50: {  	_ =	shalt  }
0x51: {  	_ =	shalt  }
0x52: {  	_ =	shalt  }
0x53: {  	_ =	shalt  }
0x54: {  	_ =	shalt  }
0x55: {  	_ =	shalt  }
0x56: {  	_ =	shalt  }
0x57: {  	_ =	shalt  }
0x58: {  	_ =	shalt  }
0x59: {  	_ =	shalt  }
0x5a: {  	_ =	shalt  }
0x5b: {  	_ =	shalt  }
0x5c: {  	_ =	shalt  }
0x5d: {  	_ =	shalt  }
0x5e: {  	_ =	shalt  }
0x5f: {  	_ =	shalt  }
0x60: {  	_ =	shalt  }
0x61: {  	_ =	shalt  }
0x62: {  	_ =	shalt  }
0x63: {  	_ =	shalt  }
0x64: {  	_ =	shalt  }
0x65: {  	_ =	shalt  }
0x66: {  	_ =	shalt  }
0x67: {  	_ =	shalt  }
0x68: {  	_ =	shalt  }
0x69: {  	_ =	shalt  }
0x6a: {  	_ =	shalt  }
0x6b: {  	_ =	shalt  }
0x6c: {  	_ =	shalt  }
0x6d: {  	_ =	shalt  }
0x6e: {  	_ =	shalt  }
0x6f: {  	_ =	shalt  }
0x70: {  	_ =	shalt  }
0x71: {  	_ =	shalt  }
0x72: {  	_ =	shalt  }
0x73: {  	_ =	shalt  }
0x74: {  	_ =	shalt  }
0x75: {  	_ =	shalt  }
0x76: {  	_ =	shalt  }
0x77: {  	_ =	shalt  }
0x78: {  	_ =	shalt  }
0x79: {  	_ =	shalt  }
0x7a: {  	_ =	shalt  }
0x7b: {  	_ =	shalt  }
0x7c: {  	_ =	shalt  }
0x7d: {  	_ =	shalt  }
0x7e: {  	_ =	shalt  }
0x7f: {  	_ =	shalt  }
0x80: {  	_ =	shalt  }
0x81: {  	_ =	shalt  }
0x82: {  	_ =	shalt  }
0x83: {  	_ =	shalt  }
0x84: {  	_ =	shalt  }
0x85: {  	_ =	shalt  }
0x86: {  	_ =	shalt  }
0x87: {  	_ =	shalt  }
.Lfunc_end0:
.L_simem_size_0:
called_computation.2_lowered:
.L_overlay_start_0:
0x88: {  	s2 =	sld [smem:$0x3FD9]  }
0x89: {  	s3 =	sld [smem:$0x3FFE];
	_ =	sdelay $0x1  }
0x8a: {  	s1 =	srdreg.scid  }
0x8b: {  	s0 =	sand.u32 $0x1, s1  }
0x8c: {  	s16 =	sshll.u32 s0, $0xA;
	s2 =	sadd.s32 s3, s2  }
0x8d: {  	s2 =	sadd.s32 s2, s16  }
0x8e: {  	[smem:$0x3FBD] =	sst s2  }
0x8f: {  	_ = 	snop  }
0x90: {  	(tm) =	ssettm $0x1  }
0x91: {  	s17 =	sld [smem:$0x3FFB];
	_ =	sdelay $0x3  }
0x92: {  	_ =	strace s17  }
0x93: {  	s2 =	sld [smem:$0x3FFC];
	_ =	sdelay $0x3  }
0x94: {  	_ =	strace s2  }
0x95: {  	s2 =	sld [smem:$0x3FFD];
	_ =	sdelay $0x3  }
0x96: {  	_ =	strace s2  }
0x97: {  	_ =	strace $0x8FFFFFFF  }
0x98: {  	s18 =	sld [smem:$0x3FDB];
	_ =	sdelay $0x1  }
0x99: {  	s19 =	simm.s32 $_scs_section_size  }
0x9a: {  	s4 =	simm.s32 $_size__tile_overlayer_lowered;
	s5 =	simm.s32 $_tile_overlayer_lowered  }
0x9b: {  	s22 =	simm.s32 $0x1BFF;
	s21 =	sshll.u32 s5, $0x1;
	s2 =	sadd.s32 s19, s18  }
0x9c: {  	s6 =	simm.s32 $0x0;
	s20 =	sshll.u32 s4, $0x1;
	s4 =	sadd.s32 s21, s2  }
0x9d: {  	[timem:s6], [sflag:s22] =	dma.local [hbm:s4], s20  }
0x9e: {  	_ =	swait.ge [sflag:s22], s20  }
0x9f: {  	s3 =	ssub.s32 $0x0, s20;
	[sflag:s22] =	ssyncset.done $0x0  }
0xa0: {  	[sflag:s22] =	ssyncadd.s32 s3;
	_ =	sdelay $0x1  }
0xa1: {  	s23 =	simm.s32 $0x1B8B  }
0xa2: {  	_ =	swait.ge [sflag:s23], $0x1  }
0xa3: {  	[sflag:s23] =	ssyncset.done $0x0  }
0xa4: {  	s25 =	simm.s32 $0x1B8E;
	s24 =	sld [smem:$0x3FFE];
	[sflag:s23] =	ssyncadd.s32 $0xFFFFFFFF  }
0xa5: {  	s26 =	simm.s32 $execute0_lowered;
	[smem:$0x3FD2] =	sst s25  }
0xa6: {  	s4 =	sshll.u32 s26, $0x1;
	_ =	strace $0x8000004C;
	[dreg:$0x1] =	wrdreg $0xFFFFFFFF  }
0xa7: {  	s28 =	simm.s32 $_size_execute0_lowered;
	s2 =	sadd.s32 s2, s4;
	[dreg:$0x0] =	wrdreg $0x0  }
0xa8: {  	s4 =	sshll.u32 s28, $0x1;
	[dreg:$0x2] =	wrdreg s2  }
0xa9: {  	[dreg:$0x3] =	wrdreg s4  }
0xaa: {  	[dreg:$0x4] =	wrdreg $0xC0  }
0xab: {  	_ =	task [dreg:s6], $0x5FFFF  }
0xac: {  	[dreg:$0x1] =	wrdreg $0xFFFFFFFF  }
0xad: {  	[dreg:$0x0] =	wrdreg $0x60  }
0xae: {  	[dreg:$0x2] =	wrdreg s24  }
0xaf: {  	[dreg:$0x3] =	wrdreg $0x14E200  }
0xb0: {  	[dreg:$0x4] =	wrdreg $0xFF200  }
0xb1: {  	[dreg:$0x5] =	wrdreg $0x9  }
0xb2: {  	_ =	task.clear_ibuf [dreg:s6], $0x6FFFF;
	_ =	strace $0x9000004C  }
0xb3: {  	s29 =	simm.s32 $0x9;
	_ =	strace $0x8000004E  }
0xb4: {  	_ =	swait.ge [sflag:s29], $0x1  }
0xb5: {  	[sflag:s29] =	ssyncadd.s32 $0xFFFFFFFF  }
0xb6: {  	_ =	strace $0x9000004E  }
0xb7: {  	_ =	sfence  }
0xb8: {  	s30 =	sld [smem:$0x0];
	_ =	sdelay $0x2  }
0xb9: {  	s31 =	sshll.u32 s1, $0xD;
	s1 =	sshrl.u32 s1, $0x2  }
0xba: {  	s3 =	sand.u32 $0x4000, s31;
	s1 =	sadd.s32 s1, s30  }
0xbb: {  	s0 =	sor.u32 s3, s0;
	s1 =	sshll.u32 s1, $0x11  }
0xbc: {  	s0 =	sor.u32 s1, s0  }
0xbd: {  	s0 =	sadd.s32 $0x8F2B, s0  }
0xbe: {  	[sflag:s0] =	ssyncadd.remote.s32 $0x1  }
0xbf: {  	_ =	sfence.sel $0xFFFF  }
0xc0: {  	[dreg:$0x0] =	wrdreg $0xFFFFFFFF;
	(pc) =	sbr.abs _section_cstart, $3  }
0xc1: {  	[dreg:$0x1] =	wrdreg $0xFFFFFFFF  }
0xc2: {  	_ =	task.clear_ibuf [dreg:s6], $0x2FFFF;
	_ =	strace $0x9FFFFFFF  }
0xc3: {  	(tm) =	ssettm $0x7FFFFFFF  }
tec
execute0_lowered:
.L_overlay_start_1:
0x0: {  	(tag) =	ssettag $0x1  }
0x1: {  	s0 =	rddreg [dreg:$0x0]  }
0x2: {  	s1 =	rddreg [dreg:$0x1]  }
0x3: {  	s3 =	rddreg [dreg:$0x2]  }
0x4: {  	s10 =	stileid.u32;
	s2 =	srdreg.scid;
	s6 =	simm.s32 $0x0  }
0x5: {  	s16 =	simm.s32 $0x1;
	s24 =	simm.s32 $0x4E20;
	s25 =	simm.s32 $0x5E20  }
0x6: {  	s26 =	simm.s32 $0x6E20;
	s29 =	simm.s32 $0x7E20;
	s31 =	simm.s32 $0x8E20  }
0x7: {  	s28 =	simm.s32 $0x2;
	s30 =	simm.s32 $0x0;
	s4 =	smul.u32 $0x13C00, s10  }
0x8: {  	s2 =	sand.u32 $0x1, s2;
	s5 =	sshll.u32 s10, $0x1;
	[smem:$0x7FF] =	sst s6  }
0x9: {  	s9 =	smul.u32 $0x4F00, s10;
	_ =	strace $0x8000004D;
	[dreg:$0x4] =	wrdreg s24  }
0xa: {  	s19 =	sshll.u32 s10, $0x6;
	s5 =	sor.u32 s2, s5;
	[dreg:$0x5] =	wrdreg s25  }
0xb: {  	s7 =	sshll.u32 s2, $0x5;
	s2 =	ssub.s32 $0x2, s2;
	[dreg:$0x6] =	wrdreg s26  }
0xc: {  	s21 =	sor.u32 $0x1C03, s19;
	s19 =	simm.s32 $0x3;
	[dreg:$0x7] =	wrdreg s29  }
0xd: {  	[dreg:$0x8] =	wrdreg s31;
	s25 =	simm.s32 $0xAE20;
	s18 =	sshrl.u32 s4, $0x3  }
0xe: {  	s5 =	smul.u32 $0x2710, s5;
	s7 =	sor.u32 s7, s4;
	s8 =	sshrl.u32 s2, $0x1  }
0xf: {  	s15 =	sadd.s32 s9, s1;
	s4 =	sshrl.u32 s4, $0x2;
	[dreg:$0xa] =	wrdreg s21  }
0x10: {  	s6 =	sadd.s32 s18, s0;
	s7 =	sshrl.u32 s7, $0x3;
	s2 =	ssub.s32 s2, s8  }
0x11: {  	s4 =	sadd.s32 s4, s3;
	s15 =	sshrl.u32 s15, $0x3;
	s18 =	simm.s32 $0x10  }
0x12: {  	s5 =	sshrl.u32 s5, $0x3;
	s20 =	sadd.s32 $0x16E00, s6;
	s22 =	sadd.s32 $0x13C0, s4  }
0x13: {  	s23 =	sadd.s32 $0x2780, s4;
	s10 =	sadd.s32 $0x3B40, s4;
	[dreg:$0x9] =	wrdreg s20  }
0x14: {  	s14 =	smax.u32 s2, $0x1;
	s12 =	sadd.s32 s5, s0;
	[dreg:$0xb] =	wrdreg s22  }
0x15: {  	s0 =	sadd.s32 s7, s0;
	s7 =	sadd.s32 s9, s3;
	[dreg:$0xc] =	wrdreg s23  }
0x16: {  	s20 =	simm.s32 $0xB020;
	s22 =	simm.s32 $0x80;
	s23 =	simm.s32 $0x9E20  }
0x17: {  	v0 =	vimm.f32 $0.0e+00;
	s11 =	sadd.s32 $0x3400, s12;
	s12 =	sadd.s32 $0xD040, s12;
	s13 =	sadd.s32 $0x3E600, s0  }
.LBB2_1:
0x18: {  	s0 =	rddreg [dreg:$0x9]  }
0x19: {  	s2 =	rddreg [dreg:$0xa];
	s4 =	simm.s32 $0x4  }
0x1a: {  	[spmem:s15@s4], [sflag:s2] =	dma.strided [hbm:s0@s18], $0x9E0, s16, $0x4   }
0x1b: {  	_ =	swait.ge [sflag:s19], $0x9E0  }
0x1c: {  	[sflag:s19] =	ssyncset.done $0x0  }
0x1d: {  	s0 =	simm.s32 $0xB0A0;
	[sflag:s19] =	ssyncadd.s32 $0xFFFFF620  }
0x1e: {  	[tilespmem:s0+$0xFFFFFF80] =	vst v0  }
0x1f: {  	[tilespmem:s0+$0x70] =	vst v0  }
0x20: {  	[tilespmem:s0+$0x60] =	vst v0  }
0x21: {  	[tilespmem:s0+$0x50] =	vst v0  }
0x22: {  	[tilespmem:s0+$0x40] =	vst v0  }
0x23: {  	[tilespmem:s0+$0x30] =	vst v0  }
0x24: {  	[tilespmem:s0+$0x20] =	vst v0  }
0x25: {  	[tilespmem:s0+$0x10] =	vst v0  }
0x26: {  	[tilespmem:s0+$0x0] =	vst v0  }
0x27: {  	[tilespmem:s0+$0xFFFFFFF0] =	vst v0  }
0x28: {  	[tilespmem:s0+$0xFFFFFFE0] =	vst v0  }
0x29: {  	[tilespmem:s0+$0xFFFFFFD0] =	vst v0  }
0x2a: {  	[tilespmem:s0+$0xFFFFFFC0] =	vst v0  }
0x2b: {  	[tilespmem:s0+$0xFFFFFFB0] =	vst v0  }
0x2c: {  	s2 =	simm.s32 $0x0;
	[tilespmem:s0+$0xFFFFFFA0] =	vst v0  }
.LBB2_2:
0x2d: {  	s2 =	sadd.s32 $0x8, s2;
	[tilespmem:s0+$0xFFFFFF90] =	vst v0;
	s0 =	sadd.s32 $0x100, s0  }
0x2e: {  	[tilespmem:s0+$0xFFFFFF80] =	vst v0;
	p0 =	slt.u32 s2, $0x90  }
0x2f: {  	[tilespmem:s0+$0x70] =	vst v0  }
0x30: {  	[tilespmem:s0+$0x60] =	vst v0  }
0x31: {  	[tilespmem:s0+$0x50] =	vst v0  }
0x32: {  	[tilespmem:s0+$0x40] =	vst v0  }
0x33: {  	[tilespmem:s0+$0x30] =	vst v0  }
0x34: {  	[tilespmem:s0+$0x20] =	vst v0  }
0x35: {  	[tilespmem:s0+$0x10] =	vst v0  }
0x36: {  	[tilespmem:s0+$0x0] =	vst v0  }
0x37: {  	[tilespmem:s0+$0xFFFFFFF0] =	vst v0  }
.Ltmp0:
0x38: {  	[tilespmem:s0+$0xFFFFFFE0] =	vst v0;
	(pc) =	sbr.rel @p0 .LBB2_2-.Ltmp0, $4  }
0x39: {  	[tilespmem:s0+$0xFFFFFFD0] =	vst v0  }
0x3a: {  	[tilespmem:s0+$0xFFFFFFC0] =	vst v0  }
0x3b: {  	[tilespmem:s0+$0xFFFFFFB0] =	vst v0  }
0x3c: {  	[tilespmem:s0+$0xFFFFFFA0] =	vst v0  }
0x3d: {  	[tilespmem:s0+$0xFFFFFF90] =	vst v0  }
0x3e: {  	[tilespmem:$0xC320] =	vst v0  }
0x3f: {  	[tilespmem:$0xC330] =	vst v0  }
0x40: {  	[tilespmem:$0xC340] =	vst v0  }
0x41: {  	[tilespmem:$0xC350] =	vst v0  }
0x42: {  	[tilespmem:$0xC360] =	vst v0  }
0x43: {  	[tilespmem:$0xC370] =	vst v0  }
0x44: {  	[tilespmem:$0xC380] =	vst v0  }
0x45: {  	[tilespmem:$0xC390] =	vst v0  }
0x46: {  	[tilespmem:$0xC3A0] =	vst v0  }
0x47: {  	[tilespmem:$0xC3B0] =	vst v0  }
0x48: {  	[tilespmem:$0xC3C0] =	vst v0  }
0x49: {  	[tilespmem:$0xC3D0] =	vst v0  }
0x4a: {  	[spmem:s7] =	stream.linear.scatter [tilespmem:s20], [sflag:$0x3], $0x13C0, $0x38;
	[tilespmem:$0x19D20] =	vst v63  }
0x4b: {  	_ =	swait.ge [sflag:s19], $0x13C0  }
0x4c: {  	[sflag:s19] =	ssyncset.done $0x0  }
0x4d: {  	s4 =	rddreg [dreg:$0xb];
	[sflag:s19] =	ssyncadd.s32 $0xFFFFEC40  }
0x4e: {  	[spmem:s4] =	stream.linear.scatter [tilespmem:s20], [sflag:$0x3], $0x13C0, $0x38;
	[tilespmem:$0x19D20] =	vst v63  }
0x4f: {  	_ =	swait.ge [sflag:s19], $0x13C0  }
0x50: {  	[sflag:s19] =	ssyncset.done $0x0  }
0x51: {  	s5 =	rddreg [dreg:$0xc];
	[sflag:s19] =	ssyncadd.s32 $0xFFFFEC40  }
0x52: {  	[spmem:s5] =	stream.linear.scatter [tilespmem:s20], [sflag:$0x3], $0x13C0, $0x38;
	[tilespmem:$0x19D20] =	vst v63  }
0x53: {  	_ =	swait.ge [sflag:s19], $0x13C0  }
0x54: {  	[sflag:s19] =	ssyncset.done $0x0  }
0x55: {  	[sflag:s19] =	ssyncadd.s32 $0xFFFFEC40  }
0x56: {  	[spmem:s10] =	stream.linear.scatter [tilespmem:s20], [sflag:$0x3], $0x13C0, $0x38;
	[tilespmem:$0x19D20] =	vst v63  }
0x57: {  	_ =	swait.ge [sflag:s19], $0x13C0  }
0x58: {  	[sflag:s19] =	ssyncset.done $0x0  }
0x59: {  	s6 =	simm.s32 $0x0;
	[sflag:s19] =	ssyncadd.s32 $0xFFFFEC40  }
0x5a: {  	[tilespmem:s6], [sflag:$0x3] =	stream.linear.gather [hbm4b:s11+s6], $0x2710, $0x38;
	[tilespmem:$0x19D20] =	vst v63  }
0x5b: {  	_ =	swait.ge [sflag:s19], $0x2710  }
0x5c: {  	[sflag:s19] =	ssyncset.done $0x0  }
0x5d: {  	s2 =	simm.s32 $0x2710;
	[sflag:s19] =	ssyncadd.s32 $0xFFFFD8F0  }
0x5e: {  	[tilespmem:s2], [sflag:$0x3] =	stream.linear.gather [hbm4b:s12+s6], $0x2710, $0x38;
	[tilespmem:$0x19D20] =	vst v63  }
0x5f: {  	_ =	swait.ge [sflag:s19], $0x2710  }
0x60: {  	[sflag:s19] =	ssyncset.done $0x0  }
0x61: {  	p0 =	por $0x0, $0x0;
	[sflag:s19] =	ssyncadd.s32 $0xFFFFD8F0  }
0x62: {  	s0 =	simm.s32 @p0 $0x2;
	[bflag:$0x0] =	sbarrier.arrive $0xFFFF  }
0x63: {  	_ =	swait.ge @p0 [sflag:s0], $0x1000  }
0x64: {  	s17 =	simm.s32 @p0 $0x4E20;
	[sflag:s0] =	ssyncset.done @p0 $0x0  }
0x65: {  	s4 =	simm.s32 @p0 $0x80;
	s2 =	simm.s32 @p0 $0x0;
	[sflag:s0] =	ssyncadd.s32 @p0 $0xFFFFF000  }
0x66: {  	[tilespmem:s17], [sflag:$0x1] =	stream.indirect.gather @p0 [spmem:s1], $0x20, s2, s4, $0xb8;
	[tilespmem:$0x19D20] =	vst v63  }
0x67: {  	_ =	swait.ge @p0 [sflag:s0], $0x1000  }
0x68: {  	[sflag:s0] =	ssyncset.done @p0 $0x0  }
0x69: {  	s2 =	simm.s32 @p0 $0x80;
	s17 =	simm.s32 @p0 $0x5E20;
	[sflag:s0] =	ssyncadd.s32 @p0 $0xFFFFF000  }
0x6a: {  	[tilespmem:s17], [sflag:$0x1] =	stream.indirect.gather @p0 [spmem:s1], $0x20, s2, s4, $0xb8;
	[tilespmem:$0x19D20] =	vst v63  }
0x6b: {  	_ =	swait.ge @p0 [sflag:s0], $0x1000  }
0x6c: {  	[sflag:s0] =	ssyncset.done @p0 $0x0  }
0x6d: {  	s2 =	simm.s32 @p0 $0x100;
	s17 =	simm.s32 @p0 $0x6E20;
	[sflag:s0] =	ssyncadd.s32 @p0 $0xFFFFF000  }
0x6e: {  	[tilespmem:s17], [sflag:$0x1] =	stream.indirect.gather @p0 [spmem:s1], $0x20, s2, s4, $0xb8;
	[tilespmem:$0x19D20] =	vst v63  }
0x6f: {  	_ =	swait.ge @p0 [sflag:s0], $0x1000  }
0x70: {  	[sflag:s0] =	ssyncset.done @p0 $0x0  }
0x71: {  	s2 =	simm.s32 @p0 $0x180;
	s17 =	simm.s32 @p0 $0x7E20;
	[sflag:s0] =	ssyncadd.s32 @p0 $0xFFFFF000  }
0x72: {  	[tilespmem:s17], [sflag:$0x1] =	stream.indirect.gather @p0 [spmem:s1], $0x20, s2, s4, $0xb8;
	[tilespmem:$0x19D20] =	vst v63  }
0x73: {  	_ =	swait.ge @p0 [sflag:s0], $0x1000  }
0x74: {  	[sflag:s0] =	ssyncset.done @p0 $0x0  }
0x75: {  	s2 =	simm.s32 $0x200;
	s17 =	simm.s32 @p0 $0x8E20;
	[sflag:s0] =	ssyncadd.s32 @p0 $0xFFFFF000  }
0x76: {  	[tilespmem:s17], [sflag:$0x1] =	stream.indirect.gather @p0 [spmem:s1], $0x20, s2, s4, $0xb8;
	[tilespmem:$0x19D20] =	vst v63  }
0x77: {  	_ =	swait.ge @p0 [sflag:s0], $0x1000  }
0x78: {  	s2 =	simm.s32 @!p0 $0x80;
	[sflag:s0] =	ssyncset.done @p0 $0x0  }
0x79: {  	s4 =	simm.s32 @!p0 $0x0;
	[sflag:s0] =	ssyncadd.s32 @p0 $0xFFFFF000;
	s0 =	simm.s32 @!p0 $0x4E20  }
0x7a: {  	[tilespmem:s0], [sflag:$0x1] =	stream.indirect.gather @!p0 [spmem:s1], $0x20, s4, s2, $0xb8;
	[tilespmem:$0x19D20] =	vst v63  }
0x7b: {  	s0 =	simm.s32 @!p0 $0x5E20  }
0x7c: {  	[tilespmem:s0], [sflag:$0x1] =	stream.indirect.gather @!p0 [spmem:s1], $0x20, s2, s2, $0xb8;
	[tilespmem:$0x19D20] =	vst v63  }
0x7d: {  	s4 =	simm.s32 @!p0 $0x6E20;
	s0 =	simm.s32 @!p0 $0x100  }
0x7e: {  	[tilespmem:s4], [sflag:$0x1] =	stream.indirect.gather @!p0 [spmem:s1], $0x20, s0, s2, $0xb8;
	[tilespmem:$0x19D20] =	vst v63  }
0x7f: {  	s17 =	simm.s32 @!p0 $0x7E20;
	s4 =	simm.s32 @p0 $0x0;
	s0 =	simm.s32 @!p0 $0x180  }
0x80: {  	[tilespmem:s17], [sflag:$0x1] =	stream.indirect.gather @!p0 [spmem:s1], $0x20, s0, s2, $0xb8;
	[tilespmem:$0x19D20] =	vst v63  }
0x81: {  	s4 =	simm.s32 @!p0 $0x0;
	s0 =	simm.s32 @!p0 $0x200;
	s17 =	simm.s32 @!p0 $0x8E20  }
0x82: {  	[tilespmem:s17], [sflag:$0x1] =	stream.indirect.gather @!p0 [spmem:s1], $0x20, s0, s2, $0xb8;
	[tilespmem:$0x19D20] =	vst v63  }
0x83: {  	s8 =	sadd.s32 $0x280, s4  }
0x84: {  	[tilespmem:s23], [sflag:$0x1] =	stream.indirect.gather [spmem:s1], $0x20, s8, s22, $0xb8;
	[tilespmem:$0x19D20] =	vst v63  }
0x85: {  	_ =	swait.ge [sflag:s16], $0x1000  }
0x86: {  	[sflag:s16] =	ssyncset.done $0x0  }
0x87: {  	s17 =	sadd.s32 $0x2710, s4;
	s9 =	rddreg [dreg:$0x4];
	[sflag:s16] =	ssyncadd.s32 $0xFFFFF000  }
0x88: {  	[spmem:s3] =	stream.indirect.scatter.add.f32 [tilespmem:s9], [sflag:$0x2], $0x20, s17, s22, $0xb8;
	[tilespmem:$0x19D20] =	vst v63  }
0x89: {  	s0 =	simm.s32 @p0 $0x80;
	_ =	swait.ge [sflag:s16], $0x1000  }
0x8a: {  	s0 =	simm.s32 @!p0 $0x80;
	[sflag:s16] =	ssyncset.done $0x0  }
0x8b: {  	s0 =	sadd.s32 $0x2710, s0;
	s21 =	rddreg [dreg:$0x5];
	[sflag:s16] =	ssyncadd.s32 $0xFFFFF000  }
0x8c: {  	[spmem:s3] =	stream.indirect.scatter.add.f32 [tilespmem:s21], [sflag:$0x2], $0x20, s0, s22, $0xb8;
	[tilespmem:$0x19D20] =	vst v63  }
0x8d: {  	s0 =	simm.s32 @p0 $0x100;
	_ =	swait.ge [sflag:s16], $0x1000  }
0x8e: {  	s0 =	simm.s32 @!p0 $0x100;
	[sflag:s16] =	ssyncset.done $0x0  }
0x8f: {  	s24 =	rddreg [dreg:$0x6];
	s0 =	sadd.s32 $0x2710, s0;
	[sflag:s16] =	ssyncadd.s32 $0xFFFFF000  }
0x90: {  	[spmem:s3] =	stream.indirect.scatter.add.f32 [tilespmem:s24], [sflag:$0x2], $0x20, s0, s22, $0xb8;
	[tilespmem:$0x19D20] =	vst v63  }
0x91: {  	s0 =	simm.s32 @p0 $0x180;
	_ =	swait.ge [sflag:s16], $0x1000  }
0x92: {  	s0 =	simm.s32 @!p0 $0x180;
	[sflag:s16] =	ssyncset.done $0x0  }
0x93: {  	s26 =	rddreg [dreg:$0x7];
	s0 =	sadd.s32 $0x2710, s0;
	[sflag:s16] =	ssyncadd.s32 $0xFFFFF000  }
0x94: {  	[spmem:s3] =	stream.indirect.scatter.add.f32 [tilespmem:s26], [sflag:$0x2], $0x20, s0, s22, $0xb8;
	[tilespmem:$0x19D20] =	vst v63  }
0x95: {  	s31 =	simm.s32 $0x500;
	s0 =	simm.s32 $0x200;
	_ =	swait.ge [sflag:s16], $0x1000  }
0x96: {  	s2 =	simm.s32 $0x500;
	s0 =	simm.s32 @!p0 $0x200;
	[sflag:s16] =	ssyncset.done $0x0  }
0x97: {  	s29 =	rddreg [dreg:$0x8];
	s0 =	sadd.s32 $0x2710, s0;
	[sflag:s16] =	ssyncadd.s32 $0xFFFFF000  }
0x98: {  	[spmem:s3] =	stream.indirect.scatter.add.f32 [tilespmem:s29], [sflag:$0x2], $0x20, s0, s22, $0xb8;
	[tilespmem:$0x19D20] =	vst v63  }
0x99: {  	s24 =	sadd.s32 $0x2990, s4;
	p0 =	por $0x1, $0x1;
	s0 =	simm.s32 $0x800  }
.LBB2_4:
0x9a: {  	_ =	swait.ge [sflag:s16], $0x1000  }
0x9b: {  	[sflag:s16] =	ssyncset.done $0x0  }
0x9c: {  	s4 =	simm.s32 @p0 $0x2;
	[sflag:s16] =	ssyncadd.s32 $0xFFFFF000  }
0x9d: {  	[spmem:s3] =	stream.indirect.scatter.add.f32 [tilespmem:s23], [sflag:$0x2], $0x20, s24, s22, $0xb8;
	[tilespmem:$0x19D20] =	vst v63  }
0x9e: {  	_ =	swait.ge @p0 [sflag:s4], $0x1000  }
0x9f: {  	s26 =	sadd.s32 @p0 $0xFFFFFE00, s2;
	[sflag:s4] =	ssyncset.done @p0 $0x0  }
0xa0: {  	s6 =	simm.s32 @p0 $0x80;
	s8 =	simm.s32 @p0 $0x4E20;
	[sflag:s4] =	ssyncadd.s32 @p0 $0xFFFFF000  }
0xa1: {  	[tilespmem:s8], [sflag:$0x1] =	stream.indirect.gather @p0 [spmem:s1], $0x20, s26, s6, $0xb8;
	[tilespmem:$0x19D20] =	vst v63  }
0xa2: {  	s17 =	sadd.s32 @p0 $0xFFFFFE00, s31;
	_ =	swait.ge @p0 [sflag:s4], $0x1000  }
0xa3: {  	s5 =	smov.u32 s0;
	s29 =	sadd.s32 @p0 $0xFFFFFE80, s31;
	[sflag:s4] =	ssyncset.done @p0 $0x0  }
0xa4: {  	s9 =	simm.s32 @p0 $0x5E20;
	s8 =	sadd.s32 @p0 $0xFFFFFE80, s2;
	[sflag:s4] =	ssyncadd.s32 @p0 $0xFFFFF000  }
0xa5: {  	[tilespmem:s9], [sflag:$0x1] =	stream.indirect.gather @p0 [spmem:s1], $0x20, s8, s6, $0xb8;
	[tilespmem:$0x19D20] =	vst v63  }
0xa6: {  	s21 =	sadd.s32 @p0 $0xFFFFFF00, s31;
	s24 =	sadd.s32 @p0 $0xFFFFFF80, s31;
	_ =	swait.ge @p0 [sflag:s4], $0x1000  }
0xa7: {  	s26 =	smov.u32 s31;
	s31 =	smov.u32 s5;
	[sflag:s4] =	ssyncset.done @p0 $0x0  }
0xa8: {  	s5 =	sadd.s32 @p0 $0xFFFFFF00, s2;
	s8 =	simm.s32 @p0 $0x6E20;
	[sflag:s4] =	ssyncadd.s32 @p0 $0xFFFFF000  }
0xa9: {  	[tilespmem:s8], [sflag:$0x1] =	stream.indirect.gather @p0 [spmem:s1], $0x20, s5, s6, $0xb8;
	[tilespmem:$0x19D20] =	vst v63  }
0xaa: {  	_ =	swait.ge @p0 [sflag:s4], $0x1000  }
0xab: {  	[sflag:s4] =	ssyncset.done @p0 $0x0  }
0xac: {  	s5 =	sadd.s32 @p0 $0xFFFFFF80, s2;
	s8 =	simm.s32 @p0 $0x7E20;
	[sflag:s4] =	ssyncadd.s32 @p0 $0xFFFFF000  }
0xad: {  	[tilespmem:s8], [sflag:$0x1] =	stream.indirect.gather @p0 [spmem:s1], $0x20, s5, s6, $0xb8;
	[tilespmem:$0x19D20] =	vst v63  }
0xae: {  	_ =	swait.ge @p0 [sflag:s4], $0x1000  }
0xaf: {  	[sflag:s4] =	ssyncset.done @p0 $0x0  }
0xb0: {  	s5 =	simm.s32 @p0 $0x8E20;
	[sflag:s4] =	ssyncadd.s32 @p0 $0xFFFFF000  }
0xb1: {  	[tilespmem:s5], [sflag:$0x1] =	stream.indirect.gather @p0 [spmem:s1], $0x20, s2, s6, $0xb8;
	[tilespmem:$0x19D20] =	vst v63  }
0xb2: {  	_ =	swait.ge @p0 [sflag:s4], $0x1000  }
0xb3: {  	s5 =	simm.s32 @!p0 $0x80;
	[sflag:s4] =	ssyncset.done @p0 $0x0  }
0xb4: {  	s6 =	simm.s32 @!p0 $0x0;
	[sflag:s4] =	ssyncadd.s32 @p0 $0xFFFFF000;
	s4 =	simm.s32 @!p0 $0x4E20  }
0xb5: {  	[tilespmem:s4], [sflag:$0x1] =	stream.indirect.gather @!p0 [spmem:s1], $0x20, s6, s5, $0xb8;
	[tilespmem:$0x19D20] =	vst v63  }
0xb6: {  	s4 =	simm.s32 @!p0 $0x5E20  }
0xb7: {  	[tilespmem:s4], [sflag:$0x1] =	stream.indirect.gather @!p0 [spmem:s1], $0x20, s5, s5, $0xb8;
	[tilespmem:$0x19D20] =	vst v63  }
0xb8: {  	s6 =	simm.s32 @!p0 $0x6E20;
	s4 =	simm.s32 @!p0 $0x100  }
0xb9: {  	[tilespmem:s6], [sflag:$0x1] =	stream.indirect.gather @!p0 [spmem:s1], $0x20, s4, s5, $0xb8;
	[tilespmem:$0x19D20] =	vst v63  }
0xba: {  	s4 =	simm.s32 @!p0 $0x180;
	s6 =	simm.s32 @!p0 $0x7E20  }
0xbb: {  	[tilespmem:s6], [sflag:$0x1] =	stream.indirect.gather @!p0 [spmem:s1], $0x20, s4, s5, $0xb8;
	[tilespmem:$0x19D20] =	vst v63  }
0xbc: {  	s17 =	simm.s32 @!p0 $0x0;
	s4 =	simm.s32 @!p0 $0x200;
	s6 =	simm.s32 @!p0 $0x8E20  }
0xbd: {  	[tilespmem:s6], [sflag:$0x1] =	stream.indirect.gather @!p0 [spmem:s1], $0x20, s4, s5, $0xb8;
	[tilespmem:$0x19D20] =	vst v63  }
0xbe: {  	s5 =	sadd.s32 $0x280, s17  }
0xbf: {  	[tilespmem:s23], [sflag:$0x1] =	stream.indirect.gather [spmem:s1], $0x20, s5, s22, $0xb8;
	[tilespmem:$0x19D20] =	vst v63  }
0xc0: {  	_ =	swait.ge [sflag:s16], $0x1000  }
0xc1: {  	[sflag:s16] =	ssyncset.done $0x0  }
0xc2: {  	s8 =	sadd.s32 $0x2710, s17;
	s6 =	rddreg [dreg:$0x4];
	[sflag:s16] =	ssyncadd.s32 $0xFFFFF000  }
0xc3: {  	[spmem:s3] =	stream.indirect.scatter.add.f32 [tilespmem:s6], [sflag:$0x2], $0x20, s8, s22, $0xb8;
	[tilespmem:$0x19D20] =	vst v63  }
0xc4: {  	_ =	swait.ge [sflag:s16], $0x1000  }
0xc5: {  	s29 =	simm.s32 @!p0 $0x80;
	[sflag:s16] =	ssyncset.done $0x0  }
0xc6: {  	s29 =	sadd.s32 $0x2710, s29;
	s9 =	rddreg [dreg:$0x5];
	[sflag:s16] =	ssyncadd.s32 $0xFFFFF000  }
0xc7: {  	[spmem:s3] =	stream.indirect.scatter.add.f32 [tilespmem:s9], [sflag:$0x2], $0x20, s29, s22, $0xb8;
	[tilespmem:$0x19D20] =	vst v63  }
0xc8: {  	_ =	swait.ge [sflag:s16], $0x1000  }
0xc9: {  	s21 =	simm.s32 @!p0 $0x100;
	[sflag:s16] =	ssyncset.done $0x0  }
0xca: {  	s6 =	sadd.s32 $0x2710, s21;
	s5 =	rddreg [dreg:$0x6];
	[sflag:s16] =	ssyncadd.s32 $0xFFFFF000  }
0xcb: {  	[spmem:s3] =	stream.indirect.scatter.add.f32 [tilespmem:s5], [sflag:$0x2], $0x20, s6, s22, $0xb8;
	[tilespmem:$0x19D20] =	vst v63  }
0xcc: {  	s0 =	sadd.s32 $0x300, s0;
	_ =	swait.ge [sflag:s16], $0x1000  }
0xcd: {  	p1 =	sne.s32 s0, $0x2900;
	s24 =	simm.s32 @!p0 $0x180;
	[sflag:s16] =	ssyncset.done $0x0  }
0xce: {  	s9 =	sadd.s32 $0x2710, s24;
	s8 =	rddreg [dreg:$0x7];
	[sflag:s16] =	ssyncadd.s32 $0xFFFFF000  }
0xcf: {  	[spmem:s3] =	stream.indirect.scatter.add.f32 [tilespmem:s8], [sflag:$0x2], $0x20, s9, s22, $0xb8;
	[tilespmem:$0x19D20] =	vst v63  }
.Ltmp1:
0xd0: {  	_ = 	snop;
	(pc) =	sbr.rel @p1 .LBB2_4-.Ltmp1, $4  }
0xd1: {  	s26 =	simm.s32 @!p0 $0x200;
	s2 =	sadd.s32 $0x300, s2;
	_ =	swait.ge [sflag:s16], $0x1000  }
0xd2: {  	p0 =	sne.s32 s31, $0x200;
	s29 =	sadd.s32 $0x2710, s26;
	[sflag:s16] =	ssyncset.done $0x0  }
0xd3: {  	s24 =	sadd.s32 $0x2990, s17;
	s21 =	rddreg [dreg:$0x8];
	[sflag:s16] =	ssyncadd.s32 $0xFFFFF000  }
0xd4: {  	[spmem:s3] =	stream.indirect.scatter.add.f32 [tilespmem:s21], [sflag:$0x2], $0x20, s29, s22, $0xb8;
	[tilespmem:$0x19D20] =	vst v63  }
0xd5: {  	_ =	swait.ge [sflag:s16], $0x1000  }
0xd6: {  	[sflag:s16] =	ssyncset.done $0x0  }
0xd7: {  	s0 =	simm.s32 @p0 $0x2;
	[sflag:s16] =	ssyncadd.s32 $0xFFFFF000  }
0xd8: {  	[spmem:s3] =	stream.indirect.scatter.add.f32 [tilespmem:s23], [sflag:$0x2], $0x20, s24, s22, $0xb8;
	[tilespmem:$0x19D20] =	vst v63  }
0xd9: {  	_ =	swait.ge @p0 [sflag:s0], $0x1000  }
0xda: {  	s4 =	sadd.s32 @p0 $0xFFFFFE00, s2;
	[sflag:s0] =	ssyncset.done @p0 $0x0  }
0xdb: {  	s5 =	simm.s32 @p0 $0x80;
	s6 =	simm.s32 @p0 $0x4E20;
	[sflag:s0] =	ssyncadd.s32 @p0 $0xFFFFF000  }
0xdc: {  	[tilespmem:s6], [sflag:$0x1] =	stream.indirect.gather @p0 [spmem:s1], $0x20, s4, s5, $0xb8;
	[tilespmem:$0x19D20] =	vst v63  }
0xdd: {  	_ =	swait.ge @p0 [sflag:s0], $0x1000  }
0xde: {  	[sflag:s0] =	ssyncset.done @p0 $0x0  }
0xdf: {  	s4 =	sadd.s32 @p0 $0xFFFFFE80, s2;
	s6 =	simm.s32 @p0 $0x5E20;
	[sflag:s0] =	ssyncadd.s32 @p0 $0xFFFFF000  }
0xe0: {  	[tilespmem:s6], [sflag:$0x1] =	stream.indirect.gather @p0 [spmem:s1], $0x20, s4, s5, $0xb8;
	[tilespmem:$0x19D20] =	vst v63  }
0xe1: {  	_ =	swait.ge @p0 [sflag:s0], $0x1000  }
0xe2: {  	[sflag:s0] =	ssyncset.done @p0 $0x0  }
0xe3: {  	s4 =	sadd.s32 @p0 $0xFFFFFF00, s2;
	s6 =	simm.s32 @p0 $0x6E20;
	[sflag:s0] =	ssyncadd.s32 @p0 $0xFFFFF000  }
0xe4: {  	[tilespmem:s6], [sflag:$0x1] =	stream.indirect.gather @p0 [spmem:s1], $0x20, s4, s5, $0xb8;
	[tilespmem:$0x19D20] =	vst v63  }
0xe5: {  	_ =	swait.ge @p0 [sflag:s0], $0x1000  }
0xe6: {  	[sflag:s0] =	ssyncset.done @p0 $0x0  }
0xe7: {  	s4 =	sadd.s32 @p0 $0xFFFFFF80, s2;
	s6 =	simm.s32 @p0 $0x7E20;
	[sflag:s0] =	ssyncadd.s32 @p0 $0xFFFFF000  }
0xe8: {  	[tilespmem:s6], [sflag:$0x1] =	stream.indirect.gather @p0 [spmem:s1], $0x20, s4, s5, $0xb8;
	[tilespmem:$0x19D20] =	vst v63  }
0xe9: {  	_ =	swait.ge @p0 [sflag:s0], $0x1000  }
0xea: {  	[sflag:s0] =	ssyncset.done @p0 $0x0  }
0xeb: {  	s4 =	simm.s32 @p0 $0x8E20;
	[sflag:s0] =	ssyncadd.s32 @p0 $0xFFFFF000  }
0xec: {  	[tilespmem:s4], [sflag:$0x1] =	stream.indirect.gather @p0 [spmem:s1], $0x20, s2, s5, $0xb8;
	[tilespmem:$0x19D20] =	vst v63  }
0xed: {  	_ =	swait.ge @p0 [sflag:s0], $0x1000  }
0xee: {  	s2 =	simm.s32 @!p0 $0x80;
	[sflag:s0] =	ssyncset.done @p0 $0x0  }
0xef: {  	s4 =	simm.s32 @!p0 $0x0;
	[sflag:s0] =	ssyncadd.s32 @p0 $0xFFFFF000;
	s0 =	simm.s32 @!p0 $0x4E20  }
0xf0: {  	[tilespmem:s0], [sflag:$0x1] =	stream.indirect.gather @!p0 [spmem:s1], $0x20, s4, s2, $0xb8;
	[tilespmem:$0x19D20] =	vst v63  }
0xf1: {  	s0 =	simm.s32 @!p0 $0x5E20  }
0xf2: {  	[tilespmem:s0], [sflag:$0x1] =	stream.indirect.gather @!p0 [spmem:s1], $0x20, s2, s2, $0xb8;
	[tilespmem:$0x19D20] =	vst v63  }
0xf3: {  	s4 =	simm.s32 @!p0 $0x6E20;
	s0 =	simm.s32 @!p0 $0x100  }
0xf4: {  	[tilespmem:s4], [sflag:$0x1] =	stream.indirect.gather @!p0 [spmem:s1], $0x20, s0, s2, $0xb8;
	[tilespmem:$0x19D20] =	vst v63  }
0xf5: {  	s0 =	simm.s32 @!p0 $0x180;
	s4 =	simm.s32 @!p0 $0x7E20  }
0xf6: {  	[tilespmem:s4], [sflag:$0x1] =	stream.indirect.gather @!p0 [spmem:s1], $0x20, s0, s2, $0xb8;
	[tilespmem:$0x19D20] =	vst v63  }
0xf7: {  	s0 =	simm.s32 @!p0 $0x200;
	s4 =	simm.s32 @!p0 $0x8E20  }
0xf8: {  	[tilespmem:s4], [sflag:$0x1] =	stream.indirect.gather @!p0 [spmem:s1], $0x20, s0, s2, $0xb8;
	[tilespmem:$0x19D20] =	vst v63  }
0xf9: {  	s0 =	sadd.s32 @p0 $0xFFFFFE00, s31  }
0xfa: {  	s0 =	simm.s32 @!p0 $0x0  }
0xfb: {  	s4 =	sadd.s32 $0x280, s0  }
0xfc: {  	[tilespmem:s23], [sflag:$0x1] =	stream.indirect.gather [spmem:s1], $0x20, s4, s22, $0xb8;
	[tilespmem:$0x19D20] =	vst v63  }
0xfd: {  	_ =	swait.ge [sflag:s16], $0x1000  }
0xfe: {  	[sflag:s16] =	ssyncset.done $0x0  }
0xff: {  	s6 =	sadd.s32 $0x2710, s0;
	s5 =	rddreg [dreg:$0x4];
	[sflag:s16] =	ssyncadd.s32 $0xFFFFF000  }
0x100: {  	[spmem:s3] =	stream.indirect.scatter.add.f32 [tilespmem:s5], [sflag:$0x2], $0x20, s6, s22, $0xb8;
	[tilespmem:$0x19D20] =	vst v63  }
0x101: {  	s2 =	sadd.s32 @p0 $0xFFFFFE80, s31;
	_ =	swait.ge [sflag:s16], $0x1000  }
0x102: {  	s2 =	simm.s32 @!p0 $0x80;
	[sflag:s16] =	ssyncset.done $0x0  }
0x103: {  	s2 =	sadd.s32 $0x2710, s2;
	s8 =	rddreg [dreg:$0x5];
	[sflag:s16] =	ssyncadd.s32 $0xFFFFF000  }
0x104: {  	[spmem:s3] =	stream.indirect.scatter.add.f32 [tilespmem:s8], [sflag:$0x2], $0x20, s2, s22, $0xb8;
	[tilespmem:$0x19D20] =	vst v63  }
0x105: {  	s2 =	sadd.s32 @p0 $0xFFFFFF00, s31;
	_ =	swait.ge [sflag:s16], $0x1000  }
0x106: {  	s2 =	simm.s32 @!p0 $0x100;
	[sflag:s16] =	ssyncset.done $0x0  }
0x107: {  	s9 =	rddreg [dreg:$0x6];
	s2 =	sadd.s32 $0x2710, s2;
	[sflag:s16] =	ssyncadd.s32 $0xFFFFF000  }
0x108: {  	[spmem:s3] =	stream.indirect.scatter.add.f32 [tilespmem:s9], [sflag:$0x2], $0x20, s2, s22, $0xb8;
	[tilespmem:$0x19D20] =	vst v63  }
0x109: {  	s2 =	sadd.s32 @p0 $0xFFFFFF80, s31;
	_ =	swait.ge [sflag:s16], $0x1000  }
0x10a: {  	s2 =	simm.s32 @!p0 $0x180;
	[sflag:s16] =	ssyncset.done $0x0  }
0x10b: {  	s17 =	rddreg [dreg:$0x7];
	s2 =	sadd.s32 $0x2710, s2;
	[sflag:s16] =	ssyncadd.s32 $0xFFFFF000  }
0x10c: {  	[spmem:s3] =	stream.indirect.scatter.add.f32 [tilespmem:s17], [sflag:$0x2], $0x20, s2, s22, $0xb8;
	[tilespmem:$0x19D20] =	vst v63  }
0x10d: {  	_ =	swait.ge [sflag:s16], $0x1000  }
0x10e: {  	s31 =	simm.s32 @!p0 $0x200;
	[sflag:s16] =	ssyncset.done $0x0  }
0x10f: {  	s24 =	sadd.s32 $0x2710, s31;
	s21 =	rddreg [dreg:$0x8];
	[sflag:s16] =	ssyncadd.s32 $0xFFFFF000  }
0x110: {  	[spmem:s3] =	stream.indirect.scatter.add.f32 [tilespmem:s21], [sflag:$0x2], $0x20, s24, s22, $0xb8;
	[tilespmem:$0x19D20] =	vst v63  }
0x111: {  	_ =	swait.ge [sflag:s16], $0x1000  }
0x112: {  	[sflag:s16] =	ssyncset.done $0x0  }
0x113: {  	s0 =	sadd.s32 $0x2990, s0;
	[sflag:s16] =	ssyncadd.s32 $0xFFFFF000  }
0x114: {  	[spmem:s3] =	stream.indirect.scatter.add.f32 [tilespmem:s23], [sflag:$0x2], $0x20, s0, s22, $0xb8;
	[tilespmem:$0x19D20] =	vst v63  }
0x115: {  	s26 =	simm.s32 $0x2700  }
0x116: {  	[tilespmem:s25], [sflag:$0x1] =	stream.indirect.gather [spmem:s1], $0x20, s26, s18, $0xb8;
	[tilespmem:$0x19D20] =	vst v63  }
0x117: {  	_ =	swait.ge [sflag:s16], $0x200  }
0x118: {  	[sflag:s16] =	ssyncset.done $0x0  }
0x119: {  	s29 =	simm.s32 $0x4E10;
	[sflag:s16] =	ssyncadd.s32 $0xFFFFFE00  }
0x11a: {  	[spmem:s3] =	stream.indirect.scatter.add.f32 [tilespmem:s25], [sflag:$0x3], $0x20, s29, s18, $0xb8;
	[tilespmem:$0x19D20] =	vst v63  }
0x11b: {  	_ =	swait.ge [sflag:s19], $0x200  }
0x11c: {  	[sflag:s19] =	ssyncset.done $0x0  }
0x11d: {  	[sflag:s19] =	ssyncadd.s32 $0xFFFFFE00  }
0x11e: {  	_ =	swait.ge [sflag:s28], $0x1000  }
0x11f: {  	[sflag:s28] =	ssyncset.done $0x0  }
0x120: {  	[sflag:s28] =	ssyncadd.s32 $0xFFFFF000  }
0x121: {  	_ =	swait.ge [sflag:s28], $0x1000  }
0x122: {  	[sflag:s28] =	ssyncset.done $0x0  }
0x123: {  	[sflag:s28] =	ssyncadd.s32 $0xFFFFF000  }
0x124: {  	_ =	swait.ge [sflag:s28], $0x1000  }
0x125: {  	[sflag:s28] =	ssyncset.done $0x0  }
0x126: {  	[sflag:s28] =	ssyncadd.s32 $0xFFFFF000  }
0x127: {  	_ =	swait.ge [sflag:s28], $0x1000  }
0x128: {  	[sflag:s28] =	ssyncset.done $0x0  }
0x129: {  	[sflag:s28] =	ssyncadd.s32 $0xFFFFF000  }
0x12a: {  	_ =	swait.ge [sflag:s28], $0x1000  }
0x12b: {  	[sflag:s28] =	ssyncset.done $0x0  }
0x12c: {  	[sflag:s28] =	ssyncadd.s32 $0xFFFFF000  }
0x12d: {  	_ =	swait.ge [sflag:s28], $0x1000  }
0x12e: {  	[sflag:s28] =	ssyncset.done $0x0  }
0x12f: {  	[sflag:s28] =	ssyncadd.s32 $0xFFFFF000  }
0x130: {  	[bflag:$0x0] =	sbarrier.arrive $0xFFFF  }
0x131: {  	[tilespmem:s20], [sflag:$0x3] =	stream.linear.gather [spmem:s7], $0x4F00, $0x38;
	[tilespmem:$0x19D20] =	vst v63  }
0x132: {  	s30 =	sadd.s32 $0x1, s30;
	_ =	swait.ge [sflag:s19], $0x4F00  }
0x133: {  	p0 =	sne.s32 s30, s14;
	[sflag:s19] =	ssyncset.done $0x0  }
.Ltmp2:
0x134: {  	s31 =	simm.s32 $0x20;
	[sflag:s19] =	ssyncadd.s32 $0xFFFFB100;
	(pc) =	sbr.rel @p0 .LBB2_1-.Ltmp2, $4  }
0x135: {  	[hbm4b:s13+s31] =	stream.strided.scatter [tilespmem:s20], [sflag:$0x3], $0x4F00, s22, s31, $0x38;
	[tilespmem:$0x19D20] =	vst v63  }
0x136: {  	_ =	swait.ge [sflag:s19], $0x4F00  }
0x137: {  	[sflag:s19] =	ssyncset.done $0x0  }
0x138: {  	[sflag:s19] =	ssyncadd.s32 $0xFFFFB100  }
0x139: {  	_ =	sfence.sel $0x180000  }
0x13a: {  	[bflag:$0x0] =	sbarrier.arrive $0xFFFF  }
0x13b: {  	_ =	strace $0x9000004D  }
0x13c: {  	s0 =	stileid.u32;
	[bflag:$0x2] =	sbarrier.arrive $0xFFFF  }
0x13d: {  	p0 =	sne.s32 s0, $0x0;
	s0 =	rddreg [dreg:$0x3]  }
0x13e: {  	s0 =	sadd.s32 @!p0 $0x100000, s0  }
0x13f: {  	[sflag:s0] =	ssyncadd.tile.s32 @!p0 $0x1;
	_ =	shalt  }
.Lfunc_end2:
_tile_overlayer_lowered:
.L_overlay_start_2:
0x140: {  	(tag) =	ssettag $0x2  }
0x141: {  	s0 =	rddreg [dreg:$0x0];
	s2 =	stileid.u32  }
0x142: {  	s1 =	rddreg [dreg:$0x1];
	p0 =	sne.s32 s2, $0x0  }
0x143: {  	s3 =	rddreg [dreg:$0x2];
	[bflag:$0x3] =	sbarrier.arrive $0xFFFF;
	s2 =	simm.s32 @!p0 $0x1C03  }
0x144: {  	[timem:s3], [sflag:s2] =	dma.local @!p0 [hbm:s0], s1  }
0x145: {  	s0 =	simm.s32 @!p0 $0x3  }
0x146: {  	_ =	swait.ge @!p0 [sflag:s0], s1  }
0x147: {  	s1 =	ssub.s32 @!p0 $0x0, s1;
	[sflag:s0] =	ssyncset.done @!p0 $0x0  }
0x148: {  	[sflag:s0] =	ssyncadd.s32 @!p0 s1  }
0x149: {  	[bflag:$0x3] =	sbarrier.arrive $0xFFFF  }
0x14a: {  	_ =	shalt  }

// kernel: kernel.9.cloned.1.call-start
scs
__scs_entry_jumppad:
0x0: {  	(pc) =	sbr.rel $0x88, $3  }
0x1: {  	(tag) =	ssettag $0x0;
	lr =	simm.s32 $0x1  }
0x2: {  	[smem:$0x3F96] =	sst lr;
	_ =	strace $0xD0000000  }
0x3: {  	_ = 	snop  }
0x4: {  	_ = 	snop  }
0x5: {  	_ = 	snop  }
0x6: {  	_ = 	snop  }
0x7: {  	_ = 	snop  }
__scs_overlays_trampoline_lowered:
0x8: {  	[smem:$0x3FA5] =	sst s0  }
0x9: {  	[smem:$0x3FA6] =	sst s1  }
0xa: {  	[smem:$0x3FA7] =	sst s2  }
0xb: {  	[smem:$0x3FA8] =	sst s3  }
0xc: {  	[smem:$0x3FA9] =	sst s4  }
0xd: {  	[smem:$0x3FAA] =	sst s5  }
0xe: {  	[smem:$0x3FAB] =	sst s6  }
0xf: {  	[smem:$0x3FAC] =	sst s7  }
0x10: {  	[smem:$0x3FAD] =	sst s8  }
0x11: {  	[smem:$0x3FAE] =	sst s9;
	s0 =	simm.s32 @!p0 $0x0  }
0x12: {  	s1 =	sld [smem:$0x3F94];
	s0 =	simm.s32 @p0 $0x1  }
0x13: {  	[smem:$0x3FAF] =	sst s0;
	s0 =	simm.s32 @!p1 $0x0  }
0x14: {  	s2 =	sld [smem:$0x3F93];
	s0 =	simm.s32 @p1 $0x1  }
0x15: {  	[smem:$0x3FB0] =	sst s0;
	s0 =	simm.s32 @!p2 $0x0  }
0x16: {  	s3 =	sld [smem:$0x3FDB];
	s0 =	simm.s32 @p2 $0x1  }
0x17: {  	s4 =	simm.s32 $0x1BF5;
	[smem:$0x3FB2] =	sst s0  }
0x18: {  	s0 =	sld [smem:$0x3F95];
	_ =	swait.ge [sflag:s4], $0x0  }
0x19: {  	s7 =	sld [smem:$0x3F96]  }
0x1a: {  	s8 =	sadd.s32 $0xFFFFE003, lr  }
0x1b: {  	s9 =	sadd.s32 $0xFFFFFEF7, lr;
	s5 =	simm.s32 $0xFFFFFFFF;
	p2 =	slt.u32 s8, $0xFFFFF086  }
0x1c: {  	p1 =	slt.u32 s9, $0xF7A;
	s5 =	simm.s32 @!p2 $0x0  }
0x1d: {  	s5 =	simm.s32 @p1 $0x1;
	p0 =	seq.s32 s7, s2  }
0x1e: {  	s7 =	smul.u32 @!p0 $0xF7A, s2;
	p2 =	seq.s32 @!p0 s5, $0x0  }
0x1f: {  	s9 =	smul.u32 $0xF7A, s1;
	s8 =	simm.s32 @!p0 $0x1BF5;
	p2 =	por !p2, p0  }
0x20: {  	[sflag:s8] =	ssyncset.s32 @!p0 $0xFFFFF086;
	s6 =	sadd.s32 @!p0 s3, s7;
	s7 =	simm.s32 @!p0 $0x108  }
0x21: {  	s3 =	sadd.s32 s3, s9;
	s6 =	sadd.s32 @!p0 $0x88, s6;
	s7 =	simm.s32 @p2 $0x1082  }
0x22: {  	[simem:s7], [sflag:s8] =	dma.local @!p0 [hbm:s6], $0xF7A  }
0x23: {  	s9 =	sor.u32 $0xD0000000, s2;
	s6 =	simm.s32 $0x108;
	_ =	swait.ge @!p0 [sflag:s8], $0x0  }
0x24: {  	s3 =	sadd.s32 $0x88, s3;
	s6 =	simm.s32 @!p1 $0x1082;
	[sflag:s4] =	ssyncset.s32 $0xFFFFF086  }
0x25: {  	[simem:s6], [sflag:s4] =	dma.local [hbm:s3], $0xF7A  }
0x26: {  	[smem:$0x3F96] =	sst s1;
	(tag) =	ssettag s2;
	_ =	strace s9  }
0x27: {  	s1 =	sld [smem:$0x3FA6]  }
0x28: {  	s2 =	sld [smem:$0x3FA7]  }
0x29: {  	s4 =	sld [smem:$0x3FA9]  }
0x2a: {  	p0 =	seq.s32 s5, $0x0;
	s5 =	sld [smem:$0x3FAA]  }
0x2b: {  	s6 =	sld [smem:$0x3FAB]  }
0x2c: {  	s7 =	sld [smem:$0x3FAC]  }
0x2d: {  	s3 =	simm.s32 $0x108;
	s8 =	sld [smem:$0x3FAD]  }
0x2e: {  	s3 =	simm.s32 @!p0 $0x1082;
	s9 =	sld [smem:$0x3FAE]  }
0x2f: {  	lr =	sadd.s32 s0, s3;
	s0 =	sld [smem:$0x3FA5]  }
0x30: {  	s3 =	sld [smem:$0x3FA8]  }
0x31: {  	[smem:$0x3FB1] =	sst s10  }
0x32: {  	s10 =	sld [smem:$0x3FAF];
	_ =	sdelay $0x3  }
0x33: {  	p0 =	seq.s32 s10, $0x1;
	s10 =	sld [smem:$0x3FB1];
	_ =	sdelay $0x3  }
0x34: {  	[smem:$0x3FB1] =	sst s10  }
0x35: {  	s10 =	sld [smem:$0x3FB0];
	_ =	sdelay $0x3  }
0x36: {  	p1 =	seq.s32 s10, $0x1;
	s10 =	sld [smem:$0x3FB1];
	_ =	sdelay $0x3  }
0x37: {  	[smem:$0x3FB1] =	sst s10  }
0x38: {  	s10 =	sld [smem:$0x3FB2]  }
0x39: {  	_ = 	snop;
	(pc) =	sbr.ind lr, $3  }
0x3a: {  	_ = 	snop  }
0x3b: {  	_ = 	snop  }
0x3c: {  	p2 =	seq.s32 s10, $0x1;
	s10 =	sld [smem:$0x3FB1]  }
0x3d: {  	_ =	shalt  }
0x3e: {  	_ =	shalt  }
0x3f: {  	_ =	shalt  }
0x40: {  	_ =	shalt  }
0x41: {  	_ =	shalt  }
0x42: {  	_ =	shalt  }
0x43: {  	_ =	shalt  }
0x44: {  	_ =	shalt  }
0x45: {  	_ =	shalt  }
0x46: {  	_ =	shalt  }
0x47: {  	_ =	shalt  }
0x48: {  	_ =	shalt  }
0x49: {  	_ =	shalt  }
0x4a: {  	_ =	shalt  }
0x4b: {  	_ =	shalt  }
0x4c: {  	_ =	shalt  }
0x4d: {  	_ =	shalt  }
0x4e: {  	_ =	shalt  }
0x4f: {  	_ =	shalt  }
0x50: {  	_ =	shalt  }
0x51: {  	_ =	shalt  }
0x52: {  	_ =	shalt  }
0x53: {  	_ =	shalt  }
0x54: {  	_ =	shalt  }
0x55: {  	_ =	shalt  }
0x56: {  	_ =	shalt  }
0x57: {  	_ =	shalt  }
0x58: {  	_ =	shalt  }
0x59: {  	_ =	shalt  }
0x5a: {  	_ =	shalt  }
0x5b: {  	_ =	shalt  }
0x5c: {  	_ =	shalt  }
0x5d: {  	_ =	shalt  }
0x5e: {  	_ =	shalt  }
0x5f: {  	_ =	shalt  }
0x60: {  	_ =	shalt  }
0x61: {  	_ =	shalt  }
0x62: {  	_ =	shalt  }
0x63: {  	_ =	shalt  }
0x64: {  	_ =	shalt  }
0x65: {  	_ =	shalt  }
0x66: {  	_ =	shalt  }
0x67: {  	_ =	shalt  }
0x68: {  	_ =	shalt  }
0x69: {  	_ =	shalt  }
0x6a: {  	_ =	shalt  }
0x6b: {  	_ =	shalt  }
0x6c: {  	_ =	shalt  }
0x6d: {  	_ =	shalt  }
0x6e: {  	_ =	shalt  }
0x6f: {  	_ =	shalt  }
0x70: {  	_ =	shalt  }
0x71: {  	_ =	shalt  }
0x72: {  	_ =	shalt  }
0x73: {  	_ =	shalt  }
0x74: {  	_ =	shalt  }
0x75: {  	_ =	shalt  }
0x76: {  	_ =	shalt  }
0x77: {  	_ =	shalt  }
0x78: {  	_ =	shalt  }
0x79: {  	_ =	shalt  }
0x7a: {  	_ =	shalt  }
0x7b: {  	_ =	shalt  }
0x7c: {  	_ =	shalt  }
0x7d: {  	_ =	shalt  }
0x7e: {  	_ =	shalt  }
0x7f: {  	_ =	shalt  }
0x80: {  	_ =	shalt  }
0x81: {  	_ =	shalt  }
0x82: {  	_ =	shalt  }
0x83: {  	_ =	shalt  }
0x84: {  	_ =	shalt  }
0x85: {  	_ =	shalt  }
0x86: {  	_ =	shalt  }
0x87: {  	_ =	shalt  }
.Lfunc_end0:
.L_simem_size_0:
called_computation_lowered:
.L_overlay_start_0:
0x88: {  	s2 =	sld [smem:$0x3FD9]  }
0x89: {  	s3 =	sld [smem:$0x3FFE];
	_ =	sdelay $0x1  }
0x8a: {  	s1 =	srdreg.scid  }
0x8b: {  	s0 =	sand.u32 $0x1, s1  }
0x8c: {  	s16 =	sshll.u32 s0, $0xA;
	s2 =	sadd.s32 s3, s2  }
0x8d: {  	s2 =	sadd.s32 s2, s16  }
0x8e: {  	[smem:$0x3FBD] =	sst s2  }
0x8f: {  	_ = 	snop  }
0x90: {  	(tm) =	ssettm $0x1  }
0x91: {  	s17 =	sld [smem:$0x3FFB];
	_ =	sdelay $0x3  }
0x92: {  	_ =	strace s17  }
0x93: {  	s2 =	sld [smem:$0x3FFC];
	_ =	sdelay $0x3  }
0x94: {  	_ =	strace s2  }
0x95: {  	s2 =	sld [smem:$0x3FFD];
	_ =	sdelay $0x3  }
0x96: {  	_ =	strace s2  }
0x97: {  	_ =	strace $0x8FFFFFFF  }
0x98: {  	s18 =	sld [smem:$0x3FDB];
	_ =	sdelay $0x1  }
0x99: {  	s19 =	simm.s32 $_scs_section_size  }
0x9a: {  	s4 =	simm.s32 $_size__tile_overlayer_lowered;
	s5 =	simm.s32 $_tile_overlayer_lowered  }
0x9b: {  	s22 =	simm.s32 $0x1BFF;
	s21 =	sshll.u32 s5, $0x1;
	s2 =	sadd.s32 s19, s18  }
0x9c: {  	s6 =	simm.s32 $0x0;
	s20 =	sshll.u32 s4, $0x1;
	s4 =	sadd.s32 s21, s2  }
0x9d: {  	[timem:s6], [sflag:s22] =	dma.local [hbm:s4], s20  }
0x9e: {  	_ =	swait.ge [sflag:s22], s20  }
0x9f: {  	s3 =	ssub.s32 $0x0, s20;
	[sflag:s22] =	ssyncset.done $0x0  }
0xa0: {  	[sflag:s22] =	ssyncadd.s32 s3;
	_ =	sdelay $0x1  }
0xa1: {  	s23 =	simm.s32 $0x1B8B  }
0xa2: {  	_ =	swait.ge [sflag:s23], $0x1  }
0xa3: {  	[sflag:s23] =	ssyncset.done $0x0  }
0xa4: {  	s25 =	simm.s32 $0x1B8E;
	s24 =	sld [smem:$0x3FFE];
	[sflag:s23] =	ssyncadd.s32 $0xFFFFFFFF  }
0xa5: {  	s26 =	simm.s32 $execute0_lowered;
	[smem:$0x3FD2] =	sst s25  }
0xa6: {  	s4 =	sshll.u32 s26, $0x1;
	_ =	strace $0x80000046;
	[dreg:$0x1] =	wrdreg $0xFFFFFFFF  }
0xa7: {  	s28 =	simm.s32 $_size_execute0_lowered;
	s2 =	sadd.s32 s2, s4;
	[dreg:$0x0] =	wrdreg $0x0  }
0xa8: {  	s4 =	sshll.u32 s28, $0x1;
	[dreg:$0x2] =	wrdreg s2  }
0xa9: {  	[dreg:$0x3] =	wrdreg s4  }
0xaa: {  	[dreg:$0x4] =	wrdreg $0xC0  }
0xab: {  	_ =	task [dreg:s6], $0x5FFFF  }
0xac: {  	[dreg:$0x1] =	wrdreg $0xFFFFFFFF  }
0xad: {  	[dreg:$0x0] =	wrdreg $0x60  }
0xae: {  	[dreg:$0x2] =	wrdreg s24  }
0xaf: {  	[dreg:$0x3] =	wrdreg $0x56900  }
0xb0: {  	[dreg:$0x4] =	wrdreg $0x9  }
0xb1: {  	_ =	task.clear_ibuf [dreg:s6], $0x5FFFF;
	_ =	strace $0x90000046  }
0xb2: {  	s29 =	simm.s32 $0x9;
	_ =	strace $0x80000048  }
0xb3: {  	_ =	swait.ge [sflag:s29], $0x1  }
0xb4: {  	[sflag:s29] =	ssyncadd.s32 $0xFFFFFFFF  }
0xb5: {  	_ =	strace $0x90000048  }
0xb6: {  	_ =	sfence  }
0xb7: {  	s30 =	sld [smem:$0x0];
	_ =	sdelay $0x2  }
0xb8: {  	s31 =	sshll.u32 s1, $0xD;
	s1 =	sshrl.u32 s1, $0x2  }
0xb9: {  	s3 =	sand.u32 $0x4000, s31;
	s1 =	sadd.s32 s1, s30  }
0xba: {  	s0 =	sor.u32 s3, s0;
	s1 =	sshll.u32 s1, $0x11  }
0xbb: {  	s0 =	sor.u32 s1, s0  }
0xbc: {  	s0 =	sadd.s32 $0x8F2B, s0  }
0xbd: {  	[sflag:s0] =	ssyncadd.remote.s32 $0x1  }
0xbe: {  	_ =	sfence.sel $0xFFFF  }
0xbf: {  	[dreg:$0x0] =	wrdreg $0xFFFFFFFF;
	(pc) =	sbr.abs _section_cstart, $3  }
0xc0: {  	[dreg:$0x1] =	wrdreg $0xFFFFFFFF  }
0xc1: {  	_ =	task.clear_ibuf [dreg:s6], $0x2FFFF;
	_ =	strace $0x9FFFFFFF  }
0xc2: {  	(tm) =	ssettm $0x7FFFFFFF  }
0xc3: {  	_ =	shalt  }
tec
execute0_lowered:
.L_overlay_start_1:
0x0: {  	(tag) =	ssettag $0x1  }
0x1: {  	s6 =	rddreg [dreg:$0x0]  }
0x2: {  	s2 =	rddreg [dreg:$0x1]  }
0x3: {  	s0 =	rddreg [dreg:$0x2]  }
0x4: {  	s4 =	srdreg.scid;
	s1 =	stileid.u32  }
0x5: {  	s3 =	simm.s32 $0x0;
	s11 =	simm.s32 $0x2F10;
	s12 =	simm.s32 $0x2  }
0x6: {  	s13 =	simm.s32 $0x80;
	s14 =	simm.s32 $0x2710;
	s15 =	simm.s32 $0x1  }
0x7: {  	s16 =	simm.s32 $0x10;
	s17 =	simm.s32 $0x2700;
	s4 =	sand.u32 $0x1, s4  }
0x8: {  	s5 =	smul.u32 $0x13C00, s1;
	[smem:$0x7FF] =	sst s3;
	s8 =	sshll.u32 s1, $0x1  }
0x9: {  	s26 =	smul.u32 $0x9E00, s1;
	s7 =	sshll.u32 s4, $0x4;
	s25 =	sor.u32 s4, s8  }
0xa: {  	_ =	strace $0x80000047;
	s28 =	ssub.s32 $0x2, s4;
	s5 =	sor.u32 s7, s5  }
0xb: {  	s7 =	smul.u32 $0x2710, s25;
	s29 =	sshrl.u32 s26, $0x2;
	s30 =	sshrl.u32 s28, $0x1  }
0xc: {  	s5 =	sshrl.u32 s5, $0x3;
	s4 =	sadd.s32 s29, s2;
	s10 =	ssub.s32 s28, s30  }
0xd: {  	s9 =	sadd.s32 s5, s6;
	s7 =	sshrl.u32 s7, $0x3;
	s5 =	sadd.s32 $0x9E0, s4  }
0xe: {  	s10 =	smax.u32 s10, $0x1;
	s31 =	sadd.s32 s6, s7;
	s6 =	sadd.s32 $0x13C0, s4  }
0xf: {  	v0 =	vimm.f32 $1.000000000e+00;
	v1 =	vimm.f32 $0.0e+00;
	s7 =	sadd.s32 $0x1DA0, s4;
	s9 =	sadd.s32 $0x16E00, s9;
	s8 =	sadd.s32 $0xD040, s31  }
.LBB2_1:
0x10: {  	s18 =	simm.s32 $0x0  }
.LBB2_2:
0x11: {  	p0 =	sne.s32 s18, $0x1FC0  }
.Ltmp0:
0x12: {  	_ = 	snop;
	(pc) =	sbr.rel @p0 .LBB2_2-.Ltmp0, $3  }
0x13: {  	_ =	sdelay $0x1  }
0x14: {  	s19 =	sshra.s32 s18, $0x2  }
0x15: {  	s18 =	sadd.s32 $0x40, s18;
	[tilespmem:s19+$0x2710] =	vst v0  }
0x16: {  	s18 =	simm.s32 $0x2F50  }
0x17: {  	[tilespmem:s18+$0xFFFFFFC0] =	vst v1  }
0x18: {  	[tilespmem:s18+$0x30] =	vst v1  }
0x19: {  	[tilespmem:s18+$0x20] =	vst v1  }
0x1a: {  	[tilespmem:s18+$0x10] =	vst v1  }
0x1b: {  	[tilespmem:s18+$0x0] =	vst v1  }
0x1c: {  	[tilespmem:s18+$0xFFFFFFF0] =	vst v1  }
0x1d: {  	s19 =	simm.s32 $0x0;
	[tilespmem:s18+$0xFFFFFFE0] =	vst v1  }
.LBB2_4:
0x1e: {  	s19 =	sadd.s32 $0x8, s19;
	[tilespmem:s18+$0xFFFFFFD0] =	vst v1;
	s18 =	sadd.s32 $0x80, s18  }
0x1f: {  	[tilespmem:s18+$0xFFFFFFC0] =	vst v1;
	p0 =	slt.u32 s19, $0x90  }
0x20: {  	[tilespmem:s18+$0x30] =	vst v1  }
.Ltmp1:
0x21: {  	[tilespmem:s18+$0x20] =	vst v1;
	(pc) =	sbr.rel @p0 .LBB2_4-.Ltmp1, $4  }
0x22: {  	[tilespmem:s18+$0x10] =	vst v1  }
0x23: {  	[tilespmem:s18+$0x0] =	vst v1  }
0x24: {  	[tilespmem:s18+$0xFFFFFFF0] =	vst v1  }
0x25: {  	[tilespmem:s18+$0xFFFFFFE0] =	vst v1  }
0x26: {  	[tilespmem:s18+$0xFFFFFFD0] =	vst v1  }
0x27: {  	[tilespmem:$0x3890] =	vst v1  }
0x28: {  	[tilespmem:$0x38A0] =	vst v1  }
0x29: {  	[tilespmem:$0x38B0] =	vst v1  }
0x2a: {  	[tilespmem:$0x38C0] =	vst v1  }
0x2b: {  	[tilespmem:$0x38D0] =	vst v1  }
0x2c: {  	[tilespmem:$0x38E0] =	vst v1  }
0x2d: {  	[spmem:s4] =	stream.linear.scatter [tilespmem:s11], [sflag:$0x2], $0x9E0, $0x38;
	[tilespmem:$0x7E10] =	vst v63  }
0x2e: {  	_ =	swait.ge [sflag:s12], $0x9E0  }
0x2f: {  	[sflag:s12] =	ssyncset.done $0x0  }
0x30: {  	[sflag:s12] =	ssyncadd.s32 $0xFFFFF620  }
0x31: {  	[spmem:s5] =	stream.linear.scatter [tilespmem:s11], [sflag:$0x2], $0x9E0, $0x38;
	[tilespmem:$0x7E10] =	vst v63  }
0x32: {  	_ =	swait.ge [sflag:s12], $0x9E0  }
0x33: {  	[sflag:s12] =	ssyncset.done $0x0  }
0x34: {  	[sflag:s12] =	ssyncadd.s32 $0xFFFFF620  }
0x35: {  	[spmem:s6] =	stream.linear.scatter [tilespmem:s11], [sflag:$0x2], $0x9E0, $0x38;
	[tilespmem:$0x7E10] =	vst v63  }
0x36: {  	_ =	swait.ge [sflag:s12], $0x9E0  }
0x37: {  	[sflag:s12] =	ssyncset.done $0x0  }
0x38: {  	[sflag:s12] =	ssyncadd.s32 $0xFFFFF620  }
0x39: {  	[spmem:s7] =	stream.linear.scatter [tilespmem:s11], [sflag:$0x2], $0x9E0, $0x38;
	[tilespmem:$0x7E10] =	vst v63  }
0x3a: {  	_ =	swait.ge [sflag:s12], $0x9E0  }
0x3b: {  	[sflag:s12] =	ssyncset.done $0x0  }
0x3c: {  	s24 =	simm.s32 $0x0;
	[sflag:s12] =	ssyncadd.s32 $0xFFFFF620  }
0x3d: {  	[tilespmem:s24], [sflag:$0x2] =	stream.linear.gather [hbm4b:s8+s24], $0x2710, $0x38;
	[tilespmem:$0x7E10] =	vst v63  }
0x3e: {  	_ =	swait.ge [sflag:s12], $0x2710  }
0x3f: {  	[sflag:s12] =	ssyncset.done $0x0  }
0x40: {  	[sflag:s12] =	ssyncadd.s32 $0xFFFFD8F0  }
0x41: {  	s25 =	simm.s32 $0x0;
	[bflag:$0x0] =	sbarrier.arrive $0xFFFF  }
0x42: {  	[spmem:s2] =	stream.indirect.scatter.add.f32 [tilespmem:s14], [sflag:$0x1], $0x10, s25, s13, $0xb8;
	[tilespmem:$0x7E10] =	vst v63  }
0x43: {  	s26 =	simm.s32 $0x80  }
0x44: {  	[spmem:s2] =	stream.indirect.scatter.add.f32 [tilespmem:s14], [sflag:$0x1], $0x10, s26, s13, $0xb8;
	[tilespmem:$0x7E10] =	vst v63  }
0x45: {  	s28 =	simm.s32 $0x100  }
0x46: {  	[spmem:s2] =	stream.indirect.scatter.add.f32 [tilespmem:s14], [sflag:$0x1], $0x10, s28, s13, $0xb8;
	[tilespmem:$0x7E10] =	vst v63  }
0x47: {  	s29 =	simm.s32 $0x180  }
0x48: {  	[spmem:s2] =	stream.indirect.scatter.add.f32 [tilespmem:s14], [sflag:$0x1], $0x10, s29, s13, $0xb8;
	[tilespmem:$0x7E10] =	vst v63  }
0x49: {  	s30 =	simm.s32 $0x200  }
0x4a: {  	[spmem:s2] =	stream.indirect.scatter.add.f32 [tilespmem:s14], [sflag:$0x1], $0x10, s30, s13, $0xb8;
	[tilespmem:$0x7E10] =	vst v63  }
0x4b: {  	s31 =	simm.s32 $0x280  }
0x4c: {  	[spmem:s2] =	stream.indirect.scatter.add.f32 [tilespmem:s14], [sflag:$0x1], $0x10, s31, s13, $0xb8;
	[tilespmem:$0x7E10] =	vst v63  }
0x4d: {  	_ =	swait.ge [sflag:s15], $0x800  }
0x4e: {  	[sflag:s15] =	ssyncset.done $0x0  }
0x4f: {  	[sflag:s15] =	ssyncadd.s32 $0xFFFFF800  }
0x50: {  	_ =	swait.ge [sflag:s15], $0x800  }
0x51: {  	[sflag:s15] =	ssyncset.done $0x0  }
0x52: {  	[sflag:s15] =	ssyncadd.s32 $0xFFFFF800  }
0x53: {  	_ =	swait.ge [sflag:s15], $0x800  }
0x54: {  	[sflag:s15] =	ssyncset.done $0x0  }
0x55: {  	[sflag:s15] =	ssyncadd.s32 $0xFFFFF800  }
0x56: {  	_ =	swait.ge [sflag:s15], $0x800  }
0x57: {  	[sflag:s15] =	ssyncset.done $0x0  }
0x58: {  	[sflag:s15] =	ssyncadd.s32 $0xFFFFF800  }
0x59: {  	_ =	swait.ge [sflag:s15], $0x800  }
0x5a: {  	[sflag:s15] =	ssyncset.done $0x0  }
0x5b: {  	[sflag:s15] =	ssyncadd.s32 $0xFFFFF800  }
0x5c: {  	_ =	swait.ge [sflag:s15], $0x800  }
0x5d: {  	s18 =	simm.s32 $0xC00;
	s19 =	simm.s32 $0x1800;
	[sflag:s15] =	ssyncset.done $0x0  }
.LBB2_6:
0x5e: {  	s20 =	sshra.s32 s18, $0x2  }
0x5f: {  	[sflag:s15] =	ssyncadd.s32 $0xFFFFF800;
	s18 =	smov.u32 s19;
	s21 =	sadd.s32 $0xC00, s19  }
0x60: {  	[spmem:s2] =	stream.indirect.scatter.add.f32 [tilespmem:s14], [sflag:$0x1], $0x10, s20, s13, $0xb8;
	[tilespmem:$0x7E10] =	vst v63  }
0x61: {  	p0 =	sne.s32 s19, $0x9000;
	s19 =	sadd.s32 $0x80, s20  }
0x62: {  	[spmem:s2] =	stream.indirect.scatter.add.f32 [tilespmem:s14], [sflag:$0x1], $0x10, s19, s13, $0xb8;
	[tilespmem:$0x7E10] =	vst v63  }
0x63: {  	s19 =	sadd.s32 $0x100, s20  }
0x64: {  	[spmem:s2] =	stream.indirect.scatter.add.f32 [tilespmem:s14], [sflag:$0x1], $0x10, s19, s13, $0xb8;
	[tilespmem:$0x7E10] =	vst v63  }
0x65: {  	s19 =	sadd.s32 $0x180, s20  }
0x66: {  	[spmem:s2] =	stream.indirect.scatter.add.f32 [tilespmem:s14], [sflag:$0x1], $0x10, s19, s13, $0xb8;
	[tilespmem:$0x7E10] =	vst v63  }
0x67: {  	s19 =	sadd.s32 $0x200, s20  }
0x68: {  	[spmem:s2] =	stream.indirect.scatter.add.f32 [tilespmem:s14], [sflag:$0x1], $0x10, s19, s13, $0xb8;
	[tilespmem:$0x7E10] =	vst v63  }
0x69: {  	s19 =	sadd.s32 $0x280, s20  }
0x6a: {  	[spmem:s2] =	stream.indirect.scatter.add.f32 [tilespmem:s14], [sflag:$0x1], $0x10, s19, s13, $0xb8;
	[tilespmem:$0x7E10] =	vst v63  }
0x6b: {  	_ =	swait.ge [sflag:s15], $0x800  }
0x6c: {  	[sflag:s15] =	ssyncset.done $0x0  }
0x6d: {  	[sflag:s15] =	ssyncadd.s32 $0xFFFFF800  }
0x6e: {  	_ =	swait.ge [sflag:s15], $0x800  }
0x6f: {  	[sflag:s15] =	ssyncset.done $0x0  }
0x70: {  	[sflag:s15] =	ssyncadd.s32 $0xFFFFF800  }
0x71: {  	_ =	swait.ge [sflag:s15], $0x800  }
0x72: {  	[sflag:s15] =	ssyncset.done $0x0  }
0x73: {  	[sflag:s15] =	ssyncadd.s32 $0xFFFFF800  }
0x74: {  	_ =	swait.ge [sflag:s15], $0x800  }
0x75: {  	[sflag:s15] =	ssyncset.done $0x0  }
0x76: {  	[sflag:s15] =	ssyncadd.s32 $0xFFFFF800  }
.Ltmp2:
0x77: {  	_ =	swait.ge [sflag:s15], $0x800;
	(pc) =	sbr.rel @p0 .LBB2_6-.Ltmp2, $4  }
0x78: {  	[sflag:s15] =	ssyncset.done $0x0  }
0x79: {  	[sflag:s15] =	ssyncadd.s32 $0xFFFFF800  }
0x7a: {  	_ =	swait.ge [sflag:s15], $0x800  }
0x7b: {  	s19 =	smov.u32 s21;
	[sflag:s15] =	ssyncset.done $0x0  }
0x7c: {  	s18 =	sshra.s32 s18, $0x2;
	[sflag:s15] =	ssyncadd.s32 $0xFFFFF800  }
0x7d: {  	[spmem:s2] =	stream.indirect.scatter.add.f32 [tilespmem:s14], [sflag:$0x1], $0x10, s18, s13, $0xb8;
	[tilespmem:$0x7E10] =	vst v63  }
0x7e: {  	s19 =	sadd.s32 $0x80, s18  }
0x7f: {  	[spmem:s2] =	stream.indirect.scatter.add.f32 [tilespmem:s14], [sflag:$0x1], $0x10, s19, s13, $0xb8;
	[tilespmem:$0x7E10] =	vst v63  }
0x80: {  	s29 =	sadd.s32 $0x100, s18  }
0x81: {  	[spmem:s2] =	stream.indirect.scatter.add.f32 [tilespmem:s14], [sflag:$0x1], $0x10, s29, s13, $0xb8;
	[tilespmem:$0x7E10] =	vst v63  }
0x82: {  	s30 =	sadd.s32 $0x180, s18  }
0x83: {  	[spmem:s2] =	stream.indirect.scatter.add.f32 [tilespmem:s14], [sflag:$0x1], $0x10, s30, s13, $0xb8;
	[tilespmem:$0x7E10] =	vst v63  }
0x84: {  	s31 =	sadd.s32 $0x200, s18  }
0x85: {  	[spmem:s2] =	stream.indirect.scatter.add.f32 [tilespmem:s14], [sflag:$0x1], $0x10, s31, s13, $0xb8;
	[tilespmem:$0x7E10] =	vst v63  }
0x86: {  	s18 =	sadd.s32 $0x280, s18  }
0x87: {  	[spmem:s2] =	stream.indirect.scatter.add.f32 [tilespmem:s14], [sflag:$0x1], $0x10, s18, s13, $0xb8;
	[tilespmem:$0x7E10] =	vst v63  }
0x88: {  	_ =	swait.ge [sflag:s15], $0x800  }
0x89: {  	[sflag:s15] =	ssyncset.done $0x0  }
0x8a: {  	[sflag:s15] =	ssyncadd.s32 $0xFFFFF800  }
0x8b: {  	_ =	swait.ge [sflag:s15], $0x800  }
0x8c: {  	[sflag:s15] =	ssyncset.done $0x0  }
0x8d: {  	[sflag:s15] =	ssyncadd.s32 $0xFFFFF800  }
0x8e: {  	_ =	swait.ge [sflag:s15], $0x800  }
0x8f: {  	[sflag:s15] =	ssyncset.done $0x0  }
0x90: {  	[sflag:s15] =	ssyncadd.s32 $0xFFFFF800  }
0x91: {  	_ =	swait.ge [sflag:s15], $0x800  }
0x92: {  	[sflag:s15] =	ssyncset.done $0x0  }
0x93: {  	[sflag:s15] =	ssyncadd.s32 $0xFFFFF800  }
0x94: {  	_ =	swait.ge [sflag:s15], $0x800  }
0x95: {  	[sflag:s15] =	ssyncset.done $0x0  }
0x96: {  	[sflag:s15] =	ssyncadd.s32 $0xFFFFF800  }
0x97: {  	_ =	swait.ge [sflag:s15], $0x800  }
0x98: {  	[sflag:s15] =	ssyncset.done $0x0  }
0x99: {  	[sflag:s15] =	ssyncadd.s32 $0xFFFFF800  }
0x9a: {  	[spmem:s2] =	stream.indirect.scatter.add.f32 [tilespmem:s14], [sflag:$0x2], $0x10, s17, s16, $0xb8;
	[tilespmem:$0x7E10] =	vst v63  }
0x9b: {  	_ =	swait.ge [sflag:s12], $0x100  }
0x9c: {  	[sflag:s12] =	ssyncset.done $0x0  }
0x9d: {  	[sflag:s12] =	ssyncadd.s32 $0xFFFFFF00  }
0x9e: {  	[bflag:$0x0] =	sbarrier.arrive $0xFFFF  }
0x9f: {  	[tilespmem:s11], [sflag:$0x2] =	stream.linear.gather [spmem:s4], $0x2780, $0x38;
	[tilespmem:$0x7E10] =	vst v63  }
0xa0: {  	s3 =	sadd.s32 $0x1, s3;
	_ =	swait.ge [sflag:s12], $0x2780  }
0xa1: {  	p0 =	sne.s32 s3, s10;
	[sflag:s12] =	ssyncset.done $0x0  }
.Ltmp3:
0xa2: {  	[sflag:s12] =	ssyncadd.s32 $0xFFFFD880;
	(pc) =	sbr.rel @p0 .LBB2_1-.Ltmp3, $4  }
0xa3: {  	[hbm4b:s9+s16] =	stream.strided.scatter [tilespmem:s11], [sflag:$0x2], $0x2780, s13, s16, $0x38;
	[tilespmem:$0x7E10] =	vst v63  }
0xa4: {  	_ =	swait.ge [sflag:s12], $0x2780  }
0xa5: {  	[sflag:s12] =	ssyncset.done $0x0  }
0xa6: {  	[sflag:s12] =	ssyncadd.s32 $0xFFFFD880  }
0xa7: {  	_ =	sfence.sel $0x180000  }
0xa8: {  	[bflag:$0x0] =	sbarrier.arrive $0xFFFF  }
0xa9: {  	p0 =	sne.s32 s1, $0x0;
	_ =	strace $0x90000047  }
0xaa: {  	s0 =	sadd.s32 @!p0 $0x100000, s0;
	[bflag:$0x2] =	sbarrier.arrive $0xFFFF  }
0xab: {  	[sflag:s0] =	ssyncadd.tile.s32 @!p0 $0x1;
	_ =	shalt  }
.Lfunc_end2:
_tile_overlayer_lowered:
.L_overlay_start_2:
0xac: {  	(tag) =	ssettag $0x2  }
0xad: {  	s0 =	rddreg [dreg:$0x0];
	s2 =	stileid.u32  }
0xae: {  	s1 =	rddreg [dreg:$0x1];
	p0 =	sne.s32 s2, $0x0  }
0xaf: {  	s3 =	rddreg [dreg:$0x2];
	[bflag:$0x3] =	sbarrier.arrive $0xFFFF;
	s2 =	simm.s32 @!p0 $0x1C02  }
0xb0: {  	[timem:s3], [sflag:s2] =	dma.local @!p0 [hbm:s0], s1  }
0xb1: {  	s0 =	simm.s32 @!p0 $0x2  }
0xb2: {  	_ =	swait.ge @!p0 [sflag:s0], s1  }
0xb3: {  	s1 =	ssub.s32 @!p0 $0x0, s1;
	[sflag:s0] =	ssyncset.done @!p0 $0x0  }
0xb4: {  	[sflag:s0] =	ssyncadd.s32 @!p0 s1  }
0xb5: {  	[bflag:$0x3] =	sbarrier.arrive $0xFFFF  }
0xb6: {  	_ =	shalt  }

</sc_bundles>
